<compile_context>
chip_gen: v7x
topology: tpu7x:2x2x1
jax: 0.10.2.dev20260603
libtpu: 0.0.44.dev20260713+nightly
codegen_flags: <defaults>
</compile_context>

<pallas_src>
import functools

import jax
import jax.numpy as jnp
from jax import lax
from jax.experimental import pallas as pl
from jax.experimental.pallas import tpu as pltpu
from jax.experimental.pallas import tpu_sc as plsc

B, N, G, K = 16, 8192, 256, 32
_NC, _NS, _L = 2, 16, 16
_NW = _NC * _NS


_W = 256
_T = N // _W


def _fps_body(xp, yp, zp, cx_ref, cy_ref, cz_ref, d_ref):
    d_ref[...] = jnp.full((B, N), 1e10, jnp.float32)
    jj = lax.broadcasted_iota(jnp.int32, (B, G), 1)
    li = lax.broadcasted_iota(jnp.int32, (B, _W), 1)

    def body(t, carry):
        px, py, pz, cx, cy, cz = carry
        sl = jj == t
        cx = jnp.where(sl, px, cx)
        cy = jnp.where(sl, py, cy)
        cz = jnp.where(sl, pz, cz)
        Mv = Iv = Xv = Yv = Zv = None
        for i in range(_T):
            s = pl.ds(i * _W, _W)
            xs = xp[:, s]
            ys = yp[:, s]
            zs = zp[:, s]
            dx = xs - px
            dy = ys - py
            dz = zs - pz
            dn = dx * dx + dy * dy + dz * dz
            dt = jnp.minimum(d_ref[:, s], dn)
            d_ref[:, s] = dt
            if i == 0:
                Mv, Xv, Yv, Zv = dt, xs, ys, zs
                Iv = li
            else:
                upd = dt > Mv
                Mv = jnp.where(upd, dt, Mv)
                Iv = jnp.where(upd, i * _W + li, Iv)
                Xv = jnp.where(upd, xs, Xv)
                Yv = jnp.where(upd, ys, Yv)
                Zv = jnp.where(upd, zs, Zv)
        mx = jnp.max(Mv, axis=1, keepdims=True)
        cand = jnp.where(Mv == mx, Iv, N)
        g = jnp.min(cand, axis=1, keepdims=True)
        sel = cand == g
        px = jnp.sum(jnp.where(sel, Xv, 0.0), axis=1, keepdims=True)
        py = jnp.sum(jnp.where(sel, Yv, 0.0), axis=1, keepdims=True)
        pz = jnp.sum(jnp.where(sel, Zv, 0.0), axis=1, keepdims=True)
        return px, py, pz, cx, cy, cz

    czero = jnp.zeros((B, G), jnp.float32)
    p0 = (xp[:, pl.ds(0, 1)], yp[:, pl.ds(0, 1)], zp[:, pl.ds(0, 1)])
    _, _, _, cx, cy, cz = lax.fori_loop(
        0, G, body, (*p0, czero, czero, czero))
    cx_ref[...] = cx
    cy_ref[...] = cy
    cz_ref[...] = cz


def _fps_call(x, y, z):
    out = jax.ShapeDtypeStruct((B, G), jnp.float32)
    return pl.pallas_call(
        _fps_body,
        out_shape=(out, out, out),
        scratch_shapes=[pltpu.VMEM((B, N), jnp.float32)],
    )(x, y, z)


CH = 16
NCH = N // CH


def _chunk_body(xp, yp, zp, cxp, cyp, czp, ids_ref, c_ref):
    x = xp[0]
    y = yp[0]
    z = zp[0]
    cx = cxp[0][:, :, None]
    cy = cyp[0][:, :, None]
    cz = czp[0][:, :, None]
    dx = cx - x[None]
    dy = cy - y[None]
    dz = cz - z[None]
    c_ref[...] = jnp.transpose(
        jnp.min(dx * dx + dy * dy + dz * dz, axis=1))
    si = lax.broadcasted_iota(jnp.int32, (NCH, G), 0)
    ki = lax.broadcasted_iota(jnp.int32, (K, G), 0)

    def body(k, carry):
        ids, prev = carry
        c = jnp.where(si == prev, jnp.inf, c_ref[...])
        c_ref[...] = c
        m = jnp.min(c, axis=0, keepdims=True)
        cid = jnp.min(jnp.where(c == m, si, NCH), axis=0, keepdims=True)
        ids = jnp.where(ki == k, cid, ids)
        return ids, cid

    ids_ref[0] = lax.fori_loop(
        0, K, body,
        (jnp.zeros((K, G), jnp.int32), jnp.full((1, G), -1, jnp.int32)))[0]


def _chunk_call(x, y, z, cx, cy, cz):
    vec = pl.BlockSpec((1, CH, NCH), lambda b: (b, 0, 0))
    cvec = pl.BlockSpec((1, G, 1), lambda b: (b, 0, 0))
    nb = x.shape[0]
    return pl.pallas_call(
        _chunk_body,
        grid=(nb,),
        in_specs=[vec, vec, vec, cvec, cvec, cvec],
        out_specs=pl.BlockSpec((1, K, G), lambda b: (b, 0, 0)),
        out_shape=jax.ShapeDtypeStruct((nb, K, G), jnp.int32),
        scratch_shapes=[pltpu.VMEM((NCH, G), jnp.float32)],
    )(x.reshape(nb, CH, NCH), y.reshape(nb, CH, NCH), z.reshape(nb, CH, NCH),
      cx, cy, cz)


NCAND = K * CH


def _make_cand_body(wpb, gh):
  def _cand_body(xp, yp, zp, cid, cxh, cyh, czh, dv,
                 xv, yv, zv, cidv, cxv, cyv, czv, odv):
    c = lax.axis_index("c")
    s = lax.axis_index("s")
    w = s * _NC + c
    b = w // wpb
    h = w % wpb
    pltpu.sync_copy(xp.at[b], xv)
    pltpu.sync_copy(yp.at[b], yv)
    pltpu.sync_copy(zp.at[b], zv)
    pltpu.sync_copy(cid.at[b, pl.ds(h * gh * K, gh * K)], cidv)
    pltpu.sync_copy(cxh.at[b, pl.ds(h * gh, gh)], cxv)
    pltpu.sync_copy(cyh.at[b, pl.ds(h * gh, gh)], cyv)
    pltpu.sync_copy(czh.at[b, pl.ds(h * gh, gh)], czv)

    def row(g, _):
        gsplat = jnp.full((_L,), g, jnp.int32)
        cgx = plsc.load_gather(cxv, [gsplat])
        cgy = plsc.load_gather(cyv, [gsplat])
        cgz = plsc.load_gather(czv, [gsplat])
        for j2 in range(K // _L):
            idvec = cidv[pl.ds(g * K + j2 * _L, _L)]
            pg = None
            for o in range(CH + 1):
                cur = None
                if o < CH:
                    gvec = idvec + NCH * o
                    cur = (o,
                           plsc.load_gather(xv, [gvec]),
                           plsc.load_gather(yv, [gvec]),
                           plsc.load_gather(zv, [gvec]))
                if pg is not None:
                    po, gx, gy, gz = pg
                    ddx = cgx - gx
                    ddy = cgy - gy
                    ddz = cgz - gz
                    odv[pl.ds(g * NCAND + po * K + j2 * _L, _L)] = (
                        ddx * ddx + ddy * ddy + ddz * ddz)
                pg = cur
        return 0

    lax.fori_loop(0, gh, row, 0)
    pltpu.sync_copy(odv, dv.at[b, pl.ds(h * gh * NCAND, gh * NCAND)])
  return _cand_body


def _cand_call(x, y, z, cids_flat, cx, cy, cz):
    nb = x.shape[0]
    wpb = _NW // nb
    gh = G // wpb
    mesh = plsc.VectorSubcoreMesh(core_axis_name="c", subcore_axis_name="s")
    kfn = functools.partial(
        pl.kernel,
        mesh=mesh,
        compiler_params=pltpu.CompilerParams(needs_layout_passes=False),
        out_type=jax.ShapeDtypeStruct((nb, G * NCAND), jnp.float32),
        scratch_types=[
            pltpu.VMEM((N,), jnp.float32),
            pltpu.VMEM((N,), jnp.float32),
            pltpu.VMEM((N,), jnp.float32),
            pltpu.VMEM((gh * K,), jnp.int32),
            pltpu.VMEM((gh,), jnp.float32),
            pltpu.VMEM((gh,), jnp.float32),
            pltpu.VMEM((gh,), jnp.float32),
            pltpu.VMEM((gh * NCAND,), jnp.float32),
        ],
    )(_make_cand_body(wpb, gh))
    return kfn(x, y, z, cids_flat, cx, cy, cz)


def _knn_body(dvp, cidp, knn_ref, d_ref):
    d_ref[...] = jnp.transpose(dvp[0])
    cid = cidp[0]
    gi = jnp.concatenate([cid + NCH * o for o in range(CH)], axis=0)
    ki = lax.broadcasted_iota(jnp.int32, (K, G), 0)

    def body(k, carry):
        knn, prev = carry
        d = jnp.where(gi == prev, jnp.inf, d_ref[...])
        d_ref[...] = d
        m = jnp.min(d, axis=0, keepdims=True)
        gidx = jnp.min(jnp.where(d == m, gi, N), axis=0, keepdims=True)
        knn = jnp.where(ki == k, gidx, knn)
        return knn, gidx

    knn_ref[0] = lax.fori_loop(
        0, K, body,
        (jnp.zeros((K, G), jnp.int32), jnp.full((1, G), -1, jnp.int32)))[0]


def _knn_call(dv, cids):
    cand = pl.BlockSpec((1, G, NCAND), lambda b: (b, 0, 0))
    cidspec = pl.BlockSpec((1, K, G), lambda b: (b, 0, 0))
    nb = dv.shape[0]
    return pl.pallas_call(
        _knn_body,
        grid=(nb,),
        in_specs=[cand, cidspec],
        out_specs=pl.BlockSpec((1, K, G), lambda b: (b, 0, 0)),
        out_shape=jax.ShapeDtypeStruct((nb, K, G), jnp.int32),
        scratch_shapes=[pltpu.VMEM((NCAND, G), jnp.float32)],
    )(dv, cids)


def _make_gather_body(wpb, gh):
  def _gather_body(xp, yp, zp, knn, cxh, cyh, czh, nx, ny, nz,
                   xv, yv, zv, idxv, cxv, cyv, czv, ox, oy, oz):
    c = lax.axis_index("c")
    s = lax.axis_index("s")
    w = s * _NC + c
    b = w // wpb
    h = w % wpb
    base = h * gh * K
    pltpu.sync_copy(xp.at[b], xv)
    pltpu.sync_copy(yp.at[b], yv)
    pltpu.sync_copy(zp.at[b], zv)
    pltpu.sync_copy(knn.at[b, pl.ds(base, gh * K)], idxv)
    pltpu.sync_copy(cxh.at[b, pl.ds(h * gh, gh)], cxv)
    pltpu.sync_copy(cyh.at[b, pl.ds(h * gh, gh)], cyv)
    pltpu.sync_copy(czh.at[b, pl.ds(h * gh, gh)], czv)

    def row(g, _):
        gsplat = jnp.full((_L,), g, jnp.int32)
        cgx = plsc.load_gather(cxv, [gsplat])
        cgy = plsc.load_gather(cyv, [gsplat])
        cgz = plsc.load_gather(czv, [gsplat])
        for j in range(K // _L):
            o = g * K + j * _L
            idx = idxv[pl.ds(o, _L)]
            ox[pl.ds(o, _L)] = plsc.load_gather(xv, [idx]) - cgx
            oy[pl.ds(o, _L)] = plsc.load_gather(yv, [idx]) - cgy
            oz[pl.ds(o, _L)] = plsc.load_gather(zv, [idx]) - cgz
        return 0

    lax.fori_loop(0, gh, row, 0)
    pltpu.sync_copy(ox, nx.at[b, pl.ds(base, gh * K)])
    pltpu.sync_copy(oy, ny.at[b, pl.ds(base, gh * K)])
    pltpu.sync_copy(oz, nz.at[b, pl.ds(base, gh * K)])
  return _gather_body


def _gather_call(x, y, z, knn_flat, cx, cy, cz):
    nb = x.shape[0]
    wpb = _NW // nb
    gh = G // wpb
    mesh = plsc.VectorSubcoreMesh(core_axis_name="c", subcore_axis_name="s")
    kfn = functools.partial(
        pl.kernel,
        mesh=mesh,
        compiler_params=pltpu.CompilerParams(needs_layout_passes=False),
        out_type=(jax.ShapeDtypeStruct((nb, G * K), jnp.float32),) * 3,
        scratch_types=[
            pltpu.VMEM((N,), jnp.float32),
            pltpu.VMEM((N,), jnp.float32),
            pltpu.VMEM((N,), jnp.float32),
            pltpu.VMEM((gh * K,), jnp.int32),
            pltpu.VMEM((gh,), jnp.float32),
            pltpu.VMEM((gh,), jnp.float32),
            pltpu.VMEM((gh,), jnp.float32),
            pltpu.VMEM((gh * K,), jnp.float32),
            pltpu.VMEM((gh * K,), jnp.float32),
            pltpu.VMEM((gh * K,), jnp.float32),
        ],
    )(_make_gather_body(wpb, gh))
    return kfn(x, y, z, knn_flat, cx, cy, cz)


def kernel(xyz):
    xyzt = jnp.transpose(xyz, (2, 0, 1))
    x, y, z = xyzt[0], xyzt[1], xyzt[2]
    cx, cy, cz = _fps_call(x, y, z)
    center = jnp.stack([cx, cy, cz], axis=-1)
    hb = B // 2
    neigh = []
    for lo in range(0, B, hb):
        sl = slice(lo, lo + hb)
        xs, ys, zs = x[sl], y[sl], z[sl]
        cxs, cys, czs = cx[sl], cy[sl], cz[sl]
        cids = _chunk_call(xs, ys, zs,
                           cxs[..., None], cys[..., None], czs[..., None])
        cids_rows = jnp.transpose(cids, (0, 2, 1)).reshape(hb, G * K)
        dv = _cand_call(xs, ys, zs, cids_rows, cxs, cys, czs)
        knn = _knn_call(dv.reshape(hb, G, NCAND), cids)
        knn_rows = jnp.transpose(knn, (0, 2, 1)).reshape(hb, G * K)
        nx, ny, nz = _gather_call(xs, ys, zs, knn_rows, cxs, cys, czs)
        neigh.append(jnp.stack([nx, ny, nz], axis=-1).reshape(hb, G, K, 3))
    return jnp.concatenate(neigh, axis=0), center

# --- scband reference (transcript-rebuilt; emitter-appended) ---
"""Pipeline reference for scband-grouper-10591389352196 (READ-ONLY COPY).

The authoritative reference and input builder live on the scoring server;
editing this copy changes nothing except your own understanding.
"""

import jax, jax.numpy as jnp
import numpy as np

NUM_GROUP = 256
GROUP_SIZE = 32


def setup_inputs(seed: int = 0) -> dict:
    key = jax.random.key(seed)
    xyz = jax.random.normal(key, (16, 8192, 3), dtype=jnp.float32)
    return {"xyz": xyz}


def _fps(xyz, n_samples):
    # farthest point sampling: iteratively pick point maximizing min-distance to chosen set
    B, N, _ = xyz.shape
    binit = jnp.arange(B)
    init_d = jnp.full((B, N), 1e10, dtype=xyz.dtype)
    init_idx = jnp.zeros((B,), dtype=jnp.int32)

    def body(carry, _):
        d, last = carry
        pt = xyz[binit, last]  # [B,3] gather of last-selected point
        d_new = jnp.sum((xyz - pt[:, None, :]) ** 2, axis=-1)  # [B,N]
        d = jnp.minimum(d, d_new)
        nxt = jnp.argmax(d, axis=-1).astype(jnp.int32)
        return (d, nxt), last

    (_, _), idxs = jax.lax.scan(body, (init_d, init_idx), None, length=n_samples)
    return jnp.transpose(idxs, (1, 0))  # [B, n_samples]


def reference(xyz):
    B, N, _ = xyz.shape
    fps_idx = _fps(xyz, NUM_GROUP)  # [B, G] int32
    b1 = jnp.arange(B)[:, None]
    center = xyz[b1, fps_idx]  # [B, G, 3] gather
    # pairwise squared distances center->all points
    dist = jnp.sum((center[:, :, None, :] - xyz[:, None, :, :]) ** 2, axis=-1)  # [B, G, N]
    _, knn_idx = jax.lax.top_k(-dist, GROUP_SIZE)  # [B, G, K]
    b2 = jnp.arange(B)[:, None, None]
    neighborhood = xyz[b2, knn_idx]  # [B, G, K, 3] gather
    neighborhood = neighborhood - center[:, :, None, :]  # center-relative coords
    return neighborhood, center

if __name__ == "__main__":
    import jax
    _d = setup_inputs()
    print(jax.jit(kernel)(*tuple(_d.values())))

</pallas_src>

<mosaic_0001>
#map = affine_map<(d0, d1) -> (0, 0)>
module attributes {stable_mosaic.version = 14 : i64} {
  func.func @_cand_body(%arg0: i32, %arg1: i32, %arg2: memref<8x8192xf32, #tpu.memory_space<hbm>>, %arg3: memref<8x8192xf32, #tpu.memory_space<hbm>>, %arg4: memref<8x8192xf32, #tpu.memory_space<hbm>>, %arg5: memref<8x8192xi32, #tpu.memory_space<hbm>>, %arg6: memref<8x256xf32, #tpu.memory_space<hbm>>, %arg7: memref<8x256xf32, #tpu.memory_space<hbm>>, %arg8: memref<8x256xf32, #tpu.memory_space<hbm>>, %arg9: memref<8x131072xf32, #tpu.memory_space<hbm>>, %arg10: memref<8192xf32, #tpu.memory_space<vmem>>, %arg11: memref<8192xf32, #tpu.memory_space<vmem>>, %arg12: memref<8192xf32, #tpu.memory_space<vmem>>, %arg13: memref<2048xi32, #tpu.memory_space<vmem>>, %arg14: memref<64xf32, #tpu.memory_space<vmem>>, %arg15: memref<64xf32, #tpu.memory_space<vmem>>, %arg16: memref<64xf32, #tpu.memory_space<vmem>>, %arg17: memref<32768xf32, #tpu.memory_space<vmem>>) attributes {dimension_semantics = [#tpu.dimension_semantics<core_parallel>, #tpu.dimension_semantics<subcore_parallel>], iteration_bounds = array<i64: 2, 16>, scalar_prefetch = 0 : i64, scratch_operands = 8 : i64, tpu.core_type = #tpu.core_type<sc_vector_subcore>, window_params = [{transform_indices = #map}, {transform_indices = #map}, {transform_indices = #map}, {transform_indices = #map}, {transform_indices = #map}, {transform_indices = #map}, {transform_indices = #map}, {transform_indices = #map}]} {
    %mul3A = arith.constant 2 : i32
    %mul3A_0 = arith.muli %arg1, %mul3A : i32
    %add3A = arith.addi %mul3A_0, %arg0 : i32
    %jit3A = arith.constant 4 : i32
    %div3A = arith.divsi %add3A, %jit3A : i32
    %sign3A = arith.constant 0 : i32
    %sign3A_1 = arith.cmpi sgt, %add3A, %sign3A : i32
    %sign3A_2 = arith.extui %sign3A_1 : i1 to i32
    %sign3A_3 = arith.constant 0 : i32
    %sign3A_4 = arith.cmpi slt, %add3A, %sign3A_3 : i32
    %sign3A_5 = arith.extui %sign3A_4 : i1 to i32
    %sign3A_6 = arith.subi %sign3A_2, %sign3A_5 : i32
    %sign3A_7 = arith.constant 0 : i32
    %sign3A_8 = arith.cmpi sgt, %jit3A, %sign3A_7 : i32
    %sign3A_9 = arith.extui %sign3A_8 : i1 to i32
    %sign3A_10 = arith.constant 0 : i32
    %sign3A_11 = arith.cmpi slt, %jit3A, %sign3A_10 : i32
    %sign3A_12 = arith.extui %sign3A_11 : i1 to i32
    %sign3A_13 = arith.subi %sign3A_9, %sign3A_12 : i32
    %ne3A = arith.cmpi ne, %sign3A_6, %sign3A_13 : i32
    %rem3A = arith.remsi %add3A, %jit3A : i32
    %ne3A_14 = arith.constant 0 : i32
    %ne3A_15 = arith.cmpi ne, %rem3A, %ne3A_14 : i32
    %and3A = arith.andi %ne3A, %ne3A_15 : i1
    %sub3A = arith.constant 1 : i32
    %sub3A_16 = arith.subi %div3A, %sub3A : i32
    %select_n3A = arith.select %and3A, %sub3A_16, %div3A : i32
    %jit3A_17 = arith.constant 4 : i32
    %eq3A = arith.constant 0 : i32
    %eq3A_18 = arith.cmpi eq, %jit3A_17, %eq3A : i32
    %jit3A_19 = arith.constant 1 : i32
    %select_n3A_20 = arith.select %eq3A_18, %jit3A_19, %jit3A_17 : i32
    %rem3A_21 = arith.remsi %add3A, %select_n3A_20 : i32
    %ne3A_22 = arith.constant 0 : i32
    %ne3A_23 = arith.cmpi ne, %rem3A_21, %ne3A_22 : i32
    %lt3A = arith.constant 0 : i32
    %lt3A_24 = arith.cmpi slt, %rem3A_21, %lt3A : i32
    %lt3A_25 = arith.constant 0 : i32
    %lt3A_26 = arith.cmpi slt, %select_n3A_20, %lt3A_25 : i32
    %ne3A_27 = arith.xori %lt3A_24, %lt3A_26 : i1
    %and3A_28 = arith.andi %ne3A_27, %ne3A_23 : i1
    %add3A_29 = arith.addi %rem3A_21, %select_n3A_20 : i32
    %select_n3A_30 = arith.select %and3A_28, %add3A_29, %rem3A_21 : i32
    "tpu.region"() ({
      %run_scoped3A = tpu.sem_alloc : memref<!tpu.dma_semaphore, #tpu.memory_space<semaphore_mem>>
      %dma_start3A = arith.constant 0 : i32
      %dma_start3A_51 = tpu.memref_slice %arg2[%select_n3A, %dma_start3A] : memref<8x8192xf32, #tpu.memory_space<hbm>> -> memref<1x8192xf32, #tpu.memory_space<hbm>>
      %dma_start3A_52 = tpu.memref_squeeze %dma_start3A_51 : memref<1x8192xf32, #tpu.memory_space<hbm>> -> memref<8192xf32, #tpu.memory_space<hbm>>
      %dma_start3A_53 = arith.constant 0 : i32
      %dma_start3A_54 = tpu.memref_slice %arg2[%select_n3A, %dma_start3A_53] : memref<8x8192xf32, #tpu.memory_space<hbm>> -> memref<1x8192xf32, #tpu.memory_space<hbm>>
      %dma_start3A_55 = tpu.memref_squeeze %dma_start3A_54 : memref<1x8192xf32, #tpu.memory_space<hbm>> -> memref<8192xf32, #tpu.memory_space<hbm>>
      tpu.enqueue_dma source(%dma_start3A_55 : memref<8192xf32, #tpu.memory_space<hbm>>) target(%arg10 : memref<8192xf32, #tpu.memory_space<vmem>>) target_semaphore(%run_scoped3A : memref<!tpu.dma_semaphore, #tpu.memory_space<semaphore_mem>>)
      %dma_wait3A = arith.constant 0 : i32
      %dma_wait3A_56 = tpu.memref_slice %arg2[%select_n3A, %dma_wait3A] : memref<8x8192xf32, #tpu.memory_space<hbm>> -> memref<1x8192xf32, #tpu.memory_space<hbm>>
      %dma_wait3A_57 = tpu.memref_squeeze %dma_wait3A_56 : memref<1x8192xf32, #tpu.memory_space<hbm>> -> memref<8192xf32, #tpu.memory_space<hbm>>
      %dma_wait3A_58 = arith.constant 0 : i32
      %dma_wait3A_59 = tpu.memref_slice %arg2[%select_n3A, %dma_wait3A_58] : memref<8x8192xf32, #tpu.memory_space<hbm>> -> memref<1x8192xf32, #tpu.memory_space<hbm>>
      %dma_wait3A_60 = tpu.memref_squeeze %dma_wait3A_59 : memref<1x8192xf32, #tpu.memory_space<hbm>> -> memref<8192xf32, #tpu.memory_space<hbm>>
      tpu.wait_dma2 semaphore(%run_scoped3A : memref<!tpu.dma_semaphore, #tpu.memory_space<semaphore_mem>>) src(%dma_wait3A_60 : memref<8192xf32, #tpu.memory_space<hbm>>) dst(%arg10 : memref<8192xf32, #tpu.memory_space<vmem>>)
      tpu.yield
    }) : () -> ()
    "tpu.region"() ({
      %run_scoped3A = tpu.sem_alloc : memref<!tpu.dma_semaphore, #tpu.memory_space<semaphore_mem>>
      %dma_start3A = arith.constant 0 : i32
      %dma_start3A_51 = tpu.memref_slice %arg3[%select_n3A, %dma_start3A] : memref<8x8192xf32, #tpu.memory_space<hbm>> -> memref<1x8192xf32, #tpu.memory_space<hbm>>
      %dma_start3A_52 = tpu.memref_squeeze %dma_start3A_51 : memref<1x8192xf32, #tpu.memory_space<hbm>> -> memref<8192xf32, #tpu.memory_space<hbm>>
      %dma_start3A_53 = arith.constant 0 : i32
      %dma_start3A_54 = tpu.memref_slice %arg3[%select_n3A, %dma_start3A_53] : memref<8x8192xf32, #tpu.memory_space<hbm>> -> memref<1x8192xf32, #tpu.memory_space<hbm>>
      %dma_start3A_55 = tpu.memref_squeeze %dma_start3A_54 : memref<1x8192xf32, #tpu.memory_space<hbm>> -> memref<8192xf32, #tpu.memory_space<hbm>>
      tpu.enqueue_dma source(%dma_start3A_55 : memref<8192xf32, #tpu.memory_space<hbm>>) target(%arg11 : memref<8192xf32, #tpu.memory_space<vmem>>) target_semaphore(%run_scoped3A : memref<!tpu.dma_semaphore, #tpu.memory_space<semaphore_mem>>)
      %dma_wait3A = arith.constant 0 : i32
      %dma_wait3A_56 = tpu.memref_slice %arg3[%select_n3A, %dma_wait3A] : memref<8x8192xf32, #tpu.memory_space<hbm>> -> memref<1x8192xf32, #tpu.memory_space<hbm>>
      %dma_wait3A_57 = tpu.memref_squeeze %dma_wait3A_56 : memref<1x8192xf32, #tpu.memory_space<hbm>> -> memref<8192xf32, #tpu.memory_space<hbm>>
      %dma_wait3A_58 = arith.constant 0 : i32
      %dma_wait3A_59 = tpu.memref_slice %arg3[%select_n3A, %dma_wait3A_58] : memref<8x8192xf32, #tpu.memory_space<hbm>> -> memref<1x8192xf32, #tpu.memory_space<hbm>>
      %dma_wait3A_60 = tpu.memref_squeeze %dma_wait3A_59 : memref<1x8192xf32, #tpu.memory_space<hbm>> -> memref<8192xf32, #tpu.memory_space<hbm>>
      tpu.wait_dma2 semaphore(%run_scoped3A : memref<!tpu.dma_semaphore, #tpu.memory_space<semaphore_mem>>) src(%dma_wait3A_60 : memref<8192xf32, #tpu.memory_space<hbm>>) dst(%arg11 : memref<8192xf32, #tpu.memory_space<vmem>>)
      tpu.yield
    }) : () -> ()
    "tpu.region"() ({
      %run_scoped3A = tpu.sem_alloc : memref<!tpu.dma_semaphore, #tpu.memory_space<semaphore_mem>>
      %dma_start3A = arith.constant 0 : i32
      %dma_start3A_51 = tpu.memref_slice %arg4[%select_n3A, %dma_start3A] : memref<8x8192xf32, #tpu.memory_space<hbm>> -> memref<1x8192xf32, #tpu.memory_space<hbm>>
      %dma_start3A_52 = tpu.memref_squeeze %dma_start3A_51 : memref<1x8192xf32, #tpu.memory_space<hbm>> -> memref<8192xf32, #tpu.memory_space<hbm>>
      %dma_start3A_53 = arith.constant 0 : i32
      %dma_start3A_54 = tpu.memref_slice %arg4[%select_n3A, %dma_start3A_53] : memref<8x8192xf32, #tpu.memory_space<hbm>> -> memref<1x8192xf32, #tpu.memory_space<hbm>>
      %dma_start3A_55 = tpu.memref_squeeze %dma_start3A_54 : memref<1x8192xf32, #tpu.memory_space<hbm>> -> memref<8192xf32, #tpu.memory_space<hbm>>
      tpu.enqueue_dma source(%dma_start3A_55 : memref<8192xf32, #tpu.memory_space<hbm>>) target(%arg12 : memref<8192xf32, #tpu.memory_space<vmem>>) target_semaphore(%run_scoped3A : memref<!tpu.dma_semaphore, #tpu.memory_space<semaphore_mem>>)
      %dma_wait3A = arith.constant 0 : i32
      %dma_wait3A_56 = tpu.memref_slice %arg4[%select_n3A, %dma_wait3A] : memref<8x8192xf32, #tpu.memory_space<hbm>> -> memref<1x8192xf32, #tpu.memory_space<hbm>>
      %dma_wait3A_57 = tpu.memref_squeeze %dma_wait3A_56 : memref<1x8192xf32, #tpu.memory_space<hbm>> -> memref<8192xf32, #tpu.memory_space<hbm>>
      %dma_wait3A_58 = arith.constant 0 : i32
      %dma_wait3A_59 = tpu.memref_slice %arg4[%select_n3A, %dma_wait3A_58] : memref<8x8192xf32, #tpu.memory_space<hbm>> -> memref<1x8192xf32, #tpu.memory_space<hbm>>
      %dma_wait3A_60 = tpu.memref_squeeze %dma_wait3A_59 : memref<1x8192xf32, #tpu.memory_space<hbm>> -> memref<8192xf32, #tpu.memory_space<hbm>>
      tpu.wait_dma2 semaphore(%run_scoped3A : memref<!tpu.dma_semaphore, #tpu.memory_space<semaphore_mem>>) src(%dma_wait3A_60 : memref<8192xf32, #tpu.memory_space<hbm>>) dst(%arg12 : memref<8192xf32, #tpu.memory_space<vmem>>)
      tpu.yield
    }) : () -> ()
    %mul3A_31 = arith.constant 64 : i32
    %mul3A_32 = arith.muli %select_n3A_30, %mul3A_31 : i32
    %mul3A_33 = arith.constant 32 : i32
    %mul3A_34 = arith.muli %mul3A_32, %mul3A_33 : i32
    "tpu.region"() ({
      %run_scoped3A = tpu.sem_alloc : memref<!tpu.dma_semaphore, #tpu.memory_space<semaphore_mem>>
      %dma_start3A = tpu.memref_slice %arg5[%select_n3A, %mul3A_34] : memref<8x8192xi32, #tpu.memory_space<hbm>> -> memref<1x2048xi32, #tpu.memory_space<hbm>>
      %dma_start3A_51 = tpu.memref_squeeze %dma_start3A : memref<1x2048xi32, #tpu.memory_space<hbm>> -> memref<2048xi32, #tpu.memory_space<hbm>>
      %dma_start3A_52 = tpu.memref_slice %arg5[%select_n3A, %mul3A_34] : memref<8x8192xi32, #tpu.memory_space<hbm>> -> memref<1x2048xi32, #tpu.memory_space<hbm>>
      %dma_start3A_53 = tpu.memref_squeeze %dma_start3A_52 : memref<1x2048xi32, #tpu.memory_space<hbm>> -> memref<2048xi32, #tpu.memory_space<hbm>>
      tpu.enqueue_dma source(%dma_start3A_53 : memref<2048xi32, #tpu.memory_space<hbm>>) target(%arg13 : memref<2048xi32, #tpu.memory_space<vmem>>) target_semaphore(%run_scoped3A : memref<!tpu.dma_semaphore, #tpu.memory_space<semaphore_mem>>)
      %dma_wait3A = tpu.memref_slice %arg5[%select_n3A, %mul3A_34] : memref<8x8192xi32, #tpu.memory_space<hbm>> -> memref<1x2048xi32, #tpu.memory_space<hbm>>
      %dma_wait3A_54 = tpu.memref_squeeze %dma_wait3A : memref<1x2048xi32, #tpu.memory_space<hbm>> -> memref<2048xi32, #tpu.memory_space<hbm>>
      %dma_wait3A_55 = tpu.memref_slice %arg5[%select_n3A, %mul3A_34] : memref<8x8192xi32, #tpu.memory_space<hbm>> -> memref<1x2048xi32, #tpu.memory_space<hbm>>
      %dma_wait3A_56 = tpu.memref_squeeze %dma_wait3A_55 : memref<1x2048xi32, #tpu.memory_space<hbm>> -> memref<2048xi32, #tpu.memory_space<hbm>>
      tpu.wait_dma2 semaphore(%run_scoped3A : memref<!tpu.dma_semaphore, #tpu.memory_space<semaphore_mem>>) src(%dma_wait3A_56 : memref<2048xi32, #tpu.memory_space<hbm>>) dst(%arg13 : memref<2048xi32, #tpu.memory_space<vmem>>)
      tpu.yield
    }) : () -> ()
    %mul3A_35 = arith.constant 64 : i32
    %mul3A_36 = arith.muli %select_n3A_30, %mul3A_35 : i32
    "tpu.region"() ({
      %run_scoped3A = tpu.sem_alloc : memref<!tpu.dma_semaphore, #tpu.memory_space<semaphore_mem>>
      %dma_start3A = tpu.memref_slice %arg6[%select_n3A, %mul3A_36] : memref<8x256xf32, #tpu.memory_space<hbm>> -> memref<1x64xf32, #tpu.memory_space<hbm>>
      %dma_start3A_51 = tpu.memref_squeeze %dma_start3A : memref<1x64xf32, #tpu.memory_space<hbm>> -> memref<64xf32, #tpu.memory_space<hbm>>
      %dma_start3A_52 = tpu.memref_slice %arg6[%select_n3A, %mul3A_36] : memref<8x256xf32, #tpu.memory_space<hbm>> -> memref<1x64xf32, #tpu.memory_space<hbm>>
      %dma_start3A_53 = tpu.memref_squeeze %dma_start3A_52 : memref<1x64xf32, #tpu.memory_space<hbm>> -> memref<64xf32, #tpu.memory_space<hbm>>
      tpu.enqueue_dma source(%dma_start3A_53 : memref<64xf32, #tpu.memory_space<hbm>>) target(%arg14 : memref<64xf32, #tpu.memory_space<vmem>>) target_semaphore(%run_scoped3A : memref<!tpu.dma_semaphore, #tpu.memory_space<semaphore_mem>>)
      %dma_wait3A = tpu.memref_slice %arg6[%select_n3A, %mul3A_36] : memref<8x256xf32, #tpu.memory_space<hbm>> -> memref<1x64xf32, #tpu.memory_space<hbm>>
      %dma_wait3A_54 = tpu.memref_squeeze %dma_wait3A : memref<1x64xf32, #tpu.memory_space<hbm>> -> memref<64xf32, #tpu.memory_space<hbm>>
      %dma_wait3A_55 = tpu.memref_slice %arg6[%select_n3A, %mul3A_36] : memref<8x256xf32, #tpu.memory_space<hbm>> -> memref<1x64xf32, #tpu.memory_space<hbm>>
      %dma_wait3A_56 = tpu.memref_squeeze %dma_wait3A_55 : memref<1x64xf32, #tpu.memory_space<hbm>> -> memref<64xf32, #tpu.memory_space<hbm>>
      tpu.wait_dma2 semaphore(%run_scoped3A : memref<!tpu.dma_semaphore, #tpu.memory_space<semaphore_mem>>) src(%dma_wait3A_56 : memref<64xf32, #tpu.memory_space<hbm>>) dst(%arg14 : memref<64xf32, #tpu.memory_space<vmem>>)
      tpu.yield
    }) : () -> ()
    %mul3A_37 = arith.constant 64 : i32
    %mul3A_38 = arith.muli %select_n3A_30, %mul3A_37 : i32
    "tpu.region"() ({
      %run_scoped3A = tpu.sem_alloc : memref<!tpu.dma_semaphore, #tpu.memory_space<semaphore_mem>>
      %dma_start3A = tpu.memref_slice %arg7[%select_n3A, %mul3A_38] : memref<8x256xf32, #tpu.memory_space<hbm>> -> memref<1x64xf32, #tpu.memory_space<hbm>>
      %dma_start3A_51 = tpu.memref_squeeze %dma_start3A : memref<1x64xf32, #tpu.memory_space<hbm>> -> memref<64xf32, #tpu.memory_space<hbm>>
      %dma_start3A_52 = tpu.memref_slice %arg7[%select_n3A, %mul3A_38] : memref<8x256xf32, #tpu.memory_space<hbm>> -> memref<1x64xf32, #tpu.memory_space<hbm>>
      %dma_start3A_53 = tpu.memref_squeeze %dma_start3A_52 : memref<1x64xf32, #tpu.memory_space<hbm>> -> memref<64xf32, #tpu.memory_space<hbm>>
      tpu.enqueue_dma source(%dma_start3A_53 : memref<64xf32, #tpu.memory_space<hbm>>) target(%arg15 : memref<64xf32, #tpu.memory_space<vmem>>) target_semaphore(%run_scoped3A : memref<!tpu.dma_semaphore, #tpu.memory_space<semaphore_mem>>)
      %dma_wait3A = tpu.memref_slice %arg7[%select_n3A, %mul3A_38] : memref<8x256xf32, #tpu.memory_space<hbm>> -> memref<1x64xf32, #tpu.memory_space<hbm>>
      %dma_wait3A_54 = tpu.memref_squeeze %dma_wait3A : memref<1x64xf32, #tpu.memory_space<hbm>> -> memref<64xf32, #tpu.memory_space<hbm>>
      %dma_wait3A_55 = tpu.memref_slice %arg7[%select_n3A, %mul3A_38] : memref<8x256xf32, #tpu.memory_space<hbm>> -> memref<1x64xf32, #tpu.memory_space<hbm>>
      %dma_wait3A_56 = tpu.memref_squeeze %dma_wait3A_55 : memref<1x64xf32, #tpu.memory_space<hbm>> -> memref<64xf32, #tpu.memory_space<hbm>>
      tpu.wait_dma2 semaphore(%run_scoped3A : memref<!tpu.dma_semaphore, #tpu.memory_space<semaphore_mem>>) src(%dma_wait3A_56 : memref<64xf32, #tpu.memory_space<hbm>>) dst(%arg15 : memref<64xf32, #tpu.memory_space<vmem>>)
      tpu.yield
    }) : () -> ()
    %mul3A_39 = arith.constant 64 : i32
    %mul3A_40 = arith.muli %select_n3A_30, %mul3A_39 : i32
    "tpu.region"() ({
      %run_scoped3A = tpu.sem_alloc : memref<!tpu.dma_semaphore, #tpu.memory_space<semaphore_mem>>
      %dma_start3A = tpu.memref_slice %arg8[%select_n3A, %mul3A_40] : memref<8x256xf32, #tpu.memory_space<hbm>> -> memref<1x64xf32, #tpu.memory_space<hbm>>
      %dma_start3A_51 = tpu.memref_squeeze %dma_start3A : memref<1x64xf32, #tpu.memory_space<hbm>> -> memref<64xf32, #tpu.memory_space<hbm>>
      %dma_start3A_52 = tpu.memref_slice %arg8[%select_n3A, %mul3A_40] : memref<8x256xf32, #tpu.memory_space<hbm>> -> memref<1x64xf32, #tpu.memory_space<hbm>>
      %dma_start3A_53 = tpu.memref_squeeze %dma_start3A_52 : memref<1x64xf32, #tpu.memory_space<hbm>> -> memref<64xf32, #tpu.memory_space<hbm>>
      tpu.enqueue_dma source(%dma_start3A_53 : memref<64xf32, #tpu.memory_space<hbm>>) target(%arg16 : memref<64xf32, #tpu.memory_space<vmem>>) target_semaphore(%run_scoped3A : memref<!tpu.dma_semaphore, #tpu.memory_space<semaphore_mem>>)
      %dma_wait3A = tpu.memref_slice %arg8[%select_n3A, %mul3A_40] : memref<8x256xf32, #tpu.memory_space<hbm>> -> memref<1x64xf32, #tpu.memory_space<hbm>>
      %dma_wait3A_54 = tpu.memref_squeeze %dma_wait3A : memref<1x64xf32, #tpu.memory_space<hbm>> -> memref<64xf32, #tpu.memory_space<hbm>>
      %dma_wait3A_55 = tpu.memref_slice %arg8[%select_n3A, %mul3A_40] : memref<8x256xf32, #tpu.memory_space<hbm>> -> memref<1x64xf32, #tpu.memory_space<hbm>>
      %dma_wait3A_56 = tpu.memref_squeeze %dma_wait3A_55 : memref<1x64xf32, #tpu.memory_space<hbm>> -> memref<64xf32, #tpu.memory_space<hbm>>
      tpu.wait_dma2 semaphore(%run_scoped3A : memref<!tpu.dma_semaphore, #tpu.memory_space<semaphore_mem>>) src(%dma_wait3A_56 : memref<64xf32, #tpu.memory_space<hbm>>) dst(%arg16 : memref<64xf32, #tpu.memory_space<vmem>>)
      tpu.yield
    }) : () -> ()
    %scan3A = arith.constant 0 : i32
    %scan3A_41 = arith.constant 0 : i32
    %scan3A_42 = arith.constant 64 : i32
    %scan3A_43 = arith.addi %scan3A_41, %scan3A_42 : i32
    %scan3A_44 = arith.constant 1 : i32
    %scan3A_45 = scf.for %scan3A_51 = %scan3A_41 to %scan3A_43 step %scan3A_44 iter_args(%scan3A_52 = %scan3A) -> (i32)  : i32 {
      %broadcast_in_dim3A = vector.broadcast %scan3A_51 : i32 to vector<16xi32>
      %gather3A = tpu.vector_load_idx %arg14[%broadcast_in_dim3A] : memref<64xf32, #tpu.memory_space<vmem>>[vector<16xi32>], vector<16xf32>,
      %gather3A_53 = tpu.vector_load_idx %arg15[%broadcast_in_dim3A] : memref<64xf32, #tpu.memory_space<vmem>>[vector<16xi32>], vector<16xf32>,
      %gather3A_54 = tpu.vector_load_idx %arg16[%broadcast_in_dim3A] : memref<64xf32, #tpu.memory_space<vmem>>[vector<16xi32>], vector<16xf32>,
      %mul3A_55 = arith.constant 32 : i32
      %mul3A_56 = arith.muli %scan3A_51, %mul3A_55 : i32
      %add3A_57 = arith.constant 0 : i32
      %add3A_58 = arith.addi %mul3A_56, %add3A_57 : i32
      %get3A = arith.index_cast %add3A_58 : i32 to index
      %get3A_59 = tpu.vector_load %arg13[%get3A] {strides = array<i32>} : memref<2048xi32, #tpu.memory_space<vmem>>, vector<16xi32>,
      %add3A_60 = arith.constant 0 : i32
      %add3A_61 = vector.broadcast %add3A_60 : i32 to vector<16xi32>
      %add3A_62 = arith.addi %get3A_59, %add3A_61 : vector<16xi32>
      %gather3A_63 = tpu.vector_load_idx %arg10[%add3A_62] : memref<8192xf32, #tpu.memory_space<vmem>>[vector<16xi32>], vector<16xf32>,
      %gather3A_64 = tpu.vector_load_idx %arg11[%add3A_62] : memref<8192xf32, #tpu.memory_space<vmem>>[vector<16xi32>], vector<16xf32>,
      %gather3A_65 = tpu.vector_load_idx %arg12[%add3A_62] : memref<8192xf32, #tpu.memory_space<vmem>>[vector<16xi32>], vector<16xf32>,
      %add3A_66 = arith.constant 512 : i32
      %add3A_67 = vector.broadcast %add3A_66 : i32 to vector<16xi32>
      %add3A_68 = arith.addi %get3A_59, %add3A_67 : vector<16xi32>
      %gather3A_69 = tpu.vector_load_idx %arg10[%add3A_68] : memref<8192xf32, #tpu.memory_space<vmem>>[vector<16xi32>], vector<16xf32>,
      %gather3A_70 = tpu.vector_load_idx %arg11[%add3A_68] : memref<8192xf32, #tpu.memory_space<vmem>>[vector<16xi32>], vector<16xf32>,
      %gather3A_71 = tpu.vector_load_idx %arg12[%add3A_68] : memref<8192xf32, #tpu.memory_space<vmem>>[vector<16xi32>], vector<16xf32>,
      %sub3A_72 = arith.subf %gather3A, %gather3A_63 : vector<16xf32>
      %sub3A_73 = arith.subf %gather3A_53, %gather3A_64 : vector<16xf32>
      %sub3A_74 = arith.subf %gather3A_54, %gather3A_65 : vector<16xf32>
      %mul3A_75 = arith.mulf %sub3A_72, %sub3A_72 : vector<16xf32>
      %mul3A_76 = arith.mulf %sub3A_73, %sub3A_73 : vector<16xf32>
      %add3A_77 = arith.addf %mul3A_75, %mul3A_76 : vector<16xf32>
      %mul3A_78 = arith.mulf %sub3A_74, %sub3A_74 : vector<16xf32>
      %add3A_79 = arith.addf %add3A_77, %mul3A_78 : vector<16xf32>
      %mul3A_80 = arith.constant 512 : i32
      %mul3A_81 = arith.muli %scan3A_51, %mul3A_80 : i32
      %add3A_82 = arith.constant 0 : i32
      %add3A_83 = arith.addi %mul3A_81, %add3A_82 : i32
      %add3A_84 = arith.constant 0 : i32
      %add3A_85 = arith.addi %add3A_83, %add3A_84 : i32
      %swap3A = arith.index_cast %add3A_85 : i32 to index
      %swap3A_86 = tpu.vector_load %arg17[%swap3A] {strides = array<i32>} : memref<32768xf32, #tpu.memory_space<vmem>>, vector<16xf32>,
      tpu.vector_store %arg17[%swap3A], %add3A_79 {strides = array<i32>} : memref<32768xf32, #tpu.memory_space<vmem>>, vector<16xf32>,
      %add3A_87 = arith.constant 1024 : i32
      %add3A_88 = vector.broadcast %add3A_87 : i32 to vector<16xi32>
      %add3A_89 = arith.addi %get3A_59, %add3A_88 : vector<16xi32>
      %gather3A_90 = tpu.vector_load_idx %arg10[%add3A_89] : memref<8192xf32, #tpu.memory_space<vmem>>[vector<16xi32>], vector<16xf32>,
      %gather3A_91 = tpu.vector_load_idx %arg11[%add3A_89] : memref<8192xf32, #tpu.memory_space<vmem>>[vector<16xi32>], vector<16xf32>,
      %gather3A_92 = tpu.vector_load_idx %arg12[%add3A_89] : memref<8192xf32, #tpu.memory_space<vmem>>[vector<16xi32>], vector<16xf32>,
      %sub3A_93 = arith.subf %gather3A, %gather3A_69 : vector<16xf32>
      %sub3A_94 = arith.subf %gather3A_53, %gather3A_70 : vector<16xf32>
      %sub3A_95 = arith.subf %gather3A_54, %gather3A_71 : vector<16xf32>
      %mul3A_96 = arith.mulf %sub3A_93, %sub3A_93 : vector<16xf32>
      %mul3A_97 = arith.mulf %sub3A_94, %sub3A_94 : vector<16xf32>
      %add3A_98 = arith.addf %mul3A_96, %mul3A_97 : vector<16xf32>
      %mul3A_99 = arith.mulf %sub3A_95, %sub3A_95 : vector<16xf32>
      %add3A_100 = arith.addf %add3A_98, %mul3A_99 : vector<16xf32>
      %mul3A_101 = arith.constant 512 : i32
      %mul3A_102 = arith.muli %scan3A_51, %mul3A_101 : i32
      %add3A_103 = arith.constant 32 : i32
      %add3A_104 = arith.addi %mul3A_102, %add3A_103 : i32
      %add3A_105 = arith.constant 0 : i32
      %add3A_106 = arith.addi %add3A_104, %add3A_105 : i32
      %swap3A_107 = arith.index_cast %add3A_106 : i32 to index
      %swap3A_108 = tpu.vector_load %arg17[%swap3A_107] {strides = array<i32>} : memref<32768xf32, #tpu.memory_space<vmem>>, vector<16xf32>,
      tpu.vector_store %arg17[%swap3A_107], %add3A_100 {strides = array<i32>} : memref<32768xf32, #tpu.memory_space<vmem>>, vector<16xf32>,
      %add3A_109 = arith.constant 1536 : i32
      %add3A_110 = vector.broadcast %add3A_109 : i32 to vector<16xi32>
      %add3A_111 = arith.addi %get3A_59, %add3A_110 : vector<16xi32>
      %gather3A_112 = tpu.vector_load_idx %arg10[%add3A_111] : memref<8192xf32, #tpu.memory_space<vmem>>[vector<16xi32>], vector<16xf32>,
      %gather3A_113 = tpu.vector_load_idx %arg11[%add3A_111] : memref<8192xf32, #tpu.memory_space<vmem>>[vector<16xi32>], vector<16xf32>,
      %gather3A_114 = tpu.vector_load_idx %arg12[%add3A_111] : memref<8192xf32, #tpu.memory_space<vmem>>[vector<16xi32>], vector<16xf32>,
      %sub3A_115 = arith.subf %gather3A, %gather3A_90 : vector<16xf32>
      %sub3A_116 = arith.subf %gather3A_53, %gather3A_91 : vector<16xf32>
      %sub3A_117 = arith.subf %gather3A_54, %gather3A_92 : vector<16xf32>
      %mul3A_118 = arith.mulf %sub3A_115, %sub3A_115 : vector<16xf32>
      %mul3A_119 = arith.mulf %sub3A_116, %sub3A_116 : vector<16xf32>
      %add3A_120 = arith.addf %mul3A_118, %mul3A_119 : vector<16xf32>
      %mul3A_121 = arith.mulf %sub3A_117, %sub3A_117 : vector<16xf32>
      %add3A_122 = arith.addf %add3A_120, %mul3A_121 : vector<16xf32>
      %mul3A_123 = arith.constant 512 : i32
      %mul3A_124 = arith.muli %scan3A_51, %mul3A_123 : i32
      %add3A_125 = arith.constant 64 : i32
      %add3A_126 = arith.addi %mul3A_124, %add3A_125 : i32
      %add3A_127 = arith.constant 0 : i32
      %add3A_128 = arith.addi %add3A_126, %add3A_127 : i32
      %swap3A_129 = arith.index_cast %add3A_128 : i32 to index
      %swap3A_130 = tpu.vector_load %arg17[%swap3A_129] {strides = array<i32>} : memref<32768xf32, #tpu.memory_space<vmem>>, vector<16xf32>,
      tpu.vector_store %arg17[%swap3A_129], %add3A_122 {strides = array<i32>} : memref<32768xf32, #tpu.memory_space<vmem>>, vector<16xf32>,
      %add3A_131 = arith.constant 2048 : i32
      %add3A_132 = vector.broadcast %add3A_131 : i32 to vector<16xi32>
      %add3A_133 = arith.addi %get3A_59, %add3A_132 : vector<16xi32>
      %gather3A_134 = tpu.vector_load_idx %arg10[%add3A_133] : memref<8192xf32, #tpu.memory_space<vmem>>[vector<16xi32>], vector<16xf32>,
      %gather3A_135 = tpu.vector_load_idx %arg11[%add3A_133] : memref<8192xf32, #tpu.memory_space<vmem>>[vector<16xi32>], vector<16xf32>,
      %gather3A_136 = tpu.vector_load_idx %arg12[%add3A_133] : memref<8192xf32, #tpu.memory_space<vmem>>[vector<16xi32>], vector<16xf32>,
      %sub3A_137 = arith.subf %gather3A, %gather3A_112 : vector<16xf32>
      %sub3A_138 = arith.subf %gather3A_53, %gather3A_113 : vector<16xf32>
      %sub3A_139 = arith.subf %gather3A_54, %gather3A_114 : vector<16xf32>
      %mul3A_140 = arith.mulf %sub3A_137, %sub3A_137 : vector<16xf32>
      %mul3A_141 = arith.mulf %sub3A_138, %sub3A_138 : vector<16xf32>
      %add3A_142 = arith.addf %mul3A_140, %mul3A_141 : vector<16xf32>
      %mul3A_143 = arith.mulf %sub3A_139, %sub3A_139 : vector<16xf32>
      %add3A_144 = arith.addf %add3A_142, %mul3A_143 : vector<16xf32>
      %mul3A_145 = arith.constant 512 : i32
      %mul3A_146 = arith.muli %scan3A_51, %mul3A_145 : i32
      %add3A_147 = arith.constant 96 : i32
      %add3A_148 = arith.addi %mul3A_146, %add3A_147 : i32
      %add3A_149 = arith.constant 0 : i32
      %add3A_150 = arith.addi %add3A_148, %add3A_149 : i32
      %swap3A_151 = arith.index_cast %add3A_150 : i32 to index
      %swap3A_152 = tpu.vector_load %arg17[%swap3A_151] {strides = array<i32>} : memref<32768xf32, #tpu.memory_space<vmem>>, vector<16xf32>,
      tpu.vector_store %arg17[%swap3A_151], %add3A_144 {strides = array<i32>} : memref<32768xf32, #tpu.memory_space<vmem>>, vector<16xf32>,
      %add3A_153 = arith.constant 2560 : i32
      %add3A_154 = vector.broadcast %add3A_153 : i32 to vector<16xi32>
      %add3A_155 = arith.addi %get3A_59, %add3A_154 : vector<16xi32>
      %gather3A_156 = tpu.vector_load_idx %arg10[%add3A_155] : memref<8192xf32, #tpu.memory_space<vmem>>[vector<16xi32>], vector<16xf32>,
      %gather3A_157 = tpu.vector_load_idx %arg11[%add3A_155] : memref<8192xf32, #tpu.memory_space<vmem>>[vector<16xi32>], vector<16xf32>,
      %gather3A_158 = tpu.vector_load_idx %arg12[%add3A_155] : memref<8192xf32, #tpu.memory_space<vmem>>[vector<16xi32>], vector<16xf32>,
      %sub3A_159 = arith.subf %gather3A, %gather3A_134 : vector<16xf32>
      %sub3A_160 = arith.subf %gather3A_53, %gather3A_135 : vector<16xf32>
      %sub3A_161 = arith.subf %gather3A_54, %gather3A_136 : vector<16xf32>
      %mul3A_162 = arith.mulf %sub3A_159, %sub3A_159 : vector<16xf32>
      %mul3A_163 = arith.mulf %sub3A_160, %sub3A_160 : vector<16xf32>
      %add3A_164 = arith.addf %mul3A_162, %mul3A_163 : vector<16xf32>
      %mul3A_165 = arith.mulf %sub3A_161, %sub3A_161 : vector<16xf32>
      %add3A_166 = arith.addf %add3A_164, %mul3A_165 : vector<16xf32>
      %mul3A_167 = arith.constant 512 : i32
      %mul3A_168 = arith.muli %scan3A_51, %mul3A_167 : i32
      %add3A_169 = arith.constant 128 : i32
      %add3A_170 = arith.addi %mul3A_168, %add3A_169 : i32
      %add3A_171 = arith.constant 0 : i32
      %add3A_172 = arith.addi %add3A_170, %add3A_171 : i32
      %swap3A_173 = arith.index_cast %add3A_172 : i32 to index
      %swap3A_174 = tpu.vector_load %arg17[%swap3A_173] {strides = array<i32>} : memref<32768xf32, #tpu.memory_space<vmem>>, vector<16xf32>,
      tpu.vector_store %arg17[%swap3A_173], %add3A_166 {strides = array<i32>} : memref<32768xf32, #tpu.memory_space<vmem>>, vector<16xf32>,
      %add3A_175 = arith.constant 3072 : i32
      %add3A_176 = vector.broadcast %add3A_175 : i32 to vector<16xi32>
      %add3A_177 = arith.addi %get3A_59, %add3A_176 : vector<16xi32>
      %gather3A_178 = tpu.vector_load_idx %arg10[%add3A_177] : memref<8192xf32, #tpu.memory_space<vmem>>[vector<16xi32>], vector<16xf32>,
      %gather3A_179 = tpu.vector_load_idx %arg11[%add3A_177] : memref<8192xf32, #tpu.memory_space<vmem>>[vector<16xi32>], vector<16xf32>,
      %gather3A_180 = tpu.vector_load_idx %arg12[%add3A_177] : memref<8192xf32, #tpu.memory_space<vmem>>[vector<16xi32>], vector<16xf32>,
      %sub3A_181 = arith.subf %gather3A, %gather3A_156 : vector<16xf32>
      %sub3A_182 = arith.subf %gather3A_53, %gather3A_157 : vector<16xf32>
      %sub3A_183 = arith.subf %gather3A_54, %gather3A_158 : vector<16xf32>
      %mul3A_184 = arith.mulf %sub3A_181, %sub3A_181 : vector<16xf32>
      %mul3A_185 = arith.mulf %sub3A_182, %sub3A_182 : vector<16xf32>
      %add3A_186 = arith.addf %mul3A_184, %mul3A_185 : vector<16xf32>
      %mul3A_187 = arith.mulf %sub3A_183, %sub3A_183 : vector<16xf32>
      %add3A_188 = arith.addf %add3A_186, %mul3A_187 : vector<16xf32>
      %mul3A_189 = arith.constant 512 : i32
      %mul3A_190 = arith.muli %scan3A_51, %mul3A_189 : i32
      %add3A_191 = arith.constant 160 : i32
      %add3A_192 = arith.addi %mul3A_190, %add3A_191 : i32
      %add3A_193 = arith.constant 0 : i32
      %add3A_194 = arith.addi %add3A_192, %add3A_193 : i32
      %swap3A_195 = arith.index_cast %add3A_194 : i32 to index
      %swap3A_196 = tpu.vector_load %arg17[%swap3A_195] {strides = array<i32>} : memref<32768xf32, #tpu.memory_space<vmem>>, vector<16xf32>,
      tpu.vector_store %arg17[%swap3A_195], %add3A_188 {strides = array<i32>} : memref<32768xf32, #tpu.memory_space<vmem>>, vector<16xf32>,
      %add3A_197 = arith.constant 3584 : i32
      %add3A_198 = vector.broadcast %add3A_197 : i32 to vector<16xi32>
      %add3A_199 = arith.addi %get3A_59, %add3A_198 : vector<16xi32>
      %gather3A_200 = tpu.vector_load_idx %arg10[%add3A_199] : memref<8192xf32, #tpu.memory_space<vmem>>[vector<16xi32>], vector<16xf32>,
      %gather3A_201 = tpu.vector_load_idx %arg11[%add3A_199] : memref<8192xf32, #tpu.memory_space<vmem>>[vector<16xi32>], vector<16xf32>,
      %gather3A_202 = tpu.vector_load_idx %arg12[%add3A_199] : memref<8192xf32, #tpu.memory_space<vmem>>[vector<16xi32>], vector<16xf32>,
      %sub3A_203 = arith.subf %gather3A, %gather3A_178 : vector<16xf32>
      %sub3A_204 = arith.subf %gather3A_53, %gather3A_179 : vector<16xf32>
      %sub3A_205 = arith.subf %gather3A_54, %gather3A_180 : vector<16xf32>
      %mul3A_206 = arith.mulf %sub3A_203, %sub3A_203 : vector<16xf32>
      %mul3A_207 = arith.mulf %sub3A_204, %sub3A_204 : vector<16xf32>
      %add3A_208 = arith.addf %mul3A_206, %mul3A_207 : vector<16xf32>
      %mul3A_209 = arith.mulf %sub3A_205, %sub3A_205 : vector<16xf32>
      %add3A_210 = arith.addf %add3A_208, %mul3A_209 : vector<16xf32>
      %mul3A_211 = arith.constant 512 : i32
      %mul3A_212 = arith.muli %scan3A_51, %mul3A_211 : i32
      %add3A_213 = arith.constant 192 : i32
      %add3A_214 = arith.addi %mul3A_212, %add3A_213 : i32
      %add3A_215 = arith.constant 0 : i32
      %add3A_216 = arith.addi %add3A_214, %add3A_215 : i32
      %swap3A_217 = arith.index_cast %add3A_216 : i32 to index
      %swap3A_218 = tpu.vector_load %arg17[%swap3A_217] {strides = array<i32>} : memref<32768xf32, #tpu.memory_space<vmem>>, vector<16xf32>,
      tpu.vector_store %arg17[%swap3A_217], %add3A_210 {strides = array<i32>} : memref<32768xf32, #tpu.memory_space<vmem>>, vector<16xf32>,
      %add3A_219 = arith.constant 4096 : i32
      %add3A_220 = vector.broadcast %add3A_219 : i32 to vector<16xi32>
      %add3A_221 = arith.addi %get3A_59, %add3A_220 : vector<16xi32>
      %gather3A_222 = tpu.vector_load_idx %arg10[%add3A_221] : memref<8192xf32, #tpu.memory_space<vmem>>[vector<16xi32>], vector<16xf32>,
      %gather3A_223 = tpu.vector_load_idx %arg11[%add3A_221] : memref<8192xf32, #tpu.memory_space<vmem>>[vector<16xi32>], vector<16xf32>,
      %gather3A_224 = tpu.vector_load_idx %arg12[%add3A_221] : memref<8192xf32, #tpu.memory_space<vmem>>[vector<16xi32>], vector<16xf32>,
      %sub3A_225 = arith.subf %gather3A, %gather3A_200 : vector<16xf32>
      %sub3A_226 = arith.subf %gather3A_53, %gather3A_201 : vector<16xf32>
      %sub3A_227 = arith.subf %gather3A_54, %gather3A_202 : vector<16xf32>
      %mul3A_228 = arith.mulf %sub3A_225, %sub3A_225 : vector<16xf32>
      %mul3A_229 = arith.mulf %sub3A_226, %sub3A_226 : vector<16xf32>
      %add3A_230 = arith.addf %mul3A_228, %mul3A_229 : vector<16xf32>
      %mul3A_231 = arith.mulf %sub3A_227, %sub3A_227 : vector<16xf32>
      %add3A_232 = arith.addf %add3A_230, %mul3A_231 : vector<16xf32>
      %mul3A_233 = arith.constant 512 : i32
      %mul3A_234 = arith.muli %scan3A_51, %mul3A_233 : i32
      %add3A_235 = arith.constant 224 : i32
      %add3A_236 = arith.addi %mul3A_234, %add3A_235 : i32
      %add3A_237 = arith.constant 0 : i32
      %add3A_238 = arith.addi %add3A_236, %add3A_237 : i32
      %swap3A_239 = arith.index_cast %add3A_238 : i32 to index
      %swap3A_240 = tpu.vector_load %arg17[%swap3A_239] {strides = array<i32>} : memref<32768xf32, #tpu.memory_space<vmem>>, vector<16xf32>,
      tpu.vector_store %arg17[%swap3A_239], %add3A_232 {strides = array<i32>} : memref<32768xf32, #tpu.memory_space<vmem>>, vector<16xf32>,
      %add3A_241 = arith.constant 4608 : i32
      %add3A_242 = vector.broadcast %add3A_241 : i32 to vector<16xi32>
      %add3A_243 = arith.addi %get3A_59, %add3A_242 : vector<16xi32>
      %gather3A_244 = tpu.vector_load_idx %arg10[%add3A_243] : memref<8192xf32, #tpu.memory_space<vmem>>[vector<16xi32>], vector<16xf32>,
      %gather3A_245 = tpu.vector_load_idx %arg11[%add3A_243] : memref<8192xf32, #tpu.memory_space<vmem>>[vector<16xi32>], vector<16xf32>,
      %gather3A_246 = tpu.vector_load_idx %arg12[%add3A_243] : memref<8192xf32, #tpu.memory_space<vmem>>[vector<16xi32>], vector<16xf32>,
      %sub3A_247 = arith.subf %gather3A, %gather3A_222 : vector<16xf32>
      %sub3A_248 = arith.subf %gather3A_53, %gather3A_223 : vector<16xf32>
      %sub3A_249 = arith.subf %gather3A_54, %gather3A_224 : vector<16xf32>
      %mul3A_250 = arith.mulf %sub3A_247, %sub3A_247 : vector<16xf32>
      %mul3A_251 = arith.mulf %sub3A_248, %sub3A_248 : vector<16xf32>
      %add3A_252 = arith.addf %mul3A_250, %mul3A_251 : vector<16xf32>
      %mul3A_253 = arith.mulf %sub3A_249, %sub3A_249 : vector<16xf32>
      %add3A_254 = arith.addf %add3A_252, %mul3A_253 : vector<16xf32>
      %mul3A_255 = arith.constant 512 : i32
      %mul3A_256 = arith.muli %scan3A_51, %mul3A_255 : i32
      %add3A_257 = arith.constant 256 : i32
      %add3A_258 = arith.addi %mul3A_256, %add3A_257 : i32
      %add3A_259 = arith.constant 0 : i32
      %add3A_260 = arith.addi %add3A_258, %add3A_259 : i32
      %swap3A_261 = arith.index_cast %add3A_260 : i32 to index
      %swap3A_262 = tpu.vector_load %arg17[%swap3A_261] {strides = array<i32>} : memref<32768xf32, #tpu.memory_space<vmem>>, vector<16xf32>,
      tpu.vector_store %arg17[%swap3A_261], %add3A_254 {strides = array<i32>} : memref<32768xf32, #tpu.memory_space<vmem>>, vector<16xf32>,
      %add3A_263 = arith.constant 5120 : i32
      %add3A_264 = vector.broadcast %add3A_263 : i32 to vector<16xi32>
      %add3A_265 = arith.addi %get3A_59, %add3A_264 : vector<16xi32>
      %gather3A_266 = tpu.vector_load_idx %arg10[%add3A_265] : memref<8192xf32, #tpu.memory_space<vmem>>[vector<16xi32>], vector<16xf32>,
      %gather3A_267 = tpu.vector_load_idx %arg11[%add3A_265] : memref<8192xf32, #tpu.memory_space<vmem>>[vector<16xi32>], vector<16xf32>,
      %gather3A_268 = tpu.vector_load_idx %arg12[%add3A_265] : memref<8192xf32, #tpu.memory_space<vmem>>[vector<16xi32>], vector<16xf32>,
      %sub3A_269 = arith.subf %gather3A, %gather3A_244 : vector<16xf32>
      %sub3A_270 = arith.subf %gather3A_53, %gather3A_245 : vector<16xf32>
      %sub3A_271 = arith.subf %gather3A_54, %gather3A_246 : vector<16xf32>
      %mul3A_272 = arith.mulf %sub3A_269, %sub3A_269 : vector<16xf32>
      %mul3A_273 = arith.mulf %sub3A_270, %sub3A_270 : vector<16xf32>
      %add3A_274 = arith.addf %mul3A_272, %mul3A_273 : vector<16xf32>
      %mul3A_275 = arith.mulf %sub3A_271, %sub3A_271 : vector<16xf32>
      %add3A_276 = arith.addf %add3A_274, %mul3A_275 : vector<16xf32>
      %mul3A_277 = arith.constant 512 : i32
      %mul3A_278 = arith.muli %scan3A_51, %mul3A_277 : i32
      %add3A_279 = arith.constant 288 : i32
      %add3A_280 = arith.addi %mul3A_278, %add3A_279 : i32
      %add3A_281 = arith.constant 0 : i32
      %add3A_282 = arith.addi %add3A_280, %add3A_281 : i32
      %swap3A_283 = arith.index_cast %add3A_282 : i32 to index
      %swap3A_284 = tpu.vector_load %arg17[%swap3A_283] {strides = array<i32>} : memref<32768xf32, #tpu.memory_space<vmem>>, vector<16xf32>,
      tpu.vector_store %arg17[%swap3A_283], %add3A_276 {strides = array<i32>} : memref<32768xf32, #tpu.memory_space<vmem>>, vector<16xf32>,
      %add3A_285 = arith.constant 5632 : i32
      %add3A_286 = vector.broadcast %add3A_285 : i32 to vector<16xi32>
      %add3A_287 = arith.addi %get3A_59, %add3A_286 : vector<16xi32>
      %gather3A_288 = tpu.vector_load_idx %arg10[%add3A_287] : memref<8192xf32, #tpu.memory_space<vmem>>[vector<16xi32>], vector<16xf32>,
      %gather3A_289 = tpu.vector_load_idx %arg11[%add3A_287] : memref<8192xf32, #tpu.memory_space<vmem>>[vector<16xi32>], vector<16xf32>,
      %gather3A_290 = tpu.vector_load_idx %arg12[%add3A_287] : memref<8192xf32, #tpu.memory_space<vmem>>[vector<16xi32>], vector<16xf32>,
      %sub3A_291 = arith.subf %gather3A, %gather3A_266 : vector<16xf32>
      %sub3A_292 = arith.subf %gather3A_53, %gather3A_267 : vector<16xf32>
      %sub3A_293 = arith.subf %gather3A_54, %gather3A_268 : vector<16xf32>
      %mul3A_294 = arith.mulf %sub3A_291, %sub3A_291 : vector<16xf32>
      %mul3A_295 = arith.mulf %sub3A_292, %sub3A_292 : vector<16xf32>
      %add3A_296 = arith.addf %mul3A_294, %mul3A_295 : vector<16xf32>
      %mul3A_297 = arith.mulf %sub3A_293, %sub3A_293 : vector<16xf32>
      %add3A_298 = arith.addf %add3A_296, %mul3A_297 : vector<16xf32>
      %mul3A_299 = arith.constant 512 : i32
      %mul3A_300 = arith.muli %scan3A_51, %mul3A_299 : i32
      %add3A_301 = arith.constant 320 : i32
      %add3A_302 = arith.addi %mul3A_300, %add3A_301 : i32
      %add3A_303 = arith.constant 0 : i32
      %add3A_304 = arith.addi %add3A_302, %add3A_303 : i32
      %swap3A_305 = arith.index_cast %add3A_304 : i32 to index
      %swap3A_306 = tpu.vector_load %arg17[%swap3A_305] {strides = array<i32>} : memref<32768xf32, #tpu.memory_space<vmem>>, vector<16xf32>,
      tpu.vector_store %arg17[%swap3A_305], %add3A_298 {strides = array<i32>} : memref<32768xf32, #tpu.memory_space<vmem>>, vector<16xf32>,
      %add3A_307 = arith.constant 6144 : i32
      %add3A_308 = vector.broadcast %add3A_307 : i32 to vector<16xi32>
      %add3A_309 = arith.addi %get3A_59, %add3A_308 : vector<16xi32>
      %gather3A_310 = tpu.vector_load_idx %arg10[%add3A_309] : memref<8192xf32, #tpu.memory_space<vmem>>[vector<16xi32>], vector<16xf32>,
      %gather3A_311 = tpu.vector_load_idx %arg11[%add3A_309] : memref<8192xf32, #tpu.memory_space<vmem>>[vector<16xi32>], vector<16xf32>,
      %gather3A_312 = tpu.vector_load_idx %arg12[%add3A_309] : memref<8192xf32, #tpu.memory_space<vmem>>[vector<16xi32>], vector<16xf32>,
      %sub3A_313 = arith.subf %gather3A, %gather3A_288 : vector<16xf32>
      %sub3A_314 = arith.subf %gather3A_53, %gather3A_289 : vector<16xf32>
      %sub3A_315 = arith.subf %gather3A_54, %gather3A_290 : vector<16xf32>
      %mul3A_316 = arith.mulf %sub3A_313, %sub3A_313 : vector<16xf32>
      %mul3A_317 = arith.mulf %sub3A_314, %sub3A_314 : vector<16xf32>
      %add3A_318 = arith.addf %mul3A_316, %mul3A_317 : vector<16xf32>
      %mul3A_319 = arith.mulf %sub3A_315, %sub3A_315 : vector<16xf32>
      %add3A_320 = arith.addf %add3A_318, %mul3A_319 : vector<16xf32>
      %mul3A_321 = arith.constant 512 : i32
      %mul3A_322 = arith.muli %scan3A_51, %mul3A_321 : i32
      %add3A_323 = arith.constant 352 : i32
      %add3A_324 = arith.addi %mul3A_322, %add3A_323 : i32
      %add3A_325 = arith.constant 0 : i32
      %add3A_326 = arith.addi %add3A_324, %add3A_325 : i32
      %swap3A_327 = arith.index_cast %add3A_326 : i32 to index
      %swap3A_328 = tpu.vector_load %arg17[%swap3A_327] {strides = array<i32>} : memref<32768xf32, #tpu.memory_space<vmem>>, vector<16xf32>,
      tpu.vector_store %arg17[%swap3A_327], %add3A_320 {strides = array<i32>} : memref<32768xf32, #tpu.memory_space<vmem>>, vector<16xf32>,
      %add3A_329 = arith.constant 6656 : i32
      %add3A_330 = vector.broadcast %add3A_329 : i32 to vector<16xi32>
      %add3A_331 = arith.addi %get3A_59, %add3A_330 : vector<16xi32>
      %gather3A_332 = tpu.vector_load_idx %arg10[%add3A_331] : memref<8192xf32, #tpu.memory_space<vmem>>[vector<16xi32>], vector<16xf32>,
      %gather3A_333 = tpu.vector_load_idx %arg11[%add3A_331] : memref<8192xf32, #tpu.memory_space<vmem>>[vector<16xi32>], vector<16xf32>,
      %gather3A_334 = tpu.vector_load_idx %arg12[%add3A_331] : memref<8192xf32, #tpu.memory_space<vmem>>[vector<16xi32>], vector<16xf32>,
      %sub3A_335 = arith.subf %gather3A, %gather3A_310 : vector<16xf32>
      %sub3A_336 = arith.subf %gather3A_53, %gather3A_311 : vector<16xf32>
      %sub3A_337 = arith.subf %gather3A_54, %gather3A_312 : vector<16xf32>
      %mul3A_338 = arith.mulf %sub3A_335, %sub3A_335 : vector<16xf32>
      %mul3A_339 = arith.mulf %sub3A_336, %sub3A_336 : vector<16xf32>
      %add3A_340 = arith.addf %mul3A_338, %mul3A_339 : vector<16xf32>
      %mul3A_341 = arith.mulf %sub3A_337, %sub3A_337 : vector<16xf32>
      %add3A_342 = arith.addf %add3A_340, %mul3A_341 : vector<16xf32>
      %mul3A_343 = arith.constant 512 : i32
      %mul3A_344 = arith.muli %scan3A_51, %mul3A_343 : i32
      %add3A_345 = arith.constant 384 : i32
      %add3A_346 = arith.addi %mul3A_344, %add3A_345 : i32
      %add3A_347 = arith.constant 0 : i32
      %add3A_348 = arith.addi %add3A_346, %add3A_347 : i32
      %swap3A_349 = arith.index_cast %add3A_348 : i32 to index
      %swap3A_350 = tpu.vector_load %arg17[%swap3A_349] {strides = array<i32>} : memref<32768xf32, #tpu.memory_space<vmem>>, vector<16xf32>,
      tpu.vector_store %arg17[%swap3A_349], %add3A_342 {strides = array<i32>} : memref<32768xf32, #tpu.memory_space<vmem>>, vector<16xf32>,
      %add3A_351 = arith.constant 7168 : i32
      %add3A_352 = vector.broadcast %add3A_351 : i32 to vector<16xi32>
      %add3A_353 = arith.addi %get3A_59, %add3A_352 : vector<16xi32>
      %gather3A_354 = tpu.vector_load_idx %arg10[%add3A_353] : memref<8192xf32, #tpu.memory_space<vmem>>[vector<16xi32>], vector<16xf32>,
      %gather3A_355 = tpu.vector_load_idx %arg11[%add3A_353] : memref<8192xf32, #tpu.memory_space<vmem>>[vector<16xi32>], vector<16xf32>,
      %gather3A_356 = tpu.vector_load_idx %arg12[%add3A_353] : memref<8192xf32, #tpu.memory_space<vmem>>[vector<16xi32>], vector<16xf32>,
      %sub3A_357 = arith.subf %gather3A, %gather3A_332 : vector<16xf32>
      %sub3A_358 = arith.subf %gather3A_53, %gather3A_333 : vector<16xf32>
      %sub3A_359 = arith.subf %gather3A_54, %gather3A_334 : vector<16xf32>
      %mul3A_360 = arith.mulf %sub3A_357, %sub3A_357 : vector<16xf32>
      %mul3A_361 = arith.mulf %sub3A_358, %sub3A_358 : vector<16xf32>
      %add3A_362 = arith.addf %mul3A_360, %mul3A_361 : vector<16xf32>
      %mul3A_363 = arith.mulf %sub3A_359, %sub3A_359 : vector<16xf32>
      %add3A_364 = arith.addf %add3A_362, %mul3A_363 : vector<16xf32>
      %mul3A_365 = arith.constant 512 : i32
      %mul3A_366 = arith.muli %scan3A_51, %mul3A_365 : i32
      %add3A_367 = arith.constant 416 : i32
      %add3A_368 = arith.addi %mul3A_366, %add3A_367 : i32
      %add3A_369 = arith.constant 0 : i32
      %add3A_370 = arith.addi %add3A_368, %add3A_369 : i32
      %swap3A_371 = arith.index_cast %add3A_370 : i32 to index
      %swap3A_372 = tpu.vector_load %arg17[%swap3A_371] {strides = array<i32>} : memref<32768xf32, #tpu.memory_space<vmem>>, vector<16xf32>,
      tpu.vector_store %arg17[%swap3A_371], %add3A_364 {strides = array<i32>} : memref<32768xf32, #tpu.memory_space<vmem>>, vector<16xf32>,
      %add3A_373 = arith.constant 7680 : i32
      %add3A_374 = vector.broadcast %add3A_373 : i32 to vector<16xi32>
      %add3A_375 = arith.addi %get3A_59, %add3A_374 : vector<16xi32>
      %gather3A_376 = tpu.vector_load_idx %arg10[%add3A_375] : memref<8192xf32, #tpu.memory_space<vmem>>[vector<16xi32>], vector<16xf32>,
      %gather3A_377 = tpu.vector_load_idx %arg11[%add3A_375] : memref<8192xf32, #tpu.memory_space<vmem>>[vector<16xi32>], vector<16xf32>,
      %gather3A_378 = tpu.vector_load_idx %arg12[%add3A_375] : memref<8192xf32, #tpu.memory_space<vmem>>[vector<16xi32>], vector<16xf32>,
      %sub3A_379 = arith.subf %gather3A, %gather3A_354 : vector<16xf32>
      %sub3A_380 = arith.subf %gather3A_53, %gather3A_355 : vector<16xf32>
      %sub3A_381 = arith.subf %gather3A_54, %gather3A_356 : vector<16xf32>
      %mul3A_382 = arith.mulf %sub3A_379, %sub3A_379 : vector<16xf32>
      %mul3A_383 = arith.mulf %sub3A_380, %sub3A_380 : vector<16xf32>
      %add3A_384 = arith.addf %mul3A_382, %mul3A_383 : vector<16xf32>
      %mul3A_385 = arith.mulf %sub3A_381, %sub3A_381 : vector<16xf32>
      %add3A_386 = arith.addf %add3A_384, %mul3A_385 : vector<16xf32>
      %mul3A_387 = arith.constant 512 : i32
      %mul3A_388 = arith.muli %scan3A_51, %mul3A_387 : i32
      %add3A_389 = arith.constant 448 : i32
      %add3A_390 = arith.addi %mul3A_388, %add3A_389 : i32
      %add3A_391 = arith.constant 0 : i32
      %add3A_392 = arith.addi %add3A_390, %add3A_391 : i32
      %swap3A_393 = arith.index_cast %add3A_392 : i32 to index
      %swap3A_394 = tpu.vector_load %arg17[%swap3A_393] {strides = array<i32>} : memref<32768xf32, #tpu.memory_space<vmem>>, vector<16xf32>,
      tpu.vector_store %arg17[%swap3A_393], %add3A_386 {strides = array<i32>} : memref<32768xf32, #tpu.memory_space<vmem>>, vector<16xf32>,
      %sub3A_395 = arith.subf %gather3A, %gather3A_376 : vector<16xf32>
      %sub3A_396 = arith.subf %gather3A_53, %gather3A_377 : vector<16xf32>
      %sub3A_397 = arith.subf %gather3A_54, %gather3A_378 : vector<16xf32>
      %mul3A_398 = arith.mulf %sub3A_395, %sub3A_395 : vector<16xf32>
      %mul3A_399 = arith.mulf %sub3A_396, %sub3A_396 : vector<16xf32>
      %add3A_400 = arith.addf %mul3A_398, %mul3A_399 : vector<16xf32>
      %mul3A_401 = arith.mulf %sub3A_397, %sub3A_397 : vector<16xf32>
      %add3A_402 = arith.addf %add3A_400, %mul3A_401 : vector<16xf32>
      %mul3A_403 = arith.constant 512 : i32
      %mul3A_404 = arith.muli %scan3A_51, %mul3A_403 : i32
      %add3A_405 = arith.constant 480 : i32
      %add3A_406 = arith.addi %mul3A_404, %add3A_405 : i32
      %add3A_407 = arith.constant 0 : i32
      %add3A_408 = arith.addi %add3A_406, %add3A_407 : i32
      %swap3A_409 = arith.index_cast %add3A_408 : i32 to index
      %swap3A_410 = tpu.vector_load %arg17[%swap3A_409] {strides = array<i32>} : memref<32768xf32, #tpu.memory_space<vmem>>, vector<16xf32>,
      tpu.vector_store %arg17[%swap3A_409], %add3A_402 {strides = array<i32>} : memref<32768xf32, #tpu.memory_space<vmem>>, vector<16xf32>,
      %mul3A_411 = arith.constant 32 : i32
      %mul3A_412 = arith.muli %scan3A_51, %mul3A_411 : i32
      %add3A_413 = arith.constant 16 : i32
      %add3A_414 = arith.addi %mul3A_412, %add3A_413 : i32
      %get3A_415 = arith.index_cast %add3A_414 : i32 to index
      %get3A_416 = tpu.vector_load %arg13[%get3A_415] {strides = array<i32>} : memref<2048xi32, #tpu.memory_space<vmem>>, vector<16xi32>,
      %add3A_417 = arith.constant 0 : i32
      %add3A_418 = vector.broadcast %add3A_417 : i32 to vector<16xi32>
      %add3A_419 = arith.addi %get3A_416, %add3A_418 : vector<16xi32>
      %gather3A_420 = tpu.vector_load_idx %arg10[%add3A_419] : memref<8192xf32, #tpu.memory_space<vmem>>[vector<16xi32>], vector<16xf32>,
      %gather3A_421 = tpu.vector_load_idx %arg11[%add3A_419] : memref<8192xf32, #tpu.memory_space<vmem>>[vector<16xi32>], vector<16xf32>,
      %gather3A_422 = tpu.vector_load_idx %arg12[%add3A_419] : memref<8192xf32, #tpu.memory_space<vmem>>[vector<16xi32>], vector<16xf32>,
      %add3A_423 = arith.constant 512 : i32
      %add3A_424 = vector.broadcast %add3A_423 : i32 to vector<16xi32>
      %add3A_425 = arith.addi %get3A_416, %add3A_424 : vector<16xi32>
      %gather3A_426 = tpu.vector_load_idx %arg10[%add3A_425] : memref<8192xf32, #tpu.memory_space<vmem>>[vector<16xi32>], vector<16xf32>,
      %gather3A_427 = tpu.vector_load_idx %arg11[%add3A_425] : memref<8192xf32, #tpu.memory_space<vmem>>[vector<16xi32>], vector<16xf32>,
      %gather3A_428 = tpu.vector_load_idx %arg12[%add3A_425] : memref<8192xf32, #tpu.memory_space<vmem>>[vector<16xi32>], vector<16xf32>,
      %sub3A_429 = arith.subf %gather3A, %gather3A_420 : vector<16xf32>
      %sub3A_430 = arith.subf %gather3A_53, %gather3A_421 : vector<16xf32>
      %sub3A_431 = arith.subf %gather3A_54, %gather3A_422 : vector<16xf32>
      %mul3A_432 = arith.mulf %sub3A_429, %sub3A_429 : vector<16xf32>
      %mul3A_433 = arith.mulf %sub3A_430, %sub3A_430 : vector<16xf32>
      %add3A_434 = arith.addf %mul3A_432, %mul3A_433 : vector<16xf32>
      %mul3A_435 = arith.mulf %sub3A_431, %sub3A_431 : vector<16xf32>
      %add3A_436 = arith.addf %add3A_434, %mul3A_435 : vector<16xf32>
      %mul3A_437 = arith.constant 512 : i32
      %mul3A_438 = arith.muli %scan3A_51, %mul3A_437 : i32
      %add3A_439 = arith.constant 0 : i32
      %add3A_440 = arith.addi %mul3A_438, %add3A_439 : i32
      %add3A_441 = arith.constant 16 : i32
      %add3A_442 = arith.addi %add3A_440, %add3A_441 : i32
      %swap3A_443 = arith.index_cast %add3A_442 : i32 to index
      %swap3A_444 = tpu.vector_load %arg17[%swap3A_443] {strides = array<i32>} : memref<32768xf32, #tpu.memory_space<vmem>>, vector<16xf32>,
      tpu.vector_store %arg17[%swap3A_443], %add3A_436 {strides = array<i32>} : memref<32768xf32, #tpu.memory_space<vmem>>, vector<16xf32>,
      %add3A_445 = arith.constant 1024 : i32
      %add3A_446 = vector.broadcast %add3A_445 : i32 to vector<16xi32>
      %add3A_447 = arith.addi %get3A_416, %add3A_446 : vector<16xi32>
      %gather3A_448 = tpu.vector_load_idx %arg10[%add3A_447] : memref<8192xf32, #tpu.memory_space<vmem>>[vector<16xi32>], vector<16xf32>,
      %gather3A_449 = tpu.vector_load_idx %arg11[%add3A_447] : memref<8192xf32, #tpu.memory_space<vmem>>[vector<16xi32>], vector<16xf32>,
      %gather3A_450 = tpu.vector_load_idx %arg12[%add3A_447] : memref<8192xf32, #tpu.memory_space<vmem>>[vector<16xi32>], vector<16xf32>,
      %sub3A_451 = arith.subf %gather3A, %gather3A_426 : vector<16xf32>
      %sub3A_452 = arith.subf %gather3A_53, %gather3A_427 : vector<16xf32>
      %sub3A_453 = arith.subf %gather3A_54, %gather3A_428 : vector<16xf32>
      %mul3A_454 = arith.mulf %sub3A_451, %sub3A_451 : vector<16xf32>
      %mul3A_455 = arith.mulf %sub3A_452, %sub3A_452 : vector<16xf32>
      %add3A_456 = arith.addf %mul3A_454, %mul3A_455 : vector<16xf32>
      %mul3A_457 = arith.mulf %sub3A_453, %sub3A_453 : vector<16xf32>
      %add3A_458 = arith.addf %add3A_456, %mul3A_457 : vector<16xf32>
      %mul3A_459 = arith.constant 512 : i32
      %mul3A_460 = arith.muli %scan3A_51, %mul3A_459 : i32
      %add3A_461 = arith.constant 32 : i32
      %add3A_462 = arith.addi %mul3A_460, %add3A_461 : i32
      %add3A_463 = arith.constant 16 : i32
      %add3A_464 = arith.addi %add3A_462, %add3A_463 : i32
      %swap3A_465 = arith.index_cast %add3A_464 : i32 to index
      %swap3A_466 = tpu.vector_load %arg17[%swap3A_465] {strides = array<i32>} : memref<32768xf32, #tpu.memory_space<vmem>>, vector<16xf32>,
      tpu.vector_store %arg17[%swap3A_465], %add3A_458 {strides = array<i32>} : memref<32768xf32, #tpu.memory_space<vmem>>, vector<16xf32>,
      %add3A_467 = arith.constant 1536 : i32
      %add3A_468 = vector.broadcast %add3A_467 : i32 to vector<16xi32>
      %add3A_469 = arith.addi %get3A_416, %add3A_468 : vector<16xi32>
      %gather3A_470 = tpu.vector_load_idx %arg10[%add3A_469] : memref<8192xf32, #tpu.memory_space<vmem>>[vector<16xi32>], vector<16xf32>,
      %gather3A_471 = tpu.vector_load_idx %arg11[%add3A_469] : memref<8192xf32, #tpu.memory_space<vmem>>[vector<16xi32>], vector<16xf32>,
      %gather3A_472 = tpu.vector_load_idx %arg12[%add3A_469] : memref<8192xf32, #tpu.memory_space<vmem>>[vector<16xi32>], vector<16xf32>,
      %sub3A_473 = arith.subf %gather3A, %gather3A_448 : vector<16xf32>
      %sub3A_474 = arith.subf %gather3A_53, %gather3A_449 : vector<16xf32>
      %sub3A_475 = arith.subf %gather3A_54, %gather3A_450 : vector<16xf32>
      %mul3A_476 = arith.mulf %sub3A_473, %sub3A_473 : vector<16xf32>
      %mul3A_477 = arith.mulf %sub3A_474, %sub3A_474 : vector<16xf32>
      %add3A_478 = arith.addf %mul3A_476, %mul3A_477 : vector<16xf32>
      %mul3A_479 = arith.mulf %sub3A_475, %sub3A_475 : vector<16xf32>
      %add3A_480 = arith.addf %add3A_478, %mul3A_479 : vector<16xf32>
      %mul3A_481 = arith.constant 512 : i32
      %mul3A_482 = arith.muli %scan3A_51, %mul3A_481 : i32
      %add3A_483 = arith.constant 64 : i32
      %add3A_484 = arith.addi %mul3A_482, %add3A_483 : i32
      %add3A_485 = arith.constant 16 : i32
      %add3A_486 = arith.addi %add3A_484, %add3A_485 : i32
      %swap3A_487 = arith.index_cast %add3A_486 : i32 to index
      %swap3A_488 = tpu.vector_load %arg17[%swap3A_487] {strides = array<i32>} : memref<32768xf32, #tpu.memory_space<vmem>>, vector<16xf32>,
      tpu.vector_store %arg17[%swap3A_487], %add3A_480 {strides = array<i32>} : memref<32768xf32, #tpu.memory_space<vmem>>, vector<16xf32>,
      %add3A_489 = arith.constant 2048 : i32
      %add3A_490 = vector.broadcast %add3A_489 : i32 to vector<16xi32>
      %add3A_491 = arith.addi %get3A_416, %add3A_490 : vector<16xi32>
      %gather3A_492 = tpu.vector_load_idx %arg10[%add3A_491] : memref<8192xf32, #tpu.memory_space<vmem>>[vector<16xi32>], vector<16xf32>,
      %gather3A_493 = tpu.vector_load_idx %arg11[%add3A_491] : memref<8192xf32, #tpu.memory_space<vmem>>[vector<16xi32>], vector<16xf32>,
      %gather3A_494 = tpu.vector_load_idx %arg12[%add3A_491] : memref<8192xf32, #tpu.memory_space<vmem>>[vector<16xi32>], vector<16xf32>,
      %sub3A_495 = arith.subf %gather3A, %gather3A_470 : vector<16xf32>
      %sub3A_496 = arith.subf %gather3A_53, %gather3A_471 : vector<16xf32>
      %sub3A_497 = arith.subf %gather3A_54, %gather3A_472 : vector<16xf32>
      %mul3A_498 = arith.mulf %sub3A_495, %sub3A_495 : vector<16xf32>
      %mul3A_499 = arith.mulf %sub3A_496, %sub3A_496 : vector<16xf32>
      %add3A_500 = arith.addf %mul3A_498, %mul3A_499 : vector<16xf32>
      %mul3A_501 = arith.mulf %sub3A_497, %sub3A_497 : vector<16xf32>
      %add3A_502 = arith.addf %add3A_500, %mul3A_501 : vector<16xf32>
      %mul3A_503 = arith.constant 512 : i32
      %mul3A_504 = arith.muli %scan3A_51, %mul3A_503 : i32
      %add3A_505 = arith.constant 96 : i32
      %add3A_506 = arith.addi %mul3A_504, %add3A_505 : i32
      %add3A_507 = arith.constant 16 : i32
      %add3A_508 = arith.addi %add3A_506, %add3A_507 : i32
      %swap3A_509 = arith.index_cast %add3A_508 : i32 to index
      %swap3A_510 = tpu.vector_load %arg17[%swap3A_509] {strides = array<i32>} : memref<32768xf32, #tpu.memory_space<vmem>>, vector<16xf32>,
      tpu.vector_store %arg17[%swap3A_509], %add3A_502 {strides = array<i32>} : memref<32768xf32, #tpu.memory_space<vmem>>, vector<16xf32>,
      %add3A_511 = arith.constant 2560 : i32
      %add3A_512 = vector.broadcast %add3A_511 : i32 to vector<16xi32>
      %add3A_513 = arith.addi %get3A_416, %add3A_512 : vector<16xi32>
      %gather3A_514 = tpu.vector_load_idx %arg10[%add3A_513] : memref<8192xf32, #tpu.memory_space<vmem>>[vector<16xi32>], vector<16xf32>,
      %gather3A_515 = tpu.vector_load_idx %arg11[%add3A_513] : memref<8192xf32, #tpu.memory_space<vmem>>[vector<16xi32>], vector<16xf32>,
      %gather3A_516 = tpu.vector_load_idx %arg12[%add3A_513] : memref<8192xf32, #tpu.memory_space<vmem>>[vector<16xi32>], vector<16xf32>,
      %sub3A_517 = arith.subf %gather3A, %gather3A_492 : vector<16xf32>
      %sub3A_518 = arith.subf %gather3A_53, %gather3A_493 : vector<16xf32>
      %sub3A_519 = arith.subf %gather3A_54, %gather3A_494 : vector<16xf32>
      %mul3A_520 = arith.mulf %sub3A_517, %sub3A_517 : vector<16xf32>
      %mul3A_521 = arith.mulf %sub3A_518, %sub3A_518 : vector<16xf32>
      %add3A_522 = arith.addf %mul3A_520, %mul3A_521 : vector<16xf32>
      %mul3A_523 = arith.mulf %sub3A_519, %sub3A_519 : vector<16xf32>
      %add3A_524 = arith.addf %add3A_522, %mul3A_523 : vector<16xf32>
      %mul3A_525 = arith.constant 512 : i32
      %mul3A_526 = arith.muli %scan3A_51, %mul3A_525 : i32
      %add3A_527 = arith.constant 128 : i32
      %add3A_528 = arith.addi %mul3A_526, %add3A_527 : i32
      %add3A_529 = arith.constant 16 : i32
      %add3A_530 = arith.addi %add3A_528, %add3A_529 : i32
      %swap3A_531 = arith.index_cast %add3A_530 : i32 to index
      %swap3A_532 = tpu.vector_load %arg17[%swap3A_531] {strides = array<i32>} : memref<32768xf32, #tpu.memory_space<vmem>>, vector<16xf32>,
      tpu.vector_store %arg17[%swap3A_531], %add3A_524 {strides = array<i32>} : memref<32768xf32, #tpu.memory_space<vmem>>, vector<16xf32>,
      %add3A_533 = arith.constant 3072 : i32
      %add3A_534 = vector.broadcast %add3A_533 : i32 to vector<16xi32>
      %add3A_535 = arith.addi %get3A_416, %add3A_534 : vector<16xi32>
      %gather3A_536 = tpu.vector_load_idx %arg10[%add3A_535] : memref<8192xf32, #tpu.memory_space<vmem>>[vector<16xi32>], vector<16xf32>,
      %gather3A_537 = tpu.vector_load_idx %arg11[%add3A_535] : memref<8192xf32, #tpu.memory_space<vmem>>[vector<16xi32>], vector<16xf32>,
      %gather3A_538 = tpu.vector_load_idx %arg12[%add3A_535] : memref<8192xf32, #tpu.memory_space<vmem>>[vector<16xi32>], vector<16xf32>,
      %sub3A_539 = arith.subf %gather3A, %gather3A_514 : vector<16xf32>
      %sub3A_540 = arith.subf %gather3A_53, %gather3A_515 : vector<16xf32>
      %sub3A_541 = arith.subf %gather3A_54, %gather3A_516 : vector<16xf32>
      %mul3A_542 = arith.mulf %sub3A_539, %sub3A_539 : vector<16xf32>
      %mul3A_543 = arith.mulf %sub3A_540, %sub3A_540 : vector<16xf32>
      %add3A_544 = arith.addf %mul3A_542, %mul3A_543 : vector<16xf32>
      %mul3A_545 = arith.mulf %sub3A_541, %sub3A_541 : vector<16xf32>
      %add3A_546 = arith.addf %add3A_544, %mul3A_545 : vector<16xf32>
      %mul3A_547 = arith.constant 512 : i32
      %mul3A_548 = arith.muli %scan3A_51, %mul3A_547 : i32
      %add3A_549 = arith.constant 160 : i32
      %add3A_550 = arith.addi %mul3A_548, %add3A_549 : i32
      %add3A_551 = arith.constant 16 : i32
      %add3A_552 = arith.addi %add3A_550, %add3A_551 : i32
      %swap3A_553 = arith.index_cast %add3A_552 : i32 to index
      %swap3A_554 = tpu.vector_load %arg17[%swap3A_553] {strides = array<i32>} : memref<32768xf32, #tpu.memory_space<vmem>>, vector<16xf32>,
      tpu.vector_store %arg17[%swap3A_553], %add3A_546 {strides = array<i32>} : memref<32768xf32, #tpu.memory_space<vmem>>, vector<16xf32>,
      %add3A_555 = arith.constant 3584 : i32
      %add3A_556 = vector.broadcast %add3A_555 : i32 to vector<16xi32>
      %add3A_557 = arith.addi %get3A_416, %add3A_556 : vector<16xi32>
      %gather3A_558 = tpu.vector_load_idx %arg10[%add3A_557] : memref<8192xf32, #tpu.memory_space<vmem>>[vector<16xi32>], vector<16xf32>,
      %gather3A_559 = tpu.vector_load_idx %arg11[%add3A_557] : memref<8192xf32, #tpu.memory_space<vmem>>[vector<16xi32>], vector<16xf32>,
      %gather3A_560 = tpu.vector_load_idx %arg12[%add3A_557] : memref<8192xf32, #tpu.memory_space<vmem>>[vector<16xi32>], vector<16xf32>,
      %sub3A_561 = arith.subf %gather3A, %gather3A_536 : vector<16xf32>
      %sub3A_562 = arith.subf %gather3A_53, %gather3A_537 : vector<16xf32>
      %sub3A_563 = arith.subf %gather3A_54, %gather3A_538 : vector<16xf32>
      %mul3A_564 = arith.mulf %sub3A_561, %sub3A_561 : vector<16xf32>
      %mul3A_565 = arith.mulf %sub3A_562, %sub3A_562 : vector<16xf32>
      %add3A_566 = arith.addf %mul3A_564, %mul3A_565 : vector<16xf32>
      %mul3A_567 = arith.mulf %sub3A_563, %sub3A_563 : vector<16xf32>
      %add3A_568 = arith.addf %add3A_566, %mul3A_567 : vector<16xf32>
      %mul3A_569 = arith.constant 512 : i32
      %mul3A_570 = arith.muli %scan3A_51, %mul3A_569 : i32
      %add3A_571 = arith.constant 192 : i32
      %add3A_572 = arith.addi %mul3A_570, %add3A_571 : i32
      %add3A_573 = arith.constant 16 : i32
      %add3A_574 = arith.addi %add3A_572, %add3A_573 : i32
      %swap3A_575 = arith.index_cast %add3A_574 : i32 to index
      %swap3A_576 = tpu.vector_load %arg17[%swap3A_575] {strides = array<i32>} : memref<32768xf32, #tpu.memory_space<vmem>>, vector<16xf32>,
      tpu.vector_store %arg17[%swap3A_575], %add3A_568 {strides = array<i32>} : memref<32768xf32, #tpu.memory_space<vmem>>, vector<16xf32>,
      %add3A_577 = arith.constant 4096 : i32
      %add3A_578 = vector.broadcast %add3A_577 : i32 to vector<16xi32>
      %add3A_579 = arith.addi %get3A_416, %add3A_578 : vector<16xi32>
      %gather3A_580 = tpu.vector_load_idx %arg10[%add3A_579] : memref<8192xf32, #tpu.memory_space<vmem>>[vector<16xi32>], vector<16xf32>,
      %gather3A_581 = tpu.vector_load_idx %arg11[%add3A_579] : memref<8192xf32, #tpu.memory_space<vmem>>[vector<16xi32>], vector<16xf32>,
      %gather3A_582 = tpu.vector_load_idx %arg12[%add3A_579] : memref<8192xf32, #tpu.memory_space<vmem>>[vector<16xi32>], vector<16xf32>,
      %sub3A_583 = arith.subf %gather3A, %gather3A_558 : vector<16xf32>
      %sub3A_584 = arith.subf %gather3A_53, %gather3A_559 : vector<16xf32>
      %sub3A_585 = arith.subf %gather3A_54, %gather3A_560 : vector<16xf32>
      %mul3A_586 = arith.mulf %sub3A_583, %sub3A_583 : vector<16xf32>
      %mul3A_587 = arith.mulf %sub3A_584, %sub3A_584 : vector<16xf32>
      %add3A_588 = arith.addf %mul3A_586, %mul3A_587 : vector<16xf32>
      %mul3A_589 = arith.mulf %sub3A_585, %sub3A_585 : vector<16xf32>
      %add3A_590 = arith.addf %add3A_588, %mul3A_589 : vector<16xf32>
      %mul3A_591 = arith.constant 512 : i32
      %mul3A_592 = arith.muli %scan3A_51, %mul3A_591 : i32
      %add3A_593 = arith.constant 224 : i32
      %add3A_594 = arith.addi %mul3A_592, %add3A_593 : i32
      %add3A_595 = arith.constant 16 : i32
      %add3A_596 = arith.addi %add3A_594, %add3A_595 : i32
      %swap3A_597 = arith.index_cast %add3A_596 : i32 to index
      %swap3A_598 = tpu.vector_load %arg17[%swap3A_597] {strides = array<i32>} : memref<32768xf32, #tpu.memory_space<vmem>>, vector<16xf32>,
      tpu.vector_store %arg17[%swap3A_597], %add3A_590 {strides = array<i32>} : memref<32768xf32, #tpu.memory_space<vmem>>, vector<16xf32>,
      %add3A_599 = arith.constant 4608 : i32
      %add3A_600 = vector.broadcast %add3A_599 : i32 to vector<16xi32>
      %add3A_601 = arith.addi %get3A_416, %add3A_600 : vector<16xi32>
      %gather3A_602 = tpu.vector_load_idx %arg10[%add3A_601] : memref<8192xf32, #tpu.memory_space<vmem>>[vector<16xi32>], vector<16xf32>,
      %gather3A_603 = tpu.vector_load_idx %arg11[%add3A_601] : memref<8192xf32, #tpu.memory_space<vmem>>[vector<16xi32>], vector<16xf32>,
      %gather3A_604 = tpu.vector_load_idx %arg12[%add3A_601] : memref<8192xf32, #tpu.memory_space<vmem>>[vector<16xi32>], vector<16xf32>,
      %sub3A_605 = arith.subf %gather3A, %gather3A_580 : vector<16xf32>
      %sub3A_606 = arith.subf %gather3A_53, %gather3A_581 : vector<16xf32>
      %sub3A_607 = arith.subf %gather3A_54, %gather3A_582 : vector<16xf32>
      %mul3A_608 = arith.mulf %sub3A_605, %sub3A_605 : vector<16xf32>
      %mul3A_609 = arith.mulf %sub3A_606, %sub3A_606 : vector<16xf32>
      %add3A_610 = arith.addf %mul3A_608, %mul3A_609 : vector<16xf32>
      %mul3A_611 = arith.mulf %sub3A_607, %sub3A_607 : vector<16xf32>
      %add3A_612 = arith.addf %add3A_610, %mul3A_611 : vector<16xf32>
      %mul3A_613 = arith.constant 512 : i32
      %mul3A_614 = arith.muli %scan3A_51, %mul3A_613 : i32
      %add3A_615 = arith.constant 256 : i32
      %add3A_616 = arith.addi %mul3A_614, %add3A_615 : i32
      %add3A_617 = arith.constant 16 : i32
      %add3A_618 = arith.addi %add3A_616, %add3A_617 : i32
      %swap3A_619 = arith.index_cast %add3A_618 : i32 to index
      %swap3A_620 = tpu.vector_load %arg17[%swap3A_619] {strides = array<i32>} : memref<32768xf32, #tpu.memory_space<vmem>>, vector<16xf32>,
      tpu.vector_store %arg17[%swap3A_619], %add3A_612 {strides = array<i32>} : memref<32768xf32, #tpu.memory_space<vmem>>, vector<16xf32>,
      %add3A_621 = arith.constant 5120 : i32
      %add3A_622 = vector.broadcast %add3A_621 : i32 to vector<16xi32>
      %add3A_623 = arith.addi %get3A_416, %add3A_622 : vector<16xi32>
      %gather3A_624 = tpu.vector_load_idx %arg10[%add3A_623] : memref<8192xf32, #tpu.memory_space<vmem>>[vector<16xi32>], vector<16xf32>,
      %gather3A_625 = tpu.vector_load_idx %arg11[%add3A_623] : memref<8192xf32, #tpu.memory_space<vmem>>[vector<16xi32>], vector<16xf32>,
      %gather3A_626 = tpu.vector_load_idx %arg12[%add3A_623] : memref<8192xf32, #tpu.memory_space<vmem>>[vector<16xi32>], vector<16xf32>,
      %sub3A_627 = arith.subf %gather3A, %gather3A_602 : vector<16xf32>
      %sub3A_628 = arith.subf %gather3A_53, %gather3A_603 : vector<16xf32>
      %sub3A_629 = arith.subf %gather3A_54, %gather3A_604 : vector<16xf32>
      %mul3A_630 = arith.mulf %sub3A_627, %sub3A_627 : vector<16xf32>
      %mul3A_631 = arith.mulf %sub3A_628, %sub3A_628 : vector<16xf32>
      %add3A_632 = arith.addf %mul3A_630, %mul3A_631 : vector<16xf32>
      %mul3A_633 = arith.mulf %sub3A_629, %sub3A_629 : vector<16xf32>
      %add3A_634 = arith.addf %add3A_632, %mul3A_633 : vector<16xf32>
      %mul3A_635 = arith.constant 512 : i32
      %mul3A_636 = arith.muli %scan3A_51, %mul3A_635 : i32
      %add3A_637 = arith.constant 288 : i32
      %add3A_638 = arith.addi %mul3A_636, %add3A_637 : i32
      %add3A_639 = arith.constant 16 : i32
      %add3A_640 = arith.addi %add3A_638, %add3A_639 : i32
      %swap3A_641 = arith.index_cast %add3A_640 : i32 to index
      %swap3A_642 = tpu.vector_load %arg17[%swap3A_641] {strides = array<i32>} : memref<32768xf32, #tpu.memory_space<vmem>>, vector<16xf32>,
      tpu.vector_store %arg17[%swap3A_641], %add3A_634 {strides = array<i32>} : memref<32768xf32, #tpu.memory_space<vmem>>, vector<16xf32>,
      %add3A_643 = arith.constant 5632 : i32
      %add3A_644 = vector.broadcast %add3A_643 : i32 to vector<16xi32>
      %add3A_645 = arith.addi %get3A_416, %add3A_644 : vector<16xi32>
      %gather3A_646 = tpu.vector_load_idx %arg10[%add3A_645] : memref<8192xf32, #tpu.memory_space<vmem>>[vector<16xi32>], vector<16xf32>,
      %gather3A_647 = tpu.vector_load_idx %arg11[%add3A_645] : memref<8192xf32, #tpu.memory_space<vmem>>[vector<16xi32>], vector<16xf32>,
      %gather3A_648 = tpu.vector_load_idx %arg12[%add3A_645] : memref<8192xf32, #tpu.memory_space<vmem>>[vector<16xi32>], vector<16xf32>,
      %sub3A_649 = arith.subf %gather3A, %gather3A_624 : vector<16xf32>
      %sub3A_650 = arith.subf %gather3A_53, %gather3A_625 : vector<16xf32>
      %sub3A_651 = arith.subf %gather3A_54, %gather3A_626 : vector<16xf32>
      %mul3A_652 = arith.mulf %sub3A_649, %sub3A_649 : vector<16xf32>
      %mul3A_653 = arith.mulf %sub3A_650, %sub3A_650 : vector<16xf32>
      %add3A_654 = arith.addf %mul3A_652, %mul3A_653 : vector<16xf32>
      %mul3A_655 = arith.mulf %sub3A_651, %sub3A_651 : vector<16xf32>
      %add3A_656 = arith.addf %add3A_654, %mul3A_655 : vector<16xf32>
      %mul3A_657 = arith.constant 512 : i32
      %mul3A_658 = arith.muli %scan3A_51, %mul3A_657 : i32
      %add3A_659 = arith.constant 320 : i32
      %add3A_660 = arith.addi %mul3A_658, %add3A_659 : i32
      %add3A_661 = arith.constant 16 : i32
      %add3A_662 = arith.addi %add3A_660, %add3A_661 : i32
      %swap3A_663 = arith.index_cast %add3A_662 : i32 to index
      %swap3A_664 = tpu.vector_load %arg17[%swap3A_663] {strides = array<i32>} : memref<32768xf32, #tpu.memory_space<vmem>>, vector<16xf32>,
      tpu.vector_store %arg17[%swap3A_663], %add3A_656 {strides = array<i32>} : memref<32768xf32, #tpu.memory_space<vmem>>, vector<16xf32>,
      %add3A_665 = arith.constant 6144 : i32
      %add3A_666 = vector.broadcast %add3A_665 : i32 to vector<16xi32>
      %add3A_667 = arith.addi %get3A_416, %add3A_666 : vector<16xi32>
      %gather3A_668 = tpu.vector_load_idx %arg10[%add3A_667] : memref<8192xf32, #tpu.memory_space<vmem>>[vector<16xi32>], vector<16xf32>,
      %gather3A_669 = tpu.vector_load_idx %arg11[%add3A_667] : memref<8192xf32, #tpu.memory_space<vmem>>[vector<16xi32>], vector<16xf32>,
      %gather3A_670 = tpu.vector_load_idx %arg12[%add3A_667] : memref<8192xf32, #tpu.memory_space<vmem>>[vector<16xi32>], vector<16xf32>,
      %sub3A_671 = arith.subf %gather3A, %gather3A_646 : vector<16xf32>
      %sub3A_672 = arith.subf %gather3A_53, %gather3A_647 : vector<16xf32>
      %sub3A_673 = arith.subf %gather3A_54, %gather3A_648 : vector<16xf32>
      %mul3A_674 = arith.mulf %sub3A_671, %sub3A_671 : vector<16xf32>
      %mul3A_675 = arith.mulf %sub3A_672, %sub3A_672 : vector<16xf32>
      %add3A_676 = arith.addf %mul3A_674, %mul3A_675 : vector<16xf32>
      %mul3A_677 = arith.mulf %sub3A_673, %sub3A_673 : vector<16xf32>
      %add3A_678 = arith.addf %add3A_676, %mul3A_677 : vector<16xf32>
      %mul3A_679 = arith.constant 512 : i32
      %mul3A_680 = arith.muli %scan3A_51, %mul3A_679 : i32
      %add3A_681 = arith.constant 352 : i32
      %add3A_682 = arith.addi %mul3A_680, %add3A_681 : i32
      %add3A_683 = arith.constant 16 : i32
      %add3A_684 = arith.addi %add3A_682, %add3A_683 : i32
      %swap3A_685 = arith.index_cast %add3A_684 : i32 to index
      %swap3A_686 = tpu.vector_load %arg17[%swap3A_685] {strides = array<i32>} : memref<32768xf32, #tpu.memory_space<vmem>>, vector<16xf32>,
      tpu.vector_store %arg17[%swap3A_685], %add3A_678 {strides = array<i32>} : memref<32768xf32, #tpu.memory_space<vmem>>, vector<16xf32>,
      %add3A_687 = arith.constant 6656 : i32
      %add3A_688 = vector.broadcast %add3A_687 : i32 to vector<16xi32>
      %add3A_689 = arith.addi %get3A_416, %add3A_688 : vector<16xi32>
      %gather3A_690 = tpu.vector_load_idx %arg10[%add3A_689] : memref<8192xf32, #tpu.memory_space<vmem>>[vector<16xi32>], vector<16xf32>,
      %gather3A_691 = tpu.vector_load_idx %arg11[%add3A_689] : memref<8192xf32, #tpu.memory_space<vmem>>[vector<16xi32>], vector<16xf32>,
      %gather3A_692 = tpu.vector_load_idx %arg12[%add3A_689] : memref<8192xf32, #tpu.memory_space<vmem>>[vector<16xi32>], vector<16xf32>,
      %sub3A_693 = arith.subf %gather3A, %gather3A_668 : vector<16xf32>
      %sub3A_694 = arith.subf %gather3A_53, %gather3A_669 : vector<16xf32>
      %sub3A_695 = arith.subf %gather3A_54, %gather3A_670 : vector<16xf32>
      %mul3A_696 = arith.mulf %sub3A_693, %sub3A_693 : vector<16xf32>
      %mul3A_697 = arith.mulf %sub3A_694, %sub3A_694 : vector<16xf32>
      %add3A_698 = arith.addf %mul3A_696, %mul3A_697 : vector<16xf32>
      %mul3A_699 = arith.mulf %sub3A_695, %sub3A_695 : vector<16xf32>
      %add3A_700 = arith.addf %add3A_698, %mul3A_699 : vector<16xf32>
      %mul3A_701 = arith.constant 512 : i32
      %mul3A_702 = arith.muli %scan3A_51, %mul3A_701 : i32
      %add3A_703 = arith.constant 384 : i32
      %add3A_704 = arith.addi %mul3A_702, %add3A_703 : i32
      %add3A_705 = arith.constant 16 : i32
      %add3A_706 = arith.addi %add3A_704, %add3A_705 : i32
      %swap3A_707 = arith.index_cast %add3A_706 : i32 to index
      %swap3A_708 = tpu.vector_load %arg17[%swap3A_707] {strides = array<i32>} : memref<32768xf32, #tpu.memory_space<vmem>>, vector<16xf32>,
      tpu.vector_store %arg17[%swap3A_707], %add3A_700 {strides = array<i32>} : memref<32768xf32, #tpu.memory_space<vmem>>, vector<16xf32>,
      %add3A_709 = arith.constant 7168 : i32
      %add3A_710 = vector.broadcast %add3A_709 : i32 to vector<16xi32>
      %add3A_711 = arith.addi %get3A_416, %add3A_710 : vector<16xi32>
      %gather3A_712 = tpu.vector_load_idx %arg10[%add3A_711] : memref<8192xf32, #tpu.memory_space<vmem>>[vector<16xi32>], vector<16xf32>,
      %gather3A_713 = tpu.vector_load_idx %arg11[%add3A_711] : memref<8192xf32, #tpu.memory_space<vmem>>[vector<16xi32>], vector<16xf32>,
      %gather3A_714 = tpu.vector_load_idx %arg12[%add3A_711] : memref<8192xf32, #tpu.memory_space<vmem>>[vector<16xi32>], vector<16xf32>,
      %sub3A_715 = arith.subf %gather3A, %gather3A_690 : vector<16xf32>
      %sub3A_716 = arith.subf %gather3A_53, %gather3A_691 : vector<16xf32>
      %sub3A_717 = arith.subf %gather3A_54, %gather3A_692 : vector<16xf32>
      %mul3A_718 = arith.mulf %sub3A_715, %sub3A_715 : vector<16xf32>
      %mul3A_719 = arith.mulf %sub3A_716, %sub3A_716 : vector<16xf32>
      %add3A_720 = arith.addf %mul3A_718, %mul3A_719 : vector<16xf32>
      %mul3A_721 = arith.mulf %sub3A_717, %sub3A_717 : vector<16xf32>
      %add3A_722 = arith.addf %add3A_720, %mul3A_721 : vector<16xf32>
      %mul3A_723 = arith.constant 512 : i32
      %mul3A_724 = arith.muli %scan3A_51, %mul3A_723 : i32
      %add3A_725 = arith.constant 416 : i32
      %add3A_726 = arith.addi %mul3A_724, %add3A_725 : i32
      %add3A_727 = arith.constant 16 : i32
      %add3A_728 = arith.addi %add3A_726, %add3A_727 : i32
      %swap3A_729 = arith.index_cast %add3A_728 : i32 to index
      %swap3A_730 = tpu.vector_load %arg17[%swap3A_729] {strides = array<i32>} : memref<32768xf32, #tpu.memory_space<vmem>>, vector<16xf32>,
      tpu.vector_store %arg17[%swap3A_729], %add3A_722 {strides = array<i32>} : memref<32768xf32, #tpu.memory_space<vmem>>, vector<16xf32>,
      %add3A_731 = arith.constant 7680 : i32
      %add3A_732 = vector.broadcast %add3A_731 : i32 to vector<16xi32>
      %add3A_733 = arith.addi %get3A_416, %add3A_732 : vector<16xi32>
      %gather3A_734 = tpu.vector_load_idx %arg10[%add3A_733] : memref<8192xf32, #tpu.memory_space<vmem>>[vector<16xi32>], vector<16xf32>,
      %gather3A_735 = tpu.vector_load_idx %arg11[%add3A_733] : memref<8192xf32, #tpu.memory_space<vmem>>[vector<16xi32>], vector<16xf32>,
      %gather3A_736 = tpu.vector_load_idx %arg12[%add3A_733] : memref<8192xf32, #tpu.memory_space<vmem>>[vector<16xi32>], vector<16xf32>,
      %sub3A_737 = arith.subf %gather3A, %gather3A_712 : vector<16xf32>
      %sub3A_738 = arith.subf %gather3A_53, %gather3A_713 : vector<16xf32>
      %sub3A_739 = arith.subf %gather3A_54, %gather3A_714 : vector<16xf32>
      %mul3A_740 = arith.mulf %sub3A_737, %sub3A_737 : vector<16xf32>
      %mul3A_741 = arith.mulf %sub3A_738, %sub3A_738 : vector<16xf32>
      %add3A_742 = arith.addf %mul3A_740, %mul3A_741 : vector<16xf32>
      %mul3A_743 = arith.mulf %sub3A_739, %sub3A_739 : vector<16xf32>
      %add3A_744 = arith.addf %add3A_742, %mul3A_743 : vector<16xf32>
      %mul3A_745 = arith.constant 512 : i32
      %mul3A_746 = arith.muli %scan3A_51, %mul3A_745 : i32
      %add3A_747 = arith.constant 448 : i32
      %add3A_748 = arith.addi %mul3A_746, %add3A_747 : i32
      %add3A_749 = arith.constant 16 : i32
      %add3A_750 = arith.addi %add3A_748, %add3A_749 : i32
      %swap3A_751 = arith.index_cast %add3A_750 : i32 to index
      %swap3A_752 = tpu.vector_load %arg17[%swap3A_751] {strides = array<i32>} : memref<32768xf32, #tpu.memory_space<vmem>>, vector<16xf32>,
      tpu.vector_store %arg17[%swap3A_751], %add3A_744 {strides = array<i32>} : memref<32768xf32, #tpu.memory_space<vmem>>, vector<16xf32>,
      %sub3A_753 = arith.subf %gather3A, %gather3A_734 : vector<16xf32>
      %sub3A_754 = arith.subf %gather3A_53, %gather3A_735 : vector<16xf32>
      %sub3A_755 = arith.subf %gather3A_54, %gather3A_736 : vector<16xf32>
      %mul3A_756 = arith.mulf %sub3A_753, %sub3A_753 : vector<16xf32>
      %mul3A_757 = arith.mulf %sub3A_754, %sub3A_754 : vector<16xf32>
      %add3A_758 = arith.addf %mul3A_756, %mul3A_757 : vector<16xf32>
      %mul3A_759 = arith.mulf %sub3A_755, %sub3A_755 : vector<16xf32>
      %add3A_760 = arith.addf %add3A_758, %mul3A_759 : vector<16xf32>
      %mul3A_761 = arith.constant 512 : i32
      %mul3A_762 = arith.muli %scan3A_51, %mul3A_761 : i32
      %add3A_763 = arith.constant 480 : i32
      %add3A_764 = arith.addi %mul3A_762, %add3A_763 : i32
      %add3A_765 = arith.constant 16 : i32
      %add3A_766 = arith.addi %add3A_764, %add3A_765 : i32
      %swap3A_767 = arith.index_cast %add3A_766 : i32 to index
      %swap3A_768 = tpu.vector_load %arg17[%swap3A_767] {strides = array<i32>} : memref<32768xf32, #tpu.memory_space<vmem>>, vector<16xf32>,
      tpu.vector_store %arg17[%swap3A_767], %add3A_760 {strides = array<i32>} : memref<32768xf32, #tpu.memory_space<vmem>>, vector<16xf32>,
      %scan3A_769 = arith.constant 0 : i32
      scf.yield %scan3A_769 : i32
    }
    %scan3A_46 = arith.constant 64 : i32
    %mul3A_47 = arith.constant 64 : i32
    %mul3A_48 = arith.muli %select_n3A_30, %mul3A_47 : i32
    %mul3A_49 = arith.constant 512 : i32
    %mul3A_50 = arith.muli %mul3A_48, %mul3A_49 : i32
    "tpu.region"() ({
      %run_scoped3A = tpu.sem_alloc : memref<!tpu.dma_semaphore, #tpu.memory_space<semaphore_mem>>
      %dma_start3A = tpu.memref_slice %arg9[%select_n3A, %mul3A_50] : memref<8x131072xf32, #tpu.memory_space<hbm>> -> memref<1x32768xf32, #tpu.memory_space<hbm>>
      %dma_start3A_51 = tpu.memref_squeeze %dma_start3A : memref<1x32768xf32, #tpu.memory_space<hbm>> -> memref<32768xf32, #tpu.memory_space<hbm>>
      %dma_start3A_52 = tpu.memref_slice %arg9[%select_n3A, %mul3A_50] : memref<8x131072xf32, #tpu.memory_space<hbm>> -> memref<1x32768xf32, #tpu.memory_space<hbm>>
      %dma_start3A_53 = tpu.memref_squeeze %dma_start3A_52 : memref<1x32768xf32, #tpu.memory_space<hbm>> -> memref<32768xf32, #tpu.memory_space<hbm>>
      tpu.enqueue_dma source(%arg17 : memref<32768xf32, #tpu.memory_space<vmem>>) target(%dma_start3A_53 : memref<32768xf32, #tpu.memory_space<hbm>>) target_semaphore(%run_scoped3A : memref<!tpu.dma_semaphore, #tpu.memory_space<semaphore_mem>>)
      %dma_wait3A = tpu.memref_slice %arg9[%select_n3A, %mul3A_50] : memref<8x131072xf32, #tpu.memory_space<hbm>> -> memref<1x32768xf32, #tpu.memory_space<hbm>>
      %dma_wait3A_54 = tpu.memref_squeeze %dma_wait3A : memref<1x32768xf32, #tpu.memory_space<hbm>> -> memref<32768xf32, #tpu.memory_space<hbm>>
      %dma_wait3A_55 = tpu.memref_slice %arg9[%select_n3A, %mul3A_50] : memref<8x131072xf32, #tpu.memory_space<hbm>> -> memref<1x32768xf32, #tpu.memory_space<hbm>>
      %dma_wait3A_56 = tpu.memref_squeeze %dma_wait3A_55 : memref<1x32768xf32, #tpu.memory_space<hbm>> -> memref<32768xf32, #tpu.memory_space<hbm>>
      tpu.wait_dma2 semaphore(%run_scoped3A : memref<!tpu.dma_semaphore, #tpu.memory_space<semaphore_mem>>) src(%arg17 : memref<32768xf32, #tpu.memory_space<vmem>>) dst(%dma_wait3A_56 : memref<32768xf32, #tpu.memory_space<hbm>>)
      tpu.yield
    }) : () -> ()
    return
  }
}

#map = affine_map<(d0, d1) -> (0, 0)>
module attributes {stable_mosaic.version = 14 : i64} {
  func.func @_gather_body(%arg0: i32, %arg1: i32, %arg2: memref<8x8192xf32, #tpu.memory_space<hbm>>, %arg3: memref<8x8192xf32, #tpu.memory_space<hbm>>, %arg4: memref<8x8192xf32, #tpu.memory_space<hbm>>, %arg5: memref<8x8192xi32, #tpu.memory_space<hbm>>, %arg6: memref<8x256xf32, #tpu.memory_space<hbm>>, %arg7: memref<8x256xf32, #tpu.memory_space<hbm>>, %arg8: memref<8x256xf32, #tpu.memory_space<hbm>>, %arg9: memref<8x8192xf32, #tpu.memory_space<hbm>>, %arg10: memref<8x8192xf32, #tpu.memory_space<hbm>>, %arg11: memref<8x8192xf32, #tpu.memory_space<hbm>>, %arg12: memref<8192xf32, #tpu.memory_space<vmem>>, %arg13: memref<8192xf32, #tpu.memory_space<vmem>>, %arg14: memref<8192xf32, #tpu.memory_space<vmem>>, %arg15: memref<2048xi32, #tpu.memory_space<vmem>>, %arg16: memref<64xf32, #tpu.memory_space<vmem>>, %arg17: memref<64xf32, #tpu.memory_space<vmem>>, %arg18: memref<64xf32, #tpu.memory_space<vmem>>, %arg19: memref<2048xf32, #tpu.memory_space<vmem>>, %arg20: memref<2048xf32, #tpu.memory_space<vmem>>, %arg21: memref<2048xf32, #tpu.memory_space<vmem>>) attributes {dimension_semantics = [#tpu.dimension_semantics<core_parallel>, #tpu.dimension_semantics<subcore_parallel>], iteration_bounds = array<i64: 2, 16>, scalar_prefetch = 0 : i64, scratch_operands = 10 : i64, tpu.core_type = #tpu.core_type<sc_vector_subcore>, window_params = [{transform_indices = #map}, {transform_indices = #map}, {transform_indices = #map}, {transform_indices = #map}, {transform_indices = #map}, {transform_indices = #map}, {transform_indices = #map}, {transform_indices = #map}, {transform_indices = #map}, {transform_indices = #map}]} {
    %mul3A = arith.constant 2 : i32
    %mul3A_0 = arith.muli %arg1, %mul3A : i32
    %add3A = arith.addi %mul3A_0, %arg0 : i32
    %jit3A = arith.constant 4 : i32
    %div3A = arith.divsi %add3A, %jit3A : i32
    %sign3A = arith.constant 0 : i32
    %sign3A_1 = arith.cmpi sgt, %add3A, %sign3A : i32
    %sign3A_2 = arith.extui %sign3A_1 : i1 to i32
    %sign3A_3 = arith.constant 0 : i32
    %sign3A_4 = arith.cmpi slt, %add3A, %sign3A_3 : i32
    %sign3A_5 = arith.extui %sign3A_4 : i1 to i32
    %sign3A_6 = arith.subi %sign3A_2, %sign3A_5 : i32
    %sign3A_7 = arith.constant 0 : i32
    %sign3A_8 = arith.cmpi sgt, %jit3A, %sign3A_7 : i32
    %sign3A_9 = arith.extui %sign3A_8 : i1 to i32
    %sign3A_10 = arith.constant 0 : i32
    %sign3A_11 = arith.cmpi slt, %jit3A, %sign3A_10 : i32
    %sign3A_12 = arith.extui %sign3A_11 : i1 to i32
    %sign3A_13 = arith.subi %sign3A_9, %sign3A_12 : i32
    %ne3A = arith.cmpi ne, %sign3A_6, %sign3A_13 : i32
    %rem3A = arith.remsi %add3A, %jit3A : i32
    %ne3A_14 = arith.constant 0 : i32
    %ne3A_15 = arith.cmpi ne, %rem3A, %ne3A_14 : i32
    %and3A = arith.andi %ne3A, %ne3A_15 : i1
    %sub3A = arith.constant 1 : i32
    %sub3A_16 = arith.subi %div3A, %sub3A : i32
    %select_n3A = arith.select %and3A, %sub3A_16, %div3A : i32
    %jit3A_17 = arith.constant 4 : i32
    %eq3A = arith.constant 0 : i32
    %eq3A_18 = arith.cmpi eq, %jit3A_17, %eq3A : i32
    %jit3A_19 = arith.constant 1 : i32
    %select_n3A_20 = arith.select %eq3A_18, %jit3A_19, %jit3A_17 : i32
    %rem3A_21 = arith.remsi %add3A, %select_n3A_20 : i32
    %ne3A_22 = arith.constant 0 : i32
    %ne3A_23 = arith.cmpi ne, %rem3A_21, %ne3A_22 : i32
    %lt3A = arith.constant 0 : i32
    %lt3A_24 = arith.cmpi slt, %rem3A_21, %lt3A : i32
    %lt3A_25 = arith.constant 0 : i32
    %lt3A_26 = arith.cmpi slt, %select_n3A_20, %lt3A_25 : i32
    %ne3A_27 = arith.xori %lt3A_24, %lt3A_26 : i1
    %and3A_28 = arith.andi %ne3A_27, %ne3A_23 : i1
    %add3A_29 = arith.addi %rem3A_21, %select_n3A_20 : i32
    %select_n3A_30 = arith.select %and3A_28, %add3A_29, %rem3A_21 : i32
    %mul3A_31 = arith.constant 64 : i32
    %mul3A_32 = arith.muli %select_n3A_30, %mul3A_31 : i32
    %mul3A_33 = arith.constant 32 : i32
    %mul3A_34 = arith.muli %mul3A_32, %mul3A_33 : i32
    "tpu.region"() ({
      %run_scoped3A = tpu.sem_alloc : memref<!tpu.dma_semaphore, #tpu.memory_space<semaphore_mem>>
      %dma_start3A = arith.constant 0 : i32
      %dma_start3A_47 = tpu.memref_slice %arg2[%select_n3A, %dma_start3A] : memref<8x8192xf32, #tpu.memory_space<hbm>> -> memref<1x8192xf32, #tpu.memory_space<hbm>>
      %dma_start3A_48 = tpu.memref_squeeze %dma_start3A_47 : memref<1x8192xf32, #tpu.memory_space<hbm>> -> memref<8192xf32, #tpu.memory_space<hbm>>
      %dma_start3A_49 = arith.constant 0 : i32
      %dma_start3A_50 = tpu.memref_slice %arg2[%select_n3A, %dma_start3A_49] : memref<8x8192xf32, #tpu.memory_space<hbm>> -> memref<1x8192xf32, #tpu.memory_space<hbm>>
      %dma_start3A_51 = tpu.memref_squeeze %dma_start3A_50 : memref<1x8192xf32, #tpu.memory_space<hbm>> -> memref<8192xf32, #tpu.memory_space<hbm>>
      tpu.enqueue_dma source(%dma_start3A_51 : memref<8192xf32, #tpu.memory_space<hbm>>) target(%arg12 : memref<8192xf32, #tpu.memory_space<vmem>>) target_semaphore(%run_scoped3A : memref<!tpu.dma_semaphore, #tpu.memory_space<semaphore_mem>>)
      %dma_wait3A = arith.constant 0 : i32
      %dma_wait3A_52 = tpu.memref_slice %arg2[%select_n3A, %dma_wait3A] : memref<8x8192xf32, #tpu.memory_space<hbm>> -> memref<1x8192xf32, #tpu.memory_space<hbm>>
      %dma_wait3A_53 = tpu.memref_squeeze %dma_wait3A_52 : memref<1x8192xf32, #tpu.memory_space<hbm>> -> memref<8192xf32, #tpu.memory_space<hbm>>
      %dma_wait3A_54 = arith.constant 0 : i32
      %dma_wait3A_55 = tpu.memref_slice %arg2[%select_n3A, %dma_wait3A_54] : memref<8x8192xf32, #tpu.memory_space<hbm>> -> memref<1x8192xf32, #tpu.memory_space<hbm>>
      %dma_wait3A_56 = tpu.memref_squeeze %dma_wait3A_55 : memref<1x8192xf32, #tpu.memory_space<hbm>> -> memref<8192xf32, #tpu.memory_space<hbm>>
      tpu.wait_dma2 semaphore(%run_scoped3A : memref<!tpu.dma_semaphore, #tpu.memory_space<semaphore_mem>>) src(%dma_wait3A_56 : memref<8192xf32, #tpu.memory_space<hbm>>) dst(%arg12 : memref<8192xf32, #tpu.memory_space<vmem>>)
      tpu.yield
    }) : () -> ()
    "tpu.region"() ({
      %run_scoped3A = tpu.sem_alloc : memref<!tpu.dma_semaphore, #tpu.memory_space<semaphore_mem>>
      %dma_start3A = arith.constant 0 : i32
      %dma_start3A_47 = tpu.memref_slice %arg3[%select_n3A, %dma_start3A] : memref<8x8192xf32, #tpu.memory_space<hbm>> -> memref<1x8192xf32, #tpu.memory_space<hbm>>
      %dma_start3A_48 = tpu.memref_squeeze %dma_start3A_47 : memref<1x8192xf32, #tpu.memory_space<hbm>> -> memref<8192xf32, #tpu.memory_space<hbm>>
      %dma_start3A_49 = arith.constant 0 : i32
      %dma_start3A_50 = tpu.memref_slice %arg3[%select_n3A, %dma_start3A_49] : memref<8x8192xf32, #tpu.memory_space<hbm>> -> memref<1x8192xf32, #tpu.memory_space<hbm>>
      %dma_start3A_51 = tpu.memref_squeeze %dma_start3A_50 : memref<1x8192xf32, #tpu.memory_space<hbm>> -> memref<8192xf32, #tpu.memory_space<hbm>>
      tpu.enqueue_dma source(%dma_start3A_51 : memref<8192xf32, #tpu.memory_space<hbm>>) target(%arg13 : memref<8192xf32, #tpu.memory_space<vmem>>) target_semaphore(%run_scoped3A : memref<!tpu.dma_semaphore, #tpu.memory_space<semaphore_mem>>)
      %dma_wait3A = arith.constant 0 : i32
      %dma_wait3A_52 = tpu.memref_slice %arg3[%select_n3A, %dma_wait3A] : memref<8x8192xf32, #tpu.memory_space<hbm>> -> memref<1x8192xf32, #tpu.memory_space<hbm>>
      %dma_wait3A_53 = tpu.memref_squeeze %dma_wait3A_52 : memref<1x8192xf32, #tpu.memory_space<hbm>> -> memref<8192xf32, #tpu.memory_space<hbm>>
      %dma_wait3A_54 = arith.constant 0 : i32
      %dma_wait3A_55 = tpu.memref_slice %arg3[%select_n3A, %dma_wait3A_54] : memref<8x8192xf32, #tpu.memory_space<hbm>> -> memref<1x8192xf32, #tpu.memory_space<hbm>>
      %dma_wait3A_56 = tpu.memref_squeeze %dma_wait3A_55 : memref<1x8192xf32, #tpu.memory_space<hbm>> -> memref<8192xf32, #tpu.memory_space<hbm>>
      tpu.wait_dma2 semaphore(%run_scoped3A : memref<!tpu.dma_semaphore, #tpu.memory_space<semaphore_mem>>) src(%dma_wait3A_56 : memref<8192xf32, #tpu.memory_space<hbm>>) dst(%arg13 : memref<8192xf32, #tpu.memory_space<vmem>>)
      tpu.yield
    }) : () -> ()
    "tpu.region"() ({
      %run_scoped3A = tpu.sem_alloc : memref<!tpu.dma_semaphore, #tpu.memory_space<semaphore_mem>>
      %dma_start3A = arith.constant 0 : i32
      %dma_start3A_47 = tpu.memref_slice %arg4[%select_n3A, %dma_start3A] : memref<8x8192xf32, #tpu.memory_space<hbm>> -> memref<1x8192xf32, #tpu.memory_space<hbm>>
      %dma_start3A_48 = tpu.memref_squeeze %dma_start3A_47 : memref<1x8192xf32, #tpu.memory_space<hbm>> -> memref<8192xf32, #tpu.memory_space<hbm>>
      %dma_start3A_49 = arith.constant 0 : i32
      %dma_start3A_50 = tpu.memref_slice %arg4[%select_n3A, %dma_start3A_49] : memref<8x8192xf32, #tpu.memory_space<hbm>> -> memref<1x8192xf32, #tpu.memory_space<hbm>>
      %dma_start3A_51 = tpu.memref_squeeze %dma_start3A_50 : memref<1x8192xf32, #tpu.memory_space<hbm>> -> memref<8192xf32, #tpu.memory_space<hbm>>
      tpu.enqueue_dma source(%dma_start3A_51 : memref<8192xf32, #tpu.memory_space<hbm>>) target(%arg14 : memref<8192xf32, #tpu.memory_space<vmem>>) target_semaphore(%run_scoped3A : memref<!tpu.dma_semaphore, #tpu.memory_space<semaphore_mem>>)
      %dma_wait3A = arith.constant 0 : i32
      %dma_wait3A_52 = tpu.memref_slice %arg4[%select_n3A, %dma_wait3A] : memref<8x8192xf32, #tpu.memory_space<hbm>> -> memref<1x8192xf32, #tpu.memory_space<hbm>>
      %dma_wait3A_53 = tpu.memref_squeeze %dma_wait3A_52 : memref<1x8192xf32, #tpu.memory_space<hbm>> -> memref<8192xf32, #tpu.memory_space<hbm>>
      %dma_wait3A_54 = arith.constant 0 : i32
      %dma_wait3A_55 = tpu.memref_slice %arg4[%select_n3A, %dma_wait3A_54] : memref<8x8192xf32, #tpu.memory_space<hbm>> -> memref<1x8192xf32, #tpu.memory_space<hbm>>
      %dma_wait3A_56 = tpu.memref_squeeze %dma_wait3A_55 : memref<1x8192xf32, #tpu.memory_space<hbm>> -> memref<8192xf32, #tpu.memory_space<hbm>>
      tpu.wait_dma2 semaphore(%run_scoped3A : memref<!tpu.dma_semaphore, #tpu.memory_space<semaphore_mem>>) src(%dma_wait3A_56 : memref<8192xf32, #tpu.memory_space<hbm>>) dst(%arg14 : memref<8192xf32, #tpu.memory_space<vmem>>)
      tpu.yield
    }) : () -> ()
    "tpu.region"() ({
      %run_scoped3A = tpu.sem_alloc : memref<!tpu.dma_semaphore, #tpu.memory_space<semaphore_mem>>
      %dma_start3A = tpu.memref_slice %arg5[%select_n3A, %mul3A_34] : memref<8x8192xi32, #tpu.memory_space<hbm>> -> memref<1x2048xi32, #tpu.memory_space<hbm>>
      %dma_start3A_47 = tpu.memref_squeeze %dma_start3A : memref<1x2048xi32, #tpu.memory_space<hbm>> -> memref<2048xi32, #tpu.memory_space<hbm>>
      %dma_start3A_48 = tpu.memref_slice %arg5[%select_n3A, %mul3A_34] : memref<8x8192xi32, #tpu.memory_space<hbm>> -> memref<1x2048xi32, #tpu.memory_space<hbm>>
      %dma_start3A_49 = tpu.memref_squeeze %dma_start3A_48 : memref<1x2048xi32, #tpu.memory_space<hbm>> -> memref<2048xi32, #tpu.memory_space<hbm>>
      tpu.enqueue_dma source(%dma_start3A_49 : memref<2048xi32, #tpu.memory_space<hbm>>) target(%arg15 : memref<2048xi32, #tpu.memory_space<vmem>>) target_semaphore(%run_scoped3A : memref<!tpu.dma_semaphore, #tpu.memory_space<semaphore_mem>>)
      %dma_wait3A = tpu.memref_slice %arg5[%select_n3A, %mul3A_34] : memref<8x8192xi32, #tpu.memory_space<hbm>> -> memref<1x2048xi32, #tpu.memory_space<hbm>>
      %dma_wait3A_50 = tpu.memref_squeeze %dma_wait3A : memref<1x2048xi32, #tpu.memory_space<hbm>> -> memref<2048xi32, #tpu.memory_space<hbm>>
      %dma_wait3A_51 = tpu.memref_slice %arg5[%select_n3A, %mul3A_34] : memref<8x8192xi32, #tpu.memory_space<hbm>> -> memref<1x2048xi32, #tpu.memory_space<hbm>>
      %dma_wait3A_52 = tpu.memref_squeeze %dma_wait3A_51 : memref<1x2048xi32, #tpu.memory_space<hbm>> -> memref<2048xi32, #tpu.memory_space<hbm>>
      tpu.wait_dma2 semaphore(%run_scoped3A : memref<!tpu.dma_semaphore, #tpu.memory_space<semaphore_mem>>) src(%dma_wait3A_52 : memref<2048xi32, #tpu.memory_space<hbm>>) dst(%arg15 : memref<2048xi32, #tpu.memory_space<vmem>>)
      tpu.yield
    }) : () -> ()
    %mul3A_35 = arith.constant 64 : i32
    %mul3A_36 = arith.muli %select_n3A_30, %mul3A_35 : i32
    "tpu.region"() ({
      %run_scoped3A = tpu.sem_alloc : memref<!tpu.dma_semaphore, #tpu.memory_space<semaphore_mem>>
      %dma_start3A = tpu.memref_slice %arg6[%select_n3A, %mul3A_36] : memref<8x256xf32, #tpu.memory_space<hbm>> -> memref<1x64xf32, #tpu.memory_space<hbm>>
      %dma_start3A_47 = tpu.memref_squeeze %dma_start3A : memref<1x64xf32, #tpu.memory_space<hbm>> -> memref<64xf32, #tpu.memory_space<hbm>>
      %dma_start3A_48 = tpu.memref_slice %arg6[%select_n3A, %mul3A_36] : memref<8x256xf32, #tpu.memory_space<hbm>> -> memref<1x64xf32, #tpu.memory_space<hbm>>
      %dma_start3A_49 = tpu.memref_squeeze %dma_start3A_48 : memref<1x64xf32, #tpu.memory_space<hbm>> -> memref<64xf32, #tpu.memory_space<hbm>>
      tpu.enqueue_dma source(%dma_start3A_49 : memref<64xf32, #tpu.memory_space<hbm>>) target(%arg16 : memref<64xf32, #tpu.memory_space<vmem>>) target_semaphore(%run_scoped3A : memref<!tpu.dma_semaphore, #tpu.memory_space<semaphore_mem>>)
      %dma_wait3A = tpu.memref_slice %arg6[%select_n3A, %mul3A_36] : memref<8x256xf32, #tpu.memory_space<hbm>> -> memref<1x64xf32, #tpu.memory_space<hbm>>
      %dma_wait3A_50 = tpu.memref_squeeze %dma_wait3A : memref<1x64xf32, #tpu.memory_space<hbm>> -> memref<64xf32, #tpu.memory_space<hbm>>
      %dma_wait3A_51 = tpu.memref_slice %arg6[%select_n3A, %mul3A_36] : memref<8x256xf32, #tpu.memory_space<hbm>> -> memref<1x64xf32, #tpu.memory_space<hbm>>
      %dma_wait3A_52 = tpu.memref_squeeze %dma_wait3A_51 : memref<1x64xf32, #tpu.memory_space<hbm>> -> memref<64xf32, #tpu.memory_space<hbm>>
      tpu.wait_dma2 semaphore(%run_scoped3A : memref<!tpu.dma_semaphore, #tpu.memory_space<semaphore_mem>>) src(%dma_wait3A_52 : memref<64xf32, #tpu.memory_space<hbm>>) dst(%arg16 : memref<64xf32, #tpu.memory_space<vmem>>)
      tpu.yield
    }) : () -> ()
    %mul3A_37 = arith.constant 64 : i32
    %mul3A_38 = arith.muli %select_n3A_30, %mul3A_37 : i32
    "tpu.region"() ({
      %run_scoped3A = tpu.sem_alloc : memref<!tpu.dma_semaphore, #tpu.memory_space<semaphore_mem>>
      %dma_start3A = tpu.memref_slice %arg7[%select_n3A, %mul3A_38] : memref<8x256xf32, #tpu.memory_space<hbm>> -> memref<1x64xf32, #tpu.memory_space<hbm>>
      %dma_start3A_47 = tpu.memref_squeeze %dma_start3A : memref<1x64xf32, #tpu.memory_space<hbm>> -> memref<64xf32, #tpu.memory_space<hbm>>
      %dma_start3A_48 = tpu.memref_slice %arg7[%select_n3A, %mul3A_38] : memref<8x256xf32, #tpu.memory_space<hbm>> -> memref<1x64xf32, #tpu.memory_space<hbm>>
      %dma_start3A_49 = tpu.memref_squeeze %dma_start3A_48 : memref<1x64xf32, #tpu.memory_space<hbm>> -> memref<64xf32, #tpu.memory_space<hbm>>
      tpu.enqueue_dma source(%dma_start3A_49 : memref<64xf32, #tpu.memory_space<hbm>>) target(%arg17 : memref<64xf32, #tpu.memory_space<vmem>>) target_semaphore(%run_scoped3A : memref<!tpu.dma_semaphore, #tpu.memory_space<semaphore_mem>>)
      %dma_wait3A = tpu.memref_slice %arg7[%select_n3A, %mul3A_38] : memref<8x256xf32, #tpu.memory_space<hbm>> -> memref<1x64xf32, #tpu.memory_space<hbm>>
      %dma_wait3A_50 = tpu.memref_squeeze %dma_wait3A : memref<1x64xf32, #tpu.memory_space<hbm>> -> memref<64xf32, #tpu.memory_space<hbm>>
      %dma_wait3A_51 = tpu.memref_slice %arg7[%select_n3A, %mul3A_38] : memref<8x256xf32, #tpu.memory_space<hbm>> -> memref<1x64xf32, #tpu.memory_space<hbm>>
      %dma_wait3A_52 = tpu.memref_squeeze %dma_wait3A_51 : memref<1x64xf32, #tpu.memory_space<hbm>> -> memref<64xf32, #tpu.memory_space<hbm>>
      tpu.wait_dma2 semaphore(%run_scoped3A : memref<!tpu.dma_semaphore, #tpu.memory_space<semaphore_mem>>) src(%dma_wait3A_52 : memref<64xf32, #tpu.memory_space<hbm>>) dst(%arg17 : memref<64xf32, #tpu.memory_space<vmem>>)
      tpu.yield
    }) : () -> ()
    %mul3A_39 = arith.constant 64 : i32
    %mul3A_40 = arith.muli %select_n3A_30, %mul3A_39 : i32
    "tpu.region"() ({
      %run_scoped3A = tpu.sem_alloc : memref<!tpu.dma_semaphore, #tpu.memory_space<semaphore_mem>>
      %dma_start3A = tpu.memref_slice %arg8[%select_n3A, %mul3A_40] : memref<8x256xf32, #tpu.memory_space<hbm>> -> memref<1x64xf32, #tpu.memory_space<hbm>>
      %dma_start3A_47 = tpu.memref_squeeze %dma_start3A : memref<1x64xf32, #tpu.memory_space<hbm>> -> memref<64xf32, #tpu.memory_space<hbm>>
      %dma_start3A_48 = tpu.memref_slice %arg8[%select_n3A, %mul3A_40] : memref<8x256xf32, #tpu.memory_space<hbm>> -> memref<1x64xf32, #tpu.memory_space<hbm>>
      %dma_start3A_49 = tpu.memref_squeeze %dma_start3A_48 : memref<1x64xf32, #tpu.memory_space<hbm>> -> memref<64xf32, #tpu.memory_space<hbm>>
      tpu.enqueue_dma source(%dma_start3A_49 : memref<64xf32, #tpu.memory_space<hbm>>) target(%arg18 : memref<64xf32, #tpu.memory_space<vmem>>) target_semaphore(%run_scoped3A : memref<!tpu.dma_semaphore, #tpu.memory_space<semaphore_mem>>)
      %dma_wait3A = tpu.memref_slice %arg8[%select_n3A, %mul3A_40] : memref<8x256xf32, #tpu.memory_space<hbm>> -> memref<1x64xf32, #tpu.memory_space<hbm>>
      %dma_wait3A_50 = tpu.memref_squeeze %dma_wait3A : memref<1x64xf32, #tpu.memory_space<hbm>> -> memref<64xf32, #tpu.memory_space<hbm>>
      %dma_wait3A_51 = tpu.memref_slice %arg8[%select_n3A, %mul3A_40] : memref<8x256xf32, #tpu.memory_space<hbm>> -> memref<1x64xf32, #tpu.memory_space<hbm>>
      %dma_wait3A_52 = tpu.memref_squeeze %dma_wait3A_51 : memref<1x64xf32, #tpu.memory_space<hbm>> -> memref<64xf32, #tpu.memory_space<hbm>>
      tpu.wait_dma2 semaphore(%run_scoped3A : memref<!tpu.dma_semaphore, #tpu.memory_space<semaphore_mem>>) src(%dma_wait3A_52 : memref<64xf32, #tpu.memory_space<hbm>>) dst(%arg18 : memref<64xf32, #tpu.memory_space<vmem>>)
      tpu.yield
    }) : () -> ()
    %scan3A = arith.constant 0 : i32
    %scan3A_41 = arith.constant 0 : i32
    %scan3A_42 = arith.constant 64 : i32
    %scan3A_43 = arith.addi %scan3A_41, %scan3A_42 : i32
    %scan3A_44 = arith.constant 1 : i32
    %scan3A_45 = scf.for %scan3A_47 = %scan3A_41 to %scan3A_43 step %scan3A_44 iter_args(%scan3A_48 = %scan3A) -> (i32)  : i32 {
      %broadcast_in_dim3A = vector.broadcast %scan3A_47 : i32 to vector<16xi32>
      %gather3A = tpu.vector_load_idx %arg16[%broadcast_in_dim3A] : memref<64xf32, #tpu.memory_space<vmem>>[vector<16xi32>], vector<16xf32>,
      %gather3A_49 = tpu.vector_load_idx %arg17[%broadcast_in_dim3A] : memref<64xf32, #tpu.memory_space<vmem>>[vector<16xi32>], vector<16xf32>,
      %gather3A_50 = tpu.vector_load_idx %arg18[%broadcast_in_dim3A] : memref<64xf32, #tpu.memory_space<vmem>>[vector<16xi32>], vector<16xf32>,
      %mul3A_51 = arith.constant 32 : i32
      %mul3A_52 = arith.muli %scan3A_47, %mul3A_51 : i32
      %add3A_53 = arith.constant 0 : i32
      %add3A_54 = arith.addi %mul3A_52, %add3A_53 : i32
      %get3A = arith.index_cast %add3A_54 : i32 to index
      %get3A_55 = tpu.vector_load %arg15[%get3A] {strides = array<i32>} : memref<2048xi32, #tpu.memory_space<vmem>>, vector<16xi32>,
      %gather3A_56 = tpu.vector_load_idx %arg12[%get3A_55] : memref<8192xf32, #tpu.memory_space<vmem>>[vector<16xi32>], vector<16xf32>,
      %sub3A_57 = arith.subf %gather3A_56, %gather3A : vector<16xf32>
      %swap3A = arith.index_cast %add3A_54 : i32 to index
      %swap3A_58 = tpu.vector_load %arg19[%swap3A] {strides = array<i32>} : memref<2048xf32, #tpu.memory_space<vmem>>, vector<16xf32>,
      tpu.vector_store %arg19[%swap3A], %sub3A_57 {strides = array<i32>} : memref<2048xf32, #tpu.memory_space<vmem>>, vector<16xf32>,
      %gather3A_59 = tpu.vector_load_idx %arg13[%get3A_55] : memref<8192xf32, #tpu.memory_space<vmem>>[vector<16xi32>], vector<16xf32>,
      %sub3A_60 = arith.subf %gather3A_59, %gather3A_49 : vector<16xf32>
      %swap3A_61 = arith.index_cast %add3A_54 : i32 to index
      %swap3A_62 = tpu.vector_load %arg20[%swap3A_61] {strides = array<i32>} : memref<2048xf32, #tpu.memory_space<vmem>>, vector<16xf32>,
      tpu.vector_store %arg20[%swap3A_61], %sub3A_60 {strides = array<i32>} : memref<2048xf32, #tpu.memory_space<vmem>>, vector<16xf32>,
      %gather3A_63 = tpu.vector_load_idx %arg14[%get3A_55] : memref<8192xf32, #tpu.memory_space<vmem>>[vector<16xi32>], vector<16xf32>,
      %sub3A_64 = arith.subf %gather3A_63, %gather3A_50 : vector<16xf32>
      %swap3A_65 = arith.index_cast %add3A_54 : i32 to index
      %swap3A_66 = tpu.vector_load %arg21[%swap3A_65] {strides = array<i32>} : memref<2048xf32, #tpu.memory_space<vmem>>, vector<16xf32>,
      tpu.vector_store %arg21[%swap3A_65], %sub3A_64 {strides = array<i32>} : memref<2048xf32, #tpu.memory_space<vmem>>, vector<16xf32>,
      %mul3A_67 = arith.constant 32 : i32
      %mul3A_68 = arith.muli %scan3A_47, %mul3A_67 : i32
      %add3A_69 = arith.constant 16 : i32
      %add3A_70 = arith.addi %mul3A_68, %add3A_69 : i32
      %get3A_71 = arith.index_cast %add3A_70 : i32 to index
      %get3A_72 = tpu.vector_load %arg15[%get3A_71] {strides = array<i32>} : memref<2048xi32, #tpu.memory_space<vmem>>, vector<16xi32>,
      %gather3A_73 = tpu.vector_load_idx %arg12[%get3A_72] : memref<8192xf32, #tpu.memory_space<vmem>>[vector<16xi32>], vector<16xf32>,
      %sub3A_74 = arith.subf %gather3A_73, %gather3A : vector<16xf32>
      %swap3A_75 = arith.index_cast %add3A_70 : i32 to index
      %swap3A_76 = tpu.vector_load %arg19[%swap3A_75] {strides = array<i32>} : memref<2048xf32, #tpu.memory_space<vmem>>, vector<16xf32>,
      tpu.vector_store %arg19[%swap3A_75], %sub3A_74 {strides = array<i32>} : memref<2048xf32, #tpu.memory_space<vmem>>, vector<16xf32>,
      %gather3A_77 = tpu.vector_load_idx %arg13[%get3A_72] : memref<8192xf32, #tpu.memory_space<vmem>>[vector<16xi32>], vector<16xf32>,
      %sub3A_78 = arith.subf %gather3A_77, %gather3A_49 : vector<16xf32>
      %swap3A_79 = arith.index_cast %add3A_70 : i32 to index
      %swap3A_80 = tpu.vector_load %arg20[%swap3A_79] {strides = array<i32>} : memref<2048xf32, #tpu.memory_space<vmem>>, vector<16xf32>,
      tpu.vector_store %arg20[%swap3A_79], %sub3A_78 {strides = array<i32>} : memref<2048xf32, #tpu.memory_space<vmem>>, vector<16xf32>,
      %gather3A_81 = tpu.vector_load_idx %arg14[%get3A_72] : memref<8192xf32, #tpu.memory_space<vmem>>[vector<16xi32>], vector<16xf32>,
      %sub3A_82 = arith.subf %gather3A_81, %gather3A_50 : vector<16xf32>
      %swap3A_83 = arith.index_cast %add3A_70 : i32 to index
      %swap3A_84 = tpu.vector_load %arg21[%swap3A_83] {strides = array<i32>} : memref<2048xf32, #tpu.memory_space<vmem>>, vector<16xf32>,
      tpu.vector_store %arg21[%swap3A_83], %sub3A_82 {strides = array<i32>} : memref<2048xf32, #tpu.memory_space<vmem>>, vector<16xf32>,
      %scan3A_85 = arith.constant 0 : i32
      scf.yield %scan3A_85 : i32
    }
    %scan3A_46 = arith.constant 64 : i32
    "tpu.region"() ({
      %run_scoped3A = tpu.sem_alloc : memref<!tpu.dma_semaphore, #tpu.memory_space<semaphore_mem>>
      %dma_start3A = tpu.memref_slice %arg9[%select_n3A, %mul3A_34] : memref<8x8192xf32, #tpu.memory_space<hbm>> -> memref<1x2048xf32, #tpu.memory_space<hbm>>
      %dma_start3A_47 = tpu.memref_squeeze %dma_start3A : memref<1x2048xf32, #tpu.memory_space<hbm>> -> memref<2048xf32, #tpu.memory_space<hbm>>
      %dma_start3A_48 = tpu.memref_slice %arg9[%select_n3A, %mul3A_34] : memref<8x8192xf32, #tpu.memory_space<hbm>> -> memref<1x2048xf32, #tpu.memory_space<hbm>>
      %dma_start3A_49 = tpu.memref_squeeze %dma_start3A_48 : memref<1x2048xf32, #tpu.memory_space<hbm>> -> memref<2048xf32, #tpu.memory_space<hbm>>
      tpu.enqueue_dma source(%arg19 : memref<2048xf32, #tpu.memory_space<vmem>>) target(%dma_start3A_49 : memref<2048xf32, #tpu.memory_space<hbm>>) target_semaphore(%run_scoped3A : memref<!tpu.dma_semaphore, #tpu.memory_space<semaphore_mem>>)
      %dma_wait3A = tpu.memref_slice %arg9[%select_n3A, %mul3A_34] : memref<8x8192xf32, #tpu.memory_space<hbm>> -> memref<1x2048xf32, #tpu.memory_space<hbm>>
      %dma_wait3A_50 = tpu.memref_squeeze %dma_wait3A : memref<1x2048xf32, #tpu.memory_space<hbm>> -> memref<2048xf32, #tpu.memory_space<hbm>>
      %dma_wait3A_51 = tpu.memref_slice %arg9[%select_n3A, %mul3A_34] : memref<8x8192xf32, #tpu.memory_space<hbm>> -> memref<1x2048xf32, #tpu.memory_space<hbm>>
      %dma_wait3A_52 = tpu.memref_squeeze %dma_wait3A_51 : memref<1x2048xf32, #tpu.memory_space<hbm>> -> memref<2048xf32, #tpu.memory_space<hbm>>
      tpu.wait_dma2 semaphore(%run_scoped3A : memref<!tpu.dma_semaphore, #tpu.memory_space<semaphore_mem>>) src(%arg19 : memref<2048xf32, #tpu.memory_space<vmem>>) dst(%dma_wait3A_52 : memref<2048xf32, #tpu.memory_space<hbm>>)
      tpu.yield
    }) : () -> ()
    "tpu.region"() ({
      %run_scoped3A = tpu.sem_alloc : memref<!tpu.dma_semaphore, #tpu.memory_space<semaphore_mem>>
      %dma_start3A = tpu.memref_slice %arg10[%select_n3A, %mul3A_34] : memref<8x8192xf32, #tpu.memory_space<hbm>> -> memref<1x2048xf32, #tpu.memory_space<hbm>>
      %dma_start3A_47 = tpu.memref_squeeze %dma_start3A : memref<1x2048xf32, #tpu.memory_space<hbm>> -> memref<2048xf32, #tpu.memory_space<hbm>>
      %dma_start3A_48 = tpu.memref_slice %arg10[%select_n3A, %mul3A_34] : memref<8x8192xf32, #tpu.memory_space<hbm>> -> memref<1x2048xf32, #tpu.memory_space<hbm>>
      %dma_start3A_49 = tpu.memref_squeeze %dma_start3A_48 : memref<1x2048xf32, #tpu.memory_space<hbm>> -> memref<2048xf32, #tpu.memory_space<hbm>>
      tpu.enqueue_dma source(%arg20 : memref<2048xf32, #tpu.memory_space<vmem>>) target(%dma_start3A_49 : memref<2048xf32, #tpu.memory_space<hbm>>) target_semaphore(%run_scoped3A : memref<!tpu.dma_semaphore, #tpu.memory_space<semaphore_mem>>)
      %dma_wait3A = tpu.memref_slice %arg10[%select_n3A, %mul3A_34] : memref<8x8192xf32, #tpu.memory_space<hbm>> -> memref<1x2048xf32, #tpu.memory_space<hbm>>
      %dma_wait3A_50 = tpu.memref_squeeze %dma_wait3A : memref<1x2048xf32, #tpu.memory_space<hbm>> -> memref<2048xf32, #tpu.memory_space<hbm>>
      %dma_wait3A_51 = tpu.memref_slice %arg10[%select_n3A, %mul3A_34] : memref<8x8192xf32, #tpu.memory_space<hbm>> -> memref<1x2048xf32, #tpu.memory_space<hbm>>
      %dma_wait3A_52 = tpu.memref_squeeze %dma_wait3A_51 : memref<1x2048xf32, #tpu.memory_space<hbm>> -> memref<2048xf32, #tpu.memory_space<hbm>>
      tpu.wait_dma2 semaphore(%run_scoped3A : memref<!tpu.dma_semaphore, #tpu.memory_space<semaphore_mem>>) src(%arg20 : memref<2048xf32, #tpu.memory_space<vmem>>) dst(%dma_wait3A_52 : memref<2048xf32, #tpu.memory_space<hbm>>)
      tpu.yield
    }) : () -> ()
    "tpu.region"() ({
      %run_scoped3A = tpu.sem_alloc : memref<!tpu.dma_semaphore, #tpu.memory_space<semaphore_mem>>
      %dma_start3A = tpu.memref_slice %arg11[%select_n3A, %mul3A_34] : memref<8x8192xf32, #tpu.memory_space<hbm>> -> memref<1x2048xf32, #tpu.memory_space<hbm>>
      %dma_start3A_47 = tpu.memref_squeeze %dma_start3A : memref<1x2048xf32, #tpu.memory_space<hbm>> -> memref<2048xf32, #tpu.memory_space<hbm>>
      %dma_start3A_48 = tpu.memref_slice %arg11[%select_n3A, %mul3A_34] : memref<8x8192xf32, #tpu.memory_space<hbm>> -> memref<1x2048xf32, #tpu.memory_space<hbm>>
      %dma_start3A_49 = tpu.memref_squeeze %dma_start3A_48 : memref<1x2048xf32, #tpu.memory_space<hbm>> -> memref<2048xf32, #tpu.memory_space<hbm>>
      tpu.enqueue_dma source(%arg21 : memref<2048xf32, #tpu.memory_space<vmem>>) target(%dma_start3A_49 : memref<2048xf32, #tpu.memory_space<hbm>>) target_semaphore(%run_scoped3A : memref<!tpu.dma_semaphore, #tpu.memory_space<semaphore_mem>>)
      %dma_wait3A = tpu.memref_slice %arg11[%select_n3A, %mul3A_34] : memref<8x8192xf32, #tpu.memory_space<hbm>> -> memref<1x2048xf32, #tpu.memory_space<hbm>>
      %dma_wait3A_50 = tpu.memref_squeeze %dma_wait3A : memref<1x2048xf32, #tpu.memory_space<hbm>> -> memref<2048xf32, #tpu.memory_space<hbm>>
      %dma_wait3A_51 = tpu.memref_slice %arg11[%select_n3A, %mul3A_34] : memref<8x8192xf32, #tpu.memory_space<hbm>> -> memref<1x2048xf32, #tpu.memory_space<hbm>>
      %dma_wait3A_52 = tpu.memref_squeeze %dma_wait3A_51 : memref<1x2048xf32, #tpu.memory_space<hbm>> -> memref<2048xf32, #tpu.memory_space<hbm>>
      tpu.wait_dma2 semaphore(%run_scoped3A : memref<!tpu.dma_semaphore, #tpu.memory_space<semaphore_mem>>) src(%arg21 : memref<2048xf32, #tpu.memory_space<vmem>>) dst(%dma_wait3A_52 : memref<2048xf32, #tpu.memory_space<hbm>>)
      tpu.yield
    }) : () -> ()
    return
  }
}

#map = affine_map<(d0, d1) -> (0, 0)>
module attributes {stable_mosaic.version = 14 : i64} {
  func.func @_cand_body(%arg0: i32, %arg1: i32, %arg2: memref<8x8192xf32, #tpu.memory_space<hbm>>, %arg3: memref<8x8192xf32, #tpu.memory_space<hbm>>, %arg4: memref<8x8192xf32, #tpu.memory_space<hbm>>, %arg5: memref<8x8192xi32, #tpu.memory_space<hbm>>, %arg6: memref<8x256xf32, #tpu.memory_space<hbm>>, %arg7: memref<8x256xf32, #tpu.memory_space<hbm>>, %arg8: memref<8x256xf32, #tpu.memory_space<hbm>>, %arg9: memref<8x131072xf32, #tpu.memory_space<hbm>>, %arg10: memref<8192xf32, #tpu.memory_space<vmem>>, %arg11: memref<8192xf32, #tpu.memory_space<vmem>>, %arg12: memref<8192xf32, #tpu.memory_space<vmem>>, %arg13: memref<2048xi32, #tpu.memory_space<vmem>>, %arg14: memref<64xf32, #tpu.memory_space<vmem>>, %arg15: memref<64xf32, #tpu.memory_space<vmem>>, %arg16: memref<64xf32, #tpu.memory_space<vmem>>, %arg17: memref<32768xf32, #tpu.memory_space<vmem>>) attributes {dimension_semantics = [#tpu.dimension_semantics<core_parallel>, #tpu.dimension_semantics<subcore_parallel>], iteration_bounds = array<i64: 2, 16>, scalar_prefetch = 0 : i64, scratch_operands = 8 : i64, tpu.core_type = #tpu.core_type<sc_vector_subcore>, window_params = [{transform_indices = #map}, {transform_indices = #map}, {transform_indices = #map}, {transform_indices = #map}, {transform_indices = #map}, {transform_indices = #map}, {transform_indices = #map}, {transform_indices = #map}]} {
    %mul3A = arith.constant 2 : i32
    %mul3A_0 = arith.muli %arg1, %mul3A : i32
    %add3A = arith.addi %mul3A_0, %arg0 : i32
    %jit3A = arith.constant 4 : i32
    %div3A = arith.divsi %add3A, %jit3A : i32
    %sign3A = arith.constant 0 : i32
    %sign3A_1 = arith.cmpi sgt, %add3A, %sign3A : i32
    %sign3A_2 = arith.extui %sign3A_1 : i1 to i32
    %sign3A_3 = arith.constant 0 : i32
    %sign3A_4 = arith.cmpi slt, %add3A, %sign3A_3 : i32
    %sign3A_5 = arith.extui %sign3A_4 : i1 to i32
    %sign3A_6 = arith.subi %sign3A_2, %sign3A_5 : i32
    %sign3A_7 = arith.constant 0 : i32
    %sign3A_8 = arith.cmpi sgt, %jit3A, %sign3A_7 : i32
    %sign3A_9 = arith.extui %sign3A_8 : i1 to i32
    %sign3A_10 = arith.constant 0 : i32
    %sign3A_11 = arith.cmpi slt, %jit3A, %sign3A_10 : i32
    %sign3A_12 = arith.extui %sign3A_11 : i1 to i32
    %sign3A_13 = arith.subi %sign3A_9, %sign3A_12 : i32
    %ne3A = arith.cmpi ne, %sign3A_6, %sign3A_13 : i32
    %rem3A = arith.remsi %add3A, %jit3A : i32
    %ne3A_14 = arith.constant 0 : i32
    %ne3A_15 = arith.cmpi ne, %rem3A, %ne3A_14 : i32
    %and3A = arith.andi %ne3A, %ne3A_15 : i1
    %sub3A = arith.constant 1 : i32
    %sub3A_16 = arith.subi %div3A, %sub3A : i32
    %select_n3A = arith.select %and3A, %sub3A_16, %div3A : i32
    %jit3A_17 = arith.constant 4 : i32
    %eq3A = arith.constant 0 : i32
    %eq3A_18 = arith.cmpi eq, %jit3A_17, %eq3A : i32
    %jit3A_19 = arith.constant 1 : i32
    %select_n3A_20 = arith.select %eq3A_18, %jit3A_19, %jit3A_17 : i32
    %rem3A_21 = arith.remsi %add3A, %select_n3A_20 : i32
    %ne3A_22 = arith.constant 0 : i32
    %ne3A_23 = arith.cmpi ne, %rem3A_21, %ne3A_22 : i32
    %lt3A = arith.constant 0 : i32
    %lt3A_24 = arith.cmpi slt, %rem3A_21, %lt3A : i32
    %lt3A_25 = arith.constant 0 : i32
    %lt3A_26 = arith.cmpi slt, %select_n3A_20, %lt3A_25 : i32
    %ne3A_27 = arith.xori %lt3A_24, %lt3A_26 : i1
    %and3A_28 = arith.andi %ne3A_27, %ne3A_23 : i1
    %add3A_29 = arith.addi %rem3A_21, %select_n3A_20 : i32
    %select_n3A_30 = arith.select %and3A_28, %add3A_29, %rem3A_21 : i32
    "tpu.region"() ({
      %run_scoped3A = tpu.sem_alloc : memref<!tpu.dma_semaphore, #tpu.memory_space<semaphore_mem>>
      %dma_start3A = arith.constant 0 : i32
      %dma_start3A_51 = tpu.memref_slice %arg2[%select_n3A, %dma_start3A] : memref<8x8192xf32, #tpu.memory_space<hbm>> -> memref<1x8192xf32, #tpu.memory_space<hbm>>
      %dma_start3A_52 = tpu.memref_squeeze %dma_start3A_51 : memref<1x8192xf32, #tpu.memory_space<hbm>> -> memref<8192xf32, #tpu.memory_space<hbm>>
      %dma_start3A_53 = arith.constant 0 : i32
      %dma_start3A_54 = tpu.memref_slice %arg2[%select_n3A, %dma_start3A_53] : memref<8x8192xf32, #tpu.memory_space<hbm>> -> memref<1x8192xf32, #tpu.memory_space<hbm>>
      %dma_start3A_55 = tpu.memref_squeeze %dma_start3A_54 : memref<1x8192xf32, #tpu.memory_space<hbm>> -> memref<8192xf32, #tpu.memory_space<hbm>>
      tpu.enqueue_dma source(%dma_start3A_55 : memref<8192xf32, #tpu.memory_space<hbm>>) target(%arg10 : memref<8192xf32, #tpu.memory_space<vmem>>) target_semaphore(%run_scoped3A : memref<!tpu.dma_semaphore, #tpu.memory_space<semaphore_mem>>)
      %dma_wait3A = arith.constant 0 : i32
      %dma_wait3A_56 = tpu.memref_slice %arg2[%select_n3A, %dma_wait3A] : memref<8x8192xf32, #tpu.memory_space<hbm>> -> memref<1x8192xf32, #tpu.memory_space<hbm>>
      %dma_wait3A_57 = tpu.memref_squeeze %dma_wait3A_56 : memref<1x8192xf32, #tpu.memory_space<hbm>> -> memref<8192xf32, #tpu.memory_space<hbm>>
      %dma_wait3A_58 = arith.constant 0 : i32
      %dma_wait3A_59 = tpu.memref_slice %arg2[%select_n3A, %dma_wait3A_58] : memref<8x8192xf32, #tpu.memory_space<hbm>> -> memref<1x8192xf32, #tpu.memory_space<hbm>>
      %dma_wait3A_60 = tpu.memref_squeeze %dma_wait3A_59 : memref<1x8192xf32, #tpu.memory_space<hbm>> -> memref<8192xf32, #tpu.memory_space<hbm>>
      tpu.wait_dma2 semaphore(%run_scoped3A : memref<!tpu.dma_semaphore, #tpu.memory_space<semaphore_mem>>) src(%dma_wait3A_60 : memref<8192xf32, #tpu.memory_space<hbm>>) dst(%arg10 : memref<8192xf32, #tpu.memory_space<vmem>>)
      tpu.yield
    }) : () -> ()
    "tpu.region"() ({
      %run_scoped3A = tpu.sem_alloc : memref<!tpu.dma_semaphore, #tpu.memory_space<semaphore_mem>>
      %dma_start3A = arith.constant 0 : i32
      %dma_start3A_51 = tpu.memref_slice %arg3[%select_n3A, %dma_start3A] : memref<8x8192xf32, #tpu.memory_space<hbm>> -> memref<1x8192xf32, #tpu.memory_space<hbm>>
      %dma_start3A_52 = tpu.memref_squeeze %dma_start3A_51 : memref<1x8192xf32, #tpu.memory_space<hbm>> -> memref<8192xf32, #tpu.memory_space<hbm>>
      %dma_start3A_53 = arith.constant 0 : i32
      %dma_start3A_54 = tpu.memref_slice %arg3[%select_n3A, %dma_start3A_53] : memref<8x8192xf32, #tpu.memory_space<hbm>> -> memref<1x8192xf32, #tpu.memory_space<hbm>>
      %dma_start3A_55 = tpu.memref_squeeze %dma_start3A_54 : memref<1x8192xf32, #tpu.memory_space<hbm>> -> memref<8192xf32, #tpu.memory_space<hbm>>
      tpu.enqueue_dma source(%dma_start3A_55 : memref<8192xf32, #tpu.memory_space<hbm>>) target(%arg11 : memref<8192xf32, #tpu.memory_space<vmem>>) target_semaphore(%run_scoped3A : memref<!tpu.dma_semaphore, #tpu.memory_space<semaphore_mem>>)
      %dma_wait3A = arith.constant 0 : i32
      %dma_wait3A_56 = tpu.memref_slice %arg3[%select_n3A, %dma_wait3A] : memref<8x8192xf32, #tpu.memory_space<hbm>> -> memref<1x8192xf32, #tpu.memory_space<hbm>>
      %dma_wait3A_57 = tpu.memref_squeeze %dma_wait3A_56 : memref<1x8192xf32, #tpu.memory_space<hbm>> -> memref<8192xf32, #tpu.memory_space<hbm>>
      %dma_wait3A_58 = arith.constant 0 : i32
      %dma_wait3A_59 = tpu.memref_slice %arg3[%select_n3A, %dma_wait3A_58] : memref<8x8192xf32, #tpu.memory_space<hbm>> -> memref<1x8192xf32, #tpu.memory_space<hbm>>
      %dma_wait3A_60 = tpu.memref_squeeze %dma_wait3A_59 : memref<1x8192xf32, #tpu.memory_space<hbm>> -> memref<8192xf32, #tpu.memory_space<hbm>>
      tpu.wait_dma2 semaphore(%run_scoped3A : memref<!tpu.dma_semaphore, #tpu.memory_space<semaphore_mem>>) src(%dma_wait3A_60 : memref<8192xf32, #tpu.memory_space<hbm>>) dst(%arg11 : memref<8192xf32, #tpu.memory_space<vmem>>)
      tpu.yield
    }) : () -> ()
    "tpu.region"() ({
      %run_scoped3A = tpu.sem_alloc : memref<!tpu.dma_semaphore, #tpu.memory_space<semaphore_mem>>
      %dma_start3A = arith.constant 0 : i32
      %dma_start3A_51 = tpu.memref_slice %arg4[%select_n3A, %dma_start3A] : memref<8x8192xf32, #tpu.memory_space<hbm>> -> memref<1x8192xf32, #tpu.memory_space<hbm>>
      %dma_start3A_52 = tpu.memref_squeeze %dma_start3A_51 : memref<1x8192xf32, #tpu.memory_space<hbm>> -> memref<8192xf32, #tpu.memory_space<hbm>>
      %dma_start3A_53 = arith.constant 0 : i32
      %dma_start3A_54 = tpu.memref_slice %arg4[%select_n3A, %dma_start3A_53] : memref<8x8192xf32, #tpu.memory_space<hbm>> -> memref<1x8192xf32, #tpu.memory_space<hbm>>
      %dma_start3A_55 = tpu.memref_squeeze %dma_start3A_54 : memref<1x8192xf32, #tpu.memory_space<hbm>> -> memref<8192xf32, #tpu.memory_space<hbm>>
      tpu.enqueue_dma source(%dma_start3A_55 : memref<8192xf32, #tpu.memory_space<hbm>>) target(%arg12 : memref<8192xf32, #tpu.memory_space<vmem>>) target_semaphore(%run_scoped3A : memref<!tpu.dma_semaphore, #tpu.memory_space<semaphore_mem>>)
      %dma_wait3A = arith.constant 0 : i32
      %dma_wait3A_56 = tpu.memref_slice %arg4[%select_n3A, %dma_wait3A] : memref<8x8192xf32, #tpu.memory_space<hbm>> -> memref<1x8192xf32, #tpu.memory_space<hbm>>
      %dma_wait3A_57 = tpu.memref_squeeze %dma_wait3A_56 : memref<1x8192xf32, #tpu.memory_space<hbm>> -> memref<8192xf32, #tpu.memory_space<hbm>>
      %dma_wait3A_58 = arith.constant 0 : i32
      %dma_wait3A_59 = tpu.memref_slice %arg4[%select_n3A, %dma_wait3A_58] : memref<8x8192xf32, #tpu.memory_space<hbm>> -> memref<1x8192xf32, #tpu.memory_space<hbm>>
      %dma_wait3A_60 = tpu.memref_squeeze %dma_wait3A_59 : memref<1x8192xf32, #tpu.memory_space<hbm>> -> memref<8192xf32, #tpu.memory_space<hbm>>
      tpu.wait_dma2 semaphore(%run_scoped3A : memref<!tpu.dma_semaphore, #tpu.memory_space<semaphore_mem>>) src(%dma_wait3A_60 : memref<8192xf32, #tpu.memory_space<hbm>>) dst(%arg12 : memref<8192xf32, #tpu.memory_space<vmem>>)
      tpu.yield
    }) : () -> ()
    %mul3A_31 = arith.constant 64 : i32
    %mul3A_32 = arith.muli %select_n3A_30, %mul3A_31 : i32
    %mul3A_33 = arith.constant 32 : i32
    %mul3A_34 = arith.muli %mul3A_32, %mul3A_33 : i32
    "tpu.region"() ({
      %run_scoped3A = tpu.sem_alloc : memref<!tpu.dma_semaphore, #tpu.memory_space<semaphore_mem>>
      %dma_start3A = tpu.memref_slice %arg5[%select_n3A, %mul3A_34] : memref<8x8192xi32, #tpu.memory_space<hbm>> -> memref<1x2048xi32, #tpu.memory_space<hbm>>
      %dma_start3A_51 = tpu.memref_squeeze %dma_start3A : memref<1x2048xi32, #tpu.memory_space<hbm>> -> memref<2048xi32, #tpu.memory_space<hbm>>
      %dma_start3A_52 = tpu.memref_slice %arg5[%select_n3A, %mul3A_34] : memref<8x8192xi32, #tpu.memory_space<hbm>> -> memref<1x2048xi32, #tpu.memory_space<hbm>>
      %dma_start3A_53 = tpu.memref_squeeze %dma_start3A_52 : memref<1x2048xi32, #tpu.memory_space<hbm>> -> memref<2048xi32, #tpu.memory_space<hbm>>
      tpu.enqueue_dma source(%dma_start3A_53 : memref<2048xi32, #tpu.memory_space<hbm>>) target(%arg13 : memref<2048xi32, #tpu.memory_space<vmem>>) target_semaphore(%run_scoped3A : memref<!tpu.dma_semaphore, #tpu.memory_space<semaphore_mem>>)
      %dma_wait3A = tpu.memref_slice %arg5[%select_n3A, %mul3A_34] : memref<8x8192xi32, #tpu.memory_space<hbm>> -> memref<1x2048xi32, #tpu.memory_space<hbm>>
      %dma_wait3A_54 = tpu.memref_squeeze %dma_wait3A : memref<1x2048xi32, #tpu.memory_space<hbm>> -> memref<2048xi32, #tpu.memory_space<hbm>>
      %dma_wait3A_55 = tpu.memref_slice %arg5[%select_n3A, %mul3A_34] : memref<8x8192xi32, #tpu.memory_space<hbm>> -> memref<1x2048xi32, #tpu.memory_space<hbm>>
      %dma_wait3A_56 = tpu.memref_squeeze %dma_wait3A_55 : memref<1x2048xi32, #tpu.memory_space<hbm>> -> memref<2048xi32, #tpu.memory_space<hbm>>
      tpu.wait_dma2 semaphore(%run_scoped3A : memref<!tpu.dma_semaphore, #tpu.memory_space<semaphore_mem>>) src(%dma_wait3A_56 : memref<2048xi32, #tpu.memory_space<hbm>>) dst(%arg13 : memref<2048xi32, #tpu.memory_space<vmem>>)
      tpu.yield
    }) : () -> ()
    %mul3A_35 = arith.constant 64 : i32
    %mul3A_36 = arith.muli %select_n3A_30, %mul3A_35 : i32
    "tpu.region"() ({
      %run_scoped3A = tpu.sem_alloc : memref<!tpu.dma_semaphore, #tpu.memory_space<semaphore_mem>>
      %dma_start3A = tpu.memref_slice %arg6[%select_n3A, %mul3A_36] : memref<8x256xf32, #tpu.memory_space<hbm>> -> memref<1x64xf32, #tpu.memory_space<hbm>>
      %dma_start3A_51 = tpu.memref_squeeze %dma_start3A : memref<1x64xf32, #tpu.memory_space<hbm>> -> memref<64xf32, #tpu.memory_space<hbm>>
      %dma_start3A_52 = tpu.memref_slice %arg6[%select_n3A, %mul3A_36] : memref<8x256xf32, #tpu.memory_space<hbm>> -> memref<1x64xf32, #tpu.memory_space<hbm>>
      %dma_start3A_53 = tpu.memref_squeeze %dma_start3A_52 : memref<1x64xf32, #tpu.memory_space<hbm>> -> memref<64xf32, #tpu.memory_space<hbm>>
      tpu.enqueue_dma source(%dma_start3A_53 : memref<64xf32, #tpu.memory_space<hbm>>) target(%arg14 : memref<64xf32, #tpu.memory_space<vmem>>) target_semaphore(%run_scoped3A : memref<!tpu.dma_semaphore, #tpu.memory_space<semaphore_mem>>)
      %dma_wait3A = tpu.memref_slice %arg6[%select_n3A, %mul3A_36] : memref<8x256xf32, #tpu.memory_space<hbm>> -> memref<1x64xf32, #tpu.memory_space<hbm>>
      %dma_wait3A_54 = tpu.memref_squeeze %dma_wait3A : memref<1x64xf32, #tpu.memory_space<hbm>> -> memref<64xf32, #tpu.memory_space<hbm>>
      %dma_wait3A_55 = tpu.memref_slice %arg6[%select_n3A, %mul3A_36] : memref<8x256xf32, #tpu.memory_space<hbm>> -> memref<1x64xf32, #tpu.memory_space<hbm>>
      %dma_wait3A_56 = tpu.memref_squeeze %dma_wait3A_55 : memref<1x64xf32, #tpu.memory_space<hbm>> -> memref<64xf32, #tpu.memory_space<hbm>>
      tpu.wait_dma2 semaphore(%run_scoped3A : memref<!tpu.dma_semaphore, #tpu.memory_space<semaphore_mem>>) src(%dma_wait3A_56 : memref<64xf32, #tpu.memory_space<hbm>>) dst(%arg14 : memref<64xf32, #tpu.memory_space<vmem>>)
      tpu.yield
    }) : () -> ()
    %mul3A_37 = arith.constant 64 : i32
    %mul3A_38 = arith.muli %select_n3A_30, %mul3A_37 : i32
    "tpu.region"() ({
      %run_scoped3A = tpu.sem_alloc : memref<!tpu.dma_semaphore, #tpu.memory_space<semaphore_mem>>
      %dma_start3A = tpu.memref_slice %arg7[%select_n3A, %mul3A_38] : memref<8x256xf32, #tpu.memory_space<hbm>> -> memref<1x64xf32, #tpu.memory_space<hbm>>
      %dma_start3A_51 = tpu.memref_squeeze %dma_start3A : memref<1x64xf32, #tpu.memory_space<hbm>> -> memref<64xf32, #tpu.memory_space<hbm>>
      %dma_start3A_52 = tpu.memref_slice %arg7[%select_n3A, %mul3A_38] : memref<8x256xf32, #tpu.memory_space<hbm>> -> memref<1x64xf32, #tpu.memory_space<hbm>>
      %dma_start3A_53 = tpu.memref_squeeze %dma_start3A_52 : memref<1x64xf32, #tpu.memory_space<hbm>> -> memref<64xf32, #tpu.memory_space<hbm>>
      tpu.enqueue_dma source(%dma_start3A_53 : memref<64xf32, #tpu.memory_space<hbm>>) target(%arg15 : memref<64xf32, #tpu.memory_space<vmem>>) target_semaphore(%run_scoped3A : memref<!tpu.dma_semaphore, #tpu.memory_space<semaphore_mem>>)
      %dma_wait3A = tpu.memref_slice %arg7[%select_n3A, %mul3A_38] : memref<8x256xf32, #tpu.memory_space<hbm>> -> memref<1x64xf32, #tpu.memory_space<hbm>>
      %dma_wait3A_54 = tpu.memref_squeeze %dma_wait3A : memref<1x64xf32, #tpu.memory_space<hbm>> -> memref<64xf32, #tpu.memory_space<hbm>>
      %dma_wait3A_55 = tpu.memref_slice %arg7[%select_n3A, %mul3A_38] : memref<8x256xf32, #tpu.memory_space<hbm>> -> memref<1x64xf32, #tpu.memory_space<hbm>>
      %dma_wait3A_56 = tpu.memref_squeeze %dma_wait3A_55 : memref<1x64xf32, #tpu.memory_space<hbm>> -> memref<64xf32, #tpu.memory_space<hbm>>
      tpu.wait_dma2 semaphore(%run_scoped3A : memref<!tpu.dma_semaphore, #tpu.memory_space<semaphore_mem>>) src(%dma_wait3A_56 : memref<64xf32, #tpu.memory_space<hbm>>) dst(%arg15 : memref<64xf32, #tpu.memory_space<vmem>>)
      tpu.yield
    }) : () -> ()
    %mul3A_39 = arith.constant 64 : i32
    %mul3A_40 = arith.muli %select_n3A_30, %mul3A_39 : i32
    "tpu.region"() ({
      %run_scoped3A = tpu.sem_alloc : memref<!tpu.dma_semaphore, #tpu.memory_space<semaphore_mem>>
      %dma_start3A = tpu.memref_slice %arg8[%select_n3A, %mul3A_40] : memref<8x256xf32, #tpu.memory_space<hbm>> -> memref<1x64xf32, #tpu.memory_space<hbm>>
      %dma_start3A_51 = tpu.memref_squeeze %dma_start3A : memref<1x64xf32, #tpu.memory_space<hbm>> -> memref<64xf32, #tpu.memory_space<hbm>>
      %dma_start3A_52 = tpu.memref_slice %arg8[%select_n3A, %mul3A_40] : memref<8x256xf32, #tpu.memory_space<hbm>> -> memref<1x64xf32, #tpu.memory_space<hbm>>
      %dma_start3A_53 = tpu.memref_squeeze %dma_start3A_52 : memref<1x64xf32, #tpu.memory_space<hbm>> -> memref<64xf32, #tpu.memory_space<hbm>>
      tpu.enqueue_dma source(%dma_start3A_53 : memref<64xf32, #tpu.memory_space<hbm>>) target(%arg16 : memref<64xf32, #tpu.memory_space<vmem>>) target_semaphore(%run_scoped3A : memref<!tpu.dma_semaphore, #tpu.memory_space<semaphore_mem>>)
      %dma_wait3A = tpu.memref_slice %arg8[%select_n3A, %mul3A_40] : memref<8x256xf32, #tpu.memory_space<hbm>> -> memref<1x64xf32, #tpu.memory_space<hbm>>
      %dma_wait3A_54 = tpu.memref_squeeze %dma_wait3A : memref<1x64xf32, #tpu.memory_space<hbm>> -> memref<64xf32, #tpu.memory_space<hbm>>
      %dma_wait3A_55 = tpu.memref_slice %arg8[%select_n3A, %mul3A_40] : memref<8x256xf32, #tpu.memory_space<hbm>> -> memref<1x64xf32, #tpu.memory_space<hbm>>
      %dma_wait3A_56 = tpu.memref_squeeze %dma_wait3A_55 : memref<1x64xf32, #tpu.memory_space<hbm>> -> memref<64xf32, #tpu.memory_space<hbm>>
      tpu.wait_dma2 semaphore(%run_scoped3A : memref<!tpu.dma_semaphore, #tpu.memory_space<semaphore_mem>>) src(%dma_wait3A_56 : memref<64xf32, #tpu.memory_space<hbm>>) dst(%arg16 : memref<64xf32, #tpu.memory_space<vmem>>)
      tpu.yield
    }) : () -> ()
    %scan3A = arith.constant 0 : i32
    %scan3A_41 = arith.constant 0 : i32
    %scan3A_42 = arith.constant 64 : i32
    %scan3A_43 = arith.addi %scan3A_41, %scan3A_42 : i32
    %scan3A_44 = arith.constant 1 : i32
    %scan3A_45 = scf.for %scan3A_51 = %scan3A_41 to %scan3A_43 step %scan3A_44 iter_args(%scan3A_52 = %scan3A) -> (i32)  : i32 {
      %broadcast_in_dim3A = vector.broadcast %scan3A_51 : i32 to vector<16xi32>
      %gather3A = tpu.vector_load_idx %arg14[%broadcast_in_dim3A] : memref<64xf32, #tpu.memory_space<vmem>>[vector<16xi32>], vector<16xf32>,
      %gather3A_53 = tpu.vector_load_idx %arg15[%broadcast_in_dim3A] : memref<64xf32, #tpu.memory_space<vmem>>[vector<16xi32>], vector<16xf32>,
      %gather3A_54 = tpu.vector_load_idx %arg16[%broadcast_in_dim3A] : memref<64xf32, #tpu.memory_space<vmem>>[vector<16xi32>], vector<16xf32>,
      %mul3A_55 = arith.constant 32 : i32
      %mul3A_56 = arith.muli %scan3A_51, %mul3A_55 : i32
      %add3A_57 = arith.constant 0 : i32
      %add3A_58 = arith.addi %mul3A_56, %add3A_57 : i32
      %get3A = arith.index_cast %add3A_58 : i32 to index
      %get3A_59 = tpu.vector_load %arg13[%get3A] {strides = array<i32>} : memref<2048xi32, #tpu.memory_space<vmem>>, vector<16xi32>,
      %add3A_60 = arith.constant 0 : i32
      %add3A_61 = vector.broadcast %add3A_60 : i32 to vector<16xi32>
      %add3A_62 = arith.addi %get3A_59, %add3A_61 : vector<16xi32>
      %gather3A_63 = tpu.vector_load_idx %arg10[%add3A_62] : memref<8192xf32, #tpu.memory_space<vmem>>[vector<16xi32>], vector<16xf32>,
      %gather3A_64 = tpu.vector_load_idx %arg11[%add3A_62] : memref<8192xf32, #tpu.memory_space<vmem>>[vector<16xi32>], vector<16xf32>,
      %gather3A_65 = tpu.vector_load_idx %arg12[%add3A_62] : memref<8192xf32, #tpu.memory_space<vmem>>[vector<16xi32>], vector<16xf32>,
      %add3A_66 = arith.constant 512 : i32
      %add3A_67 = vector.broadcast %add3A_66 : i32 to vector<16xi32>
      %add3A_68 = arith.addi %get3A_59, %add3A_67 : vector<16xi32>
      %gather3A_69 = tpu.vector_load_idx %arg10[%add3A_68] : memref<8192xf32, #tpu.memory_space<vmem>>[vector<16xi32>], vector<16xf32>,
      %gather3A_70 = tpu.vector_load_idx %arg11[%add3A_68] : memref<8192xf32, #tpu.memory_space<vmem>>[vector<16xi32>], vector<16xf32>,
      %gather3A_71 = tpu.vector_load_idx %arg12[%add3A_68] : memref<8192xf32, #tpu.memory_space<vmem>>[vector<16xi32>], vector<16xf32>,
      %sub3A_72 = arith.subf %gather3A, %gather3A_63 : vector<16xf32>
      %sub3A_73 = arith.subf %gather3A_53, %gather3A_64 : vector<16xf32>
      %sub3A_74 = arith.subf %gather3A_54, %gather3A_65 : vector<16xf32>
      %mul3A_75 = arith.mulf %sub3A_72, %sub3A_72 : vector<16xf32>
      %mul3A_76 = arith.mulf %sub3A_73, %sub3A_73 : vector<16xf32>
      %add3A_77 = arith.addf %mul3A_75, %mul3A_76 : vector<16xf32>
      %mul3A_78 = arith.mulf %sub3A_74, %sub3A_74 : vector<16xf32>
      %add3A_79 = arith.addf %add3A_77, %mul3A_78 : vector<16xf32>
      %mul3A_80 = arith.constant 512 : i32
      %mul3A_81 = arith.muli %scan3A_51, %mul3A_80 : i32
      %add3A_82 = arith.constant 0 : i32
      %add3A_83 = arith.addi %mul3A_81, %add3A_82 : i32
      %add3A_84 = arith.constant 0 : i32
      %add3A_85 = arith.addi %add3A_83, %add3A_84 : i32
      %swap3A = arith.index_cast %add3A_85 : i32 to index
      %swap3A_86 = tpu.vector_load %arg17[%swap3A] {strides = array<i32>} : memref<32768xf32, #tpu.memory_space<vmem>>, vector<16xf32>,
      tpu.vector_store %arg17[%swap3A], %add3A_79 {strides = array<i32>} : memref<32768xf32, #tpu.memory_space<vmem>>, vector<16xf32>,
      %add3A_87 = arith.constant 1024 : i32
      %add3A_88 = vector.broadcast %add3A_87 : i32 to vector<16xi32>
      %add3A_89 = arith.addi %get3A_59, %add3A_88 : vector<16xi32>
      %gather3A_90 = tpu.vector_load_idx %arg10[%add3A_89] : memref<8192xf32, #tpu.memory_space<vmem>>[vector<16xi32>], vector<16xf32>,
      %gather3A_91 = tpu.vector_load_idx %arg11[%add3A_89] : memref<8192xf32, #tpu.memory_space<vmem>>[vector<16xi32>], vector<16xf32>,
      %gather3A_92 = tpu.vector_load_idx %arg12[%add3A_89] : memref<8192xf32, #tpu.memory_space<vmem>>[vector<16xi32>], vector<16xf32>,
      %sub3A_93 = arith.subf %gather3A, %gather3A_69 : vector<16xf32>
      %sub3A_94 = arith.subf %gather3A_53, %gather3A_70 : vector<16xf32>
      %sub3A_95 = arith.subf %gather3A_54, %gather3A_71 : vector<16xf32>
      %mul3A_96 = arith.mulf %sub3A_93, %sub3A_93 : vector<16xf32>
      %mul3A_97 = arith.mulf %sub3A_94, %sub3A_94 : vector<16xf32>
      %add3A_98 = arith.addf %mul3A_96, %mul3A_97 : vector<16xf32>
      %mul3A_99 = arith.mulf %sub3A_95, %sub3A_95 : vector<16xf32>
      %add3A_100 = arith.addf %add3A_98, %mul3A_99 : vector<16xf32>
      %mul3A_101 = arith.constant 512 : i32
      %mul3A_102 = arith.muli %scan3A_51, %mul3A_101 : i32
      %add3A_103 = arith.constant 32 : i32
      %add3A_104 = arith.addi %mul3A_102, %add3A_103 : i32
      %add3A_105 = arith.constant 0 : i32
      %add3A_106 = arith.addi %add3A_104, %add3A_105 : i32
      %swap3A_107 = arith.index_cast %add3A_106 : i32 to index
      %swap3A_108 = tpu.vector_load %arg17[%swap3A_107] {strides = array<i32>} : memref<32768xf32, #tpu.memory_space<vmem>>, vector<16xf32>,
      tpu.vector_store %arg17[%swap3A_107], %add3A_100 {strides = array<i32>} : memref<32768xf32, #tpu.memory_space<vmem>>, vector<16xf32>,
      %add3A_109 = arith.constant 1536 : i32
      %add3A_110 = vector.broadcast %add3A_109 : i32 to vector<16xi32>
      %add3A_111 = arith.addi %get3A_59, %add3A_110 : vector<16xi32>
      %gather3A_112 = tpu.vector_load_idx %arg10[%add3A_111] : memref<8192xf32, #tpu.memory_space<vmem>>[vector<16xi32>], vector<16xf32>,
      %gather3A_113 = tpu.vector_load_idx %arg11[%add3A_111] : memref<8192xf32, #tpu.memory_space<vmem>>[vector<16xi32>], vector<16xf32>,
      %gather3A_114 = tpu.vector_load_idx %arg12[%add3A_111] : memref<8192xf32, #tpu.memory_space<vmem>>[vector<16xi32>], vector<16xf32>,
      %sub3A_115 = arith.subf %gather3A, %gather3A_90 : vector<16xf32>
      %sub3A_116 = arith.subf %gather3A_53, %gather3A_91 : vector<16xf32>
      %sub3A_117 = arith.subf %gather3A_54, %gather3A_92 : vector<16xf32>
      %mul3A_118 = arith.mulf %sub3A_115, %sub3A_115 : vector<16xf32>
      %mul3A_119 = arith.mulf %sub3A_116, %sub3A_116 : vector<16xf32>
      %add3A_120 = arith.addf %mul3A_118, %mul3A_119 : vector<16xf32>
      %mul3A_121 = arith.mulf %sub3A_117, %sub3A_117 : vector<16xf32>
      %add3A_122 = arith.addf %add3A_120, %mul3A_121 : vector<16xf32>
      %mul3A_123 = arith.constant 512 : i32
      %mul3A_124 = arith.muli %scan3A_51, %mul3A_123 : i32
      %add3A_125 = arith.constant 64 : i32
      %add3A_126 = arith.addi %mul3A_124, %add3A_125 : i32
      %add3A_127 = arith.constant 0 : i32
      %add3A_128 = arith.addi %add3A_126, %add3A_127 : i32
      %swap3A_129 = arith.index_cast %add3A_128 : i32 to index
      %swap3A_130 = tpu.vector_load %arg17[%swap3A_129] {strides = array<i32>} : memref<32768xf32, #tpu.memory_space<vmem>>, vector<16xf32>,
      tpu.vector_store %arg17[%swap3A_129], %add3A_122 {strides = array<i32>} : memref<32768xf32, #tpu.memory_space<vmem>>, vector<16xf32>,
      %add3A_131 = arith.constant 2048 : i32
      %add3A_132 = vector.broadcast %add3A_131 : i32 to vector<16xi32>
      %add3A_133 = arith.addi %get3A_59, %add3A_132 : vector<16xi32>
      %gather3A_134 = tpu.vector_load_idx %arg10[%add3A_133] : memref<8192xf32, #tpu.memory_space<vmem>>[vector<16xi32>], vector<16xf32>,
      %gather3A_135 = tpu.vector_load_idx %arg11[%add3A_133] : memref<8192xf32, #tpu.memory_space<vmem>>[vector<16xi32>], vector<16xf32>,
      %gather3A_136 = tpu.vector_load_idx %arg12[%add3A_133] : memref<8192xf32, #tpu.memory_space<vmem>>[vector<16xi32>], vector<16xf32>,
      %sub3A_137 = arith.subf %gather3A, %gather3A_112 : vector<16xf32>
      %sub3A_138 = arith.subf %gather3A_53, %gather3A_113 : vector<16xf32>
      %sub3A_139 = arith.subf %gather3A_54, %gather3A_114 : vector<16xf32>
      %mul3A_140 = arith.mulf %sub3A_137, %sub3A_137 : vector<16xf32>
      %mul3A_141 = arith.mulf %sub3A_138, %sub3A_138 : vector<16xf32>
      %add3A_142 = arith.addf %mul3A_140, %mul3A_141 : vector<16xf32>
      %mul3A_143 = arith.mulf %sub3A_139, %sub3A_139 : vector<16xf32>
      %add3A_144 = arith.addf %add3A_142, %mul3A_143 : vector<16xf32>
      %mul3A_145 = arith.constant 512 : i32
      %mul3A_146 = arith.muli %scan3A_51, %mul3A_145 : i32
      %add3A_147 = arith.constant 96 : i32
      %add3A_148 = arith.addi %mul3A_146, %add3A_147 : i32
      %add3A_149 = arith.constant 0 : i32
      %add3A_150 = arith.addi %add3A_148, %add3A_149 : i32
      %swap3A_151 = arith.index_cast %add3A_150 : i32 to index
      %swap3A_152 = tpu.vector_load %arg17[%swap3A_151] {strides = array<i32>} : memref<32768xf32, #tpu.memory_space<vmem>>, vector<16xf32>,
      tpu.vector_store %arg17[%swap3A_151], %add3A_144 {strides = array<i32>} : memref<32768xf32, #tpu.memory_space<vmem>>, vector<16xf32>,
      %add3A_153 = arith.constant 2560 : i32
      %add3A_154 = vector.broadcast %add3A_153 : i32 to vector<16xi32>
      %add3A_155 = arith.addi %get3A_59, %add3A_154 : vector<16xi32>
      %gather3A_156 = tpu.vector_load_idx %arg10[%add3A_155] : memref<8192xf32, #tpu.memory_space<vmem>>[vector<16xi32>], vector<16xf32>,
      %gather3A_157 = tpu.vector_load_idx %arg11[%add3A_155] : memref<8192xf32, #tpu.memory_space<vmem>>[vector<16xi32>], vector<16xf32>,
      %gather3A_158 = tpu.vector_load_idx %arg12[%add3A_155] : memref<8192xf32, #tpu.memory_space<vmem>>[vector<16xi32>], vector<16xf32>,
      %sub3A_159 = arith.subf %gather3A, %gather3A_134 : vector<16xf32>
      %sub3A_160 = arith.subf %gather3A_53, %gather3A_135 : vector<16xf32>
      %sub3A_161 = arith.subf %gather3A_54, %gather3A_136 : vector<16xf32>
      %mul3A_162 = arith.mulf %sub3A_159, %sub3A_159 : vector<16xf32>
      %mul3A_163 = arith.mulf %sub3A_160, %sub3A_160 : vector<16xf32>
      %add3A_164 = arith.addf %mul3A_162, %mul3A_163 : vector<16xf32>
      %mul3A_165 = arith.mulf %sub3A_161, %sub3A_161 : vector<16xf32>
      %add3A_166 = arith.addf %add3A_164, %mul3A_165 : vector<16xf32>
      %mul3A_167 = arith.constant 512 : i32
      %mul3A_168 = arith.muli %scan3A_51, %mul3A_167 : i32
      %add3A_169 = arith.constant 128 : i32
      %add3A_170 = arith.addi %mul3A_168, %add3A_169 : i32
      %add3A_171 = arith.constant 0 : i32
      %add3A_172 = arith.addi %add3A_170, %add3A_171 : i32
      %swap3A_173 = arith.index_cast %add3A_172 : i32 to index
      %swap3A_174 = tpu.vector_load %arg17[%swap3A_173] {strides = array<i32>} : memref<32768xf32, #tpu.memory_space<vmem>>, vector<16xf32>,
      tpu.vector_store %arg17[%swap3A_173], %add3A_166 {strides = array<i32>} : memref<32768xf32, #tpu.memory_space<vmem>>, vector<16xf32>,
      %add3A_175 = arith.constant 3072 : i32
      %add3A_176 = vector.broadcast %add3A_175 : i32 to vector<16xi32>
      %add3A_177 = arith.addi %get3A_59, %add3A_176 : vector<16xi32>
      %gather3A_178 = tpu.vector_load_idx %arg10[%add3A_177] : memref<8192xf32, #tpu.memory_space<vmem>>[vector<16xi32>], vector<16xf32>,
      %gather3A_179 = tpu.vector_load_idx %arg11[%add3A_177] : memref<8192xf32, #tpu.memory_space<vmem>>[vector<16xi32>], vector<16xf32>,
      %gather3A_180 = tpu.vector_load_idx %arg12[%add3A_177] : memref<8192xf32, #tpu.memory_space<vmem>>[vector<16xi32>], vector<16xf32>,
      %sub3A_181 = arith.subf %gather3A, %gather3A_156 : vector<16xf32>
      %sub3A_182 = arith.subf %gather3A_53, %gather3A_157 : vector<16xf32>
      %sub3A_183 = arith.subf %gather3A_54, %gather3A_158 : vector<16xf32>
      %mul3A_184 = arith.mulf %sub3A_181, %sub3A_181 : vector<16xf32>
      %mul3A_185 = arith.mulf %sub3A_182, %sub3A_182 : vector<16xf32>
      %add3A_186 = arith.addf %mul3A_184, %mul3A_185 : vector<16xf32>
      %mul3A_187 = arith.mulf %sub3A_183, %sub3A_183 : vector<16xf32>
      %add3A_188 = arith.addf %add3A_186, %mul3A_187 : vector<16xf32>
      %mul3A_189 = arith.constant 512 : i32
      %mul3A_190 = arith.muli %scan3A_51, %mul3A_189 : i32
      %add3A_191 = arith.constant 160 : i32
      %add3A_192 = arith.addi %mul3A_190, %add3A_191 : i32
      %add3A_193 = arith.constant 0 : i32
      %add3A_194 = arith.addi %add3A_192, %add3A_193 : i32
      %swap3A_195 = arith.index_cast %add3A_194 : i32 to index
      %swap3A_196 = tpu.vector_load %arg17[%swap3A_195] {strides = array<i32>} : memref<32768xf32, #tpu.memory_space<vmem>>, vector<16xf32>,
      tpu.vector_store %arg17[%swap3A_195], %add3A_188 {strides = array<i32>} : memref<32768xf32, #tpu.memory_space<vmem>>, vector<16xf32>,
      %add3A_197 = arith.constant 3584 : i32
      %add3A_198 = vector.broadcast %add3A_197 : i32 to vector<16xi32>
      %add3A_199 = arith.addi %get3A_59, %add3A_198 : vector<16xi32>
      %gather3A_200 = tpu.vector_load_idx %arg10[%add3A_199] : memref<8192xf32, #tpu.memory_space<vmem>>[vector<16xi32>], vector<16xf32>,
      %gather3A_201 = tpu.vector_load_idx %arg11[%add3A_199] : memref<8192xf32, #tpu.memory_space<vmem>>[vector<16xi32>], vector<16xf32>,
      %gather3A_202 = tpu.vector_load_idx %arg12[%add3A_199] : memref<8192xf32, #tpu.memory_space<vmem>>[vector<16xi32>], vector<16xf32>,
      %sub3A_203 = arith.subf %gather3A, %gather3A_178 : vector<16xf32>
      %sub3A_204 = arith.subf %gather3A_53, %gather3A_179 : vector<16xf32>
      %sub3A_205 = arith.subf %gather3A_54, %gather3A_180 : vector<16xf32>
      %mul3A_206 = arith.mulf %sub3A_203, %sub3A_203 : vector<16xf32>
      %mul3A_207 = arith.mulf %sub3A_204, %sub3A_204 : vector<16xf32>
      %add3A_208 = arith.addf %mul3A_206, %mul3A_207 : vector<16xf32>
      %mul3A_209 = arith.mulf %sub3A_205, %sub3A_205 : vector<16xf32>
      %add3A_210 = arith.addf %add3A_208, %mul3A_209 : vector<16xf32>
      %mul3A_211 = arith.constant 512 : i32
      %mul3A_212 = arith.muli %scan3A_51, %mul3A_211 : i32
      %add3A_213 = arith.constant 192 : i32
      %add3A_214 = arith.addi %mul3A_212, %add3A_213 : i32
      %add3A_215 = arith.constant 0 : i32
      %add3A_216 = arith.addi %add3A_214, %add3A_215 : i32
      %swap3A_217 = arith.index_cast %add3A_216 : i32 to index
      %swap3A_218 = tpu.vector_load %arg17[%swap3A_217] {strides = array<i32>} : memref<32768xf32, #tpu.memory_space<vmem>>, vector<16xf32>,
      tpu.vector_store %arg17[%swap3A_217], %add3A_210 {strides = array<i32>} : memref<32768xf32, #tpu.memory_space<vmem>>, vector<16xf32>,
      %add3A_219 = arith.constant 4096 : i32
      %add3A_220 = vector.broadcast %add3A_219 : i32 to vector<16xi32>
      %add3A_221 = arith.addi %get3A_59, %add3A_220 : vector<16xi32>
      %gather3A_222 = tpu.vector_load_idx %arg10[%add3A_221] : memref<8192xf32, #tpu.memory_space<vmem>>[vector<16xi32>], vector<16xf32>,
      %gather3A_223 = tpu.vector_load_idx %arg11[%add3A_221] : memref<8192xf32, #tpu.memory_space<vmem>>[vector<16xi32>], vector<16xf32>,
      %gather3A_224 = tpu.vector_load_idx %arg12[%add3A_221] : memref<8192xf32, #tpu.memory_space<vmem>>[vector<16xi32>], vector<16xf32>,
      %sub3A_225 = arith.subf %gather3A, %gather3A_200 : vector<16xf32>
      %sub3A_226 = arith.subf %gather3A_53, %gather3A_201 : vector<16xf32>
      %sub3A_227 = arith.subf %gather3A_54, %gather3A_202 : vector<16xf32>
      %mul3A_228 = arith.mulf %sub3A_225, %sub3A_225 : vector<16xf32>
      %mul3A_229 = arith.mulf %sub3A_226, %sub3A_226 : vector<16xf32>
      %add3A_230 = arith.addf %mul3A_228, %mul3A_229 : vector<16xf32>
      %mul3A_231 = arith.mulf %sub3A_227, %sub3A_227 : vector<16xf32>
      %add3A_232 = arith.addf %add3A_230, %mul3A_231 : vector<16xf32>
      %mul3A_233 = arith.constant 512 : i32
      %mul3A_234 = arith.muli %scan3A_51, %mul3A_233 : i32
      %add3A_235 = arith.constant 224 : i32
      %add3A_236 = arith.addi %mul3A_234, %add3A_235 : i32
      %add3A_237 = arith.constant 0 : i32
      %add3A_238 = arith.addi %add3A_236, %add3A_237 : i32
      %swap3A_239 = arith.index_cast %add3A_238 : i32 to index
      %swap3A_240 = tpu.vector_load %arg17[%swap3A_239] {strides = array<i32>} : memref<32768xf32, #tpu.memory_space<vmem>>, vector<16xf32>,
      tpu.vector_store %arg17[%swap3A_239], %add3A_232 {strides = array<i32>} : memref<32768xf32, #tpu.memory_space<vmem>>, vector<16xf32>,
      %add3A_241 = arith.constant 4608 : i32
      %add3A_242 = vector.broadcast %add3A_241 : i32 to vector<16xi32>
      %add3A_243 = arith.addi %get3A_59, %add3A_242 : vector<16xi32>
      %gather3A_244 = tpu.vector_load_idx %arg10[%add3A_243] : memref<8192xf32, #tpu.memory_space<vmem>>[vector<16xi32>], vector<16xf32>,
      %gather3A_245 = tpu.vector_load_idx %arg11[%add3A_243] : memref<8192xf32, #tpu.memory_space<vmem>>[vector<16xi32>], vector<16xf32>,
      %gather3A_246 = tpu.vector_load_idx %arg12[%add3A_243] : memref<8192xf32, #tpu.memory_space<vmem>>[vector<16xi32>], vector<16xf32>,
      %sub3A_247 = arith.subf %gather3A, %gather3A_222 : vector<16xf32>
      %sub3A_248 = arith.subf %gather3A_53, %gather3A_223 : vector<16xf32>
      %sub3A_249 = arith.subf %gather3A_54, %gather3A_224 : vector<16xf32>
      %mul3A_250 = arith.mulf %sub3A_247, %sub3A_247 : vector<16xf32>
      %mul3A_251 = arith.mulf %sub3A_248, %sub3A_248 : vector<16xf32>
      %add3A_252 = arith.addf %mul3A_250, %mul3A_251 : vector<16xf32>
      %mul3A_253 = arith.mulf %sub3A_249, %sub3A_249 : vector<16xf32>
      %add3A_254 = arith.addf %add3A_252, %mul3A_253 : vector<16xf32>
      %mul3A_255 = arith.constant 512 : i32
      %mul3A_256 = arith.muli %scan3A_51, %mul3A_255 : i32
      %add3A_257 = arith.constant 256 : i32
      %add3A_258 = arith.addi %mul3A_256, %add3A_257 : i32
      %add3A_259 = arith.constant 0 : i32
      %add3A_260 = arith.addi %add3A_258, %add3A_259 : i32
      %swap3A_261 = arith.index_cast %add3A_260 : i32 to index
      %swap3A_262 = tpu.vector_load %arg17[%swap3A_261] {strides = array<i32>} : memref<32768xf32, #tpu.memory_space<vmem>>, vector<16xf32>,
      tpu.vector_store %arg17[%swap3A_261], %add3A_254 {strides = array<i32>} : memref<32768xf32, #tpu.memory_space<vmem>>, vector<16xf32>,
      %add3A_263 = arith.constant 5120 : i32
      %add3A_264 = vector.broadcast %add3A_263 : i32 to vector<16xi32>
      %add3A_265 = arith.addi %get3A_59, %add3A_264 : vector<16xi32>
      %gather3A_266 = tpu.vector_load_idx %arg10[%add3A_265] : memref<8192xf32, #tpu.memory_space<vmem>>[vector<16xi32>], vector<16xf32>,
      %gather3A_267 = tpu.vector_load_idx %arg11[%add3A_265] : memref<8192xf32, #tpu.memory_space<vmem>>[vector<16xi32>], vector<16xf32>,
      %gather3A_268 = tpu.vector_load_idx %arg12[%add3A_265] : memref<8192xf32, #tpu.memory_space<vmem>>[vector<16xi32>], vector<16xf32>,
      %sub3A_269 = arith.subf %gather3A, %gather3A_244 : vector<16xf32>
      %sub3A_270 = arith.subf %gather3A_53, %gather3A_245 : vector<16xf32>
      %sub3A_271 = arith.subf %gather3A_54, %gather3A_246 : vector<16xf32>
      %mul3A_272 = arith.mulf %sub3A_269, %sub3A_269 : vector<16xf32>
      %mul3A_273 = arith.mulf %sub3A_270, %sub3A_270 : vector<16xf32>
      %add3A_274 = arith.addf %mul3A_272, %mul3A_273 : vector<16xf32>
      %mul3A_275 = arith.mulf %sub3A_271, %sub3A_271 : vector<16xf32>
      %add3A_276 = arith.addf %add3A_274, %mul3A_275 : vector<16xf32>
      %mul3A_277 = arith.constant 512 : i32
      %mul3A_278 = arith.muli %scan3A_51, %mul3A_277 : i32
      %add3A_279 = arith.constant 288 : i32
      %add3A_280 = arith.addi %mul3A_278, %add3A_279 : i32
      %add3A_281 = arith.constant 0 : i32
      %add3A_282 = arith.addi %add3A_280, %add3A_281 : i32
      %swap3A_283 = arith.index_cast %add3A_282 : i32 to index
      %swap3A_284 = tpu.vector_load %arg17[%swap3A_283] {strides = array<i32>} : memref<32768xf32, #tpu.memory_space<vmem>>, vector<16xf32>,
      tpu.vector_store %arg17[%swap3A_283], %add3A_276 {strides = array<i32>} : memref<32768xf32, #tpu.memory_space<vmem>>, vector<16xf32>,
      %add3A_285 = arith.constant 5632 : i32
      %add3A_286 = vector.broadcast %add3A_285 : i32 to vector<16xi32>
      %add3A_287 = arith.addi %get3A_59, %add3A_286 : vector<16xi32>
      %gather3A_288 = tpu.vector_load_idx %arg10[%add3A_287] : memref<8192xf32, #tpu.memory_space<vmem>>[vector<16xi32>], vector<16xf32>,
      %gather3A_289 = tpu.vector_load_idx %arg11[%add3A_287] : memref<8192xf32, #tpu.memory_space<vmem>>[vector<16xi32>], vector<16xf32>,
      %gather3A_290 = tpu.vector_load_idx %arg12[%add3A_287] : memref<8192xf32, #tpu.memory_space<vmem>>[vector<16xi32>], vector<16xf32>,
      %sub3A_291 = arith.subf %gather3A, %gather3A_266 : vector<16xf32>
      %sub3A_292 = arith.subf %gather3A_53, %gather3A_267 : vector<16xf32>
      %sub3A_293 = arith.subf %gather3A_54, %gather3A_268 : vector<16xf32>
      %mul3A_294 = arith.mulf %sub3A_291, %sub3A_291 : vector<16xf32>
      %mul3A_295 = arith.mulf %sub3A_292, %sub3A_292 : vector<16xf32>
      %add3A_296 = arith.addf %mul3A_294, %mul3A_295 : vector<16xf32>
      %mul3A_297 = arith.mulf %sub3A_293, %sub3A_293 : vector<16xf32>
      %add3A_298 = arith.addf %add3A_296, %mul3A_297 : vector<16xf32>
      %mul3A_299 = arith.constant 512 : i32
      %mul3A_300 = arith.muli %scan3A_51, %mul3A_299 : i32
      %add3A_301 = arith.constant 320 : i32
      %add3A_302 = arith.addi %mul3A_300, %add3A_301 : i32
      %add3A_303 = arith.constant 0 : i32
      %add3A_304 = arith.addi %add3A_302, %add3A_303 : i32
      %swap3A_305 = arith.index_cast %add3A_304 : i32 to index
      %swap3A_306 = tpu.vector_load %arg17[%swap3A_305] {strides = array<i32>} : memref<32768xf32, #tpu.memory_space<vmem>>, vector<16xf32>,
      tpu.vector_store %arg17[%swap3A_305], %add3A_298 {strides = array<i32>} : memref<32768xf32, #tpu.memory_space<vmem>>, vector<16xf32>,
      %add3A_307 = arith.constant 6144 : i32
      %add3A_308 = vector.broadcast %add3A_307 : i32 to vector<16xi32>
      %add3A_309 = arith.addi %get3A_59, %add3A_308 : vector<16xi32>
      %gather3A_310 = tpu.vector_load_idx %arg10[%add3A_309] : memref<8192xf32, #tpu.memory_space<vmem>>[vector<16xi32>], vector<16xf32>,
      %gather3A_311 = tpu.vector_load_idx %arg11[%add3A_309] : memref<8192xf32, #tpu.memory_space<vmem>>[vector<16xi32>], vector<16xf32>,
      %gather3A_312 = tpu.vector_load_idx %arg12[%add3A_309] : memref<8192xf32, #tpu.memory_space<vmem>>[vector<16xi32>], vector<16xf32>,
      %sub3A_313 = arith.subf %gather3A, %gather3A_288 : vector<16xf32>
      %sub3A_314 = arith.subf %gather3A_53, %gather3A_289 : vector<16xf32>
      %sub3A_315 = arith.subf %gather3A_54, %gather3A_290 : vector<16xf32>
      %mul3A_316 = arith.mulf %sub3A_313, %sub3A_313 : vector<16xf32>
      %mul3A_317 = arith.mulf %sub3A_314, %sub3A_314 : vector<16xf32>
      %add3A_318 = arith.addf %mul3A_316, %mul3A_317 : vector<16xf32>
      %mul3A_319 = arith.mulf %sub3A_315, %sub3A_315 : vector<16xf32>
      %add3A_320 = arith.addf %add3A_318, %mul3A_319 : vector<16xf32>
      %mul3A_321 = arith.constant 512 : i32
      %mul3A_322 = arith.muli %scan3A_51, %mul3A_321 : i32
      %add3A_323 = arith.constant 352 : i32
      %add3A_324 = arith.addi %mul3A_322, %add3A_323 : i32
      %add3A_325 = arith.constant 0 : i32
      %add3A_326 = arith.addi %add3A_324, %add3A_325 : i32
      %swap3A_327 = arith.index_cast %add3A_326 : i32 to index
      %swap3A_328 = tpu.vector_load %arg17[%swap3A_327] {strides = array<i32>} : memref<32768xf32, #tpu.memory_space<vmem>>, vector<16xf32>,
      tpu.vector_store %arg17[%swap3A_327], %add3A_320 {strides = array<i32>} : memref<32768xf32, #tpu.memory_space<vmem>>, vector<16xf32>,
      %add3A_329 = arith.constant 6656 : i32
      %add3A_330 = vector.broadcast %add3A_329 : i32 to vector<16xi32>
      %add3A_331 = arith.addi %get3A_59, %add3A_330 : vector<16xi32>
      %gather3A_332 = tpu.vector_load_idx %arg10[%add3A_331] : memref<8192xf32, #tpu.memory_space<vmem>>[vector<16xi32>], vector<16xf32>,
      %gather3A_333 = tpu.vector_load_idx %arg11[%add3A_331] : memref<8192xf32, #tpu.memory_space<vmem>>[vector<16xi32>], vector<16xf32>,
      %gather3A_334 = tpu.vector_load_idx %arg12[%add3A_331] : memref<8192xf32, #tpu.memory_space<vmem>>[vector<16xi32>], vector<16xf32>,
      %sub3A_335 = arith.subf %gather3A, %gather3A_310 : vector<16xf32>
      %sub3A_336 = arith.subf %gather3A_53, %gather3A_311 : vector<16xf32>
      %sub3A_337 = arith.subf %gather3A_54, %gather3A_312 : vector<16xf32>
      %mul3A_338 = arith.mulf %sub3A_335, %sub3A_335 : vector<16xf32>
      %mul3A_339 = arith.mulf %sub3A_336, %sub3A_336 : vector<16xf32>
      %add3A_340 = arith.addf %mul3A_338, %mul3A_339 : vector<16xf32>
      %mul3A_341 = arith.mulf %sub3A_337, %sub3A_337 : vector<16xf32>
      %add3A_342 = arith.addf %add3A_340, %mul3A_341 : vector<16xf32>
      %mul3A_343 = arith.constant 512 : i32
      %mul3A_344 = arith.muli %scan3A_51, %mul3A_343 : i32
      %add3A_345 = arith.constant 384 : i32
      %add3A_346 = arith.addi %mul3A_344, %add3A_345 : i32
      %add3A_347 = arith.constant 0 : i32
      %add3A_348 = arith.addi %add3A_346, %add3A_347 : i32
      %swap3A_349 = arith.index_cast %add3A_348 : i32 to index
      %swap3A_350 = tpu.vector_load %arg17[%swap3A_349] {strides = array<i32>} : memref<32768xf32, #tpu.memory_space<vmem>>, vector<16xf32>,
      tpu.vector_store %arg17[%swap3A_349], %add3A_342 {strides = array<i32>} : memref<32768xf32, #tpu.memory_space<vmem>>, vector<16xf32>,
      %add3A_351 = arith.constant 7168 : i32
      %add3A_352 = vector.broadcast %add3A_351 : i32 to vector<16xi32>
      %add3A_353 = arith.addi %get3A_59, %add3A_352 : vector<16xi32>
      %gather3A_354 = tpu.vector_load_idx %arg10[%add3A_353] : memref<8192xf32, #tpu.memory_space<vmem>>[vector<16xi32>], vector<16xf32>,
      %gather3A_355 = tpu.vector_load_idx %arg11[%add3A_353] : memref<8192xf32, #tpu.memory_space<vmem>>[vector<16xi32>], vector<16xf32>,
      %gather3A_356 = tpu.vector_load_idx %arg12[%add3A_353] : memref<8192xf32, #tpu.memory_space<vmem>>[vector<16xi32>], vector<16xf32>,
      %sub3A_357 = arith.subf %gather3A, %gather3A_332 : vector<16xf32>
      %sub3A_358 = arith.subf %gather3A_53, %gather3A_333 : vector<16xf32>
      %sub3A_359 = arith.subf %gather3A_54, %gather3A_334 : vector<16xf32>
      %mul3A_360 = arith.mulf %sub3A_357, %sub3A_357 : vector<16xf32>
      %mul3A_361 = arith.mulf %sub3A_358, %sub3A_358 : vector<16xf32>
      %add3A_362 = arith.addf %mul3A_360, %mul3A_361 : vector<16xf32>
      %mul3A_363 = arith.mulf %sub3A_359, %sub3A_359 : vector<16xf32>
      %add3A_364 = arith.addf %add3A_362, %mul3A_363 : vector<16xf32>
      %mul3A_365 = arith.constant 512 : i32
      %mul3A_366 = arith.muli %scan3A_51, %mul3A_365 : i32
      %add3A_367 = arith.constant 416 : i32
      %add3A_368 = arith.addi %mul3A_366, %add3A_367 : i32
      %add3A_369 = arith.constant 0 : i32
      %add3A_370 = arith.addi %add3A_368, %add3A_369 : i32
      %swap3A_371 = arith.index_cast %add3A_370 : i32 to index
      %swap3A_372 = tpu.vector_load %arg17[%swap3A_371] {strides = array<i32>} : memref<32768xf32, #tpu.memory_space<vmem>>, vector<16xf32>,
      tpu.vector_store %arg17[%swap3A_371], %add3A_364 {strides = array<i32>} : memref<32768xf32, #tpu.memory_space<vmem>>, vector<16xf32>,
      %add3A_373 = arith.constant 7680 : i32
      %add3A_374 = vector.broadcast %add3A_373 : i32 to vector<16xi32>
      %add3A_375 = arith.addi %get3A_59, %add3A_374 : vector<16xi32>
      %gather3A_376 = tpu.vector_load_idx %arg10[%add3A_375] : memref<8192xf32, #tpu.memory_space<vmem>>[vector<16xi32>], vector<16xf32>,
      %gather3A_377 = tpu.vector_load_idx %arg11[%add3A_375] : memref<8192xf32, #tpu.memory_space<vmem>>[vector<16xi32>], vector<16xf32>,
      %gather3A_378 = tpu.vector_load_idx %arg12[%add3A_375] : memref<8192xf32, #tpu.memory_space<vmem>>[vector<16xi32>], vector<16xf32>,
      %sub3A_379 = arith.subf %gather3A, %gather3A_354 : vector<16xf32>
      %sub3A_380 = arith.subf %gather3A_53, %gather3A_355 : vector<16xf32>
      %sub3A_381 = arith.subf %gather3A_54, %gather3A_356 : vector<16xf32>
      %mul3A_382 = arith.mulf %sub3A_379, %sub3A_379 : vector<16xf32>
      %mul3A_383 = arith.mulf %sub3A_380, %sub3A_380 : vector<16xf32>
      %add3A_384 = arith.addf %mul3A_382, %mul3A_383 : vector<16xf32>
      %mul3A_385 = arith.mulf %sub3A_381, %sub3A_381 : vector<16xf32>
      %add3A_386 = arith.addf %add3A_384, %mul3A_385 : vector<16xf32>
      %mul3A_387 = arith.constant 512 : i32
      %mul3A_388 = arith.muli %scan3A_51, %mul3A_387 : i32
      %add3A_389 = arith.constant 448 : i32
      %add3A_390 = arith.addi %mul3A_388, %add3A_389 : i32
      %add3A_391 = arith.constant 0 : i32
      %add3A_392 = arith.addi %add3A_390, %add3A_391 : i32
      %swap3A_393 = arith.index_cast %add3A_392 : i32 to index
      %swap3A_394 = tpu.vector_load %arg17[%swap3A_393] {strides = array<i32>} : memref<32768xf32, #tpu.memory_space<vmem>>, vector<16xf32>,
      tpu.vector_store %arg17[%swap3A_393], %add3A_386 {strides = array<i32>} : memref<32768xf32, #tpu.memory_space<vmem>>, vector<16xf32>,
      %sub3A_395 = arith.subf %gather3A, %gather3A_376 : vector<16xf32>
      %sub3A_396 = arith.subf %gather3A_53, %gather3A_377 : vector<16xf32>
      %sub3A_397 = arith.subf %gather3A_54, %gather3A_378 : vector<16xf32>
      %mul3A_398 = arith.mulf %sub3A_395, %sub3A_395 : vector<16xf32>
      %mul3A_399 = arith.mulf %sub3A_396, %sub3A_396 : vector<16xf32>
      %add3A_400 = arith.addf %mul3A_398, %mul3A_399 : vector<16xf32>
      %mul3A_401 = arith.mulf %sub3A_397, %sub3A_397 : vector<16xf32>
      %add3A_402 = arith.addf %add3A_400, %mul3A_401 : vector<16xf32>
      %mul3A_403 = arith.constant 512 : i32
      %mul3A_404 = arith.muli %scan3A_51, %mul3A_403 : i32
      %add3A_405 = arith.constant 480 : i32
      %add3A_406 = arith.addi %mul3A_404, %add3A_405 : i32
      %add3A_407 = arith.constant 0 : i32
      %add3A_408 = arith.addi %add3A_406, %add3A_407 : i32
      %swap3A_409 = arith.index_cast %add3A_408 : i32 to index
      %swap3A_410 = tpu.vector_load %arg17[%swap3A_409] {strides = array<i32>} : memref<32768xf32, #tpu.memory_space<vmem>>, vector<16xf32>,
      tpu.vector_store %arg17[%swap3A_409], %add3A_402 {strides = array<i32>} : memref<32768xf32, #tpu.memory_space<vmem>>, vector<16xf32>,
      %mul3A_411 = arith.constant 32 : i32
      %mul3A_412 = arith.muli %scan3A_51, %mul3A_411 : i32
      %add3A_413 = arith.constant 16 : i32
      %add3A_414 = arith.addi %mul3A_412, %add3A_413 : i32
      %get3A_415 = arith.index_cast %add3A_414 : i32 to index
      %get3A_416 = tpu.vector_load %arg13[%get3A_415] {strides = array<i32>} : memref<2048xi32, #tpu.memory_space<vmem>>, vector<16xi32>,
      %add3A_417 = arith.constant 0 : i32
      %add3A_418 = vector.broadcast %add3A_417 : i32 to vector<16xi32>
      %add3A_419 = arith.addi %get3A_416, %add3A_418 : vector<16xi32>
      %gather3A_420 = tpu.vector_load_idx %arg10[%add3A_419] : memref<8192xf32, #tpu.memory_space<vmem>>[vector<16xi32>], vector<16xf32>,
      %gather3A_421 = tpu.vector_load_idx %arg11[%add3A_419] : memref<8192xf32, #tpu.memory_space<vmem>>[vector<16xi32>], vector<16xf32>,
      %gather3A_422 = tpu.vector_load_idx %arg12[%add3A_419] : memref<8192xf32, #tpu.memory_space<vmem>>[vector<16xi32>], vector<16xf32>,
      %add3A_423 = arith.constant 512 : i32
      %add3A_424 = vector.broadcast %add3A_423 : i32 to vector<16xi32>
      %add3A_425 = arith.addi %get3A_416, %add3A_424 : vector<16xi32>
      %gather3A_426 = tpu.vector_load_idx %arg10[%add3A_425] : memref<8192xf32, #tpu.memory_space<vmem>>[vector<16xi32>], vector<16xf32>,
      %gather3A_427 = tpu.vector_load_idx %arg11[%add3A_425] : memref<8192xf32, #tpu.memory_space<vmem>>[vector<16xi32>], vector<16xf32>,
      %gather3A_428 = tpu.vector_load_idx %arg12[%add3A_425] : memref<8192xf32, #tpu.memory_space<vmem>>[vector<16xi32>], vector<16xf32>,
      %sub3A_429 = arith.subf %gather3A, %gather3A_420 : vector<16xf32>
      %sub3A_430 = arith.subf %gather3A_53, %gather3A_421 : vector<16xf32>
      %sub3A_431 = arith.subf %gather3A_54, %gather3A_422 : vector<16xf32>
      %mul3A_432 = arith.mulf %sub3A_429, %sub3A_429 : vector<16xf32>
      %mul3A_433 = arith.mulf %sub3A_430, %sub3A_430 : vector<16xf32>
      %add3A_434 = arith.addf %mul3A_432, %mul3A_433 : vector<16xf32>
      %mul3A_435 = arith.mulf %sub3A_431, %sub3A_431 : vector<16xf32>
      %add3A_436 = arith.addf %add3A_434, %mul3A_435 : vector<16xf32>
      %mul3A_437 = arith.constant 512 : i32
      %mul3A_438 = arith.muli %scan3A_51, %mul3A_437 : i32
      %add3A_439 = arith.constant 0 : i32
      %add3A_440 = arith.addi %mul3A_438, %add3A_439 : i32
      %add3A_441 = arith.constant 16 : i32
      %add3A_442 = arith.addi %add3A_440, %add3A_441 : i32
      %swap3A_443 = arith.index_cast %add3A_442 : i32 to index
      %swap3A_444 = tpu.vector_load %arg17[%swap3A_443] {strides = array<i32>} : memref<32768xf32, #tpu.memory_space<vmem>>, vector<16xf32>,
      tpu.vector_store %arg17[%swap3A_443], %add3A_436 {strides = array<i32>} : memref<32768xf32, #tpu.memory_space<vmem>>, vector<16xf32>,
      %add3A_445 = arith.constant 1024 : i32
      %add3A_446 = vector.broadcast %add3A_445 : i32 to vector<16xi32>
      %add3A_447 = arith.addi %get3A_416, %add3A_446 : vector<16xi32>
      %gather3A_448 = tpu.vector_load_idx %arg10[%add3A_447] : memref<8192xf32, #tpu.memory_space<vmem>>[vector<16xi32>], vector<16xf32>,
      %gather3A_449 = tpu.vector_load_idx %arg11[%add3A_447] : memref<8192xf32, #tpu.memory_space<vmem>>[vector<16xi32>], vector<16xf32>,
      %gather3A_450 = tpu.vector_load_idx %arg12[%add3A_447] : memref<8192xf32, #tpu.memory_space<vmem>>[vector<16xi32>], vector<16xf32>,
      %sub3A_451 = arith.subf %gather3A, %gather3A_426 : vector<16xf32>
      %sub3A_452 = arith.subf %gather3A_53, %gather3A_427 : vector<16xf32>
      %sub3A_453 = arith.subf %gather3A_54, %gather3A_428 : vector<16xf32>
      %mul3A_454 = arith.mulf %sub3A_451, %sub3A_451 : vector<16xf32>
      %mul3A_455 = arith.mulf %sub3A_452, %sub3A_452 : vector<16xf32>
      %add3A_456 = arith.addf %mul3A_454, %mul3A_455 : vector<16xf32>
      %mul3A_457 = arith.mulf %sub3A_453, %sub3A_453 : vector<16xf32>
      %add3A_458 = arith.addf %add3A_456, %mul3A_457 : vector<16xf32>
      %mul3A_459 = arith.constant 512 : i32
      %mul3A_460 = arith.muli %scan3A_51, %mul3A_459 : i32
      %add3A_461 = arith.constant 32 : i32
      %add3A_462 = arith.addi %mul3A_460, %add3A_461 : i32
      %add3A_463 = arith.constant 16 : i32
      %add3A_464 = arith.addi %add3A_462, %add3A_463 : i32
      %swap3A_465 = arith.index_cast %add3A_464 : i32 to index
      %swap3A_466 = tpu.vector_load %arg17[%swap3A_465] {strides = array<i32>} : memref<32768xf32, #tpu.memory_space<vmem>>, vector<16xf32>,
      tpu.vector_store %arg17[%swap3A_465], %add3A_458 {strides = array<i32>} : memref<32768xf32, #tpu.memory_space<vmem>>, vector<16xf32>,
      %add3A_467 = arith.constant 1536 : i32
      %add3A_468 = vector.broadcast %add3A_467 : i32 to vector<16xi32>
      %add3A_469 = arith.addi %get3A_416, %add3A_468 : vector<16xi32>
      %gather3A_470 = tpu.vector_load_idx %arg10[%add3A_469] : memref<8192xf32, #tpu.memory_space<vmem>>[vector<16xi32>], vector<16xf32>,
      %gather3A_471 = tpu.vector_load_idx %arg11[%add3A_469] : memref<8192xf32, #tpu.memory_space<vmem>>[vector<16xi32>], vector<16xf32>,
      %gather3A_472 = tpu.vector_load_idx %arg12[%add3A_469] : memref<8192xf32, #tpu.memory_space<vmem>>[vector<16xi32>], vector<16xf32>,
      %sub3A_473 = arith.subf %gather3A, %gather3A_448 : vector<16xf32>
      %sub3A_474 = arith.subf %gather3A_53, %gather3A_449 : vector<16xf32>
      %sub3A_475 = arith.subf %gather3A_54, %gather3A_450 : vector<16xf32>
      %mul3A_476 = arith.mulf %sub3A_473, %sub3A_473 : vector<16xf32>
      %mul3A_477 = arith.mulf %sub3A_474, %sub3A_474 : vector<16xf32>
      %add3A_478 = arith.addf %mul3A_476, %mul3A_477 : vector<16xf32>
      %mul3A_479 = arith.mulf %sub3A_475, %sub3A_475 : vector<16xf32>
      %add3A_480 = arith.addf %add3A_478, %mul3A_479 : vector<16xf32>
      %mul3A_481 = arith.constant 512 : i32
      %mul3A_482 = arith.muli %scan3A_51, %mul3A_481 : i32
      %add3A_483 = arith.constant 64 : i32
      %add3A_484 = arith.addi %mul3A_482, %add3A_483 : i32
      %add3A_485 = arith.constant 16 : i32
      %add3A_486 = arith.addi %add3A_484, %add3A_485 : i32
      %swap3A_487 = arith.index_cast %add3A_486 : i32 to index
      %swap3A_488 = tpu.vector_load %arg17[%swap3A_487] {strides = array<i32>} : memref<32768xf32, #tpu.memory_space<vmem>>, vector<16xf32>,
      tpu.vector_store %arg17[%swap3A_487], %add3A_480 {strides = array<i32>} : memref<32768xf32, #tpu.memory_space<vmem>>, vector<16xf32>,
      %add3A_489 = arith.constant 2048 : i32
      %add3A_490 = vector.broadcast %add3A_489 : i32 to vector<16xi32>
      %add3A_491 = arith.addi %get3A_416, %add3A_490 : vector<16xi32>
      %gather3A_492 = tpu.vector_load_idx %arg10[%add3A_491] : memref<8192xf32, #tpu.memory_space<vmem>>[vector<16xi32>], vector<16xf32>,
      %gather3A_493 = tpu.vector_load_idx %arg11[%add3A_491] : memref<8192xf32, #tpu.memory_space<vmem>>[vector<16xi32>], vector<16xf32>,
      %gather3A_494 = tpu.vector_load_idx %arg12[%add3A_491] : memref<8192xf32, #tpu.memory_space<vmem>>[vector<16xi32>], vector<16xf32>,
      %sub3A_495 = arith.subf %gather3A, %gather3A_470 : vector<16xf32>
      %sub3A_496 = arith.subf %gather3A_53, %gather3A_471 : vector<16xf32>
      %sub3A_497 = arith.subf %gather3A_54, %gather3A_472 : vector<16xf32>
      %mul3A_498 = arith.mulf %sub3A_495, %sub3A_495 : vector<16xf32>
      %mul3A_499 = arith.mulf %sub3A_496, %sub3A_496 : vector<16xf32>
      %add3A_500 = arith.addf %mul3A_498, %mul3A_499 : vector<16xf32>
      %mul3A_501 = arith.mulf %sub3A_497, %sub3A_497 : vector<16xf32>
      %add3A_502 = arith.addf %add3A_500, %mul3A_501 : vector<16xf32>
      %mul3A_503 = arith.constant 512 : i32
      %mul3A_504 = arith.muli %scan3A_51, %mul3A_503 : i32
      %add3A_505 = arith.constant 96 : i32
      %add3A_506 = arith.addi %mul3A_504, %add3A_505 : i32
      %add3A_507 = arith.constant 16 : i32
      %add3A_508 = arith.addi %add3A_506, %add3A_507 : i32
      %swap3A_509 = arith.index_cast %add3A_508 : i32 to index
      %swap3A_510 = tpu.vector_load %arg17[%swap3A_509] {strides = array<i32>} : memref<32768xf32, #tpu.memory_space<vmem>>, vector<16xf32>,
      tpu.vector_store %arg17[%swap3A_509], %add3A_502 {strides = array<i32>} : memref<32768xf32, #tpu.memory_space<vmem>>, vector<16xf32>,
      %add3A_511 = arith.constant 2560 : i32
      %add3A_512 = vector.broadcast %add3A_511 : i32 to vector<16xi32>
      %add3A_513 = arith.addi %get3A_416, %add3A_512 : vector<16xi32>
      %gather3A_514 = tpu.vector_load_idx %arg10[%add3A_513] : memref<8192xf32, #tpu.memory_space<vmem>>[vector<16xi32>], vector<16xf32>,
      %gather3A_515 = tpu.vector_load_idx %arg11[%add3A_513] : memref<8192xf32, #tpu.memory_space<vmem>>[vector<16xi32>], vector<16xf32>,
      %gather3A_516 = tpu.vector_load_idx %arg12[%add3A_513] : memref<8192xf32, #tpu.memory_space<vmem>>[vector<16xi32>], vector<16xf32>,
      %sub3A_517 = arith.subf %gather3A, %gather3A_492 : vector<16xf32>
      %sub3A_518 = arith.subf %gather3A_53, %gather3A_493 : vector<16xf32>
      %sub3A_519 = arith.subf %gather3A_54, %gather3A_494 : vector<16xf32>
      %mul3A_520 = arith.mulf %sub3A_517, %sub3A_517 : vector<16xf32>
      %mul3A_521 = arith.mulf %sub3A_518, %sub3A_518 : vector<16xf32>
      %add3A_522 = arith.addf %mul3A_520, %mul3A_521 : vector<16xf32>
      %mul3A_523 = arith.mulf %sub3A_519, %sub3A_519 : vector<16xf32>
      %add3A_524 = arith.addf %add3A_522, %mul3A_523 : vector<16xf32>
      %mul3A_525 = arith.constant 512 : i32
      %mul3A_526 = arith.muli %scan3A_51, %mul3A_525 : i32
      %add3A_527 = arith.constant 128 : i32
      %add3A_528 = arith.addi %mul3A_526, %add3A_527 : i32
      %add3A_529 = arith.constant 16 : i32
      %add3A_530 = arith.addi %add3A_528, %add3A_529 : i32
      %swap3A_531 = arith.index_cast %add3A_530 : i32 to index
      %swap3A_532 = tpu.vector_load %arg17[%swap3A_531] {strides = array<i32>} : memref<32768xf32, #tpu.memory_space<vmem>>, vector<16xf32>,
      tpu.vector_store %arg17[%swap3A_531], %add3A_524 {strides = array<i32>} : memref<32768xf32, #tpu.memory_space<vmem>>, vector<16xf32>,
      %add3A_533 = arith.constant 3072 : i32
      %add3A_534 = vector.broadcast %add3A_533 : i32 to vector<16xi32>
      %add3A_535 = arith.addi %get3A_416, %add3A_534 : vector<16xi32>
      %gather3A_536 = tpu.vector_load_idx %arg10[%add3A_535] : memref<8192xf32, #tpu.memory_space<vmem>>[vector<16xi32>], vector<16xf32>,
      %gather3A_537 = tpu.vector_load_idx %arg11[%add3A_535] : memref<8192xf32, #tpu.memory_space<vmem>>[vector<16xi32>], vector<16xf32>,
      %gather3A_538 = tpu.vector_load_idx %arg12[%add3A_535] : memref<8192xf32, #tpu.memory_space<vmem>>[vector<16xi32>], vector<16xf32>,
      %sub3A_539 = arith.subf %gather3A, %gather3A_514 : vector<16xf32>
      %sub3A_540 = arith.subf %gather3A_53, %gather3A_515 : vector<16xf32>
      %sub3A_541 = arith.subf %gather3A_54, %gather3A_516 : vector<16xf32>
      %mul3A_542 = arith.mulf %sub3A_539, %sub3A_539 : vector<16xf32>
      %mul3A_543 = arith.mulf %sub3A_540, %sub3A_540 : vector<16xf32>
      %add3A_544 = arith.addf %mul3A_542, %mul3A_543 : vector<16xf32>
      %mul3A_545 = arith.mulf %sub3A_541, %sub3A_541 : vector<16xf32>
      %add3A_546 = arith.addf %add3A_544, %mul3A_545 : vector<16xf32>
      %mul3A_547 = arith.constant 512 : i32
      %mul3A_548 = arith.muli %scan3A_51, %mul3A_547 : i32
      %add3A_549 = arith.constant 160 : i32
      %add3A_550 = arith.addi %mul3A_548, %add3A_549 : i32
      %add3A_551 = arith.constant 16 : i32
      %add3A_552 = arith.addi %add3A_550, %add3A_551 : i32
      %swap3A_553 = arith.index_cast %add3A_552 : i32 to index
      %swap3A_554 = tpu.vector_load %arg17[%swap3A_553] {strides = array<i32>} : memref<32768xf32, #tpu.memory_space<vmem>>, vector<16xf32>,
      tpu.vector_store %arg17[%swap3A_553], %add3A_546 {strides = array<i32>} : memref<32768xf32, #tpu.memory_space<vmem>>, vector<16xf32>,
      %add3A_555 = arith.constant 3584 : i32
      %add3A_556 = vector.broadcast %add3A_555 : i32 to vector<16xi32>
      %add3A_557 = arith.addi %get3A_416, %add3A_556 : vector<16xi32>
      %gather3A_558 = tpu.vector_load_idx %arg10[%add3A_557] : memref<8192xf32, #tpu.memory_space<vmem>>[vector<16xi32>], vector<16xf32>,
      %gather3A_559 = tpu.vector_load_idx %arg11[%add3A_557] : memref<8192xf32, #tpu.memory_space<vmem>>[vector<16xi32>], vector<16xf32>,
      %gather3A_560 = tpu.vector_load_idx %arg12[%add3A_557] : memref<8192xf32, #tpu.memory_space<vmem>>[vector<16xi32>], vector<16xf32>,
      %sub3A_561 = arith.subf %gather3A, %gather3A_536 : vector<16xf32>
      %sub3A_562 = arith.subf %gather3A_53, %gather3A_537 : vector<16xf32>
      %sub3A_563 = arith.subf %gather3A_54, %gather3A_538 : vector<16xf32>
      %mul3A_564 = arith.mulf %sub3A_561, %sub3A_561 : vector<16xf32>
      %mul3A_565 = arith.mulf %sub3A_562, %sub3A_562 : vector<16xf32>
      %add3A_566 = arith.addf %mul3A_564, %mul3A_565 : vector<16xf32>
      %mul3A_567 = arith.mulf %sub3A_563, %sub3A_563 : vector<16xf32>
      %add3A_568 = arith.addf %add3A_566, %mul3A_567 : vector<16xf32>
      %mul3A_569 = arith.constant 512 : i32
      %mul3A_570 = arith.muli %scan3A_51, %mul3A_569 : i32
      %add3A_571 = arith.constant 192 : i32
      %add3A_572 = arith.addi %mul3A_570, %add3A_571 : i32
      %add3A_573 = arith.constant 16 : i32
      %add3A_574 = arith.addi %add3A_572, %add3A_573 : i32
      %swap3A_575 = arith.index_cast %add3A_574 : i32 to index
      %swap3A_576 = tpu.vector_load %arg17[%swap3A_575] {strides = array<i32>} : memref<32768xf32, #tpu.memory_space<vmem>>, vector<16xf32>,
      tpu.vector_store %arg17[%swap3A_575], %add3A_568 {strides = array<i32>} : memref<32768xf32, #tpu.memory_space<vmem>>, vector<16xf32>,
      %add3A_577 = arith.constant 4096 : i32
      %add3A_578 = vector.broadcast %add3A_577 : i32 to vector<16xi32>
      %add3A_579 = arith.addi %get3A_416, %add3A_578 : vector<16xi32>
      %gather3A_580 = tpu.vector_load_idx %arg10[%add3A_579] : memref<8192xf32, #tpu.memory_space<vmem>>[vector<16xi32>], vector<16xf32>,
      %gather3A_581 = tpu.vector_load_idx %arg11[%add3A_579] : memref<8192xf32, #tpu.memory_space<vmem>>[vector<16xi32>], vector<16xf32>,
      %gather3A_582 = tpu.vector_load_idx %arg12[%add3A_579] : memref<8192xf32, #tpu.memory_space<vmem>>[vector<16xi32>], vector<16xf32>,
      %sub3A_583 = arith.subf %gather3A, %gather3A_558 : vector<16xf32>
      %sub3A_584 = arith.subf %gather3A_53, %gather3A_559 : vector<16xf32>
      %sub3A_585 = arith.subf %gather3A_54, %gather3A_560 : vector<16xf32>
      %mul3A_586 = arith.mulf %sub3A_583, %sub3A_583 : vector<16xf32>
      %mul3A_587 = arith.mulf %sub3A_584, %sub3A_584 : vector<16xf32>
      %add3A_588 = arith.addf %mul3A_586, %mul3A_587 : vector<16xf32>
      %mul3A_589 = arith.mulf %sub3A_585, %sub3A_585 : vector<16xf32>
      %add3A_590 = arith.addf %add3A_588, %mul3A_589 : vector<16xf32>
      %mul3A_591 = arith.constant 512 : i32
      %mul3A_592 = arith.muli %scan3A_51, %mul3A_591 : i32
      %add3A_593 = arith.constant 224 : i32
      %add3A_594 = arith.addi %mul3A_592, %add3A_593 : i32
      %add3A_595 = arith.constant 16 : i32
      %add3A_596 = arith.addi %add3A_594, %add3A_595 : i32
      %swap3A_597 = arith.index_cast %add3A_596 : i32 to index
      %swap3A_598 = tpu.vector_load %arg17[%swap3A_597] {strides = array<i32>} : memref<32768xf32, #tpu.memory_space<vmem>>, vector<16xf32>,
      tpu.vector_store %arg17[%swap3A_597], %add3A_590 {strides = array<i32>} : memref<32768xf32, #tpu.memory_space<vmem>>, vector<16xf32>,
      %add3A_599 = arith.constant 4608 : i32
      %add3A_600 = vector.broadcast %add3A_599 : i32 to vector<16xi32>
      %add3A_601 = arith.addi %get3A_416, %add3A_600 : vector<16xi32>
      %gather3A_602 = tpu.vector_load_idx %arg10[%add3A_601] : memref<8192xf32, #tpu.memory_space<vmem>>[vector<16xi32>], vector<16xf32>,
      %gather3A_603 = tpu.vector_load_idx %arg11[%add3A_601] : memref<8192xf32, #tpu.memory_space<vmem>>[vector<16xi32>], vector<16xf32>,
      %gather3A_604 = tpu.vector_load_idx %arg12[%add3A_601] : memref<8192xf32, #tpu.memory_space<vmem>>[vector<16xi32>], vector<16xf32>,
      %sub3A_605 = arith.subf %gather3A, %gather3A_580 : vector<16xf32>
      %sub3A_606 = arith.subf %gather3A_53, %gather3A_581 : vector<16xf32>
      %sub3A_607 = arith.subf %gather3A_54, %gather3A_582 : vector<16xf32>
      %mul3A_608 = arith.mulf %sub3A_605, %sub3A_605 : vector<16xf32>
      %mul3A_609 = arith.mulf %sub3A_606, %sub3A_606 : vector<16xf32>
      %add3A_610 = arith.addf %mul3A_608, %mul3A_609 : vector<16xf32>
      %mul3A_611 = arith.mulf %sub3A_607, %sub3A_607 : vector<16xf32>
      %add3A_612 = arith.addf %add3A_610, %mul3A_611 : vector<16xf32>
      %mul3A_613 = arith.constant 512 : i32
      %mul3A_614 = arith.muli %scan3A_51, %mul3A_613 : i32
      %add3A_615 = arith.constant 256 : i32
      %add3A_616 = arith.addi %mul3A_614, %add3A_615 : i32
      %add3A_617 = arith.constant 16 : i32
      %add3A_618 = arith.addi %add3A_616, %add3A_617 : i32
      %swap3A_619 = arith.index_cast %add3A_618 : i32 to index
      %swap3A_620 = tpu.vector_load %arg17[%swap3A_619] {strides = array<i32>} : memref<32768xf32, #tpu.memory_space<vmem>>, vector<16xf32>,
      tpu.vector_store %arg17[%swap3A_619], %add3A_612 {strides = array<i32>} : memref<32768xf32, #tpu.memory_space<vmem>>, vector<16xf32>,
      %add3A_621 = arith.constant 5120 : i32
      %add3A_622 = vector.broadcast %add3A_621 : i32 to vector<16xi32>
      %add3A_623 = arith.addi %get3A_416, %add3A_622 : vector<16xi32>
      %gather3A_624 = tpu.vector_load_idx %arg10[%add3A_623] : memref<8192xf32, #tpu.memory_space<vmem>>[vector<16xi32>], vector<16xf32>,
      %gather3A_625 = tpu.vector_load_idx %arg11[%add3A_623] : memref<8192xf32, #tpu.memory_space<vmem>>[vector<16xi32>], vector<16xf32>,
      %gather3A_626 = tpu.vector_load_idx %arg12[%add3A_623] : memref<8192xf32, #tpu.memory_space<vmem>>[vector<16xi32>], vector<16xf32>,
      %sub3A_627 = arith.subf %gather3A, %gather3A_602 : vector<16xf32>
      %sub3A_628 = arith.subf %gather3A_53, %gather3A_603 : vector<16xf32>
      %sub3A_629 = arith.subf %gather3A_54, %gather3A_604 : vector<16xf32>
      %mul3A_630 = arith.mulf %sub3A_627, %sub3A_627 : vector<16xf32>
      %mul3A_631 = arith.mulf %sub3A_628, %sub3A_628 : vector<16xf32>
      %add3A_632 = arith.addf %mul3A_630, %mul3A_631 : vector<16xf32>
      %mul3A_633 = arith.mulf %sub3A_629, %sub3A_629 : vector<16xf32>
      %add3A_634 = arith.addf %add3A_632, %mul3A_633 : vector<16xf32>
      %mul3A_635 = arith.constant 512 : i32
      %mul3A_636 = arith.muli %scan3A_51, %mul3A_635 : i32
      %add3A_637 = arith.constant 288 : i32
      %add3A_638 = arith.addi %mul3A_636, %add3A_637 : i32
      %add3A_639 = arith.constant 16 : i32
      %add3A_640 = arith.addi %add3A_638, %add3A_639 : i32
      %swap3A_641 = arith.index_cast %add3A_640 : i32 to index
      %swap3A_642 = tpu.vector_load %arg17[%swap3A_641] {strides = array<i32>} : memref<32768xf32, #tpu.memory_space<vmem>>, vector<16xf32>,
      tpu.vector_store %arg17[%swap3A_641], %add3A_634 {strides = array<i32>} : memref<32768xf32, #tpu.memory_space<vmem>>, vector<16xf32>,
      %add3A_643 = arith.constant 5632 : i32
      %add3A_644 = vector.broadcast %add3A_643 : i32 to vector<16xi32>
      %add3A_645 = arith.addi %get3A_416, %add3A_644 : vector<16xi32>
      %gather3A_646 = tpu.vector_load_idx %arg10[%add3A_645] : memref<8192xf32, #tpu.memory_space<vmem>>[vector<16xi32>], vector<16xf32>,
      %gather3A_647 = tpu.vector_load_idx %arg11[%add3A_645] : memref<8192xf32, #tpu.memory_space<vmem>>[vector<16xi32>], vector<16xf32>,
      %gather3A_648 = tpu.vector_load_idx %arg12[%add3A_645] : memref<8192xf32, #tpu.memory_space<vmem>>[vector<16xi32>], vector<16xf32>,
      %sub3A_649 = arith.subf %gather3A, %gather3A_624 : vector<16xf32>
      %sub3A_650 = arith.subf %gather3A_53, %gather3A_625 : vector<16xf32>
      %sub3A_651 = arith.subf %gather3A_54, %gather3A_626 : vector<16xf32>
      %mul3A_652 = arith.mulf %sub3A_649, %sub3A_649 : vector<16xf32>
      %mul3A_653 = arith.mulf %sub3A_650, %sub3A_650 : vector<16xf32>
      %add3A_654 = arith.addf %mul3A_652, %mul3A_653 : vector<16xf32>
      %mul3A_655 = arith.mulf %sub3A_651, %sub3A_651 : vector<16xf32>
      %add3A_656 = arith.addf %add3A_654, %mul3A_655 : vector<16xf32>
      %mul3A_657 = arith.constant 512 : i32
      %mul3A_658 = arith.muli %scan3A_51, %mul3A_657 : i32
      %add3A_659 = arith.constant 320 : i32
      %add3A_660 = arith.addi %mul3A_658, %add3A_659 : i32
      %add3A_661 = arith.constant 16 : i32
      %add3A_662 = arith.addi %add3A_660, %add3A_661 : i32
      %swap3A_663 = arith.index_cast %add3A_662 : i32 to index
      %swap3A_664 = tpu.vector_load %arg17[%swap3A_663] {strides = array<i32>} : memref<32768xf32, #tpu.memory_space<vmem>>, vector<16xf32>,
      tpu.vector_store %arg17[%swap3A_663], %add3A_656 {strides = array<i32>} : memref<32768xf32, #tpu.memory_space<vmem>>, vector<16xf32>,
      %add3A_665 = arith.constant 6144 : i32
      %add3A_666 = vector.broadcast %add3A_665 : i32 to vector<16xi32>
      %add3A_667 = arith.addi %get3A_416, %add3A_666 : vector<16xi32>
      %gather3A_668 = tpu.vector_load_idx %arg10[%add3A_667] : memref<8192xf32, #tpu.memory_space<vmem>>[vector<16xi32>], vector<16xf32>,
      %gather3A_669 = tpu.vector_load_idx %arg11[%add3A_667] : memref<8192xf32, #tpu.memory_space<vmem>>[vector<16xi32>], vector<16xf32>,
      %gather3A_670 = tpu.vector_load_idx %arg12[%add3A_667] : memref<8192xf32, #tpu.memory_space<vmem>>[vector<16xi32>], vector<16xf32>,
      %sub3A_671 = arith.subf %gather3A, %gather3A_646 : vector<16xf32>
      %sub3A_672 = arith.subf %gather3A_53, %gather3A_647 : vector<16xf32>
      %sub3A_673 = arith.subf %gather3A_54, %gather3A_648 : vector<16xf32>
      %mul3A_674 = arith.mulf %sub3A_671, %sub3A_671 : vector<16xf32>
      %mul3A_675 = arith.mulf %sub3A_672, %sub3A_672 : vector<16xf32>
      %add3A_676 = arith.addf %mul3A_674, %mul3A_675 : vector<16xf32>
      %mul3A_677 = arith.mulf %sub3A_673, %sub3A_673 : vector<16xf32>
      %add3A_678 = arith.addf %add3A_676, %mul3A_677 : vector<16xf32>
      %mul3A_679 = arith.constant 512 : i32
      %mul3A_680 = arith.muli %scan3A_51, %mul3A_679 : i32
      %add3A_681 = arith.constant 352 : i32
      %add3A_682 = arith.addi %mul3A_680, %add3A_681 : i32
      %add3A_683 = arith.constant 16 : i32
      %add3A_684 = arith.addi %add3A_682, %add3A_683 : i32
      %swap3A_685 = arith.index_cast %add3A_684 : i32 to index
      %swap3A_686 = tpu.vector_load %arg17[%swap3A_685] {strides = array<i32>} : memref<32768xf32, #tpu.memory_space<vmem>>, vector<16xf32>,
      tpu.vector_store %arg17[%swap3A_685], %add3A_678 {strides = array<i32>} : memref<32768xf32, #tpu.memory_space<vmem>>, vector<16xf32>,
      %add3A_687 = arith.constant 6656 : i32
      %add3A_688 = vector.broadcast %add3A_687 : i32 to vector<16xi32>
      %add3A_689 = arith.addi %get3A_416, %add3A_688 : vector<16xi32>
      %gather3A_690 = tpu.vector_load_idx %arg10[%add3A_689] : memref<8192xf32, #tpu.memory_space<vmem>>[vector<16xi32>], vector<16xf32>,
      %gather3A_691 = tpu.vector_load_idx %arg11[%add3A_689] : memref<8192xf32, #tpu.memory_space<vmem>>[vector<16xi32>], vector<16xf32>,
      %gather3A_692 = tpu.vector_load_idx %arg12[%add3A_689] : memref<8192xf32, #tpu.memory_space<vmem>>[vector<16xi32>], vector<16xf32>,
      %sub3A_693 = arith.subf %gather3A, %gather3A_668 : vector<16xf32>
      %sub3A_694 = arith.subf %gather3A_53, %gather3A_669 : vector<16xf32>
      %sub3A_695 = arith.subf %gather3A_54, %gather3A_670 : vector<16xf32>
      %mul3A_696 = arith.mulf %sub3A_693, %sub3A_693 : vector<16xf32>
      %mul3A_697 = arith.mulf %sub3A_694, %sub3A_694 : vector<16xf32>
      %add3A_698 = arith.addf %mul3A_696, %mul3A_697 : vector<16xf32>
      %mul3A_699 = arith.mulf %sub3A_695, %sub3A_695 : vector<16xf32>
      %add3A_700 = arith.addf %add3A_698, %mul3A_699 : vector<16xf32>
      %mul3A_701 = arith.constant 512 : i32
      %mul3A_702 = arith.muli %scan3A_51, %mul3A_701 : i32
      %add3A_703 = arith.constant 384 : i32
      %add3A_704 = arith.addi %mul3A_702, %add3A_703 : i32
      %add3A_705 = arith.constant 16 : i32
      %add3A_706 = arith.addi %add3A_704, %add3A_705 : i32
      %swap3A_707 = arith.index_cast %add3A_706 : i32 to index
      %swap3A_708 = tpu.vector_load %arg17[%swap3A_707] {strides = array<i32>} : memref<32768xf32, #tpu.memory_space<vmem>>, vector<16xf32>,
      tpu.vector_store %arg17[%swap3A_707], %add3A_700 {strides = array<i32>} : memref<32768xf32, #tpu.memory_space<vmem>>, vector<16xf32>,
      %add3A_709 = arith.constant 7168 : i32
      %add3A_710 = vector.broadcast %add3A_709 : i32 to vector<16xi32>
      %add3A_711 = arith.addi %get3A_416, %add3A_710 : vector<16xi32>
      %gather3A_712 = tpu.vector_load_idx %arg10[%add3A_711] : memref<8192xf32, #tpu.memory_space<vmem>>[vector<16xi32>], vector<16xf32>,
      %gather3A_713 = tpu.vector_load_idx %arg11[%add3A_711] : memref<8192xf32, #tpu.memory_space<vmem>>[vector<16xi32>], vector<16xf32>,
      %gather3A_714 = tpu.vector_load_idx %arg12[%add3A_711] : memref<8192xf32, #tpu.memory_space<vmem>>[vector<16xi32>], vector<16xf32>,
      %sub3A_715 = arith.subf %gather3A, %gather3A_690 : vector<16xf32>
      %sub3A_716 = arith.subf %gather3A_53, %gather3A_691 : vector<16xf32>
      %sub3A_717 = arith.subf %gather3A_54, %gather3A_692 : vector<16xf32>
      %mul3A_718 = arith.mulf %sub3A_715, %sub3A_715 : vector<16xf32>
      %mul3A_719 = arith.mulf %sub3A_716, %sub3A_716 : vector<16xf32>
      %add3A_720 = arith.addf %mul3A_718, %mul3A_719 : vector<16xf32>
      %mul3A_721 = arith.mulf %sub3A_717, %sub3A_717 : vector<16xf32>
      %add3A_722 = arith.addf %add3A_720, %mul3A_721 : vector<16xf32>
      %mul3A_723 = arith.constant 512 : i32
      %mul3A_724 = arith.muli %scan3A_51, %mul3A_723 : i32
      %add3A_725 = arith.constant 416 : i32
      %add3A_726 = arith.addi %mul3A_724, %add3A_725 : i32
      %add3A_727 = arith.constant 16 : i32
      %add3A_728 = arith.addi %add3A_726, %add3A_727 : i32
      %swap3A_729 = arith.index_cast %add3A_728 : i32 to index
      %swap3A_730 = tpu.vector_load %arg17[%swap3A_729] {strides = array<i32>} : memref<32768xf32, #tpu.memory_space<vmem>>, vector<16xf32>,
      tpu.vector_store %arg17[%swap3A_729], %add3A_722 {strides = array<i32>} : memref<32768xf32, #tpu.memory_space<vmem>>, vector<16xf32>,
      %add3A_731 = arith.constant 7680 : i32
      %add3A_732 = vector.broadcast %add3A_731 : i32 to vector<16xi32>
      %add3A_733 = arith.addi %get3A_416, %add3A_732 : vector<16xi32>
      %gather3A_734 = tpu.vector_load_idx %arg10[%add3A_733] : memref<8192xf32, #tpu.memory_space<vmem>>[vector<16xi32>], vector<16xf32>,
      %gather3A_735 = tpu.vector_load_idx %arg11[%add3A_733] : memref<8192xf32, #tpu.memory_space<vmem>>[vector<16xi32>], vector<16xf32>,
      %gather3A_736 = tpu.vector_load_idx %arg12[%add3A_733] : memref<8192xf32, #tpu.memory_space<vmem>>[vector<16xi32>], vector<16xf32>,
      %sub3A_737 = arith.subf %gather3A, %gather3A_712 : vector<16xf32>
      %sub3A_738 = arith.subf %gather3A_53, %gather3A_713 : vector<16xf32>
      %sub3A_739 = arith.subf %gather3A_54, %gather3A_714 : vector<16xf32>
      %mul3A_740 = arith.mulf %sub3A_737, %sub3A_737 : vector<16xf32>
      %mul3A_741 = arith.mulf %sub3A_738, %sub3A_738 : vector<16xf32>
      %add3A_742 = arith.addf %mul3A_740, %mul3A_741 : vector<16xf32>
      %mul3A_743 = arith.mulf %sub3A_739, %sub3A_739 : vector<16xf32>
      %add3A_744 = arith.addf %add3A_742, %mul3A_743 : vector<16xf32>
      %mul3A_745 = arith.constant 512 : i32
      %mul3A_746 = arith.muli %scan3A_51, %mul3A_745 : i32
      %add3A_747 = arith.constant 448 : i32
      %add3A_748 = arith.addi %mul3A_746, %add3A_747 : i32
      %add3A_749 = arith.constant 16 : i32
      %add3A_750 = arith.addi %add3A_748, %add3A_749 : i32
      %swap3A_751 = arith.index_cast %add3A_750 : i32 to index
      %swap3A_752 = tpu.vector_load %arg17[%swap3A_751] {strides = array<i32>} : memref<32768xf32, #tpu.memory_space<vmem>>, vector<16xf32>,
      tpu.vector_store %arg17[%swap3A_751], %add3A_744 {strides = array<i32>} : memref<32768xf32, #tpu.memory_space<vmem>>, vector<16xf32>,
      %sub3A_753 = arith.subf %gather3A, %gather3A_734 : vector<16xf32>
      %sub3A_754 = arith.subf %gather3A_53, %gather3A_735 : vector<16xf32>
      %sub3A_755 = arith.subf %gather3A_54, %gather3A_736 : vector<16xf32>
      %mul3A_756 = arith.mulf %sub3A_753, %sub3A_753 : vector<16xf32>
      %mul3A_757 = arith.mulf %sub3A_754, %sub3A_754 : vector<16xf32>
      %add3A_758 = arith.addf %mul3A_756, %mul3A_757 : vector<16xf32>
      %mul3A_759 = arith.mulf %sub3A_755, %sub3A_755 : vector<16xf32>
      %add3A_760 = arith.addf %add3A_758, %mul3A_759 : vector<16xf32>
      %mul3A_761 = arith.constant 512 : i32
      %mul3A_762 = arith.muli %scan3A_51, %mul3A_761 : i32
      %add3A_763 = arith.constant 480 : i32
      %add3A_764 = arith.addi %mul3A_762, %add3A_763 : i32
      %add3A_765 = arith.constant 16 : i32
      %add3A_766 = arith.addi %add3A_764, %add3A_765 : i32
      %swap3A_767 = arith.index_cast %add3A_766 : i32 to index
      %swap3A_768 = tpu.vector_load %arg17[%swap3A_767] {strides = array<i32>} : memref<32768xf32, #tpu.memory_space<vmem>>, vector<16xf32>,
      tpu.vector_store %arg17[%swap3A_767], %add3A_760 {strides = array<i32>} : memref<32768xf32, #tpu.memory_space<vmem>>, vector<16xf32>,
      %scan3A_769 = arith.constant 0 : i32
      scf.yield %scan3A_769 : i32
    }
    %scan3A_46 = arith.constant 64 : i32
    %mul3A_47 = arith.constant 64 : i32
    %mul3A_48 = arith.muli %select_n3A_30, %mul3A_47 : i32
    %mul3A_49 = arith.constant 512 : i32
    %mul3A_50 = arith.muli %mul3A_48, %mul3A_49 : i32
    "tpu.region"() ({
      %run_scoped3A = tpu.sem_alloc : memref<!tpu.dma_semaphore, #tpu.memory_space<semaphore_mem>>
      %dma_start3A = tpu.memref_slice %arg9[%select_n3A, %mul3A_50] : memref<8x131072xf32, #tpu.memory_space<hbm>> -> memref<1x32768xf32, #tpu.memory_space<hbm>>
      %dma_start3A_51 = tpu.memref_squeeze %dma_start3A : memref<1x32768xf32, #tpu.memory_space<hbm>> -> memref<32768xf32, #tpu.memory_space<hbm>>
      %dma_start3A_52 = tpu.memref_slice %arg9[%select_n3A, %mul3A_50] : memref<8x131072xf32, #tpu.memory_space<hbm>> -> memref<1x32768xf32, #tpu.memory_space<hbm>>
      %dma_start3A_53 = tpu.memref_squeeze %dma_start3A_52 : memref<1x32768xf32, #tpu.memory_space<hbm>> -> memref<32768xf32, #tpu.memory_space<hbm>>
      tpu.enqueue_dma source(%arg17 : memref<32768xf32, #tpu.memory_space<vmem>>) target(%dma_start3A_53 : memref<32768xf32, #tpu.memory_space<hbm>>) target_semaphore(%run_scoped3A : memref<!tpu.dma_semaphore, #tpu.memory_space<semaphore_mem>>)
      %dma_wait3A = tpu.memref_slice %arg9[%select_n3A, %mul3A_50] : memref<8x131072xf32, #tpu.memory_space<hbm>> -> memref<1x32768xf32, #tpu.memory_space<hbm>>
      %dma_wait3A_54 = tpu.memref_squeeze %dma_wait3A : memref<1x32768xf32, #tpu.memory_space<hbm>> -> memref<32768xf32, #tpu.memory_space<hbm>>
      %dma_wait3A_55 = tpu.memref_slice %arg9[%select_n3A, %mul3A_50] : memref<8x131072xf32, #tpu.memory_space<hbm>> -> memref<1x32768xf32, #tpu.memory_space<hbm>>
      %dma_wait3A_56 = tpu.memref_squeeze %dma_wait3A_55 : memref<1x32768xf32, #tpu.memory_space<hbm>> -> memref<32768xf32, #tpu.memory_space<hbm>>
      tpu.wait_dma2 semaphore(%run_scoped3A : memref<!tpu.dma_semaphore, #tpu.memory_space<semaphore_mem>>) src(%arg17 : memref<32768xf32, #tpu.memory_space<vmem>>) dst(%dma_wait3A_56 : memref<32768xf32, #tpu.memory_space<hbm>>)
      tpu.yield
    }) : () -> ()
    return
  }
}

#map = affine_map<(d0, d1) -> (0, 0)>
module attributes {stable_mosaic.version = 14 : i64} {
  func.func @_gather_body(%arg0: i32, %arg1: i32, %arg2: memref<8x8192xf32, #tpu.memory_space<hbm>>, %arg3: memref<8x8192xf32, #tpu.memory_space<hbm>>, %arg4: memref<8x8192xf32, #tpu.memory_space<hbm>>, %arg5: memref<8x8192xi32, #tpu.memory_space<hbm>>, %arg6: memref<8x256xf32, #tpu.memory_space<hbm>>, %arg7: memref<8x256xf32, #tpu.memory_space<hbm>>, %arg8: memref<8x256xf32, #tpu.memory_space<hbm>>, %arg9: memref<8x8192xf32, #tpu.memory_space<hbm>>, %arg10: memref<8x8192xf32, #tpu.memory_space<hbm>>, %arg11: memref<8x8192xf32, #tpu.memory_space<hbm>>, %arg12: memref<8192xf32, #tpu.memory_space<vmem>>, %arg13: memref<8192xf32, #tpu.memory_space<vmem>>, %arg14: memref<8192xf32, #tpu.memory_space<vmem>>, %arg15: memref<2048xi32, #tpu.memory_space<vmem>>, %arg16: memref<64xf32, #tpu.memory_space<vmem>>, %arg17: memref<64xf32, #tpu.memory_space<vmem>>, %arg18: memref<64xf32, #tpu.memory_space<vmem>>, %arg19: memref<2048xf32, #tpu.memory_space<vmem>>, %arg20: memref<2048xf32, #tpu.memory_space<vmem>>, %arg21: memref<2048xf32, #tpu.memory_space<vmem>>) attributes {dimension_semantics = [#tpu.dimension_semantics<core_parallel>, #tpu.dimension_semantics<subcore_parallel>], iteration_bounds = array<i64: 2, 16>, scalar_prefetch = 0 : i64, scratch_operands = 10 : i64, tpu.core_type = #tpu.core_type<sc_vector_subcore>, window_params = [{transform_indices = #map}, {transform_indices = #map}, {transform_indices = #map}, {transform_indices = #map}, {transform_indices = #map}, {transform_indices = #map}, {transform_indices = #map}, {transform_indices = #map}, {transform_indices = #map}, {transform_indices = #map}]} {
    %mul3A = arith.constant 2 : i32
    %mul3A_0 = arith.muli %arg1, %mul3A : i32
    %add3A = arith.addi %mul3A_0, %arg0 : i32
    %jit3A = arith.constant 4 : i32
    %div3A = arith.divsi %add3A, %jit3A : i32
    %sign3A = arith.constant 0 : i32
    %sign3A_1 = arith.cmpi sgt, %add3A, %sign3A : i32
    %sign3A_2 = arith.extui %sign3A_1 : i1 to i32
    %sign3A_3 = arith.constant 0 : i32
    %sign3A_4 = arith.cmpi slt, %add3A, %sign3A_3 : i32
    %sign3A_5 = arith.extui %sign3A_4 : i1 to i32
    %sign3A_6 = arith.subi %sign3A_2, %sign3A_5 : i32
    %sign3A_7 = arith.constant 0 : i32
    %sign3A_8 = arith.cmpi sgt, %jit3A, %sign3A_7 : i32
    %sign3A_9 = arith.extui %sign3A_8 : i1 to i32
    %sign3A_10 = arith.constant 0 : i32
    %sign3A_11 = arith.cmpi slt, %jit3A, %sign3A_10 : i32
    %sign3A_12 = arith.extui %sign3A_11 : i1 to i32
    %sign3A_13 = arith.subi %sign3A_9, %sign3A_12 : i32
    %ne3A = arith.cmpi ne, %sign3A_6, %sign3A_13 : i32
    %rem3A = arith.remsi %add3A, %jit3A : i32
    %ne3A_14 = arith.constant 0 : i32
    %ne3A_15 = arith.cmpi ne, %rem3A, %ne3A_14 : i32
    %and3A = arith.andi %ne3A, %ne3A_15 : i1
    %sub3A = arith.constant 1 : i32
    %sub3A_16 = arith.subi %div3A, %sub3A : i32
    %select_n3A = arith.select %and3A, %sub3A_16, %div3A : i32
    %jit3A_17 = arith.constant 4 : i32
    %eq3A = arith.constant 0 : i32
    %eq3A_18 = arith.cmpi eq, %jit3A_17, %eq3A : i32
    %jit3A_19 = arith.constant 1 : i32
    %select_n3A_20 = arith.select %eq3A_18, %jit3A_19, %jit3A_17 : i32
    %rem3A_21 = arith.remsi %add3A, %select_n3A_20 : i32
    %ne3A_22 = arith.constant 0 : i32
    %ne3A_23 = arith.cmpi ne, %rem3A_21, %ne3A_22 : i32
    %lt3A = arith.constant 0 : i32
    %lt3A_24 = arith.cmpi slt, %rem3A_21, %lt3A : i32
    %lt3A_25 = arith.constant 0 : i32
    %lt3A_26 = arith.cmpi slt, %select_n3A_20, %lt3A_25 : i32
    %ne3A_27 = arith.xori %lt3A_24, %lt3A_26 : i1
    %and3A_28 = arith.andi %ne3A_27, %ne3A_23 : i1
    %add3A_29 = arith.addi %rem3A_21, %select_n3A_20 : i32
    %select_n3A_30 = arith.select %and3A_28, %add3A_29, %rem3A_21 : i32
    %mul3A_31 = arith.constant 64 : i32
    %mul3A_32 = arith.muli %select_n3A_30, %mul3A_31 : i32
    %mul3A_33 = arith.constant 32 : i32
    %mul3A_34 = arith.muli %mul3A_32, %mul3A_33 : i32
    "tpu.region"() ({
      %run_scoped3A = tpu.sem_alloc : memref<!tpu.dma_semaphore, #tpu.memory_space<semaphore_mem>>
      %dma_start3A = arith.constant 0 : i32
      %dma_start3A_47 = tpu.memref_slice %arg2[%select_n3A, %dma_start3A] : memref<8x8192xf32, #tpu.memory_space<hbm>> -> memref<1x8192xf32, #tpu.memory_space<hbm>>
      %dma_start3A_48 = tpu.memref_squeeze %dma_start3A_47 : memref<1x8192xf32, #tpu.memory_space<hbm>> -> memref<8192xf32, #tpu.memory_space<hbm>>
      %dma_start3A_49 = arith.constant 0 : i32
      %dma_start3A_50 = tpu.memref_slice %arg2[%select_n3A, %dma_start3A_49] : memref<8x8192xf32, #tpu.memory_space<hbm>> -> memref<1x8192xf32, #tpu.memory_space<hbm>>
      %dma_start3A_51 = tpu.memref_squeeze %dma_start3A_50 : memref<1x8192xf32, #tpu.memory_space<hbm>> -> memref<8192xf32, #tpu.memory_space<hbm>>
      tpu.enqueue_dma source(%dma_start3A_51 : memref<8192xf32, #tpu.memory_space<hbm>>) target(%arg12 : memref<8192xf32, #tpu.memory_space<vmem>>) target_semaphore(%run_scoped3A : memref<!tpu.dma_semaphore, #tpu.memory_space<semaphore_mem>>)
      %dma_wait3A = arith.constant 0 : i32
      %dma_wait3A_52 = tpu.memref_slice %arg2[%select_n3A, %dma_wait3A] : memref<8x8192xf32, #tpu.memory_space<hbm>> -> memref<1x8192xf32, #tpu.memory_space<hbm>>
      %dma_wait3A_53 = tpu.memref_squeeze %dma_wait3A_52 : memref<1x8192xf32, #tpu.memory_space<hbm>> -> memref<8192xf32, #tpu.memory_space<hbm>>
      %dma_wait3A_54 = arith.constant 0 : i32
      %dma_wait3A_55 = tpu.memref_slice %arg2[%select_n3A, %dma_wait3A_54] : memref<8x8192xf32, #tpu.memory_space<hbm>> -> memref<1x8192xf32, #tpu.memory_space<hbm>>
      %dma_wait3A_56 = tpu.memref_squeeze %dma_wait3A_55 : memref<1x8192xf32, #tpu.memory_space<hbm>> -> memref<8192xf32, #tpu.memory_space<hbm>>
      tpu.wait_dma2 semaphore(%run_scoped3A : memref<!tpu.dma_semaphore, #tpu.memory_space<semaphore_mem>>) src(%dma_wait3A_56 : memref<8192xf32, #tpu.memory_space<hbm>>) dst(%arg12 : memref<8192xf32, #tpu.memory_space<vmem>>)
      tpu.yield
    }) : () -> ()
    "tpu.region"() ({
      %run_scoped3A = tpu.sem_alloc : memref<!tpu.dma_semaphore, #tpu.memory_space<semaphore_mem>>
      %dma_start3A = arith.constant 0 : i32
      %dma_start3A_47 = tpu.memref_slice %arg3[%select_n3A, %dma_start3A] : memref<8x8192xf32, #tpu.memory_space<hbm>> -> memref<1x8192xf32, #tpu.memory_space<hbm>>
      %dma_start3A_48 = tpu.memref_squeeze %dma_start3A_47 : memref<1x8192xf32, #tpu.memory_space<hbm>> -> memref<8192xf32, #tpu.memory_space<hbm>>
      %dma_start3A_49 = arith.constant 0 : i32
      %dma_start3A_50 = tpu.memref_slice %arg3[%select_n3A, %dma_start3A_49] : memref<8x8192xf32, #tpu.memory_space<hbm>> -> memref<1x8192xf32, #tpu.memory_space<hbm>>
      %dma_start3A_51 = tpu.memref_squeeze %dma_start3A_50 : memref<1x8192xf32, #tpu.memory_space<hbm>> -> memref<8192xf32, #tpu.memory_space<hbm>>
      tpu.enqueue_dma source(%dma_start3A_51 : memref<8192xf32, #tpu.memory_space<hbm>>) target(%arg13 : memref<8192xf32, #tpu.memory_space<vmem>>) target_semaphore(%run_scoped3A : memref<!tpu.dma_semaphore, #tpu.memory_space<semaphore_mem>>)
      %dma_wait3A = arith.constant 0 : i32
      %dma_wait3A_52 = tpu.memref_slice %arg3[%select_n3A, %dma_wait3A] : memref<8x8192xf32, #tpu.memory_space<hbm>> -> memref<1x8192xf32, #tpu.memory_space<hbm>>
      %dma_wait3A_53 = tpu.memref_squeeze %dma_wait3A_52 : memref<1x8192xf32, #tpu.memory_space<hbm>> -> memref<8192xf32, #tpu.memory_space<hbm>>
      %dma_wait3A_54 = arith.constant 0 : i32
      %dma_wait3A_55 = tpu.memref_slice %arg3[%select_n3A, %dma_wait3A_54] : memref<8x8192xf32, #tpu.memory_space<hbm>> -> memref<1x8192xf32, #tpu.memory_space<hbm>>
      %dma_wait3A_56 = tpu.memref_squeeze %dma_wait3A_55 : memref<1x8192xf32, #tpu.memory_space<hbm>> -> memref<8192xf32, #tpu.memory_space<hbm>>
      tpu.wait_dma2 semaphore(%run_scoped3A : memref<!tpu.dma_semaphore, #tpu.memory_space<semaphore_mem>>) src(%dma_wait3A_56 : memref<8192xf32, #tpu.memory_space<hbm>>) dst(%arg13 : memref<8192xf32, #tpu.memory_space<vmem>>)
      tpu.yield
    }) : () -> ()
    "tpu.region"() ({
      %run_scoped3A = tpu.sem_alloc : memref<!tpu.dma_semaphore, #tpu.memory_space<semaphore_mem>>
      %dma_start3A = arith.constant 0 : i32
      %dma_start3A_47 = tpu.memref_slice %arg4[%select_n3A, %dma_start3A] : memref<8x8192xf32, #tpu.memory_space<hbm>> -> memref<1x8192xf32, #tpu.memory_space<hbm>>
      %dma_start3A_48 = tpu.memref_squeeze %dma_start3A_47 : memref<1x8192xf32, #tpu.memory_space<hbm>> -> memref<8192xf32, #tpu.memory_space<hbm>>
      %dma_start3A_49 = arith.constant 0 : i32
      %dma_start3A_50 = tpu.memref_slice %arg4[%select_n3A, %dma_start3A_49] : memref<8x8192xf32, #tpu.memory_space<hbm>> -> memref<1x8192xf32, #tpu.memory_space<hbm>>
      %dma_start3A_51 = tpu.memref_squeeze %dma_start3A_50 : memref<1x8192xf32, #tpu.memory_space<hbm>> -> memref<8192xf32, #tpu.memory_space<hbm>>
      tpu.enqueue_dma source(%dma_start3A_51 : memref<8192xf32, #tpu.memory_space<hbm>>) target(%arg14 : memref<8192xf32, #tpu.memory_space<vmem>>) target_semaphore(%run_scoped3A : memref<!tpu.dma_semaphore, #tpu.memory_space<semaphore_mem>>)
      %dma_wait3A = arith.constant 0 : i32
      %dma_wait3A_52 = tpu.memref_slice %arg4[%select_n3A, %dma_wait3A] : memref<8x8192xf32, #tpu.memory_space<hbm>> -> memref<1x8192xf32, #tpu.memory_space<hbm>>
      %dma_wait3A_53 = tpu.memref_squeeze %dma_wait3A_52 : memref<1x8192xf32, #tpu.memory_space<hbm>> -> memref<8192xf32, #tpu.memory_space<hbm>>
      %dma_wait3A_54 = arith.constant 0 : i32
      %dma_wait3A_55 = tpu.memref_slice %arg4[%select_n3A, %dma_wait3A_54] : memref<8x8192xf32, #tpu.memory_space<hbm>> -> memref<1x8192xf32, #tpu.memory_space<hbm>>
      %dma_wait3A_56 = tpu.memref_squeeze %dma_wait3A_55 : memref<1x8192xf32, #tpu.memory_space<hbm>> -> memref<8192xf32, #tpu.memory_space<hbm>>
      tpu.wait_dma2 semaphore(%run_scoped3A : memref<!tpu.dma_semaphore, #tpu.memory_space<semaphore_mem>>) src(%dma_wait3A_56 : memref<8192xf32, #tpu.memory_space<hbm>>) dst(%arg14 : memref<8192xf32, #tpu.memory_space<vmem>>)
      tpu.yield
    }) : () -> ()
    "tpu.region"() ({
      %run_scoped3A = tpu.sem_alloc : memref<!tpu.dma_semaphore, #tpu.memory_space<semaphore_mem>>
      %dma_start3A = tpu.memref_slice %arg5[%select_n3A, %mul3A_34] : memref<8x8192xi32, #tpu.memory_space<hbm>> -> memref<1x2048xi32, #tpu.memory_space<hbm>>
      %dma_start3A_47 = tpu.memref_squeeze %dma_start3A : memref<1x2048xi32, #tpu.memory_space<hbm>> -> memref<2048xi32, #tpu.memory_space<hbm>>
      %dma_start3A_48 = tpu.memref_slice %arg5[%select_n3A, %mul3A_34] : memref<8x8192xi32, #tpu.memory_space<hbm>> -> memref<1x2048xi32, #tpu.memory_space<hbm>>
      %dma_start3A_49 = tpu.memref_squeeze %dma_start3A_48 : memref<1x2048xi32, #tpu.memory_space<hbm>> -> memref<2048xi32, #tpu.memory_space<hbm>>
      tpu.enqueue_dma source(%dma_start3A_49 : memref<2048xi32, #tpu.memory_space<hbm>>) target(%arg15 : memref<2048xi32, #tpu.memory_space<vmem>>) target_semaphore(%run_scoped3A : memref<!tpu.dma_semaphore, #tpu.memory_space<semaphore_mem>>)
      %dma_wait3A = tpu.memref_slice %arg5[%select_n3A, %mul3A_34] : memref<8x8192xi32, #tpu.memory_space<hbm>> -> memref<1x2048xi32, #tpu.memory_space<hbm>>
      %dma_wait3A_50 = tpu.memref_squeeze %dma_wait3A : memref<1x2048xi32, #tpu.memory_space<hbm>> -> memref<2048xi32, #tpu.memory_space<hbm>>
      %dma_wait3A_51 = tpu.memref_slice %arg5[%select_n3A, %mul3A_34] : memref<8x8192xi32, #tpu.memory_space<hbm>> -> memref<1x2048xi32, #tpu.memory_space<hbm>>
      %dma_wait3A_52 = tpu.memref_squeeze %dma_wait3A_51 : memref<1x2048xi32, #tpu.memory_space<hbm>> -> memref<2048xi32, #tpu.memory_space<hbm>>
      tpu.wait_dma2 semaphore(%run_scoped3A : memref<!tpu.dma_semaphore, #tpu.memory_space<semaphore_mem>>) src(%dma_wait3A_52 : memref<2048xi32, #tpu.memory_space<hbm>>) dst(%arg15 : memref<2048xi32, #tpu.memory_space<vmem>>)
      tpu.yield
    }) : () -> ()
    %mul3A_35 = arith.constant 64 : i32
    %mul3A_36 = arith.muli %select_n3A_30, %mul3A_35 : i32
    "tpu.region"() ({
      %run_scoped3A = tpu.sem_alloc : memref<!tpu.dma_semaphore, #tpu.memory_space<semaphore_mem>>
      %dma_start3A = tpu.memref_slice %arg6[%select_n3A, %mul3A_36] : memref<8x256xf32, #tpu.memory_space<hbm>> -> memref<1x64xf32, #tpu.memory_space<hbm>>
      %dma_start3A_47 = tpu.memref_squeeze %dma_start3A : memref<1x64xf32, #tpu.memory_space<hbm>> -> memref<64xf32, #tpu.memory_space<hbm>>
      %dma_start3A_48 = tpu.memref_slice %arg6[%select_n3A, %mul3A_36] : memref<8x256xf32, #tpu.memory_space<hbm>> -> memref<1x64xf32, #tpu.memory_space<hbm>>
      %dma_start3A_49 = tpu.memref_squeeze %dma_start3A_48 : memref<1x64xf32, #tpu.memory_space<hbm>> -> memref<64xf32, #tpu.memory_space<hbm>>
      tpu.enqueue_dma source(%dma_start3A_49 : memref<64xf32, #tpu.memory_space<hbm>>) target(%arg16 : memref<64xf32, #tpu.memory_space<vmem>>) target_semaphore(%run_scoped3A : memref<!tpu.dma_semaphore, #tpu.memory_space<semaphore_mem>>)
      %dma_wait3A = tpu.memref_slice %arg6[%select_n3A, %mul3A_36] : memref<8x256xf32, #tpu.memory_space<hbm>> -> memref<1x64xf32, #tpu.memory_space<hbm>>
      %dma_wait3A_50 = tpu.memref_squeeze %dma_wait3A : memref<1x64xf32, #tpu.memory_space<hbm>> -> memref<64xf32, #tpu.memory_space<hbm>>
      %dma_wait3A_51 = tpu.memref_slice %arg6[%select_n3A, %mul3A_36] : memref<8x256xf32, #tpu.memory_space<hbm>> -> memref<1x64xf32, #tpu.memory_space<hbm>>
      %dma_wait3A_52 = tpu.memref_squeeze %dma_wait3A_51 : memref<1x64xf32, #tpu.memory_space<hbm>> -> memref<64xf32, #tpu.memory_space<hbm>>
      tpu.wait_dma2 semaphore(%run_scoped3A : memref<!tpu.dma_semaphore, #tpu.memory_space<semaphore_mem>>) src(%dma_wait3A_52 : memref<64xf32, #tpu.memory_space<hbm>>) dst(%arg16 : memref<64xf32, #tpu.memory_space<vmem>>)
      tpu.yield
    }) : () -> ()
    %mul3A_37 = arith.constant 64 : i32
    %mul3A_38 = arith.muli %select_n3A_30, %mul3A_37 : i32
    "tpu.region"() ({
      %run_scoped3A = tpu.sem_alloc : memref<!tpu.dma_semaphore, #tpu.memory_space<semaphore_mem>>
      %dma_start3A = tpu.memref_slice %arg7[%select_n3A, %mul3A_38] : memref<8x256xf32, #tpu.memory_space<hbm>> -> memref<1x64xf32, #tpu.memory_space<hbm>>
      %dma_start3A_47 = tpu.memref_squeeze %dma_start3A : memref<1x64xf32, #tpu.memory_space<hbm>> -> memref<64xf32, #tpu.memory_space<hbm>>
      %dma_start3A_48 = tpu.memref_slice %arg7[%select_n3A, %mul3A_38] : memref<8x256xf32, #tpu.memory_space<hbm>> -> memref<1x64xf32, #tpu.memory_space<hbm>>
      %dma_start3A_49 = tpu.memref_squeeze %dma_start3A_48 : memref<1x64xf32, #tpu.memory_space<hbm>> -> memref<64xf32, #tpu.memory_space<hbm>>
      tpu.enqueue_dma source(%dma_start3A_49 : memref<64xf32, #tpu.memory_space<hbm>>) target(%arg17 : memref<64xf32, #tpu.memory_space<vmem>>) target_semaphore(%run_scoped3A : memref<!tpu.dma_semaphore, #tpu.memory_space<semaphore_mem>>)
      %dma_wait3A = tpu.memref_slice %arg7[%select_n3A, %mul3A_38] : memref<8x256xf32, #tpu.memory_space<hbm>> -> memref<1x64xf32, #tpu.memory_space<hbm>>
      %dma_wait3A_50 = tpu.memref_squeeze %dma_wait3A : memref<1x64xf32, #tpu.memory_space<hbm>> -> memref<64xf32, #tpu.memory_space<hbm>>
      %dma_wait3A_51 = tpu.memref_slice %arg7[%select_n3A, %mul3A_38] : memref<8x256xf32, #tpu.memory_space<hbm>> -> memref<1x64xf32, #tpu.memory_space<hbm>>
      %dma_wait3A_52 = tpu.memref_squeeze %dma_wait3A_51 : memref<1x64xf32, #tpu.memory_space<hbm>> -> memref<64xf32, #tpu.memory_space<hbm>>
      tpu.wait_dma2 semaphore(%run_scoped3A : memref<!tpu.dma_semaphore, #tpu.memory_space<semaphore_mem>>) src(%dma_wait3A_52 : memref<64xf32, #tpu.memory_space<hbm>>) dst(%arg17 : memref<64xf32, #tpu.memory_space<vmem>>)
      tpu.yield
    }) : () -> ()
    %mul3A_39 = arith.constant 64 : i32
    %mul3A_40 = arith.muli %select_n3A_30, %mul3A_39 : i32
    "tpu.region"() ({
      %run_scoped3A = tpu.sem_alloc : memref<!tpu.dma_semaphore, #tpu.memory_space<semaphore_mem>>
      %dma_start3A = tpu.memref_slice %arg8[%select_n3A, %mul3A_40] : memref<8x256xf32, #tpu.memory_space<hbm>> -> memref<1x64xf32, #tpu.memory_space<hbm>>
      %dma_start3A_47 = tpu.memref_squeeze %dma_start3A : memref<1x64xf32, #tpu.memory_space<hbm>> -> memref<64xf32, #tpu.memory_space<hbm>>
      %dma_start3A_48 = tpu.memref_slice %arg8[%select_n3A, %mul3A_40] : memref<8x256xf32, #tpu.memory_space<hbm>> -> memref<1x64xf32, #tpu.memory_space<hbm>>
      %dma_start3A_49 = tpu.memref_squeeze %dma_start3A_48 : memref<1x64xf32, #tpu.memory_space<hbm>> -> memref<64xf32, #tpu.memory_space<hbm>>
      tpu.enqueue_dma source(%dma_start3A_49 : memref<64xf32, #tpu.memory_space<hbm>>) target(%arg18 : memref<64xf32, #tpu.memory_space<vmem>>) target_semaphore(%run_scoped3A : memref<!tpu.dma_semaphore, #tpu.memory_space<semaphore_mem>>)
      %dma_wait3A = tpu.memref_slice %arg8[%select_n3A, %mul3A_40] : memref<8x256xf32, #tpu.memory_space<hbm>> -> memref<1x64xf32, #tpu.memory_space<hbm>>
      %dma_wait3A_50 = tpu.memref_squeeze %dma_wait3A : memref<1x64xf32, #tpu.memory_space<hbm>> -> memref<64xf32, #tpu.memory_space<hbm>>
      %dma_wait3A_51 = tpu.memref_slice %arg8[%select_n3A, %mul3A_40] : memref<8x256xf32, #tpu.memory_space<hbm>> -> memref<1x64xf32, #tpu.memory_space<hbm>>
      %dma_wait3A_52 = tpu.memref_squeeze %dma_wait3A_51 : memref<1x64xf32, #tpu.memory_space<hbm>> -> memref<64xf32, #tpu.memory_space<hbm>>
      tpu.wait_dma2 semaphore(%run_scoped3A : memref<!tpu.dma_semaphore, #tpu.memory_space<semaphore_mem>>) src(%dma_wait3A_52 : memref<64xf32, #tpu.memory_space<hbm>>) dst(%arg18 : memref<64xf32, #tpu.memory_space<vmem>>)
      tpu.yield
    }) : () -> ()
    %scan3A = arith.constant 0 : i32
    %scan3A_41 = arith.constant 0 : i32
    %scan3A_42 = arith.constant 64 : i32
    %scan3A_43 = arith.addi %scan3A_41, %scan3A_42 : i32
    %scan3A_44 = arith.constant 1 : i32
    %scan3A_45 = scf.for %scan3A_47 = %scan3A_41 to %scan3A_43 step %scan3A_44 iter_args(%scan3A_48 = %scan3A) -> (i32)  : i32 {
      %broadcast_in_dim3A = vector.broadcast %scan3A_47 : i32 to vector<16xi32>
      %gather3A = tpu.vector_load_idx %arg16[%broadcast_in_dim3A] : memref<64xf32, #tpu.memory_space<vmem>>[vector<16xi32>], vector<16xf32>,
      %gather3A_49 = tpu.vector_load_idx %arg17[%broadcast_in_dim3A] : memref<64xf32, #tpu.memory_space<vmem>>[vector<16xi32>], vector<16xf32>,
      %gather3A_50 = tpu.vector_load_idx %arg18[%broadcast_in_dim3A] : memref<64xf32, #tpu.memory_space<vmem>>[vector<16xi32>], vector<16xf32>,
      %mul3A_51 = arith.constant 32 : i32
      %mul3A_52 = arith.muli %scan3A_47, %mul3A_51 : i32
      %add3A_53 = arith.constant 0 : i32
      %add3A_54 = arith.addi %mul3A_52, %add3A_53 : i32
      %get3A = arith.index_cast %add3A_54 : i32 to index
      %get3A_55 = tpu.vector_load %arg15[%get3A] {strides = array<i32>} : memref<2048xi32, #tpu.memory_space<vmem>>, vector<16xi32>,
      %gather3A_56 = tpu.vector_load_idx %arg12[%get3A_55] : memref<8192xf32, #tpu.memory_space<vmem>>[vector<16xi32>], vector<16xf32>,
      %sub3A_57 = arith.subf %gather3A_56, %gather3A : vector<16xf32>
      %swap3A = arith.index_cast %add3A_54 : i32 to index
      %swap3A_58 = tpu.vector_load %arg19[%swap3A] {strides = array<i32>} : memref<2048xf32, #tpu.memory_space<vmem>>, vector<16xf32>,
      tpu.vector_store %arg19[%swap3A], %sub3A_57 {strides = array<i32>} : memref<2048xf32, #tpu.memory_space<vmem>>, vector<16xf32>,
      %gather3A_59 = tpu.vector_load_idx %arg13[%get3A_55] : memref<8192xf32, #tpu.memory_space<vmem>>[vector<16xi32>], vector<16xf32>,
      %sub3A_60 = arith.subf %gather3A_59, %gather3A_49 : vector<16xf32>
      %swap3A_61 = arith.index_cast %add3A_54 : i32 to index
      %swap3A_62 = tpu.vector_load %arg20[%swap3A_61] {strides = array<i32>} : memref<2048xf32, #tpu.memory_space<vmem>>, vector<16xf32>,
      tpu.vector_store %arg20[%swap3A_61], %sub3A_60 {strides = array<i32>} : memref<2048xf32, #tpu.memory_space<vmem>>, vector<16xf32>,
      %gather3A_63 = tpu.vector_load_idx %arg14[%get3A_55] : memref<8192xf32, #tpu.memory_space<vmem>>[vector<16xi32>], vector<16xf32>,
      %sub3A_64 = arith.subf %gather3A_63, %gather3A_50 : vector<16xf32>
      %swap3A_65 = arith.index_cast %add3A_54 : i32 to index
      %swap3A_66 = tpu.vector_load %arg21[%swap3A_65] {strides = array<i32>} : memref<2048xf32, #tpu.memory_space<vmem>>, vector<16xf32>,
      tpu.vector_store %arg21[%swap3A_65], %sub3A_64 {strides = array<i32>} : memref<2048xf32, #tpu.memory_space<vmem>>, vector<16xf32>,
      %mul3A_67 = arith.constant 32 : i32
      %mul3A_68 = arith.muli %scan3A_47, %mul3A_67 : i32
      %add3A_69 = arith.constant 16 : i32
      %add3A_70 = arith.addi %mul3A_68, %add3A_69 : i32
      %get3A_71 = arith.index_cast %add3A_70 : i32 to index
      %get3A_72 = tpu.vector_load %arg15[%get3A_71] {strides = array<i32>} : memref<2048xi32, #tpu.memory_space<vmem>>, vector<16xi32>,
      %gather3A_73 = tpu.vector_load_idx %arg12[%get3A_72] : memref<8192xf32, #tpu.memory_space<vmem>>[vector<16xi32>], vector<16xf32>,
      %sub3A_74 = arith.subf %gather3A_73, %gather3A : vector<16xf32>
      %swap3A_75 = arith.index_cast %add3A_70 : i32 to index
      %swap3A_76 = tpu.vector_load %arg19[%swap3A_75] {strides = array<i32>} : memref<2048xf32, #tpu.memory_space<vmem>>, vector<16xf32>,
      tpu.vector_store %arg19[%swap3A_75], %sub3A_74 {strides = array<i32>} : memref<2048xf32, #tpu.memory_space<vmem>>, vector<16xf32>,
      %gather3A_77 = tpu.vector_load_idx %arg13[%get3A_72] : memref<8192xf32, #tpu.memory_space<vmem>>[vector<16xi32>], vector<16xf32>,
      %sub3A_78 = arith.subf %gather3A_77, %gather3A_49 : vector<16xf32>
      %swap3A_79 = arith.index_cast %add3A_70 : i32 to index
      %swap3A_80 = tpu.vector_load %arg20[%swap3A_79] {strides = array<i32>} : memref<2048xf32, #tpu.memory_space<vmem>>, vector<16xf32>,
      tpu.vector_store %arg20[%swap3A_79], %sub3A_78 {strides = array<i32>} : memref<2048xf32, #tpu.memory_space<vmem>>, vector<16xf32>,
      %gather3A_81 = tpu.vector_load_idx %arg14[%get3A_72] : memref<8192xf32, #tpu.memory_space<vmem>>[vector<16xi32>], vector<16xf32>,
      %sub3A_82 = arith.subf %gather3A_81, %gather3A_50 : vector<16xf32>
      %swap3A_83 = arith.index_cast %add3A_70 : i32 to index
      %swap3A_84 = tpu.vector_load %arg21[%swap3A_83] {strides = array<i32>} : memref<2048xf32, #tpu.memory_space<vmem>>, vector<16xf32>,
      tpu.vector_store %arg21[%swap3A_83], %sub3A_82 {strides = array<i32>} : memref<2048xf32, #tpu.memory_space<vmem>>, vector<16xf32>,
      %scan3A_85 = arith.constant 0 : i32
      scf.yield %scan3A_85 : i32
    }
    %scan3A_46 = arith.constant 64 : i32
    "tpu.region"() ({
      %run_scoped3A = tpu.sem_alloc : memref<!tpu.dma_semaphore, #tpu.memory_space<semaphore_mem>>
      %dma_start3A = tpu.memref_slice %arg9[%select_n3A, %mul3A_34] : memref<8x8192xf32, #tpu.memory_space<hbm>> -> memref<1x2048xf32, #tpu.memory_space<hbm>>
      %dma_start3A_47 = tpu.memref_squeeze %dma_start3A : memref<1x2048xf32, #tpu.memory_space<hbm>> -> memref<2048xf32, #tpu.memory_space<hbm>>
      %dma_start3A_48 = tpu.memref_slice %arg9[%select_n3A, %mul3A_34] : memref<8x8192xf32, #tpu.memory_space<hbm>> -> memref<1x2048xf32, #tpu.memory_space<hbm>>
      %dma_start3A_49 = tpu.memref_squeeze %dma_start3A_48 : memref<1x2048xf32, #tpu.memory_space<hbm>> -> memref<2048xf32, #tpu.memory_space<hbm>>
      tpu.enqueue_dma source(%arg19 : memref<2048xf32, #tpu.memory_space<vmem>>) target(%dma_start3A_49 : memref<2048xf32, #tpu.memory_space<hbm>>) target_semaphore(%run_scoped3A : memref<!tpu.dma_semaphore, #tpu.memory_space<semaphore_mem>>)
      %dma_wait3A = tpu.memref_slice %arg9[%select_n3A, %mul3A_34] : memref<8x8192xf32, #tpu.memory_space<hbm>> -> memref<1x2048xf32, #tpu.memory_space<hbm>>
      %dma_wait3A_50 = tpu.memref_squeeze %dma_wait3A : memref<1x2048xf32, #tpu.memory_space<hbm>> -> memref<2048xf32, #tpu.memory_space<hbm>>
      %dma_wait3A_51 = tpu.memref_slice %arg9[%select_n3A, %mul3A_34] : memref<8x8192xf32, #tpu.memory_space<hbm>> -> memref<1x2048xf32, #tpu.memory_space<hbm>>
      %dma_wait3A_52 = tpu.memref_squeeze %dma_wait3A_51 : memref<1x2048xf32, #tpu.memory_space<hbm>> -> memref<2048xf32, #tpu.memory_space<hbm>>
      tpu.wait_dma2 semaphore(%run_scoped3A : memref<!tpu.dma_semaphore, #tpu.memory_space<semaphore_mem>>) src(%arg19 : memref<2048xf32, #tpu.memory_space<vmem>>) dst(%dma_wait3A_52 : memref<2048xf32, #tpu.memory_space<hbm>>)
      tpu.yield
    }) : () -> ()
    "tpu.region"() ({
      %run_scoped3A = tpu.sem_alloc : memref<!tpu.dma_semaphore, #tpu.memory_space<semaphore_mem>>
      %dma_start3A = tpu.memref_slice %arg10[%select_n3A, %mul3A_34] : memref<8x8192xf32, #tpu.memory_space<hbm>> -> memref<1x2048xf32, #tpu.memory_space<hbm>>
      %dma_start3A_47 = tpu.memref_squeeze %dma_start3A : memref<1x2048xf32, #tpu.memory_space<hbm>> -> memref<2048xf32, #tpu.memory_space<hbm>>
      %dma_start3A_48 = tpu.memref_slice %arg10[%select_n3A, %mul3A_34] : memref<8x8192xf32, #tpu.memory_space<hbm>> -> memref<1x2048xf32, #tpu.memory_space<hbm>>
      %dma_start3A_49 = tpu.memref_squeeze %dma_start3A_48 : memref<1x2048xf32, #tpu.memory_space<hbm>> -> memref<2048xf32, #tpu.memory_space<hbm>>
      tpu.enqueue_dma source(%arg20 : memref<2048xf32, #tpu.memory_space<vmem>>) target(%dma_start3A_49 : memref<2048xf32, #tpu.memory_space<hbm>>) target_semaphore(%run_scoped3A : memref<!tpu.dma_semaphore, #tpu.memory_space<semaphore_mem>>)
      %dma_wait3A = tpu.memref_slice %arg10[%select_n3A, %mul3A_34] : memref<8x8192xf32, #tpu.memory_space<hbm>> -> memref<1x2048xf32, #tpu.memory_space<hbm>>
      %dma_wait3A_50 = tpu.memref_squeeze %dma_wait3A : memref<1x2048xf32, #tpu.memory_space<hbm>> -> memref<2048xf32, #tpu.memory_space<hbm>>
      %dma_wait3A_51 = tpu.memref_slice %arg10[%select_n3A, %mul3A_34] : memref<8x8192xf32, #tpu.memory_space<hbm>> -> memref<1x2048xf32, #tpu.memory_space<hbm>>
      %dma_wait3A_52 = tpu.memref_squeeze %dma_wait3A_51 : memref<1x2048xf32, #tpu.memory_space<hbm>> -> memref<2048xf32, #tpu.memory_space<hbm>>
      tpu.wait_dma2 semaphore(%run_scoped3A : memref<!tpu.dma_semaphore, #tpu.memory_space<semaphore_mem>>) src(%arg20 : memref<2048xf32, #tpu.memory_space<vmem>>) dst(%dma_wait3A_52 : memref<2048xf32, #tpu.memory_space<hbm>>)
      tpu.yield
    }) : () -> ()
    "tpu.region"() ({
      %run_scoped3A = tpu.sem_alloc : memref<!tpu.dma_semaphore, #tpu.memory_space<semaphore_mem>>
      %dma_start3A = tpu.memref_slice %arg11[%select_n3A, %mul3A_34] : memref<8x8192xf32, #tpu.memory_space<hbm>> -> memref<1x2048xf32, #tpu.memory_space<hbm>>
      %dma_start3A_47 = tpu.memref_squeeze %dma_start3A : memref<1x2048xf32, #tpu.memory_space<hbm>> -> memref<2048xf32, #tpu.memory_space<hbm>>
      %dma_start3A_48 = tpu.memref_slice %arg11[%select_n3A, %mul3A_34] : memref<8x8192xf32, #tpu.memory_space<hbm>> -> memref<1x2048xf32, #tpu.memory_space<hbm>>
      %dma_start3A_49 = tpu.memref_squeeze %dma_start3A_48 : memref<1x2048xf32, #tpu.memory_space<hbm>> -> memref<2048xf32, #tpu.memory_space<hbm>>
      tpu.enqueue_dma source(%arg21 : memref<2048xf32, #tpu.memory_space<vmem>>) target(%dma_start3A_49 : memref<2048xf32, #tpu.memory_space<hbm>>) target_semaphore(%run_scoped3A : memref<!tpu.dma_semaphore, #tpu.memory_space<semaphore_mem>>)
      %dma_wait3A = tpu.memref_slice %arg11[%select_n3A, %mul3A_34] : memref<8x8192xf32, #tpu.memory_space<hbm>> -> memref<1x2048xf32, #tpu.memory_space<hbm>>
      %dma_wait3A_50 = tpu.memref_squeeze %dma_wait3A : memref<1x2048xf32, #tpu.memory_space<hbm>> -> memref<2048xf32, #tpu.memory_space<hbm>>
      %dma_wait3A_51 = tpu.memref_slice %arg11[%select_n3A, %mul3A_34] : memref<8x8192xf32, #tpu.memory_space<hbm>> -> memref<1x2048xf32, #tpu.memory_space<hbm>>
      %dma_wait3A_52 = tpu.memref_squeeze %dma_wait3A_51 : memref<1x2048xf32, #tpu.memory_space<hbm>> -> memref<2048xf32, #tpu.memory_space<hbm>>
      tpu.wait_dma2 semaphore(%run_scoped3A : memref<!tpu.dma_semaphore, #tpu.memory_space<semaphore_mem>>) src(%arg21 : memref<2048xf32, #tpu.memory_space<vmem>>) dst(%dma_wait3A_52 : memref<2048xf32, #tpu.memory_space<hbm>>)
      tpu.yield
    }) : () -> ()
    return
  }
}

module attributes {stable_mosaic.version = 14 : i64} {
  func.func @_chunk_body(%arg0: i32, %arg1: memref<1x16x512xf32, #tpu.memory_space<vmem>>, %arg2: memref<1x16x512xf32, #tpu.memory_space<vmem>>, %arg3: memref<1x16x512xf32, #tpu.memory_space<vmem>>, %arg4: memref<1x256x1xf32, #tpu.memory_space<vmem>>, %arg5: memref<1x256x1xf32, #tpu.memory_space<vmem>>, %arg6: memref<1x256x1xf32, #tpu.memory_space<vmem>>, %arg7: memref<1x32x256xi32, #tpu.memory_space<vmem>>, %arg8: memref<512x256xf32, #tpu.memory_space<vmem>>) attributes {dimension_semantics = [#tpu.dimension_semantics<arbitrary>], iteration_bounds = array<i64: 8>, scalar_prefetch = 0 : i64, scratch_operands = 1 : i64, tpu.core_type = #tpu.core_type<tc>, window_params = [{transform_indices = @transform_0, window_bounds = array<i64: 1, 16, 512>}, {transform_indices = @transform_1, window_bounds = array<i64: 1, 16, 512>}, {transform_indices = @transform_2, window_bounds = array<i64: 1, 16, 512>}, {transform_indices = @transform_3, window_bounds = array<i64: 1, 256, 1>}, {transform_indices = @transform_4, window_bounds = array<i64: 1, 256, 1>}, {transform_indices = @transform_5, window_bounds = array<i64: 1, 256, 1>}, {transform_indices = @transform_6, window_bounds = array<i64: 1, 32, 256>}]} {
    %get3A = arith.constant 0 : index
    %get3A_0 = arith.constant 0 : index
    %get3A_1 = arith.constant 0 : index
    %get3A_2 = vector.load %arg1[%get3A, %get3A_0, %get3A_1] : memref<1x16x512xf32, #tpu.memory_space<vmem>>, vector<1x16x512xf32>
    %get3A_3 = vector.shape_cast %get3A_2 : vector<1x16x512xf32> to vector<16x512xf32>
    %get3A_4 = arith.constant 0 : index
    %get3A_5 = arith.constant 0 : index
    %get3A_6 = arith.constant 0 : index
    %get3A_7 = vector.load %arg2[%get3A_4, %get3A_5, %get3A_6] : memref<1x16x512xf32, #tpu.memory_space<vmem>>, vector<1x16x512xf32>
    %get3A_8 = vector.shape_cast %get3A_7 : vector<1x16x512xf32> to vector<16x512xf32>
    %get3A_9 = arith.constant 0 : index
    %get3A_10 = arith.constant 0 : index
    %get3A_11 = arith.constant 0 : index
    %get3A_12 = vector.load %arg3[%get3A_9, %get3A_10, %get3A_11] : memref<1x16x512xf32, #tpu.memory_space<vmem>>, vector<1x16x512xf32>
    %get3A_13 = vector.shape_cast %get3A_12 : vector<1x16x512xf32> to vector<16x512xf32>
    %get3A_14 = arith.constant 0 : index
    %get3A_15 = arith.constant 0 : index
    %get3A_16 = arith.constant 0 : index
    %get3A_17 = vector.load %arg4[%get3A_14, %get3A_15, %get3A_16] : memref<1x256x1xf32, #tpu.memory_space<vmem>>, vector<1x256x1xf32>
    %get3A_18 = vector.shape_cast %get3A_17 : vector<1x256x1xf32> to vector<256x1xf32>
    %broadcast_in_dim3A = vector.shape_cast %get3A_18 : vector<256x1xf32> to vector<256x1x1xf32>
    %get3A_19 = arith.constant 0 : index
    %get3A_20 = arith.constant 0 : index
    %get3A_21 = arith.constant 0 : index
    %get3A_22 = vector.load %arg5[%get3A_19, %get3A_20, %get3A_21] : memref<1x256x1xf32, #tpu.memory_space<vmem>>, vector<1x256x1xf32>
    %get3A_23 = vector.shape_cast %get3A_22 : vector<1x256x1xf32> to vector<256x1xf32>
    %broadcast_in_dim3A_24 = vector.shape_cast %get3A_23 : vector<256x1xf32> to vector<256x1x1xf32>
    %get3A_25 = arith.constant 0 : index
    %get3A_26 = arith.constant 0 : index
    %get3A_27 = arith.constant 0 : index
    %get3A_28 = vector.load %arg6[%get3A_25, %get3A_26, %get3A_27] : memref<1x256x1xf32, #tpu.memory_space<vmem>>, vector<1x256x1xf32>
    %get3A_29 = vector.shape_cast %get3A_28 : vector<1x256x1xf32> to vector<256x1xf32>
    %broadcast_in_dim3A_30 = vector.shape_cast %get3A_29 : vector<256x1xf32> to vector<256x1x1xf32>
    %broadcast_in_dim3A_31 = vector.shape_cast %get3A_3 : vector<16x512xf32> to vector<1x16x512xf32>
    %sub3A = vector.broadcast %broadcast_in_dim3A : vector<256x1x1xf32> to vector<256x16x512xf32>
    %sub3A_32 = vector.broadcast %broadcast_in_dim3A_31 : vector<1x16x512xf32> to vector<256x16x512xf32>
    %sub3A_33 = arith.subf %sub3A, %sub3A_32 : vector<256x16x512xf32>
    %broadcast_in_dim3A_34 = vector.shape_cast %get3A_8 : vector<16x512xf32> to vector<1x16x512xf32>
    %sub3A_35 = vector.broadcast %broadcast_in_dim3A_24 : vector<256x1x1xf32> to vector<256x16x512xf32>
    %sub3A_36 = vector.broadcast %broadcast_in_dim3A_34 : vector<1x16x512xf32> to vector<256x16x512xf32>
    %sub3A_37 = arith.subf %sub3A_35, %sub3A_36 : vector<256x16x512xf32>
    %broadcast_in_dim3A_38 = vector.shape_cast %get3A_13 : vector<16x512xf32> to vector<1x16x512xf32>
    %sub3A_39 = vector.broadcast %broadcast_in_dim3A_30 : vector<256x1x1xf32> to vector<256x16x512xf32>
    %sub3A_40 = vector.broadcast %broadcast_in_dim3A_38 : vector<1x16x512xf32> to vector<256x16x512xf32>
    %sub3A_41 = arith.subf %sub3A_39, %sub3A_40 : vector<256x16x512xf32>
    %mul3A = arith.mulf %sub3A_33, %sub3A_33 : vector<256x16x512xf32>
    %mul3A_42 = arith.mulf %sub3A_37, %sub3A_37 : vector<256x16x512xf32>
    %add3A = arith.addf %mul3A, %mul3A_42 : vector<256x16x512xf32>
    %mul3A_43 = arith.mulf %sub3A_41, %sub3A_41 : vector<256x16x512xf32>
    %add3A_44 = arith.addf %add3A, %mul3A_43 : vector<256x16x512xf32>
    %reduce_min3A = arith.constant dense<0x7F800000> : vector<256x512xf32>
    %reduce_min3A_45 = vector.multi_reduction <minimumf>, %add3A_44, %reduce_min3A [1] : vector<256x16x512xf32> to vector<256x512xf32>
    %transpose3A = tpu.transpose %reduce_min3A_45, [1, 0] : vector<256x512xf32> -> vector<512x256xf32>
    %swap3A = arith.constant 0 : index
    %swap3A_46 = arith.constant 0 : index
    %swap3A_47 = vector.load %arg8[%swap3A, %swap3A_46] : memref<512x256xf32, #tpu.memory_space<vmem>>, vector<512x256xf32>
    tpu.vector_store %arg8[%swap3A, %swap3A_46], %transpose3A {strides = array<i32>} : memref<512x256xf32, #tpu.memory_space<vmem>>, vector<512x256xf32>,
    %iota3A = tpu.iota {dimensions = array<i32: 0>} : vector<512x256xi32>
    %iota3A_48 = tpu.iota {dimensions = array<i32: 0>} : vector<32x256xi32>
    %broadcast_in_dim3A_49 = arith.constant 0 : i32
    %broadcast_in_dim3A_50 = vector.broadcast %broadcast_in_dim3A_49 : i32 to vector<32x256xi32>
    %broadcast_in_dim3A_51 = arith.constant -1 : i32
    %broadcast_in_dim3A_52 = vector.broadcast %broadcast_in_dim3A_51 : i32 to vector<1x256xi32>
    %scan3A = arith.constant 0 : i32
    %scan3A_53 = arith.constant 32 : i32
    %scan3A_54 = arith.addi %scan3A, %scan3A_53 : i32
    %scan3A_55 = arith.constant 1 : i32
    %scan3A_56:2 = scf.for %scan3A_64 = %scan3A to %scan3A_54 step %scan3A_55 iter_args(%scan3A_65 = %broadcast_in_dim3A_50, %scan3A_66 = %broadcast_in_dim3A_52) -> (vector<32x256xi32>, vector<1x256xi32>)  : i32 {
      %eq3A = vector.broadcast %scan3A_66 : vector<1x256xi32> to vector<512x256xi32>
      %eq3A_67 = arith.cmpi eq, %iota3A, %eq3A : vector<512x256xi32>
      %get3A_68 = arith.constant 0 : index
      %get3A_69 = arith.constant 0 : index
      %get3A_70 = vector.load %arg8[%get3A_68, %get3A_69] : memref<512x256xf32, #tpu.memory_space<vmem>>, vector<512x256xf32>
      %jit3A = arith.constant 0x7F800000 : f32
      %broadcast_in_dim3A_71 = vector.broadcast %jit3A : f32 to vector<512x256xf32>
      %select_n3A = arith.select %eq3A_67, %broadcast_in_dim3A_71, %get3A_70 : vector<512x256xi1>, vector<512x256xf32>
      %swap3A_72 = arith.constant 0 : index
      %swap3A_73 = arith.constant 0 : index
      %swap3A_74 = vector.load %arg8[%swap3A_72, %swap3A_73] : memref<512x256xf32, #tpu.memory_space<vmem>>, vector<512x256xf32>
      tpu.vector_store %arg8[%swap3A_72, %swap3A_73], %select_n3A {strides = array<i32>} : memref<512x256xf32, #tpu.memory_space<vmem>>, vector<512x256xf32>,
      %reduce_min3A_75 = arith.constant dense<0x7F800000> : vector<256xf32>
      %reduce_min3A_76 = vector.multi_reduction <minimumf>, %select_n3A, %reduce_min3A_75 [0] : vector<512x256xf32> to vector<256xf32>
      %broadcast_in_dim3A_77 = vector.shape_cast %reduce_min3A_76 : vector<256xf32> to vector<1x256xf32>
      %eq3A_78 = vector.broadcast %broadcast_in_dim3A_77 : vector<1x256xf32> to vector<512x256xf32>
      %eq3A_79 = arith.cmpf oeq, %select_n3A, %eq3A_78 : vector<512x256xf32>
      %jit3A_80 = arith.constant 512 : i32
      %broadcast_in_dim3A_81 = vector.broadcast %jit3A_80 : i32 to vector<512x256xi32>
      %select_n3A_82 = arith.select %eq3A_79, %iota3A, %broadcast_in_dim3A_81 : vector<512x256xi1>, vector<512x256xi32>
      %reduce_min3A_83 = arith.constant dense<2147483647> : vector<256xi32>
      %reduce_min3A_84 = vector.multi_reduction <minsi>, %select_n3A_82, %reduce_min3A_83 [0] : vector<512x256xi32> to vector<256xi32>
      %broadcast_in_dim3A_85 = vector.shape_cast %reduce_min3A_84 : vector<256xi32> to vector<1x256xi32>
      %eq3A_86 = vector.broadcast %scan3A_64 : i32 to vector<32x256xi32>
      %eq3A_87 = arith.cmpi eq, %iota3A_48, %eq3A_86 : vector<32x256xi32>
      %broadcast_in_dim3A_88 = vector.shape_cast %broadcast_in_dim3A_85 : vector<1x256xi32> to vector<1x256xi32>
      %broadcast_in_dim3A_89 = vector.broadcast %broadcast_in_dim3A_88 : vector<1x256xi32> to vector<32x256xi32>
      %select_n3A_90 = arith.select %eq3A_87, %broadcast_in_dim3A_89, %scan3A_65 : vector<32x256xi1>, vector<32x256xi32>
      scf.yield %select_n3A_90, %broadcast_in_dim3A_85 : vector<32x256xi32>, vector<1x256xi32>
    }
    %scan3A_57 = arith.constant 32 : i32
    %swap3A_58 = arith.constant 0 : index
    %swap3A_59 = arith.constant 0 : index
    %swap3A_60 = arith.constant 0 : index
    %swap3A_61 = vector.load %arg7[%swap3A_58, %swap3A_59, %swap3A_60] : memref<1x32x256xi32, #tpu.memory_space<vmem>>, vector<1x32x256xi32>
    %swap3A_62 = vector.shape_cast %swap3A_61 : vector<1x32x256xi32> to vector<32x256xi32>
    %swap3A_63 = vector.shape_cast %scan3A_56#0 : vector<32x256xi32> to vector<1x32x256xi32>
    tpu.vector_store %arg7[%swap3A_58, %swap3A_59, %swap3A_60], %swap3A_63 {strides = array<i32>} : memref<1x32x256xi32, #tpu.memory_space<vmem>>, vector<1x32x256xi32>,
    return
  }
  func.func @transform_0(%arg0: i32) -> (i32, i32, i32) {
    %c0_i32 = arith.constant 0 : i32
    %c0_i32_0 = arith.constant 0 : i32
    %c0_i32_1 = arith.constant 0 : i32
    return %arg0, %c0_i32, %c0_i32_0 : i32, i32, i32
  }
  func.func @transform_1(%arg0: i32) -> (i32, i32, i32) {
    %c0_i32 = arith.constant 0 : i32
    %c0_i32_0 = arith.constant 0 : i32
    %c0_i32_1 = arith.constant 0 : i32
    return %arg0, %c0_i32, %c0_i32_0 : i32, i32, i32
  }
  func.func @transform_2(%arg0: i32) -> (i32, i32, i32) {
    %c0_i32 = arith.constant 0 : i32
    %c0_i32_0 = arith.constant 0 : i32
    %c0_i32_1 = arith.constant 0 : i32
    return %arg0, %c0_i32, %c0_i32_0 : i32, i32, i32
  }
  func.func @transform_3(%arg0: i32) -> (i32, i32, i32) {
    %c0_i32 = arith.constant 0 : i32
    %c0_i32_0 = arith.constant 0 : i32
    %c0_i32_1 = arith.constant 0 : i32
    return %arg0, %c0_i32, %c0_i32_0 : i32, i32, i32
  }
  func.func @transform_4(%arg0: i32) -> (i32, i32, i32) {
    %c0_i32 = arith.constant 0 : i32
    %c0_i32_0 = arith.constant 0 : i32
    %c0_i32_1 = arith.constant 0 : i32
    return %arg0, %c0_i32, %c0_i32_0 : i32, i32, i32
  }
  func.func @transform_5(%arg0: i32) -> (i32, i32, i32) {
    %c0_i32 = arith.constant 0 : i32
    %c0_i32_0 = arith.constant 0 : i32
    %c0_i32_1 = arith.constant 0 : i32
    return %arg0, %c0_i32, %c0_i32_0 : i32, i32, i32
  }
  func.func @transform_6(%arg0: i32) -> (i32, i32, i32) {
    %c0_i32 = arith.constant 0 : i32
    %c0_i32_0 = arith.constant 0 : i32
    %c0_i32_1 = arith.constant 0 : i32
    return %arg0, %c0_i32, %c0_i32_0 : i32, i32, i32
  }
}

module attributes {stable_mosaic.version = 14 : i64} {
  func.func @_fps_body(%arg0: memref<16x8192xf32, #tpu.memory_space<vmem>>, %arg1: memref<16x8192xf32, #tpu.memory_space<vmem>>, %arg2: memref<16x8192xf32, #tpu.memory_space<vmem>>, %arg3: memref<16x256xf32, #tpu.memory_space<vmem>>, %arg4: memref<16x256xf32, #tpu.memory_space<vmem>>, %arg5: memref<16x256xf32, #tpu.memory_space<vmem>>, %arg6: memref<16x8192xf32, #tpu.memory_space<vmem>>) attributes {dimension_semantics = [], scalar_prefetch = 0 : i64, scratch_operands = 1 : i64, tpu.core_type = #tpu.core_type<tc>} {
    %broadcast_in_dim3A = arith.constant 1.000000e+10 : f32
    %broadcast_in_dim3A_0 = vector.broadcast %broadcast_in_dim3A : f32 to vector<16x8192xf32>
    %swap3A = arith.constant 0 : index
    %swap3A_1 = arith.constant 0 : index
    %swap3A_2 = vector.load %arg6[%swap3A, %swap3A_1] : memref<16x8192xf32, #tpu.memory_space<vmem>>, vector<16x8192xf32>
    tpu.vector_store %arg6[%swap3A, %swap3A_1], %broadcast_in_dim3A_0 {strides = array<i32>} : memref<16x8192xf32, #tpu.memory_space<vmem>>, vector<16x8192xf32>,
    %iota3A = tpu.iota {dimensions = array<i32: 1>} : vector<16x256xi32>
    %iota3A_3 = tpu.iota {dimensions = array<i32: 1>} : vector<16x256xi32>
    %broadcast_in_dim3A_4 = arith.constant 0.000000e+00 : f32
    %broadcast_in_dim3A_5 = vector.broadcast %broadcast_in_dim3A_4 : f32 to vector<16x256xf32>
    %get3A = arith.constant 0 : index
    %get3A_6 = arith.constant 0 : index
    %get3A_7 = vector.load %arg0[%get3A, %get3A_6] : memref<16x8192xf32, #tpu.memory_space<vmem>>, vector<16x1xf32>
    %get3A_8 = arith.constant 0 : index
    %get3A_9 = arith.constant 0 : index
    %get3A_10 = vector.load %arg1[%get3A_8, %get3A_9] : memref<16x8192xf32, #tpu.memory_space<vmem>>, vector<16x1xf32>
    %get3A_11 = arith.constant 0 : index
    %get3A_12 = arith.constant 0 : index
    %get3A_13 = vector.load %arg2[%get3A_11, %get3A_12] : memref<16x8192xf32, #tpu.memory_space<vmem>>, vector<16x1xf32>
    %scan3A = arith.constant 0 : i32
    %scan3A_14 = arith.constant 256 : i32
    %scan3A_15 = arith.addi %scan3A, %scan3A_14 : i32
    %scan3A_16 = arith.constant 1 : i32
    %scan3A_17:6 = scf.for %scan3A_28 = %scan3A to %scan3A_15 step %scan3A_16 iter_args(%scan3A_29 = %get3A_7, %scan3A_30 = %get3A_10, %scan3A_31 = %get3A_13, %scan3A_32 = %broadcast_in_dim3A_5, %scan3A_33 = %broadcast_in_dim3A_5, %scan3A_34 = %broadcast_in_dim3A_5) -> (vector<16x1xf32>, vector<16x1xf32>, vector<16x1xf32>, vector<16x256xf32>, vector<16x256xf32>, vector<16x256xf32>)  : i32 {
      %eq3A = vector.broadcast %scan3A_28 : i32 to vector<16x256xi32>
      %eq3A_35 = arith.cmpi eq, %iota3A, %eq3A : vector<16x256xi32>
      %broadcast_in_dim3A_36 = vector.shape_cast %scan3A_29 : vector<16x1xf32> to vector<16x1xf32>
      %broadcast_in_dim3A_37 = vector.broadcast %broadcast_in_dim3A_36 : vector<16x1xf32> to vector<16x256xf32>
      %select_n3A = arith.select %eq3A_35, %broadcast_in_dim3A_37, %scan3A_32 : vector<16x256xi1>, vector<16x256xf32>
      %broadcast_in_dim3A_38 = vector.shape_cast %scan3A_30 : vector<16x1xf32> to vector<16x1xf32>
      %broadcast_in_dim3A_39 = vector.broadcast %broadcast_in_dim3A_38 : vector<16x1xf32> to vector<16x256xf32>
      %select_n3A_40 = arith.select %eq3A_35, %broadcast_in_dim3A_39, %scan3A_33 : vector<16x256xi1>, vector<16x256xf32>
      %broadcast_in_dim3A_41 = vector.shape_cast %scan3A_31 : vector<16x1xf32> to vector<16x1xf32>
      %broadcast_in_dim3A_42 = vector.broadcast %broadcast_in_dim3A_41 : vector<16x1xf32> to vector<16x256xf32>
      %select_n3A_43 = arith.select %eq3A_35, %broadcast_in_dim3A_42, %scan3A_34 : vector<16x256xi1>, vector<16x256xf32>
      %get3A_44 = arith.constant 0 : index
      %get3A_45 = arith.constant 0 : index
      %get3A_46 = vector.load %arg0[%get3A_44, %get3A_45] : memref<16x8192xf32, #tpu.memory_space<vmem>>, vector<16x256xf32>
      %get3A_47 = arith.constant 0 : index
      %get3A_48 = arith.constant 0 : index
      %get3A_49 = vector.load %arg1[%get3A_47, %get3A_48] : memref<16x8192xf32, #tpu.memory_space<vmem>>, vector<16x256xf32>
      %get3A_50 = arith.constant 0 : index
      %get3A_51 = arith.constant 0 : index
      %get3A_52 = vector.load %arg2[%get3A_50, %get3A_51] : memref<16x8192xf32, #tpu.memory_space<vmem>>, vector<16x256xf32>
      %sub3A = vector.broadcast %scan3A_29 : vector<16x1xf32> to vector<16x256xf32>
      %sub3A_53 = arith.subf %get3A_46, %sub3A : vector<16x256xf32>
      %sub3A_54 = vector.broadcast %scan3A_30 : vector<16x1xf32> to vector<16x256xf32>
      %sub3A_55 = arith.subf %get3A_49, %sub3A_54 : vector<16x256xf32>
      %sub3A_56 = vector.broadcast %scan3A_31 : vector<16x1xf32> to vector<16x256xf32>
      %sub3A_57 = arith.subf %get3A_52, %sub3A_56 : vector<16x256xf32>
      %mul3A = arith.mulf %sub3A_53, %sub3A_53 : vector<16x256xf32>
      %mul3A_58 = arith.mulf %sub3A_55, %sub3A_55 : vector<16x256xf32>
      %add3A = arith.addf %mul3A, %mul3A_58 : vector<16x256xf32>
      %mul3A_59 = arith.mulf %sub3A_57, %sub3A_57 : vector<16x256xf32>
      %add3A_60 = arith.addf %add3A, %mul3A_59 : vector<16x256xf32>
      %get3A_61 = arith.constant 0 : index
      %get3A_62 = arith.constant 0 : index
      %get3A_63 = vector.load %arg6[%get3A_61, %get3A_62] : memref<16x8192xf32, #tpu.memory_space<vmem>>, vector<16x256xf32>
      %min3A = arith.minimumf %get3A_63, %add3A_60 : vector<16x256xf32>
      %swap3A_64 = arith.constant 0 : index
      %swap3A_65 = arith.constant 0 : index
      %swap3A_66 = vector.load %arg6[%swap3A_64, %swap3A_65] : memref<16x8192xf32, #tpu.memory_space<vmem>>, vector<16x256xf32>
      tpu.vector_store %arg6[%swap3A_64, %swap3A_65], %min3A {strides = array<i32>} : memref<16x8192xf32, #tpu.memory_space<vmem>>, vector<16x256xf32>,
      %get3A_67 = arith.constant 0 : index
      %get3A_68 = arith.constant 256 : index
      %get3A_69 = vector.load %arg0[%get3A_67, %get3A_68] : memref<16x8192xf32, #tpu.memory_space<vmem>>, vector<16x256xf32>
      %get3A_70 = arith.constant 0 : index
      %get3A_71 = arith.constant 256 : index
      %get3A_72 = vector.load %arg1[%get3A_70, %get3A_71] : memref<16x8192xf32, #tpu.memory_space<vmem>>, vector<16x256xf32>
      %get3A_73 = arith.constant 0 : index
      %get3A_74 = arith.constant 256 : index
      %get3A_75 = vector.load %arg2[%get3A_73, %get3A_74] : memref<16x8192xf32, #tpu.memory_space<vmem>>, vector<16x256xf32>
      %sub3A_76 = vector.broadcast %scan3A_29 : vector<16x1xf32> to vector<16x256xf32>
      %sub3A_77 = arith.subf %get3A_69, %sub3A_76 : vector<16x256xf32>
      %sub3A_78 = vector.broadcast %scan3A_30 : vector<16x1xf32> to vector<16x256xf32>
      %sub3A_79 = arith.subf %get3A_72, %sub3A_78 : vector<16x256xf32>
      %sub3A_80 = vector.broadcast %scan3A_31 : vector<16x1xf32> to vector<16x256xf32>
      %sub3A_81 = arith.subf %get3A_75, %sub3A_80 : vector<16x256xf32>
      %mul3A_82 = arith.mulf %sub3A_77, %sub3A_77 : vector<16x256xf32>
      %mul3A_83 = arith.mulf %sub3A_79, %sub3A_79 : vector<16x256xf32>
      %add3A_84 = arith.addf %mul3A_82, %mul3A_83 : vector<16x256xf32>
      %mul3A_85 = arith.mulf %sub3A_81, %sub3A_81 : vector<16x256xf32>
      %add3A_86 = arith.addf %add3A_84, %mul3A_85 : vector<16x256xf32>
      %get3A_87 = arith.constant 0 : index
      %get3A_88 = arith.constant 256 : index
      %get3A_89 = vector.load %arg6[%get3A_87, %get3A_88] : memref<16x8192xf32, #tpu.memory_space<vmem>>, vector<16x256xf32>
      %min3A_90 = arith.minimumf %get3A_89, %add3A_86 : vector<16x256xf32>
      %swap3A_91 = arith.constant 0 : index
      %swap3A_92 = arith.constant 256 : index
      %swap3A_93 = vector.load %arg6[%swap3A_91, %swap3A_92] : memref<16x8192xf32, #tpu.memory_space<vmem>>, vector<16x256xf32>
      tpu.vector_store %arg6[%swap3A_91, %swap3A_92], %min3A_90 {strides = array<i32>} : memref<16x8192xf32, #tpu.memory_space<vmem>>, vector<16x256xf32>,
      %gt3A = arith.cmpf ogt, %min3A_90, %min3A : vector<16x256xf32>
      %select_n3A_94 = arith.select %gt3A, %min3A_90, %min3A : vector<16x256xi1>, vector<16x256xf32>
      %add3A_95 = arith.constant 256 : i32
      %add3A_96 = vector.broadcast %add3A_95 : i32 to vector<16x256xi32>
      %add3A_97 = arith.addi %add3A_96, %iota3A_3 : vector<16x256xi32>
      %select_n3A_98 = arith.select %gt3A, %add3A_97, %iota3A_3 : vector<16x256xi1>, vector<16x256xi32>
      %select_n3A_99 = arith.select %gt3A, %get3A_69, %get3A_46 : vector<16x256xi1>, vector<16x256xf32>
      %select_n3A_100 = arith.select %gt3A, %get3A_72, %get3A_49 : vector<16x256xi1>, vector<16x256xf32>
      %select_n3A_101 = arith.select %gt3A, %get3A_75, %get3A_52 : vector<16x256xi1>, vector<16x256xf32>
      %get3A_102 = arith.constant 0 : index
      %get3A_103 = arith.constant 512 : index
      %get3A_104 = vector.load %arg0[%get3A_102, %get3A_103] : memref<16x8192xf32, #tpu.memory_space<vmem>>, vector<16x256xf32>
      %get3A_105 = arith.constant 0 : index
      %get3A_106 = arith.constant 512 : index
      %get3A_107 = vector.load %arg1[%get3A_105, %get3A_106] : memref<16x8192xf32, #tpu.memory_space<vmem>>, vector<16x256xf32>
      %get3A_108 = arith.constant 0 : index
      %get3A_109 = arith.constant 512 : index
      %get3A_110 = vector.load %arg2[%get3A_108, %get3A_109] : memref<16x8192xf32, #tpu.memory_space<vmem>>, vector<16x256xf32>
      %sub3A_111 = vector.broadcast %scan3A_29 : vector<16x1xf32> to vector<16x256xf32>
      %sub3A_112 = arith.subf %get3A_104, %sub3A_111 : vector<16x256xf32>
      %sub3A_113 = vector.broadcast %scan3A_30 : vector<16x1xf32> to vector<16x256xf32>
      %sub3A_114 = arith.subf %get3A_107, %sub3A_113 : vector<16x256xf32>
      %sub3A_115 = vector.broadcast %scan3A_31 : vector<16x1xf32> to vector<16x256xf32>
      %sub3A_116 = arith.subf %get3A_110, %sub3A_115 : vector<16x256xf32>
      %mul3A_117 = arith.mulf %sub3A_112, %sub3A_112 : vector<16x256xf32>
      %mul3A_118 = arith.mulf %sub3A_114, %sub3A_114 : vector<16x256xf32>
      %add3A_119 = arith.addf %mul3A_117, %mul3A_118 : vector<16x256xf32>
      %mul3A_120 = arith.mulf %sub3A_116, %sub3A_116 : vector<16x256xf32>
      %add3A_121 = arith.addf %add3A_119, %mul3A_120 : vector<16x256xf32>
      %get3A_122 = arith.constant 0 : index
      %get3A_123 = arith.constant 512 : index
      %get3A_124 = vector.load %arg6[%get3A_122, %get3A_123] : memref<16x8192xf32, #tpu.memory_space<vmem>>, vector<16x256xf32>
      %min3A_125 = arith.minimumf %get3A_124, %add3A_121 : vector<16x256xf32>
      %swap3A_126 = arith.constant 0 : index
      %swap3A_127 = arith.constant 512 : index
      %swap3A_128 = vector.load %arg6[%swap3A_126, %swap3A_127] : memref<16x8192xf32, #tpu.memory_space<vmem>>, vector<16x256xf32>
      tpu.vector_store %arg6[%swap3A_126, %swap3A_127], %min3A_125 {strides = array<i32>} : memref<16x8192xf32, #tpu.memory_space<vmem>>, vector<16x256xf32>,
      %gt3A_129 = arith.cmpf ogt, %min3A_125, %select_n3A_94 : vector<16x256xf32>
      %select_n3A_130 = arith.select %gt3A_129, %min3A_125, %select_n3A_94 : vector<16x256xi1>, vector<16x256xf32>
      %add3A_131 = arith.constant 512 : i32
      %add3A_132 = vector.broadcast %add3A_131 : i32 to vector<16x256xi32>
      %add3A_133 = arith.addi %add3A_132, %iota3A_3 : vector<16x256xi32>
      %select_n3A_134 = arith.select %gt3A_129, %add3A_133, %select_n3A_98 : vector<16x256xi1>, vector<16x256xi32>
      %select_n3A_135 = arith.select %gt3A_129, %get3A_104, %select_n3A_99 : vector<16x256xi1>, vector<16x256xf32>
      %select_n3A_136 = arith.select %gt3A_129, %get3A_107, %select_n3A_100 : vector<16x256xi1>, vector<16x256xf32>
      %select_n3A_137 = arith.select %gt3A_129, %get3A_110, %select_n3A_101 : vector<16x256xi1>, vector<16x256xf32>
      %get3A_138 = arith.constant 0 : index
      %get3A_139 = arith.constant 768 : index
      %get3A_140 = vector.load %arg0[%get3A_138, %get3A_139] : memref<16x8192xf32, #tpu.memory_space<vmem>>, vector<16x256xf32>
      %get3A_141 = arith.constant 0 : index
      %get3A_142 = arith.constant 768 : index
      %get3A_143 = vector.load %arg1[%get3A_141, %get3A_142] : memref<16x8192xf32, #tpu.memory_space<vmem>>, vector<16x256xf32>
      %get3A_144 = arith.constant 0 : index
      %get3A_145 = arith.constant 768 : index
      %get3A_146 = vector.load %arg2[%get3A_144, %get3A_145] : memref<16x8192xf32, #tpu.memory_space<vmem>>, vector<16x256xf32>
      %sub3A_147 = vector.broadcast %scan3A_29 : vector<16x1xf32> to vector<16x256xf32>
      %sub3A_148 = arith.subf %get3A_140, %sub3A_147 : vector<16x256xf32>
      %sub3A_149 = vector.broadcast %scan3A_30 : vector<16x1xf32> to vector<16x256xf32>
      %sub3A_150 = arith.subf %get3A_143, %sub3A_149 : vector<16x256xf32>
      %sub3A_151 = vector.broadcast %scan3A_31 : vector<16x1xf32> to vector<16x256xf32>
      %sub3A_152 = arith.subf %get3A_146, %sub3A_151 : vector<16x256xf32>
      %mul3A_153 = arith.mulf %sub3A_148, %sub3A_148 : vector<16x256xf32>
      %mul3A_154 = arith.mulf %sub3A_150, %sub3A_150 : vector<16x256xf32>
      %add3A_155 = arith.addf %mul3A_153, %mul3A_154 : vector<16x256xf32>
      %mul3A_156 = arith.mulf %sub3A_152, %sub3A_152 : vector<16x256xf32>
      %add3A_157 = arith.addf %add3A_155, %mul3A_156 : vector<16x256xf32>
      %get3A_158 = arith.constant 0 : index
      %get3A_159 = arith.constant 768 : index
      %get3A_160 = vector.load %arg6[%get3A_158, %get3A_159] : memref<16x8192xf32, #tpu.memory_space<vmem>>, vector<16x256xf32>
      %min3A_161 = arith.minimumf %get3A_160, %add3A_157 : vector<16x256xf32>
      %swap3A_162 = arith.constant 0 : index
      %swap3A_163 = arith.constant 768 : index
      %swap3A_164 = vector.load %arg6[%swap3A_162, %swap3A_163] : memref<16x8192xf32, #tpu.memory_space<vmem>>, vector<16x256xf32>
      tpu.vector_store %arg6[%swap3A_162, %swap3A_163], %min3A_161 {strides = array<i32>} : memref<16x8192xf32, #tpu.memory_space<vmem>>, vector<16x256xf32>,
      %gt3A_165 = arith.cmpf ogt, %min3A_161, %select_n3A_130 : vector<16x256xf32>
      %select_n3A_166 = arith.select %gt3A_165, %min3A_161, %select_n3A_130 : vector<16x256xi1>, vector<16x256xf32>
      %add3A_167 = arith.constant 768 : i32
      %add3A_168 = vector.broadcast %add3A_167 : i32 to vector<16x256xi32>
      %add3A_169 = arith.addi %add3A_168, %iota3A_3 : vector<16x256xi32>
      %select_n3A_170 = arith.select %gt3A_165, %add3A_169, %select_n3A_134 : vector<16x256xi1>, vector<16x256xi32>
      %select_n3A_171 = arith.select %gt3A_165, %get3A_140, %select_n3A_135 : vector<16x256xi1>, vector<16x256xf32>
      %select_n3A_172 = arith.select %gt3A_165, %get3A_143, %select_n3A_136 : vector<16x256xi1>, vector<16x256xf32>
      %select_n3A_173 = arith.select %gt3A_165, %get3A_146, %select_n3A_137 : vector<16x256xi1>, vector<16x256xf32>
      %get3A_174 = arith.constant 0 : index
      %get3A_175 = arith.constant 1024 : index
      %get3A_176 = vector.load %arg0[%get3A_174, %get3A_175] : memref<16x8192xf32, #tpu.memory_space<vmem>>, vector<16x256xf32>
      %get3A_177 = arith.constant 0 : index
      %get3A_178 = arith.constant 1024 : index
      %get3A_179 = vector.load %arg1[%get3A_177, %get3A_178] : memref<16x8192xf32, #tpu.memory_space<vmem>>, vector<16x256xf32>
      %get3A_180 = arith.constant 0 : index
      %get3A_181 = arith.constant 1024 : index
      %get3A_182 = vector.load %arg2[%get3A_180, %get3A_181] : memref<16x8192xf32, #tpu.memory_space<vmem>>, vector<16x256xf32>
      %sub3A_183 = vector.broadcast %scan3A_29 : vector<16x1xf32> to vector<16x256xf32>
      %sub3A_184 = arith.subf %get3A_176, %sub3A_183 : vector<16x256xf32>
      %sub3A_185 = vector.broadcast %scan3A_30 : vector<16x1xf32> to vector<16x256xf32>
      %sub3A_186 = arith.subf %get3A_179, %sub3A_185 : vector<16x256xf32>
      %sub3A_187 = vector.broadcast %scan3A_31 : vector<16x1xf32> to vector<16x256xf32>
      %sub3A_188 = arith.subf %get3A_182, %sub3A_187 : vector<16x256xf32>
      %mul3A_189 = arith.mulf %sub3A_184, %sub3A_184 : vector<16x256xf32>
      %mul3A_190 = arith.mulf %sub3A_186, %sub3A_186 : vector<16x256xf32>
      %add3A_191 = arith.addf %mul3A_189, %mul3A_190 : vector<16x256xf32>
      %mul3A_192 = arith.mulf %sub3A_188, %sub3A_188 : vector<16x256xf32>
      %add3A_193 = arith.addf %add3A_191, %mul3A_192 : vector<16x256xf32>
      %get3A_194 = arith.constant 0 : index
      %get3A_195 = arith.constant 1024 : index
      %get3A_196 = vector.load %arg6[%get3A_194, %get3A_195] : memref<16x8192xf32, #tpu.memory_space<vmem>>, vector<16x256xf32>
      %min3A_197 = arith.minimumf %get3A_196, %add3A_193 : vector<16x256xf32>
      %swap3A_198 = arith.constant 0 : index
      %swap3A_199 = arith.constant 1024 : index
      %swap3A_200 = vector.load %arg6[%swap3A_198, %swap3A_199] : memref<16x8192xf32, #tpu.memory_space<vmem>>, vector<16x256xf32>
      tpu.vector_store %arg6[%swap3A_198, %swap3A_199], %min3A_197 {strides = array<i32>} : memref<16x8192xf32, #tpu.memory_space<vmem>>, vector<16x256xf32>,
      %gt3A_201 = arith.cmpf ogt, %min3A_197, %select_n3A_166 : vector<16x256xf32>
      %select_n3A_202 = arith.select %gt3A_201, %min3A_197, %select_n3A_166 : vector<16x256xi1>, vector<16x256xf32>
      %add3A_203 = arith.constant 1024 : i32
      %add3A_204 = vector.broadcast %add3A_203 : i32 to vector<16x256xi32>
      %add3A_205 = arith.addi %add3A_204, %iota3A_3 : vector<16x256xi32>
      %select_n3A_206 = arith.select %gt3A_201, %add3A_205, %select_n3A_170 : vector<16x256xi1>, vector<16x256xi32>
      %select_n3A_207 = arith.select %gt3A_201, %get3A_176, %select_n3A_171 : vector<16x256xi1>, vector<16x256xf32>
      %select_n3A_208 = arith.select %gt3A_201, %get3A_179, %select_n3A_172 : vector<16x256xi1>, vector<16x256xf32>
      %select_n3A_209 = arith.select %gt3A_201, %get3A_182, %select_n3A_173 : vector<16x256xi1>, vector<16x256xf32>
      %get3A_210 = arith.constant 0 : index
      %get3A_211 = arith.constant 1280 : index
      %get3A_212 = vector.load %arg0[%get3A_210, %get3A_211] : memref<16x8192xf32, #tpu.memory_space<vmem>>, vector<16x256xf32>
      %get3A_213 = arith.constant 0 : index
      %get3A_214 = arith.constant 1280 : index
      %get3A_215 = vector.load %arg1[%get3A_213, %get3A_214] : memref<16x8192xf32, #tpu.memory_space<vmem>>, vector<16x256xf32>
      %get3A_216 = arith.constant 0 : index
      %get3A_217 = arith.constant 1280 : index
      %get3A_218 = vector.load %arg2[%get3A_216, %get3A_217] : memref<16x8192xf32, #tpu.memory_space<vmem>>, vector<16x256xf32>
      %sub3A_219 = vector.broadcast %scan3A_29 : vector<16x1xf32> to vector<16x256xf32>
      %sub3A_220 = arith.subf %get3A_212, %sub3A_219 : vector<16x256xf32>
      %sub3A_221 = vector.broadcast %scan3A_30 : vector<16x1xf32> to vector<16x256xf32>
      %sub3A_222 = arith.subf %get3A_215, %sub3A_221 : vector<16x256xf32>
      %sub3A_223 = vector.broadcast %scan3A_31 : vector<16x1xf32> to vector<16x256xf32>
      %sub3A_224 = arith.subf %get3A_218, %sub3A_223 : vector<16x256xf32>
      %mul3A_225 = arith.mulf %sub3A_220, %sub3A_220 : vector<16x256xf32>
      %mul3A_226 = arith.mulf %sub3A_222, %sub3A_222 : vector<16x256xf32>
      %add3A_227 = arith.addf %mul3A_225, %mul3A_226 : vector<16x256xf32>
      %mul3A_228 = arith.mulf %sub3A_224, %sub3A_224 : vector<16x256xf32>
      %add3A_229 = arith.addf %add3A_227, %mul3A_228 : vector<16x256xf32>
      %get3A_230 = arith.constant 0 : index
      %get3A_231 = arith.constant 1280 : index
      %get3A_232 = vector.load %arg6[%get3A_230, %get3A_231] : memref<16x8192xf32, #tpu.memory_space<vmem>>, vector<16x256xf32>
      %min3A_233 = arith.minimumf %get3A_232, %add3A_229 : vector<16x256xf32>
      %swap3A_234 = arith.constant 0 : index
      %swap3A_235 = arith.constant 1280 : index
      %swap3A_236 = vector.load %arg6[%swap3A_234, %swap3A_235] : memref<16x8192xf32, #tpu.memory_space<vmem>>, vector<16x256xf32>
      tpu.vector_store %arg6[%swap3A_234, %swap3A_235], %min3A_233 {strides = array<i32>} : memref<16x8192xf32, #tpu.memory_space<vmem>>, vector<16x256xf32>,
      %gt3A_237 = arith.cmpf ogt, %min3A_233, %select_n3A_202 : vector<16x256xf32>
      %select_n3A_238 = arith.select %gt3A_237, %min3A_233, %select_n3A_202 : vector<16x256xi1>, vector<16x256xf32>
      %add3A_239 = arith.constant 1280 : i32
      %add3A_240 = vector.broadcast %add3A_239 : i32 to vector<16x256xi32>
      %add3A_241 = arith.addi %add3A_240, %iota3A_3 : vector<16x256xi32>
      %select_n3A_242 = arith.select %gt3A_237, %add3A_241, %select_n3A_206 : vector<16x256xi1>, vector<16x256xi32>
      %select_n3A_243 = arith.select %gt3A_237, %get3A_212, %select_n3A_207 : vector<16x256xi1>, vector<16x256xf32>
      %select_n3A_244 = arith.select %gt3A_237, %get3A_215, %select_n3A_208 : vector<16x256xi1>, vector<16x256xf32>
      %select_n3A_245 = arith.select %gt3A_237, %get3A_218, %select_n3A_209 : vector<16x256xi1>, vector<16x256xf32>
      %get3A_246 = arith.constant 0 : index
      %get3A_247 = arith.constant 1536 : index
      %get3A_248 = vector.load %arg0[%get3A_246, %get3A_247] : memref<16x8192xf32, #tpu.memory_space<vmem>>, vector<16x256xf32>
      %get3A_249 = arith.constant 0 : index
      %get3A_250 = arith.constant 1536 : index
      %get3A_251 = vector.load %arg1[%get3A_249, %get3A_250] : memref<16x8192xf32, #tpu.memory_space<vmem>>, vector<16x256xf32>
      %get3A_252 = arith.constant 0 : index
      %get3A_253 = arith.constant 1536 : index
      %get3A_254 = vector.load %arg2[%get3A_252, %get3A_253] : memref<16x8192xf32, #tpu.memory_space<vmem>>, vector<16x256xf32>
      %sub3A_255 = vector.broadcast %scan3A_29 : vector<16x1xf32> to vector<16x256xf32>
      %sub3A_256 = arith.subf %get3A_248, %sub3A_255 : vector<16x256xf32>
      %sub3A_257 = vector.broadcast %scan3A_30 : vector<16x1xf32> to vector<16x256xf32>
      %sub3A_258 = arith.subf %get3A_251, %sub3A_257 : vector<16x256xf32>
      %sub3A_259 = vector.broadcast %scan3A_31 : vector<16x1xf32> to vector<16x256xf32>
      %sub3A_260 = arith.subf %get3A_254, %sub3A_259 : vector<16x256xf32>
      %mul3A_261 = arith.mulf %sub3A_256, %sub3A_256 : vector<16x256xf32>
      %mul3A_262 = arith.mulf %sub3A_258, %sub3A_258 : vector<16x256xf32>
      %add3A_263 = arith.addf %mul3A_261, %mul3A_262 : vector<16x256xf32>
      %mul3A_264 = arith.mulf %sub3A_260, %sub3A_260 : vector<16x256xf32>
      %add3A_265 = arith.addf %add3A_263, %mul3A_264 : vector<16x256xf32>
      %get3A_266 = arith.constant 0 : index
      %get3A_267 = arith.constant 1536 : index
      %get3A_268 = vector.load %arg6[%get3A_266, %get3A_267] : memref<16x8192xf32, #tpu.memory_space<vmem>>, vector<16x256xf32>
      %min3A_269 = arith.minimumf %get3A_268, %add3A_265 : vector<16x256xf32>
      %swap3A_270 = arith.constant 0 : index
      %swap3A_271 = arith.constant 1536 : index
      %swap3A_272 = vector.load %arg6[%swap3A_270, %swap3A_271] : memref<16x8192xf32, #tpu.memory_space<vmem>>, vector<16x256xf32>
      tpu.vector_store %arg6[%swap3A_270, %swap3A_271], %min3A_269 {strides = array<i32>} : memref<16x8192xf32, #tpu.memory_space<vmem>>, vector<16x256xf32>,
      %gt3A_273 = arith.cmpf ogt, %min3A_269, %select_n3A_238 : vector<16x256xf32>
      %select_n3A_274 = arith.select %gt3A_273, %min3A_269, %select_n3A_238 : vector<16x256xi1>, vector<16x256xf32>
      %add3A_275 = arith.constant 1536 : i32
      %add3A_276 = vector.broadcast %add3A_275 : i32 to vector<16x256xi32>
      %add3A_277 = arith.addi %add3A_276, %iota3A_3 : vector<16x256xi32>
      %select_n3A_278 = arith.select %gt3A_273, %add3A_277, %select_n3A_242 : vector<16x256xi1>, vector<16x256xi32>
      %select_n3A_279 = arith.select %gt3A_273, %get3A_248, %select_n3A_243 : vector<16x256xi1>, vector<16x256xf32>
      %select_n3A_280 = arith.select %gt3A_273, %get3A_251, %select_n3A_244 : vector<16x256xi1>, vector<16x256xf32>
      %select_n3A_281 = arith.select %gt3A_273, %get3A_254, %select_n3A_245 : vector<16x256xi1>, vector<16x256xf32>
      %get3A_282 = arith.constant 0 : index
      %get3A_283 = arith.constant 1792 : index
      %get3A_284 = vector.load %arg0[%get3A_282, %get3A_283] : memref<16x8192xf32, #tpu.memory_space<vmem>>, vector<16x256xf32>
      %get3A_285 = arith.constant 0 : index
      %get3A_286 = arith.constant 1792 : index
      %get3A_287 = vector.load %arg1[%get3A_285, %get3A_286] : memref<16x8192xf32, #tpu.memory_space<vmem>>, vector<16x256xf32>
      %get3A_288 = arith.constant 0 : index
      %get3A_289 = arith.constant 1792 : index
      %get3A_290 = vector.load %arg2[%get3A_288, %get3A_289] : memref<16x8192xf32, #tpu.memory_space<vmem>>, vector<16x256xf32>
      %sub3A_291 = vector.broadcast %scan3A_29 : vector<16x1xf32> to vector<16x256xf32>
      %sub3A_292 = arith.subf %get3A_284, %sub3A_291 : vector<16x256xf32>
      %sub3A_293 = vector.broadcast %scan3A_30 : vector<16x1xf32> to vector<16x256xf32>
      %sub3A_294 = arith.subf %get3A_287, %sub3A_293 : vector<16x256xf32>
      %sub3A_295 = vector.broadcast %scan3A_31 : vector<16x1xf32> to vector<16x256xf32>
      %sub3A_296 = arith.subf %get3A_290, %sub3A_295 : vector<16x256xf32>
      %mul3A_297 = arith.mulf %sub3A_292, %sub3A_292 : vector<16x256xf32>
      %mul3A_298 = arith.mulf %sub3A_294, %sub3A_294 : vector<16x256xf32>
      %add3A_299 = arith.addf %mul3A_297, %mul3A_298 : vector<16x256xf32>
      %mul3A_300 = arith.mulf %sub3A_296, %sub3A_296 : vector<16x256xf32>
      %add3A_301 = arith.addf %add3A_299, %mul3A_300 : vector<16x256xf32>
      %get3A_302 = arith.constant 0 : index
      %get3A_303 = arith.constant 1792 : index
      %get3A_304 = vector.load %arg6[%get3A_302, %get3A_303] : memref<16x8192xf32, #tpu.memory_space<vmem>>, vector<16x256xf32>
      %min3A_305 = arith.minimumf %get3A_304, %add3A_301 : vector<16x256xf32>
      %swap3A_306 = arith.constant 0 : index
      %swap3A_307 = arith.constant 1792 : index
      %swap3A_308 = vector.load %arg6[%swap3A_306, %swap3A_307] : memref<16x8192xf32, #tpu.memory_space<vmem>>, vector<16x256xf32>
      tpu.vector_store %arg6[%swap3A_306, %swap3A_307], %min3A_305 {strides = array<i32>} : memref<16x8192xf32, #tpu.memory_space<vmem>>, vector<16x256xf32>,
      %gt3A_309 = arith.cmpf ogt, %min3A_305, %select_n3A_274 : vector<16x256xf32>
      %select_n3A_310 = arith.select %gt3A_309, %min3A_305, %select_n3A_274 : vector<16x256xi1>, vector<16x256xf32>
      %add3A_311 = arith.constant 1792 : i32
      %add3A_312 = vector.broadcast %add3A_311 : i32 to vector<16x256xi32>
      %add3A_313 = arith.addi %add3A_312, %iota3A_3 : vector<16x256xi32>
      %select_n3A_314 = arith.select %gt3A_309, %add3A_313, %select_n3A_278 : vector<16x256xi1>, vector<16x256xi32>
      %select_n3A_315 = arith.select %gt3A_309, %get3A_284, %select_n3A_279 : vector<16x256xi1>, vector<16x256xf32>
      %select_n3A_316 = arith.select %gt3A_309, %get3A_287, %select_n3A_280 : vector<16x256xi1>, vector<16x256xf32>
      %select_n3A_317 = arith.select %gt3A_309, %get3A_290, %select_n3A_281 : vector<16x256xi1>, vector<16x256xf32>
      %get3A_318 = arith.constant 0 : index
      %get3A_319 = arith.constant 2048 : index
      %get3A_320 = vector.load %arg0[%get3A_318, %get3A_319] : memref<16x8192xf32, #tpu.memory_space<vmem>>, vector<16x256xf32>
      %get3A_321 = arith.constant 0 : index
      %get3A_322 = arith.constant 2048 : index
      %get3A_323 = vector.load %arg1[%get3A_321, %get3A_322] : memref<16x8192xf32, #tpu.memory_space<vmem>>, vector<16x256xf32>
      %get3A_324 = arith.constant 0 : index
      %get3A_325 = arith.constant 2048 : index
      %get3A_326 = vector.load %arg2[%get3A_324, %get3A_325] : memref<16x8192xf32, #tpu.memory_space<vmem>>, vector<16x256xf32>
      %sub3A_327 = vector.broadcast %scan3A_29 : vector<16x1xf32> to vector<16x256xf32>
      %sub3A_328 = arith.subf %get3A_320, %sub3A_327 : vector<16x256xf32>
      %sub3A_329 = vector.broadcast %scan3A_30 : vector<16x1xf32> to vector<16x256xf32>
      %sub3A_330 = arith.subf %get3A_323, %sub3A_329 : vector<16x256xf32>
      %sub3A_331 = vector.broadcast %scan3A_31 : vector<16x1xf32> to vector<16x256xf32>
      %sub3A_332 = arith.subf %get3A_326, %sub3A_331 : vector<16x256xf32>
      %mul3A_333 = arith.mulf %sub3A_328, %sub3A_328 : vector<16x256xf32>
      %mul3A_334 = arith.mulf %sub3A_330, %sub3A_330 : vector<16x256xf32>
      %add3A_335 = arith.addf %mul3A_333, %mul3A_334 : vector<16x256xf32>
      %mul3A_336 = arith.mulf %sub3A_332, %sub3A_332 : vector<16x256xf32>
      %add3A_337 = arith.addf %add3A_335, %mul3A_336 : vector<16x256xf32>
      %get3A_338 = arith.constant 0 : index
      %get3A_339 = arith.constant 2048 : index
      %get3A_340 = vector.load %arg6[%get3A_338, %get3A_339] : memref<16x8192xf32, #tpu.memory_space<vmem>>, vector<16x256xf32>
      %min3A_341 = arith.minimumf %get3A_340, %add3A_337 : vector<16x256xf32>
      %swap3A_342 = arith.constant 0 : index
      %swap3A_343 = arith.constant 2048 : index
      %swap3A_344 = vector.load %arg6[%swap3A_342, %swap3A_343] : memref<16x8192xf32, #tpu.memory_space<vmem>>, vector<16x256xf32>
      tpu.vector_store %arg6[%swap3A_342, %swap3A_343], %min3A_341 {strides = array<i32>} : memref<16x8192xf32, #tpu.memory_space<vmem>>, vector<16x256xf32>,
      %gt3A_345 = arith.cmpf ogt, %min3A_341, %select_n3A_310 : vector<16x256xf32>
      %select_n3A_346 = arith.select %gt3A_345, %min3A_341, %select_n3A_310 : vector<16x256xi1>, vector<16x256xf32>
      %add3A_347 = arith.constant 2048 : i32
      %add3A_348 = vector.broadcast %add3A_347 : i32 to vector<16x256xi32>
      %add3A_349 = arith.addi %add3A_348, %iota3A_3 : vector<16x256xi32>
      %select_n3A_350 = arith.select %gt3A_345, %add3A_349, %select_n3A_314 : vector<16x256xi1>, vector<16x256xi32>
      %select_n3A_351 = arith.select %gt3A_345, %get3A_320, %select_n3A_315 : vector<16x256xi1>, vector<16x256xf32>
      %select_n3A_352 = arith.select %gt3A_345, %get3A_323, %select_n3A_316 : vector<16x256xi1>, vector<16x256xf32>
      %select_n3A_353 = arith.select %gt3A_345, %get3A_326, %select_n3A_317 : vector<16x256xi1>, vector<16x256xf32>
      %get3A_354 = arith.constant 0 : index
      %get3A_355 = arith.constant 2304 : index
      %get3A_356 = vector.load %arg0[%get3A_354, %get3A_355] : memref<16x8192xf32, #tpu.memory_space<vmem>>, vector<16x256xf32>
      %get3A_357 = arith.constant 0 : index
      %get3A_358 = arith.constant 2304 : index
      %get3A_359 = vector.load %arg1[%get3A_357, %get3A_358] : memref<16x8192xf32, #tpu.memory_space<vmem>>, vector<16x256xf32>
      %get3A_360 = arith.constant 0 : index
      %get3A_361 = arith.constant 2304 : index
      %get3A_362 = vector.load %arg2[%get3A_360, %get3A_361] : memref<16x8192xf32, #tpu.memory_space<vmem>>, vector<16x256xf32>
      %sub3A_363 = vector.broadcast %scan3A_29 : vector<16x1xf32> to vector<16x256xf32>
      %sub3A_364 = arith.subf %get3A_356, %sub3A_363 : vector<16x256xf32>
      %sub3A_365 = vector.broadcast %scan3A_30 : vector<16x1xf32> to vector<16x256xf32>
      %sub3A_366 = arith.subf %get3A_359, %sub3A_365 : vector<16x256xf32>
      %sub3A_367 = vector.broadcast %scan3A_31 : vector<16x1xf32> to vector<16x256xf32>
      %sub3A_368 = arith.subf %get3A_362, %sub3A_367 : vector<16x256xf32>
      %mul3A_369 = arith.mulf %sub3A_364, %sub3A_364 : vector<16x256xf32>
      %mul3A_370 = arith.mulf %sub3A_366, %sub3A_366 : vector<16x256xf32>
      %add3A_371 = arith.addf %mul3A_369, %mul3A_370 : vector<16x256xf32>
      %mul3A_372 = arith.mulf %sub3A_368, %sub3A_368 : vector<16x256xf32>
      %add3A_373 = arith.addf %add3A_371, %mul3A_372 : vector<16x256xf32>
      %get3A_374 = arith.constant 0 : index
      %get3A_375 = arith.constant 2304 : index
      %get3A_376 = vector.load %arg6[%get3A_374, %get3A_375] : memref<16x8192xf32, #tpu.memory_space<vmem>>, vector<16x256xf32>
      %min3A_377 = arith.minimumf %get3A_376, %add3A_373 : vector<16x256xf32>
      %swap3A_378 = arith.constant 0 : index
      %swap3A_379 = arith.constant 2304 : index
      %swap3A_380 = vector.load %arg6[%swap3A_378, %swap3A_379] : memref<16x8192xf32, #tpu.memory_space<vmem>>, vector<16x256xf32>
      tpu.vector_store %arg6[%swap3A_378, %swap3A_379], %min3A_377 {strides = array<i32>} : memref<16x8192xf32, #tpu.memory_space<vmem>>, vector<16x256xf32>,
      %gt3A_381 = arith.cmpf ogt, %min3A_377, %select_n3A_346 : vector<16x256xf32>
      %select_n3A_382 = arith.select %gt3A_381, %min3A_377, %select_n3A_346 : vector<16x256xi1>, vector<16x256xf32>
      %add3A_383 = arith.constant 2304 : i32
      %add3A_384 = vector.broadcast %add3A_383 : i32 to vector<16x256xi32>
      %add3A_385 = arith.addi %add3A_384, %iota3A_3 : vector<16x256xi32>
      %select_n3A_386 = arith.select %gt3A_381, %add3A_385, %select_n3A_350 : vector<16x256xi1>, vector<16x256xi32>
      %select_n3A_387 = arith.select %gt3A_381, %get3A_356, %select_n3A_351 : vector<16x256xi1>, vector<16x256xf32>
      %select_n3A_388 = arith.select %gt3A_381, %get3A_359, %select_n3A_352 : vector<16x256xi1>, vector<16x256xf32>
      %select_n3A_389 = arith.select %gt3A_381, %get3A_362, %select_n3A_353 : vector<16x256xi1>, vector<16x256xf32>
      %get3A_390 = arith.constant 0 : index
      %get3A_391 = arith.constant 2560 : index
      %get3A_392 = vector.load %arg0[%get3A_390, %get3A_391] : memref<16x8192xf32, #tpu.memory_space<vmem>>, vector<16x256xf32>
      %get3A_393 = arith.constant 0 : index
      %get3A_394 = arith.constant 2560 : index
      %get3A_395 = vector.load %arg1[%get3A_393, %get3A_394] : memref<16x8192xf32, #tpu.memory_space<vmem>>, vector<16x256xf32>
      %get3A_396 = arith.constant 0 : index
      %get3A_397 = arith.constant 2560 : index
      %get3A_398 = vector.load %arg2[%get3A_396, %get3A_397] : memref<16x8192xf32, #tpu.memory_space<vmem>>, vector<16x256xf32>
      %sub3A_399 = vector.broadcast %scan3A_29 : vector<16x1xf32> to vector<16x256xf32>
      %sub3A_400 = arith.subf %get3A_392, %sub3A_399 : vector<16x256xf32>
      %sub3A_401 = vector.broadcast %scan3A_30 : vector<16x1xf32> to vector<16x256xf32>
      %sub3A_402 = arith.subf %get3A_395, %sub3A_401 : vector<16x256xf32>
      %sub3A_403 = vector.broadcast %scan3A_31 : vector<16x1xf32> to vector<16x256xf32>
      %sub3A_404 = arith.subf %get3A_398, %sub3A_403 : vector<16x256xf32>
      %mul3A_405 = arith.mulf %sub3A_400, %sub3A_400 : vector<16x256xf32>
      %mul3A_406 = arith.mulf %sub3A_402, %sub3A_402 : vector<16x256xf32>
      %add3A_407 = arith.addf %mul3A_405, %mul3A_406 : vector<16x256xf32>
      %mul3A_408 = arith.mulf %sub3A_404, %sub3A_404 : vector<16x256xf32>
      %add3A_409 = arith.addf %add3A_407, %mul3A_408 : vector<16x256xf32>
      %get3A_410 = arith.constant 0 : index
      %get3A_411 = arith.constant 2560 : index
      %get3A_412 = vector.load %arg6[%get3A_410, %get3A_411] : memref<16x8192xf32, #tpu.memory_space<vmem>>, vector<16x256xf32>
      %min3A_413 = arith.minimumf %get3A_412, %add3A_409 : vector<16x256xf32>
      %swap3A_414 = arith.constant 0 : index
      %swap3A_415 = arith.constant 2560 : index
      %swap3A_416 = vector.load %arg6[%swap3A_414, %swap3A_415] : memref<16x8192xf32, #tpu.memory_space<vmem>>, vector<16x256xf32>
      tpu.vector_store %arg6[%swap3A_414, %swap3A_415], %min3A_413 {strides = array<i32>} : memref<16x8192xf32, #tpu.memory_space<vmem>>, vector<16x256xf32>,
      %gt3A_417 = arith.cmpf ogt, %min3A_413, %select_n3A_382 : vector<16x256xf32>
      %select_n3A_418 = arith.select %gt3A_417, %min3A_413, %select_n3A_382 : vector<16x256xi1>, vector<16x256xf32>
      %add3A_419 = arith.constant 2560 : i32
      %add3A_420 = vector.broadcast %add3A_419 : i32 to vector<16x256xi32>
      %add3A_421 = arith.addi %add3A_420, %iota3A_3 : vector<16x256xi32>
      %select_n3A_422 = arith.select %gt3A_417, %add3A_421, %select_n3A_386 : vector<16x256xi1>, vector<16x256xi32>
      %select_n3A_423 = arith.select %gt3A_417, %get3A_392, %select_n3A_387 : vector<16x256xi1>, vector<16x256xf32>
      %select_n3A_424 = arith.select %gt3A_417, %get3A_395, %select_n3A_388 : vector<16x256xi1>, vector<16x256xf32>
      %select_n3A_425 = arith.select %gt3A_417, %get3A_398, %select_n3A_389 : vector<16x256xi1>, vector<16x256xf32>
      %get3A_426 = arith.constant 0 : index
      %get3A_427 = arith.constant 2816 : index
      %get3A_428 = vector.load %arg0[%get3A_426, %get3A_427] : memref<16x8192xf32, #tpu.memory_space<vmem>>, vector<16x256xf32>
      %get3A_429 = arith.constant 0 : index
      %get3A_430 = arith.constant 2816 : index
      %get3A_431 = vector.load %arg1[%get3A_429, %get3A_430] : memref<16x8192xf32, #tpu.memory_space<vmem>>, vector<16x256xf32>
      %get3A_432 = arith.constant 0 : index
      %get3A_433 = arith.constant 2816 : index
      %get3A_434 = vector.load %arg2[%get3A_432, %get3A_433] : memref<16x8192xf32, #tpu.memory_space<vmem>>, vector<16x256xf32>
      %sub3A_435 = vector.broadcast %scan3A_29 : vector<16x1xf32> to vector<16x256xf32>
      %sub3A_436 = arith.subf %get3A_428, %sub3A_435 : vector<16x256xf32>
      %sub3A_437 = vector.broadcast %scan3A_30 : vector<16x1xf32> to vector<16x256xf32>
      %sub3A_438 = arith.subf %get3A_431, %sub3A_437 : vector<16x256xf32>
      %sub3A_439 = vector.broadcast %scan3A_31 : vector<16x1xf32> to vector<16x256xf32>
      %sub3A_440 = arith.subf %get3A_434, %sub3A_439 : vector<16x256xf32>
      %mul3A_441 = arith.mulf %sub3A_436, %sub3A_436 : vector<16x256xf32>
      %mul3A_442 = arith.mulf %sub3A_438, %sub3A_438 : vector<16x256xf32>
      %add3A_443 = arith.addf %mul3A_441, %mul3A_442 : vector<16x256xf32>
      %mul3A_444 = arith.mulf %sub3A_440, %sub3A_440 : vector<16x256xf32>
      %add3A_445 = arith.addf %add3A_443, %mul3A_444 : vector<16x256xf32>
      %get3A_446 = arith.constant 0 : index
      %get3A_447 = arith.constant 2816 : index
      %get3A_448 = vector.load %arg6[%get3A_446, %get3A_447] : memref<16x8192xf32, #tpu.memory_space<vmem>>, vector<16x256xf32>
      %min3A_449 = arith.minimumf %get3A_448, %add3A_445 : vector<16x256xf32>
      %swap3A_450 = arith.constant 0 : index
      %swap3A_451 = arith.constant 2816 : index
      %swap3A_452 = vector.load %arg6[%swap3A_450, %swap3A_451] : memref<16x8192xf32, #tpu.memory_space<vmem>>, vector<16x256xf32>
      tpu.vector_store %arg6[%swap3A_450, %swap3A_451], %min3A_449 {strides = array<i32>} : memref<16x8192xf32, #tpu.memory_space<vmem>>, vector<16x256xf32>,
      %gt3A_453 = arith.cmpf ogt, %min3A_449, %select_n3A_418 : vector<16x256xf32>
      %select_n3A_454 = arith.select %gt3A_453, %min3A_449, %select_n3A_418 : vector<16x256xi1>, vector<16x256xf32>
      %add3A_455 = arith.constant 2816 : i32
      %add3A_456 = vector.broadcast %add3A_455 : i32 to vector<16x256xi32>
      %add3A_457 = arith.addi %add3A_456, %iota3A_3 : vector<16x256xi32>
      %select_n3A_458 = arith.select %gt3A_453, %add3A_457, %select_n3A_422 : vector<16x256xi1>, vector<16x256xi32>
      %select_n3A_459 = arith.select %gt3A_453, %get3A_428, %select_n3A_423 : vector<16x256xi1>, vector<16x256xf32>
      %select_n3A_460 = arith.select %gt3A_453, %get3A_431, %select_n3A_424 : vector<16x256xi1>, vector<16x256xf32>
      %select_n3A_461 = arith.select %gt3A_453, %get3A_434, %select_n3A_425 : vector<16x256xi1>, vector<16x256xf32>
      %get3A_462 = arith.constant 0 : index
      %get3A_463 = arith.constant 3072 : index
      %get3A_464 = vector.load %arg0[%get3A_462, %get3A_463] : memref<16x8192xf32, #tpu.memory_space<vmem>>, vector<16x256xf32>
      %get3A_465 = arith.constant 0 : index
      %get3A_466 = arith.constant 3072 : index
      %get3A_467 = vector.load %arg1[%get3A_465, %get3A_466] : memref<16x8192xf32, #tpu.memory_space<vmem>>, vector<16x256xf32>
      %get3A_468 = arith.constant 0 : index
      %get3A_469 = arith.constant 3072 : index
      %get3A_470 = vector.load %arg2[%get3A_468, %get3A_469] : memref<16x8192xf32, #tpu.memory_space<vmem>>, vector<16x256xf32>
      %sub3A_471 = vector.broadcast %scan3A_29 : vector<16x1xf32> to vector<16x256xf32>
      %sub3A_472 = arith.subf %get3A_464, %sub3A_471 : vector<16x256xf32>
      %sub3A_473 = vector.broadcast %scan3A_30 : vector<16x1xf32> to vector<16x256xf32>
      %sub3A_474 = arith.subf %get3A_467, %sub3A_473 : vector<16x256xf32>
      %sub3A_475 = vector.broadcast %scan3A_31 : vector<16x1xf32> to vector<16x256xf32>
      %sub3A_476 = arith.subf %get3A_470, %sub3A_475 : vector<16x256xf32>
      %mul3A_477 = arith.mulf %sub3A_472, %sub3A_472 : vector<16x256xf32>
      %mul3A_478 = arith.mulf %sub3A_474, %sub3A_474 : vector<16x256xf32>
      %add3A_479 = arith.addf %mul3A_477, %mul3A_478 : vector<16x256xf32>
      %mul3A_480 = arith.mulf %sub3A_476, %sub3A_476 : vector<16x256xf32>
      %add3A_481 = arith.addf %add3A_479, %mul3A_480 : vector<16x256xf32>
      %get3A_482 = arith.constant 0 : index
      %get3A_483 = arith.constant 3072 : index
      %get3A_484 = vector.load %arg6[%get3A_482, %get3A_483] : memref<16x8192xf32, #tpu.memory_space<vmem>>, vector<16x256xf32>
      %min3A_485 = arith.minimumf %get3A_484, %add3A_481 : vector<16x256xf32>
      %swap3A_486 = arith.constant 0 : index
      %swap3A_487 = arith.constant 3072 : index
      %swap3A_488 = vector.load %arg6[%swap3A_486, %swap3A_487] : memref<16x8192xf32, #tpu.memory_space<vmem>>, vector<16x256xf32>
      tpu.vector_store %arg6[%swap3A_486, %swap3A_487], %min3A_485 {strides = array<i32>} : memref<16x8192xf32, #tpu.memory_space<vmem>>, vector<16x256xf32>,
      %gt3A_489 = arith.cmpf ogt, %min3A_485, %select_n3A_454 : vector<16x256xf32>
      %select_n3A_490 = arith.select %gt3A_489, %min3A_485, %select_n3A_454 : vector<16x256xi1>, vector<16x256xf32>
      %add3A_491 = arith.constant 3072 : i32
      %add3A_492 = vector.broadcast %add3A_491 : i32 to vector<16x256xi32>
      %add3A_493 = arith.addi %add3A_492, %iota3A_3 : vector<16x256xi32>
      %select_n3A_494 = arith.select %gt3A_489, %add3A_493, %select_n3A_458 : vector<16x256xi1>, vector<16x256xi32>
      %select_n3A_495 = arith.select %gt3A_489, %get3A_464, %select_n3A_459 : vector<16x256xi1>, vector<16x256xf32>
      %select_n3A_496 = arith.select %gt3A_489, %get3A_467, %select_n3A_460 : vector<16x256xi1>, vector<16x256xf32>
      %select_n3A_497 = arith.select %gt3A_489, %get3A_470, %select_n3A_461 : vector<16x256xi1>, vector<16x256xf32>
      %get3A_498 = arith.constant 0 : index
      %get3A_499 = arith.constant 3328 : index
      %get3A_500 = vector.load %arg0[%get3A_498, %get3A_499] : memref<16x8192xf32, #tpu.memory_space<vmem>>, vector<16x256xf32>
      %get3A_501 = arith.constant 0 : index
      %get3A_502 = arith.constant 3328 : index
      %get3A_503 = vector.load %arg1[%get3A_501, %get3A_502] : memref<16x8192xf32, #tpu.memory_space<vmem>>, vector<16x256xf32>
      %get3A_504 = arith.constant 0 : index
      %get3A_505 = arith.constant 3328 : index
      %get3A_506 = vector.load %arg2[%get3A_504, %get3A_505] : memref<16x8192xf32, #tpu.memory_space<vmem>>, vector<16x256xf32>
      %sub3A_507 = vector.broadcast %scan3A_29 : vector<16x1xf32> to vector<16x256xf32>
      %sub3A_508 = arith.subf %get3A_500, %sub3A_507 : vector<16x256xf32>
      %sub3A_509 = vector.broadcast %scan3A_30 : vector<16x1xf32> to vector<16x256xf32>
      %sub3A_510 = arith.subf %get3A_503, %sub3A_509 : vector<16x256xf32>
      %sub3A_511 = vector.broadcast %scan3A_31 : vector<16x1xf32> to vector<16x256xf32>
      %sub3A_512 = arith.subf %get3A_506, %sub3A_511 : vector<16x256xf32>
      %mul3A_513 = arith.mulf %sub3A_508, %sub3A_508 : vector<16x256xf32>
      %mul3A_514 = arith.mulf %sub3A_510, %sub3A_510 : vector<16x256xf32>
      %add3A_515 = arith.addf %mul3A_513, %mul3A_514 : vector<16x256xf32>
      %mul3A_516 = arith.mulf %sub3A_512, %sub3A_512 : vector<16x256xf32>
      %add3A_517 = arith.addf %add3A_515, %mul3A_516 : vector<16x256xf32>
      %get3A_518 = arith.constant 0 : index
      %get3A_519 = arith.constant 3328 : index
      %get3A_520 = vector.load %arg6[%get3A_518, %get3A_519] : memref<16x8192xf32, #tpu.memory_space<vmem>>, vector<16x256xf32>
      %min3A_521 = arith.minimumf %get3A_520, %add3A_517 : vector<16x256xf32>
      %swap3A_522 = arith.constant 0 : index
      %swap3A_523 = arith.constant 3328 : index
      %swap3A_524 = vector.load %arg6[%swap3A_522, %swap3A_523] : memref<16x8192xf32, #tpu.memory_space<vmem>>, vector<16x256xf32>
      tpu.vector_store %arg6[%swap3A_522, %swap3A_523], %min3A_521 {strides = array<i32>} : memref<16x8192xf32, #tpu.memory_space<vmem>>, vector<16x256xf32>,
      %gt3A_525 = arith.cmpf ogt, %min3A_521, %select_n3A_490 : vector<16x256xf32>
      %select_n3A_526 = arith.select %gt3A_525, %min3A_521, %select_n3A_490 : vector<16x256xi1>, vector<16x256xf32>
      %add3A_527 = arith.constant 3328 : i32
      %add3A_528 = vector.broadcast %add3A_527 : i32 to vector<16x256xi32>
      %add3A_529 = arith.addi %add3A_528, %iota3A_3 : vector<16x256xi32>
      %select_n3A_530 = arith.select %gt3A_525, %add3A_529, %select_n3A_494 : vector<16x256xi1>, vector<16x256xi32>
      %select_n3A_531 = arith.select %gt3A_525, %get3A_500, %select_n3A_495 : vector<16x256xi1>, vector<16x256xf32>
      %select_n3A_532 = arith.select %gt3A_525, %get3A_503, %select_n3A_496 : vector<16x256xi1>, vector<16x256xf32>
      %select_n3A_533 = arith.select %gt3A_525, %get3A_506, %select_n3A_497 : vector<16x256xi1>, vector<16x256xf32>
      %get3A_534 = arith.constant 0 : index
      %get3A_535 = arith.constant 3584 : index
      %get3A_536 = vector.load %arg0[%get3A_534, %get3A_535] : memref<16x8192xf32, #tpu.memory_space<vmem>>, vector<16x256xf32>
      %get3A_537 = arith.constant 0 : index
      %get3A_538 = arith.constant 3584 : index
      %get3A_539 = vector.load %arg1[%get3A_537, %get3A_538] : memref<16x8192xf32, #tpu.memory_space<vmem>>, vector<16x256xf32>
      %get3A_540 = arith.constant 0 : index
      %get3A_541 = arith.constant 3584 : index
      %get3A_542 = vector.load %arg2[%get3A_540, %get3A_541] : memref<16x8192xf32, #tpu.memory_space<vmem>>, vector<16x256xf32>
      %sub3A_543 = vector.broadcast %scan3A_29 : vector<16x1xf32> to vector<16x256xf32>
      %sub3A_544 = arith.subf %get3A_536, %sub3A_543 : vector<16x256xf32>
      %sub3A_545 = vector.broadcast %scan3A_30 : vector<16x1xf32> to vector<16x256xf32>
      %sub3A_546 = arith.subf %get3A_539, %sub3A_545 : vector<16x256xf32>
      %sub3A_547 = vector.broadcast %scan3A_31 : vector<16x1xf32> to vector<16x256xf32>
      %sub3A_548 = arith.subf %get3A_542, %sub3A_547 : vector<16x256xf32>
      %mul3A_549 = arith.mulf %sub3A_544, %sub3A_544 : vector<16x256xf32>
      %mul3A_550 = arith.mulf %sub3A_546, %sub3A_546 : vector<16x256xf32>
      %add3A_551 = arith.addf %mul3A_549, %mul3A_550 : vector<16x256xf32>
      %mul3A_552 = arith.mulf %sub3A_548, %sub3A_548 : vector<16x256xf32>
      %add3A_553 = arith.addf %add3A_551, %mul3A_552 : vector<16x256xf32>
      %get3A_554 = arith.constant 0 : index
      %get3A_555 = arith.constant 3584 : index
      %get3A_556 = vector.load %arg6[%get3A_554, %get3A_555] : memref<16x8192xf32, #tpu.memory_space<vmem>>, vector<16x256xf32>
      %min3A_557 = arith.minimumf %get3A_556, %add3A_553 : vector<16x256xf32>
      %swap3A_558 = arith.constant 0 : index
      %swap3A_559 = arith.constant 3584 : index
      %swap3A_560 = vector.load %arg6[%swap3A_558, %swap3A_559] : memref<16x8192xf32, #tpu.memory_space<vmem>>, vector<16x256xf32>
      tpu.vector_store %arg6[%swap3A_558, %swap3A_559], %min3A_557 {strides = array<i32>} : memref<16x8192xf32, #tpu.memory_space<vmem>>, vector<16x256xf32>,
      %gt3A_561 = arith.cmpf ogt, %min3A_557, %select_n3A_526 : vector<16x256xf32>
      %select_n3A_562 = arith.select %gt3A_561, %min3A_557, %select_n3A_526 : vector<16x256xi1>, vector<16x256xf32>
      %add3A_563 = arith.constant 3584 : i32
      %add3A_564 = vector.broadcast %add3A_563 : i32 to vector<16x256xi32>
      %add3A_565 = arith.addi %add3A_564, %iota3A_3 : vector<16x256xi32>
      %select_n3A_566 = arith.select %gt3A_561, %add3A_565, %select_n3A_530 : vector<16x256xi1>, vector<16x256xi32>
      %select_n3A_567 = arith.select %gt3A_561, %get3A_536, %select_n3A_531 : vector<16x256xi1>, vector<16x256xf32>
      %select_n3A_568 = arith.select %gt3A_561, %get3A_539, %select_n3A_532 : vector<16x256xi1>, vector<16x256xf32>
      %select_n3A_569 = arith.select %gt3A_561, %get3A_542, %select_n3A_533 : vector<16x256xi1>, vector<16x256xf32>
      %get3A_570 = arith.constant 0 : index
      %get3A_571 = arith.constant 3840 : index
      %get3A_572 = vector.load %arg0[%get3A_570, %get3A_571] : memref<16x8192xf32, #tpu.memory_space<vmem>>, vector<16x256xf32>
      %get3A_573 = arith.constant 0 : index
      %get3A_574 = arith.constant 3840 : index
      %get3A_575 = vector.load %arg1[%get3A_573, %get3A_574] : memref<16x8192xf32, #tpu.memory_space<vmem>>, vector<16x256xf32>
      %get3A_576 = arith.constant 0 : index
      %get3A_577 = arith.constant 3840 : index
      %get3A_578 = vector.load %arg2[%get3A_576, %get3A_577] : memref<16x8192xf32, #tpu.memory_space<vmem>>, vector<16x256xf32>
      %sub3A_579 = vector.broadcast %scan3A_29 : vector<16x1xf32> to vector<16x256xf32>
      %sub3A_580 = arith.subf %get3A_572, %sub3A_579 : vector<16x256xf32>
      %sub3A_581 = vector.broadcast %scan3A_30 : vector<16x1xf32> to vector<16x256xf32>
      %sub3A_582 = arith.subf %get3A_575, %sub3A_581 : vector<16x256xf32>
      %sub3A_583 = vector.broadcast %scan3A_31 : vector<16x1xf32> to vector<16x256xf32>
      %sub3A_584 = arith.subf %get3A_578, %sub3A_583 : vector<16x256xf32>
      %mul3A_585 = arith.mulf %sub3A_580, %sub3A_580 : vector<16x256xf32>
      %mul3A_586 = arith.mulf %sub3A_582, %sub3A_582 : vector<16x256xf32>
      %add3A_587 = arith.addf %mul3A_585, %mul3A_586 : vector<16x256xf32>
      %mul3A_588 = arith.mulf %sub3A_584, %sub3A_584 : vector<16x256xf32>
      %add3A_589 = arith.addf %add3A_587, %mul3A_588 : vector<16x256xf32>
      %get3A_590 = arith.constant 0 : index
      %get3A_591 = arith.constant 3840 : index
      %get3A_592 = vector.load %arg6[%get3A_590, %get3A_591] : memref<16x8192xf32, #tpu.memory_space<vmem>>, vector<16x256xf32>
      %min3A_593 = arith.minimumf %get3A_592, %add3A_589 : vector<16x256xf32>
      %swap3A_594 = arith.constant 0 : index
      %swap3A_595 = arith.constant 3840 : index
      %swap3A_596 = vector.load %arg6[%swap3A_594, %swap3A_595] : memref<16x8192xf32, #tpu.memory_space<vmem>>, vector<16x256xf32>
      tpu.vector_store %arg6[%swap3A_594, %swap3A_595], %min3A_593 {strides = array<i32>} : memref<16x8192xf32, #tpu.memory_space<vmem>>, vector<16x256xf32>,
      %gt3A_597 = arith.cmpf ogt, %min3A_593, %select_n3A_562 : vector<16x256xf32>
      %select_n3A_598 = arith.select %gt3A_597, %min3A_593, %select_n3A_562 : vector<16x256xi1>, vector<16x256xf32>
      %add3A_599 = arith.constant 3840 : i32
      %add3A_600 = vector.broadcast %add3A_599 : i32 to vector<16x256xi32>
      %add3A_601 = arith.addi %add3A_600, %iota3A_3 : vector<16x256xi32>
      %select_n3A_602 = arith.select %gt3A_597, %add3A_601, %select_n3A_566 : vector<16x256xi1>, vector<16x256xi32>
      %select_n3A_603 = arith.select %gt3A_597, %get3A_572, %select_n3A_567 : vector<16x256xi1>, vector<16x256xf32>
      %select_n3A_604 = arith.select %gt3A_597, %get3A_575, %select_n3A_568 : vector<16x256xi1>, vector<16x256xf32>
      %select_n3A_605 = arith.select %gt3A_597, %get3A_578, %select_n3A_569 : vector<16x256xi1>, vector<16x256xf32>
      %get3A_606 = arith.constant 0 : index
      %get3A_607 = arith.constant 4096 : index
      %get3A_608 = vector.load %arg0[%get3A_606, %get3A_607] : memref<16x8192xf32, #tpu.memory_space<vmem>>, vector<16x256xf32>
      %get3A_609 = arith.constant 0 : index
      %get3A_610 = arith.constant 4096 : index
      %get3A_611 = vector.load %arg1[%get3A_609, %get3A_610] : memref<16x8192xf32, #tpu.memory_space<vmem>>, vector<16x256xf32>
      %get3A_612 = arith.constant 0 : index
      %get3A_613 = arith.constant 4096 : index
      %get3A_614 = vector.load %arg2[%get3A_612, %get3A_613] : memref<16x8192xf32, #tpu.memory_space<vmem>>, vector<16x256xf32>
      %sub3A_615 = vector.broadcast %scan3A_29 : vector<16x1xf32> to vector<16x256xf32>
      %sub3A_616 = arith.subf %get3A_608, %sub3A_615 : vector<16x256xf32>
      %sub3A_617 = vector.broadcast %scan3A_30 : vector<16x1xf32> to vector<16x256xf32>
      %sub3A_618 = arith.subf %get3A_611, %sub3A_617 : vector<16x256xf32>
      %sub3A_619 = vector.broadcast %scan3A_31 : vector<16x1xf32> to vector<16x256xf32>
      %sub3A_620 = arith.subf %get3A_614, %sub3A_619 : vector<16x256xf32>
      %mul3A_621 = arith.mulf %sub3A_616, %sub3A_616 : vector<16x256xf32>
      %mul3A_622 = arith.mulf %sub3A_618, %sub3A_618 : vector<16x256xf32>
      %add3A_623 = arith.addf %mul3A_621, %mul3A_622 : vector<16x256xf32>
      %mul3A_624 = arith.mulf %sub3A_620, %sub3A_620 : vector<16x256xf32>
      %add3A_625 = arith.addf %add3A_623, %mul3A_624 : vector<16x256xf32>
      %get3A_626 = arith.constant 0 : index
      %get3A_627 = arith.constant 4096 : index
      %get3A_628 = vector.load %arg6[%get3A_626, %get3A_627] : memref<16x8192xf32, #tpu.memory_space<vmem>>, vector<16x256xf32>
      %min3A_629 = arith.minimumf %get3A_628, %add3A_625 : vector<16x256xf32>
      %swap3A_630 = arith.constant 0 : index
      %swap3A_631 = arith.constant 4096 : index
      %swap3A_632 = vector.load %arg6[%swap3A_630, %swap3A_631] : memref<16x8192xf32, #tpu.memory_space<vmem>>, vector<16x256xf32>
      tpu.vector_store %arg6[%swap3A_630, %swap3A_631], %min3A_629 {strides = array<i32>} : memref<16x8192xf32, #tpu.memory_space<vmem>>, vector<16x256xf32>,
      %gt3A_633 = arith.cmpf ogt, %min3A_629, %select_n3A_598 : vector<16x256xf32>
      %select_n3A_634 = arith.select %gt3A_633, %min3A_629, %select_n3A_598 : vector<16x256xi1>, vector<16x256xf32>
      %add3A_635 = arith.constant 4096 : i32
      %add3A_636 = vector.broadcast %add3A_635 : i32 to vector<16x256xi32>
      %add3A_637 = arith.addi %add3A_636, %iota3A_3 : vector<16x256xi32>
      %select_n3A_638 = arith.select %gt3A_633, %add3A_637, %select_n3A_602 : vector<16x256xi1>, vector<16x256xi32>
      %select_n3A_639 = arith.select %gt3A_633, %get3A_608, %select_n3A_603 : vector<16x256xi1>, vector<16x256xf32>
      %select_n3A_640 = arith.select %gt3A_633, %get3A_611, %select_n3A_604 : vector<16x256xi1>, vector<16x256xf32>
      %select_n3A_641 = arith.select %gt3A_633, %get3A_614, %select_n3A_605 : vector<16x256xi1>, vector<16x256xf32>
      %get3A_642 = arith.constant 0 : index
      %get3A_643 = arith.constant 4352 : index
      %get3A_644 = vector.load %arg0[%get3A_642, %get3A_643] : memref<16x8192xf32, #tpu.memory_space<vmem>>, vector<16x256xf32>
      %get3A_645 = arith.constant 0 : index
      %get3A_646 = arith.constant 4352 : index
      %get3A_647 = vector.load %arg1[%get3A_645, %get3A_646] : memref<16x8192xf32, #tpu.memory_space<vmem>>, vector<16x256xf32>
      %get3A_648 = arith.constant 0 : index
      %get3A_649 = arith.constant 4352 : index
      %get3A_650 = vector.load %arg2[%get3A_648, %get3A_649] : memref<16x8192xf32, #tpu.memory_space<vmem>>, vector<16x256xf32>
      %sub3A_651 = vector.broadcast %scan3A_29 : vector<16x1xf32> to vector<16x256xf32>
      %sub3A_652 = arith.subf %get3A_644, %sub3A_651 : vector<16x256xf32>
      %sub3A_653 = vector.broadcast %scan3A_30 : vector<16x1xf32> to vector<16x256xf32>
      %sub3A_654 = arith.subf %get3A_647, %sub3A_653 : vector<16x256xf32>
      %sub3A_655 = vector.broadcast %scan3A_31 : vector<16x1xf32> to vector<16x256xf32>
      %sub3A_656 = arith.subf %get3A_650, %sub3A_655 : vector<16x256xf32>
      %mul3A_657 = arith.mulf %sub3A_652, %sub3A_652 : vector<16x256xf32>
      %mul3A_658 = arith.mulf %sub3A_654, %sub3A_654 : vector<16x256xf32>
      %add3A_659 = arith.addf %mul3A_657, %mul3A_658 : vector<16x256xf32>
      %mul3A_660 = arith.mulf %sub3A_656, %sub3A_656 : vector<16x256xf32>
      %add3A_661 = arith.addf %add3A_659, %mul3A_660 : vector<16x256xf32>
      %get3A_662 = arith.constant 0 : index
      %get3A_663 = arith.constant 4352 : index
      %get3A_664 = vector.load %arg6[%get3A_662, %get3A_663] : memref<16x8192xf32, #tpu.memory_space<vmem>>, vector<16x256xf32>
      %min3A_665 = arith.minimumf %get3A_664, %add3A_661 : vector<16x256xf32>
      %swap3A_666 = arith.constant 0 : index
      %swap3A_667 = arith.constant 4352 : index
      %swap3A_668 = vector.load %arg6[%swap3A_666, %swap3A_667] : memref<16x8192xf32, #tpu.memory_space<vmem>>, vector<16x256xf32>
      tpu.vector_store %arg6[%swap3A_666, %swap3A_667], %min3A_665 {strides = array<i32>} : memref<16x8192xf32, #tpu.memory_space<vmem>>, vector<16x256xf32>,
      %gt3A_669 = arith.cmpf ogt, %min3A_665, %select_n3A_634 : vector<16x256xf32>
      %select_n3A_670 = arith.select %gt3A_669, %min3A_665, %select_n3A_634 : vector<16x256xi1>, vector<16x256xf32>
      %add3A_671 = arith.constant 4352 : i32
      %add3A_672 = vector.broadcast %add3A_671 : i32 to vector<16x256xi32>
      %add3A_673 = arith.addi %add3A_672, %iota3A_3 : vector<16x256xi32>
      %select_n3A_674 = arith.select %gt3A_669, %add3A_673, %select_n3A_638 : vector<16x256xi1>, vector<16x256xi32>
      %select_n3A_675 = arith.select %gt3A_669, %get3A_644, %select_n3A_639 : vector<16x256xi1>, vector<16x256xf32>
      %select_n3A_676 = arith.select %gt3A_669, %get3A_647, %select_n3A_640 : vector<16x256xi1>, vector<16x256xf32>
      %select_n3A_677 = arith.select %gt3A_669, %get3A_650, %select_n3A_641 : vector<16x256xi1>, vector<16x256xf32>
      %get3A_678 = arith.constant 0 : index
      %get3A_679 = arith.constant 4608 : index
      %get3A_680 = vector.load %arg0[%get3A_678, %get3A_679] : memref<16x8192xf32, #tpu.memory_space<vmem>>, vector<16x256xf32>
      %get3A_681 = arith.constant 0 : index
      %get3A_682 = arith.constant 4608 : index
      %get3A_683 = vector.load %arg1[%get3A_681, %get3A_682] : memref<16x8192xf32, #tpu.memory_space<vmem>>, vector<16x256xf32>
      %get3A_684 = arith.constant 0 : index
      %get3A_685 = arith.constant 4608 : index
      %get3A_686 = vector.load %arg2[%get3A_684, %get3A_685] : memref<16x8192xf32, #tpu.memory_space<vmem>>, vector<16x256xf32>
      %sub3A_687 = vector.broadcast %scan3A_29 : vector<16x1xf32> to vector<16x256xf32>
      %sub3A_688 = arith.subf %get3A_680, %sub3A_687 : vector<16x256xf32>
      %sub3A_689 = vector.broadcast %scan3A_30 : vector<16x1xf32> to vector<16x256xf32>
      %sub3A_690 = arith.subf %get3A_683, %sub3A_689 : vector<16x256xf32>
      %sub3A_691 = vector.broadcast %scan3A_31 : vector<16x1xf32> to vector<16x256xf32>
      %sub3A_692 = arith.subf %get3A_686, %sub3A_691 : vector<16x256xf32>
      %mul3A_693 = arith.mulf %sub3A_688, %sub3A_688 : vector<16x256xf32>
      %mul3A_694 = arith.mulf %sub3A_690, %sub3A_690 : vector<16x256xf32>
      %add3A_695 = arith.addf %mul3A_693, %mul3A_694 : vector<16x256xf32>
      %mul3A_696 = arith.mulf %sub3A_692, %sub3A_692 : vector<16x256xf32>
      %add3A_697 = arith.addf %add3A_695, %mul3A_696 : vector<16x256xf32>
      %get3A_698 = arith.constant 0 : index
      %get3A_699 = arith.constant 4608 : index
      %get3A_700 = vector.load %arg6[%get3A_698, %get3A_699] : memref<16x8192xf32, #tpu.memory_space<vmem>>, vector<16x256xf32>
      %min3A_701 = arith.minimumf %get3A_700, %add3A_697 : vector<16x256xf32>
      %swap3A_702 = arith.constant 0 : index
      %swap3A_703 = arith.constant 4608 : index
      %swap3A_704 = vector.load %arg6[%swap3A_702, %swap3A_703] : memref<16x8192xf32, #tpu.memory_space<vmem>>, vector<16x256xf32>
      tpu.vector_store %arg6[%swap3A_702, %swap3A_703], %min3A_701 {strides = array<i32>} : memref<16x8192xf32, #tpu.memory_space<vmem>>, vector<16x256xf32>,
      %gt3A_705 = arith.cmpf ogt, %min3A_701, %select_n3A_670 : vector<16x256xf32>
      %select_n3A_706 = arith.select %gt3A_705, %min3A_701, %select_n3A_670 : vector<16x256xi1>, vector<16x256xf32>
      %add3A_707 = arith.constant 4608 : i32
      %add3A_708 = vector.broadcast %add3A_707 : i32 to vector<16x256xi32>
      %add3A_709 = arith.addi %add3A_708, %iota3A_3 : vector<16x256xi32>
      %select_n3A_710 = arith.select %gt3A_705, %add3A_709, %select_n3A_674 : vector<16x256xi1>, vector<16x256xi32>
      %select_n3A_711 = arith.select %gt3A_705, %get3A_680, %select_n3A_675 : vector<16x256xi1>, vector<16x256xf32>
      %select_n3A_712 = arith.select %gt3A_705, %get3A_683, %select_n3A_676 : vector<16x256xi1>, vector<16x256xf32>
      %select_n3A_713 = arith.select %gt3A_705, %get3A_686, %select_n3A_677 : vector<16x256xi1>, vector<16x256xf32>
      %get3A_714 = arith.constant 0 : index
      %get3A_715 = arith.constant 4864 : index
      %get3A_716 = vector.load %arg0[%get3A_714, %get3A_715] : memref<16x8192xf32, #tpu.memory_space<vmem>>, vector<16x256xf32>
      %get3A_717 = arith.constant 0 : index
      %get3A_718 = arith.constant 4864 : index
      %get3A_719 = vector.load %arg1[%get3A_717, %get3A_718] : memref<16x8192xf32, #tpu.memory_space<vmem>>, vector<16x256xf32>
      %get3A_720 = arith.constant 0 : index
      %get3A_721 = arith.constant 4864 : index
      %get3A_722 = vector.load %arg2[%get3A_720, %get3A_721] : memref<16x8192xf32, #tpu.memory_space<vmem>>, vector<16x256xf32>
      %sub3A_723 = vector.broadcast %scan3A_29 : vector<16x1xf32> to vector<16x256xf32>
      %sub3A_724 = arith.subf %get3A_716, %sub3A_723 : vector<16x256xf32>
      %sub3A_725 = vector.broadcast %scan3A_30 : vector<16x1xf32> to vector<16x256xf32>
      %sub3A_726 = arith.subf %get3A_719, %sub3A_725 : vector<16x256xf32>
      %sub3A_727 = vector.broadcast %scan3A_31 : vector<16x1xf32> to vector<16x256xf32>
      %sub3A_728 = arith.subf %get3A_722, %sub3A_727 : vector<16x256xf32>
      %mul3A_729 = arith.mulf %sub3A_724, %sub3A_724 : vector<16x256xf32>
      %mul3A_730 = arith.mulf %sub3A_726, %sub3A_726 : vector<16x256xf32>
      %add3A_731 = arith.addf %mul3A_729, %mul3A_730 : vector<16x256xf32>
      %mul3A_732 = arith.mulf %sub3A_728, %sub3A_728 : vector<16x256xf32>
      %add3A_733 = arith.addf %add3A_731, %mul3A_732 : vector<16x256xf32>
      %get3A_734 = arith.constant 0 : index
      %get3A_735 = arith.constant 4864 : index
      %get3A_736 = vector.load %arg6[%get3A_734, %get3A_735] : memref<16x8192xf32, #tpu.memory_space<vmem>>, vector<16x256xf32>
      %min3A_737 = arith.minimumf %get3A_736, %add3A_733 : vector<16x256xf32>
      %swap3A_738 = arith.constant 0 : index
      %swap3A_739 = arith.constant 4864 : index
      %swap3A_740 = vector.load %arg6[%swap3A_738, %swap3A_739] : memref<16x8192xf32, #tpu.memory_space<vmem>>, vector<16x256xf32>
      tpu.vector_store %arg6[%swap3A_738, %swap3A_739], %min3A_737 {strides = array<i32>} : memref<16x8192xf32, #tpu.memory_space<vmem>>, vector<16x256xf32>,
      %gt3A_741 = arith.cmpf ogt, %min3A_737, %select_n3A_706 : vector<16x256xf32>
      %select_n3A_742 = arith.select %gt3A_741, %min3A_737, %select_n3A_706 : vector<16x256xi1>, vector<16x256xf32>
      %add3A_743 = arith.constant 4864 : i32
      %add3A_744 = vector.broadcast %add3A_743 : i32 to vector<16x256xi32>
      %add3A_745 = arith.addi %add3A_744, %iota3A_3 : vector<16x256xi32>
      %select_n3A_746 = arith.select %gt3A_741, %add3A_745, %select_n3A_710 : vector<16x256xi1>, vector<16x256xi32>
      %select_n3A_747 = arith.select %gt3A_741, %get3A_716, %select_n3A_711 : vector<16x256xi1>, vector<16x256xf32>
      %select_n3A_748 = arith.select %gt3A_741, %get3A_719, %select_n3A_712 : vector<16x256xi1>, vector<16x256xf32>
      %select_n3A_749 = arith.select %gt3A_741, %get3A_722, %select_n3A_713 : vector<16x256xi1>, vector<16x256xf32>
      %get3A_750 = arith.constant 0 : index
      %get3A_751 = arith.constant 5120 : index
      %get3A_752 = vector.load %arg0[%get3A_750, %get3A_751] : memref<16x8192xf32, #tpu.memory_space<vmem>>, vector<16x256xf32>
      %get3A_753 = arith.constant 0 : index
      %get3A_754 = arith.constant 5120 : index
      %get3A_755 = vector.load %arg1[%get3A_753, %get3A_754] : memref<16x8192xf32, #tpu.memory_space<vmem>>, vector<16x256xf32>
      %get3A_756 = arith.constant 0 : index
      %get3A_757 = arith.constant 5120 : index
      %get3A_758 = vector.load %arg2[%get3A_756, %get3A_757] : memref<16x8192xf32, #tpu.memory_space<vmem>>, vector<16x256xf32>
      %sub3A_759 = vector.broadcast %scan3A_29 : vector<16x1xf32> to vector<16x256xf32>
      %sub3A_760 = arith.subf %get3A_752, %sub3A_759 : vector<16x256xf32>
      %sub3A_761 = vector.broadcast %scan3A_30 : vector<16x1xf32> to vector<16x256xf32>
      %sub3A_762 = arith.subf %get3A_755, %sub3A_761 : vector<16x256xf32>
      %sub3A_763 = vector.broadcast %scan3A_31 : vector<16x1xf32> to vector<16x256xf32>
      %sub3A_764 = arith.subf %get3A_758, %sub3A_763 : vector<16x256xf32>
      %mul3A_765 = arith.mulf %sub3A_760, %sub3A_760 : vector<16x256xf32>
      %mul3A_766 = arith.mulf %sub3A_762, %sub3A_762 : vector<16x256xf32>
      %add3A_767 = arith.addf %mul3A_765, %mul3A_766 : vector<16x256xf32>
      %mul3A_768 = arith.mulf %sub3A_764, %sub3A_764 : vector<16x256xf32>
      %add3A_769 = arith.addf %add3A_767, %mul3A_768 : vector<16x256xf32>
      %get3A_770 = arith.constant 0 : index
      %get3A_771 = arith.constant 5120 : index
      %get3A_772 = vector.load %arg6[%get3A_770, %get3A_771] : memref<16x8192xf32, #tpu.memory_space<vmem>>, vector<16x256xf32>
      %min3A_773 = arith.minimumf %get3A_772, %add3A_769 : vector<16x256xf32>
      %swap3A_774 = arith.constant 0 : index
      %swap3A_775 = arith.constant 5120 : index
      %swap3A_776 = vector.load %arg6[%swap3A_774, %swap3A_775] : memref<16x8192xf32, #tpu.memory_space<vmem>>, vector<16x256xf32>
      tpu.vector_store %arg6[%swap3A_774, %swap3A_775], %min3A_773 {strides = array<i32>} : memref<16x8192xf32, #tpu.memory_space<vmem>>, vector<16x256xf32>,
      %gt3A_777 = arith.cmpf ogt, %min3A_773, %select_n3A_742 : vector<16x256xf32>
      %select_n3A_778 = arith.select %gt3A_777, %min3A_773, %select_n3A_742 : vector<16x256xi1>, vector<16x256xf32>
      %add3A_779 = arith.constant 5120 : i32
      %add3A_780 = vector.broadcast %add3A_779 : i32 to vector<16x256xi32>
      %add3A_781 = arith.addi %add3A_780, %iota3A_3 : vector<16x256xi32>
      %select_n3A_782 = arith.select %gt3A_777, %add3A_781, %select_n3A_746 : vector<16x256xi1>, vector<16x256xi32>
      %select_n3A_783 = arith.select %gt3A_777, %get3A_752, %select_n3A_747 : vector<16x256xi1>, vector<16x256xf32>
      %select_n3A_784 = arith.select %gt3A_777, %get3A_755, %select_n3A_748 : vector<16x256xi1>, vector<16x256xf32>
      %select_n3A_785 = arith.select %gt3A_777, %get3A_758, %select_n3A_749 : vector<16x256xi1>, vector<16x256xf32>
      %get3A_786 = arith.constant 0 : index
      %get3A_787 = arith.constant 5376 : index
      %get3A_788 = vector.load %arg0[%get3A_786, %get3A_787] : memref<16x8192xf32, #tpu.memory_space<vmem>>, vector<16x256xf32>
      %get3A_789 = arith.constant 0 : index
      %get3A_790 = arith.constant 5376 : index
      %get3A_791 = vector.load %arg1[%get3A_789, %get3A_790] : memref<16x8192xf32, #tpu.memory_space<vmem>>, vector<16x256xf32>
      %get3A_792 = arith.constant 0 : index
      %get3A_793 = arith.constant 5376 : index
      %get3A_794 = vector.load %arg2[%get3A_792, %get3A_793] : memref<16x8192xf32, #tpu.memory_space<vmem>>, vector<16x256xf32>
      %sub3A_795 = vector.broadcast %scan3A_29 : vector<16x1xf32> to vector<16x256xf32>
      %sub3A_796 = arith.subf %get3A_788, %sub3A_795 : vector<16x256xf32>
      %sub3A_797 = vector.broadcast %scan3A_30 : vector<16x1xf32> to vector<16x256xf32>
      %sub3A_798 = arith.subf %get3A_791, %sub3A_797 : vector<16x256xf32>
      %sub3A_799 = vector.broadcast %scan3A_31 : vector<16x1xf32> to vector<16x256xf32>
      %sub3A_800 = arith.subf %get3A_794, %sub3A_799 : vector<16x256xf32>
      %mul3A_801 = arith.mulf %sub3A_796, %sub3A_796 : vector<16x256xf32>
      %mul3A_802 = arith.mulf %sub3A_798, %sub3A_798 : vector<16x256xf32>
      %add3A_803 = arith.addf %mul3A_801, %mul3A_802 : vector<16x256xf32>
      %mul3A_804 = arith.mulf %sub3A_800, %sub3A_800 : vector<16x256xf32>
      %add3A_805 = arith.addf %add3A_803, %mul3A_804 : vector<16x256xf32>
      %get3A_806 = arith.constant 0 : index
      %get3A_807 = arith.constant 5376 : index
      %get3A_808 = vector.load %arg6[%get3A_806, %get3A_807] : memref<16x8192xf32, #tpu.memory_space<vmem>>, vector<16x256xf32>
      %min3A_809 = arith.minimumf %get3A_808, %add3A_805 : vector<16x256xf32>
      %swap3A_810 = arith.constant 0 : index
      %swap3A_811 = arith.constant 5376 : index
      %swap3A_812 = vector.load %arg6[%swap3A_810, %swap3A_811] : memref<16x8192xf32, #tpu.memory_space<vmem>>, vector<16x256xf32>
      tpu.vector_store %arg6[%swap3A_810, %swap3A_811], %min3A_809 {strides = array<i32>} : memref<16x8192xf32, #tpu.memory_space<vmem>>, vector<16x256xf32>,
      %gt3A_813 = arith.cmpf ogt, %min3A_809, %select_n3A_778 : vector<16x256xf32>
      %select_n3A_814 = arith.select %gt3A_813, %min3A_809, %select_n3A_778 : vector<16x256xi1>, vector<16x256xf32>
      %add3A_815 = arith.constant 5376 : i32
      %add3A_816 = vector.broadcast %add3A_815 : i32 to vector<16x256xi32>
      %add3A_817 = arith.addi %add3A_816, %iota3A_3 : vector<16x256xi32>
      %select_n3A_818 = arith.select %gt3A_813, %add3A_817, %select_n3A_782 : vector<16x256xi1>, vector<16x256xi32>
      %select_n3A_819 = arith.select %gt3A_813, %get3A_788, %select_n3A_783 : vector<16x256xi1>, vector<16x256xf32>
      %select_n3A_820 = arith.select %gt3A_813, %get3A_791, %select_n3A_784 : vector<16x256xi1>, vector<16x256xf32>
      %select_n3A_821 = arith.select %gt3A_813, %get3A_794, %select_n3A_785 : vector<16x256xi1>, vector<16x256xf32>
      %get3A_822 = arith.constant 0 : index
      %get3A_823 = arith.constant 5632 : index
      %get3A_824 = vector.load %arg0[%get3A_822, %get3A_823] : memref<16x8192xf32, #tpu.memory_space<vmem>>, vector<16x256xf32>
      %get3A_825 = arith.constant 0 : index
      %get3A_826 = arith.constant 5632 : index
      %get3A_827 = vector.load %arg1[%get3A_825, %get3A_826] : memref<16x8192xf32, #tpu.memory_space<vmem>>, vector<16x256xf32>
      %get3A_828 = arith.constant 0 : index
      %get3A_829 = arith.constant 5632 : index
      %get3A_830 = vector.load %arg2[%get3A_828, %get3A_829] : memref<16x8192xf32, #tpu.memory_space<vmem>>, vector<16x256xf32>
      %sub3A_831 = vector.broadcast %scan3A_29 : vector<16x1xf32> to vector<16x256xf32>
      %sub3A_832 = arith.subf %get3A_824, %sub3A_831 : vector<16x256xf32>
      %sub3A_833 = vector.broadcast %scan3A_30 : vector<16x1xf32> to vector<16x256xf32>
      %sub3A_834 = arith.subf %get3A_827, %sub3A_833 : vector<16x256xf32>
      %sub3A_835 = vector.broadcast %scan3A_31 : vector<16x1xf32> to vector<16x256xf32>
      %sub3A_836 = arith.subf %get3A_830, %sub3A_835 : vector<16x256xf32>
      %mul3A_837 = arith.mulf %sub3A_832, %sub3A_832 : vector<16x256xf32>
      %mul3A_838 = arith.mulf %sub3A_834, %sub3A_834 : vector<16x256xf32>
      %add3A_839 = arith.addf %mul3A_837, %mul3A_838 : vector<16x256xf32>
      %mul3A_840 = arith.mulf %sub3A_836, %sub3A_836 : vector<16x256xf32>
      %add3A_841 = arith.addf %add3A_839, %mul3A_840 : vector<16x256xf32>
      %get3A_842 = arith.constant 0 : index
      %get3A_843 = arith.constant 5632 : index
      %get3A_844 = vector.load %arg6[%get3A_842, %get3A_843] : memref<16x8192xf32, #tpu.memory_space<vmem>>, vector<16x256xf32>
      %min3A_845 = arith.minimumf %get3A_844, %add3A_841 : vector<16x256xf32>
      %swap3A_846 = arith.constant 0 : index
      %swap3A_847 = arith.constant 5632 : index
      %swap3A_848 = vector.load %arg6[%swap3A_846, %swap3A_847] : memref<16x8192xf32, #tpu.memory_space<vmem>>, vector<16x256xf32>
      tpu.vector_store %arg6[%swap3A_846, %swap3A_847], %min3A_845 {strides = array<i32>} : memref<16x8192xf32, #tpu.memory_space<vmem>>, vector<16x256xf32>,
      %gt3A_849 = arith.cmpf ogt, %min3A_845, %select_n3A_814 : vector<16x256xf32>
      %select_n3A_850 = arith.select %gt3A_849, %min3A_845, %select_n3A_814 : vector<16x256xi1>, vector<16x256xf32>
      %add3A_851 = arith.constant 5632 : i32
      %add3A_852 = vector.broadcast %add3A_851 : i32 to vector<16x256xi32>
      %add3A_853 = arith.addi %add3A_852, %iota3A_3 : vector<16x256xi32>
      %select_n3A_854 = arith.select %gt3A_849, %add3A_853, %select_n3A_818 : vector<16x256xi1>, vector<16x256xi32>
      %select_n3A_855 = arith.select %gt3A_849, %get3A_824, %select_n3A_819 : vector<16x256xi1>, vector<16x256xf32>
      %select_n3A_856 = arith.select %gt3A_849, %get3A_827, %select_n3A_820 : vector<16x256xi1>, vector<16x256xf32>
      %select_n3A_857 = arith.select %gt3A_849, %get3A_830, %select_n3A_821 : vector<16x256xi1>, vector<16x256xf32>
      %get3A_858 = arith.constant 0 : index
      %get3A_859 = arith.constant 5888 : index
      %get3A_860 = vector.load %arg0[%get3A_858, %get3A_859] : memref<16x8192xf32, #tpu.memory_space<vmem>>, vector<16x256xf32>
      %get3A_861 = arith.constant 0 : index
      %get3A_862 = arith.constant 5888 : index
      %get3A_863 = vector.load %arg1[%get3A_861, %get3A_862] : memref<16x8192xf32, #tpu.memory_space<vmem>>, vector<16x256xf32>
      %get3A_864 = arith.constant 0 : index
      %get3A_865 = arith.constant 5888 : index
      %get3A_866 = vector.load %arg2[%get3A_864, %get3A_865] : memref<16x8192xf32, #tpu.memory_space<vmem>>, vector<16x256xf32>
      %sub3A_867 = vector.broadcast %scan3A_29 : vector<16x1xf32> to vector<16x256xf32>
      %sub3A_868 = arith.subf %get3A_860, %sub3A_867 : vector<16x256xf32>
      %sub3A_869 = vector.broadcast %scan3A_30 : vector<16x1xf32> to vector<16x256xf32>
      %sub3A_870 = arith.subf %get3A_863, %sub3A_869 : vector<16x256xf32>
      %sub3A_871 = vector.broadcast %scan3A_31 : vector<16x1xf32> to vector<16x256xf32>
      %sub3A_872 = arith.subf %get3A_866, %sub3A_871 : vector<16x256xf32>
      %mul3A_873 = arith.mulf %sub3A_868, %sub3A_868 : vector<16x256xf32>
      %mul3A_874 = arith.mulf %sub3A_870, %sub3A_870 : vector<16x256xf32>
      %add3A_875 = arith.addf %mul3A_873, %mul3A_874 : vector<16x256xf32>
      %mul3A_876 = arith.mulf %sub3A_872, %sub3A_872 : vector<16x256xf32>
      %add3A_877 = arith.addf %add3A_875, %mul3A_876 : vector<16x256xf32>
      %get3A_878 = arith.constant 0 : index
      %get3A_879 = arith.constant 5888 : index
      %get3A_880 = vector.load %arg6[%get3A_878, %get3A_879] : memref<16x8192xf32, #tpu.memory_space<vmem>>, vector<16x256xf32>
      %min3A_881 = arith.minimumf %get3A_880, %add3A_877 : vector<16x256xf32>
      %swap3A_882 = arith.constant 0 : index
      %swap3A_883 = arith.constant 5888 : index
      %swap3A_884 = vector.load %arg6[%swap3A_882, %swap3A_883] : memref<16x8192xf32, #tpu.memory_space<vmem>>, vector<16x256xf32>
      tpu.vector_store %arg6[%swap3A_882, %swap3A_883], %min3A_881 {strides = array<i32>} : memref<16x8192xf32, #tpu.memory_space<vmem>>, vector<16x256xf32>,
      %gt3A_885 = arith.cmpf ogt, %min3A_881, %select_n3A_850 : vector<16x256xf32>
      %select_n3A_886 = arith.select %gt3A_885, %min3A_881, %select_n3A_850 : vector<16x256xi1>, vector<16x256xf32>
      %add3A_887 = arith.constant 5888 : i32
      %add3A_888 = vector.broadcast %add3A_887 : i32 to vector<16x256xi32>
      %add3A_889 = arith.addi %add3A_888, %iota3A_3 : vector<16x256xi32>
      %select_n3A_890 = arith.select %gt3A_885, %add3A_889, %select_n3A_854 : vector<16x256xi1>, vector<16x256xi32>
      %select_n3A_891 = arith.select %gt3A_885, %get3A_860, %select_n3A_855 : vector<16x256xi1>, vector<16x256xf32>
      %select_n3A_892 = arith.select %gt3A_885, %get3A_863, %select_n3A_856 : vector<16x256xi1>, vector<16x256xf32>
      %select_n3A_893 = arith.select %gt3A_885, %get3A_866, %select_n3A_857 : vector<16x256xi1>, vector<16x256xf32>
      %get3A_894 = arith.constant 0 : index
      %get3A_895 = arith.constant 6144 : index
      %get3A_896 = vector.load %arg0[%get3A_894, %get3A_895] : memref<16x8192xf32, #tpu.memory_space<vmem>>, vector<16x256xf32>
      %get3A_897 = arith.constant 0 : index
      %get3A_898 = arith.constant 6144 : index
      %get3A_899 = vector.load %arg1[%get3A_897, %get3A_898] : memref<16x8192xf32, #tpu.memory_space<vmem>>, vector<16x256xf32>
      %get3A_900 = arith.constant 0 : index
      %get3A_901 = arith.constant 6144 : index
      %get3A_902 = vector.load %arg2[%get3A_900, %get3A_901] : memref<16x8192xf32, #tpu.memory_space<vmem>>, vector<16x256xf32>
      %sub3A_903 = vector.broadcast %scan3A_29 : vector<16x1xf32> to vector<16x256xf32>
      %sub3A_904 = arith.subf %get3A_896, %sub3A_903 : vector<16x256xf32>
      %sub3A_905 = vector.broadcast %scan3A_30 : vector<16x1xf32> to vector<16x256xf32>
      %sub3A_906 = arith.subf %get3A_899, %sub3A_905 : vector<16x256xf32>
      %sub3A_907 = vector.broadcast %scan3A_31 : vector<16x1xf32> to vector<16x256xf32>
      %sub3A_908 = arith.subf %get3A_902, %sub3A_907 : vector<16x256xf32>
      %mul3A_909 = arith.mulf %sub3A_904, %sub3A_904 : vector<16x256xf32>
      %mul3A_910 = arith.mulf %sub3A_906, %sub3A_906 : vector<16x256xf32>
      %add3A_911 = arith.addf %mul3A_909, %mul3A_910 : vector<16x256xf32>
      %mul3A_912 = arith.mulf %sub3A_908, %sub3A_908 : vector<16x256xf32>
      %add3A_913 = arith.addf %add3A_911, %mul3A_912 : vector<16x256xf32>
      %get3A_914 = arith.constant 0 : index
      %get3A_915 = arith.constant 6144 : index
      %get3A_916 = vector.load %arg6[%get3A_914, %get3A_915] : memref<16x8192xf32, #tpu.memory_space<vmem>>, vector<16x256xf32>
      %min3A_917 = arith.minimumf %get3A_916, %add3A_913 : vector<16x256xf32>
      %swap3A_918 = arith.constant 0 : index
      %swap3A_919 = arith.constant 6144 : index
      %swap3A_920 = vector.load %arg6[%swap3A_918, %swap3A_919] : memref<16x8192xf32, #tpu.memory_space<vmem>>, vector<16x256xf32>
      tpu.vector_store %arg6[%swap3A_918, %swap3A_919], %min3A_917 {strides = array<i32>} : memref<16x8192xf32, #tpu.memory_space<vmem>>, vector<16x256xf32>,
      %gt3A_921 = arith.cmpf ogt, %min3A_917, %select_n3A_886 : vector<16x256xf32>
      %select_n3A_922 = arith.select %gt3A_921, %min3A_917, %select_n3A_886 : vector<16x256xi1>, vector<16x256xf32>
      %add3A_923 = arith.constant 6144 : i32
      %add3A_924 = vector.broadcast %add3A_923 : i32 to vector<16x256xi32>
      %add3A_925 = arith.addi %add3A_924, %iota3A_3 : vector<16x256xi32>
      %select_n3A_926 = arith.select %gt3A_921, %add3A_925, %select_n3A_890 : vector<16x256xi1>, vector<16x256xi32>
      %select_n3A_927 = arith.select %gt3A_921, %get3A_896, %select_n3A_891 : vector<16x256xi1>, vector<16x256xf32>
      %select_n3A_928 = arith.select %gt3A_921, %get3A_899, %select_n3A_892 : vector<16x256xi1>, vector<16x256xf32>
      %select_n3A_929 = arith.select %gt3A_921, %get3A_902, %select_n3A_893 : vector<16x256xi1>, vector<16x256xf32>
      %get3A_930 = arith.constant 0 : index
      %get3A_931 = arith.constant 6400 : index
      %get3A_932 = vector.load %arg0[%get3A_930, %get3A_931] : memref<16x8192xf32, #tpu.memory_space<vmem>>, vector<16x256xf32>
      %get3A_933 = arith.constant 0 : index
      %get3A_934 = arith.constant 6400 : index
      %get3A_935 = vector.load %arg1[%get3A_933, %get3A_934] : memref<16x8192xf32, #tpu.memory_space<vmem>>, vector<16x256xf32>
      %get3A_936 = arith.constant 0 : index
      %get3A_937 = arith.constant 6400 : index
      %get3A_938 = vector.load %arg2[%get3A_936, %get3A_937] : memref<16x8192xf32, #tpu.memory_space<vmem>>, vector<16x256xf32>
      %sub3A_939 = vector.broadcast %scan3A_29 : vector<16x1xf32> to vector<16x256xf32>
      %sub3A_940 = arith.subf %get3A_932, %sub3A_939 : vector<16x256xf32>
      %sub3A_941 = vector.broadcast %scan3A_30 : vector<16x1xf32> to vector<16x256xf32>
      %sub3A_942 = arith.subf %get3A_935, %sub3A_941 : vector<16x256xf32>
      %sub3A_943 = vector.broadcast %scan3A_31 : vector<16x1xf32> to vector<16x256xf32>
      %sub3A_944 = arith.subf %get3A_938, %sub3A_943 : vector<16x256xf32>
      %mul3A_945 = arith.mulf %sub3A_940, %sub3A_940 : vector<16x256xf32>
      %mul3A_946 = arith.mulf %sub3A_942, %sub3A_942 : vector<16x256xf32>
      %add3A_947 = arith.addf %mul3A_945, %mul3A_946 : vector<16x256xf32>
      %mul3A_948 = arith.mulf %sub3A_944, %sub3A_944 : vector<16x256xf32>
      %add3A_949 = arith.addf %add3A_947, %mul3A_948 : vector<16x256xf32>
      %get3A_950 = arith.constant 0 : index
      %get3A_951 = arith.constant 6400 : index
      %get3A_952 = vector.load %arg6[%get3A_950, %get3A_951] : memref<16x8192xf32, #tpu.memory_space<vmem>>, vector<16x256xf32>
      %min3A_953 = arith.minimumf %get3A_952, %add3A_949 : vector<16x256xf32>
      %swap3A_954 = arith.constant 0 : index
      %swap3A_955 = arith.constant 6400 : index
      %swap3A_956 = vector.load %arg6[%swap3A_954, %swap3A_955] : memref<16x8192xf32, #tpu.memory_space<vmem>>, vector<16x256xf32>
      tpu.vector_store %arg6[%swap3A_954, %swap3A_955], %min3A_953 {strides = array<i32>} : memref<16x8192xf32, #tpu.memory_space<vmem>>, vector<16x256xf32>,
      %gt3A_957 = arith.cmpf ogt, %min3A_953, %select_n3A_922 : vector<16x256xf32>
      %select_n3A_958 = arith.select %gt3A_957, %min3A_953, %select_n3A_922 : vector<16x256xi1>, vector<16x256xf32>
      %add3A_959 = arith.constant 6400 : i32
      %add3A_960 = vector.broadcast %add3A_959 : i32 to vector<16x256xi32>
      %add3A_961 = arith.addi %add3A_960, %iota3A_3 : vector<16x256xi32>
      %select_n3A_962 = arith.select %gt3A_957, %add3A_961, %select_n3A_926 : vector<16x256xi1>, vector<16x256xi32>
      %select_n3A_963 = arith.select %gt3A_957, %get3A_932, %select_n3A_927 : vector<16x256xi1>, vector<16x256xf32>
      %select_n3A_964 = arith.select %gt3A_957, %get3A_935, %select_n3A_928 : vector<16x256xi1>, vector<16x256xf32>
      %select_n3A_965 = arith.select %gt3A_957, %get3A_938, %select_n3A_929 : vector<16x256xi1>, vector<16x256xf32>
      %get3A_966 = arith.constant 0 : index
      %get3A_967 = arith.constant 6656 : index
      %get3A_968 = vector.load %arg0[%get3A_966, %get3A_967] : memref<16x8192xf32, #tpu.memory_space<vmem>>, vector<16x256xf32>
      %get3A_969 = arith.constant 0 : index
      %get3A_970 = arith.constant 6656 : index
      %get3A_971 = vector.load %arg1[%get3A_969, %get3A_970] : memref<16x8192xf32, #tpu.memory_space<vmem>>, vector<16x256xf32>
      %get3A_972 = arith.constant 0 : index
      %get3A_973 = arith.constant 6656 : index
      %get3A_974 = vector.load %arg2[%get3A_972, %get3A_973] : memref<16x8192xf32, #tpu.memory_space<vmem>>, vector<16x256xf32>
      %sub3A_975 = vector.broadcast %scan3A_29 : vector<16x1xf32> to vector<16x256xf32>
      %sub3A_976 = arith.subf %get3A_968, %sub3A_975 : vector<16x256xf32>
      %sub3A_977 = vector.broadcast %scan3A_30 : vector<16x1xf32> to vector<16x256xf32>
      %sub3A_978 = arith.subf %get3A_971, %sub3A_977 : vector<16x256xf32>
      %sub3A_979 = vector.broadcast %scan3A_31 : vector<16x1xf32> to vector<16x256xf32>
      %sub3A_980 = arith.subf %get3A_974, %sub3A_979 : vector<16x256xf32>
      %mul3A_981 = arith.mulf %sub3A_976, %sub3A_976 : vector<16x256xf32>
      %mul3A_982 = arith.mulf %sub3A_978, %sub3A_978 : vector<16x256xf32>
      %add3A_983 = arith.addf %mul3A_981, %mul3A_982 : vector<16x256xf32>
      %mul3A_984 = arith.mulf %sub3A_980, %sub3A_980 : vector<16x256xf32>
      %add3A_985 = arith.addf %add3A_983, %mul3A_984 : vector<16x256xf32>
      %get3A_986 = arith.constant 0 : index
      %get3A_987 = arith.constant 6656 : index
      %get3A_988 = vector.load %arg6[%get3A_986, %get3A_987] : memref<16x8192xf32, #tpu.memory_space<vmem>>, vector<16x256xf32>
      %min3A_989 = arith.minimumf %get3A_988, %add3A_985 : vector<16x256xf32>
      %swap3A_990 = arith.constant 0 : index
      %swap3A_991 = arith.constant 6656 : index
      %swap3A_992 = vector.load %arg6[%swap3A_990, %swap3A_991] : memref<16x8192xf32, #tpu.memory_space<vmem>>, vector<16x256xf32>
      tpu.vector_store %arg6[%swap3A_990, %swap3A_991], %min3A_989 {strides = array<i32>} : memref<16x8192xf32, #tpu.memory_space<vmem>>, vector<16x256xf32>,
      %gt3A_993 = arith.cmpf ogt, %min3A_989, %select_n3A_958 : vector<16x256xf32>
      %select_n3A_994 = arith.select %gt3A_993, %min3A_989, %select_n3A_958 : vector<16x256xi1>, vector<16x256xf32>
      %add3A_995 = arith.constant 6656 : i32
      %add3A_996 = vector.broadcast %add3A_995 : i32 to vector<16x256xi32>
      %add3A_997 = arith.addi %add3A_996, %iota3A_3 : vector<16x256xi32>
      %select_n3A_998 = arith.select %gt3A_993, %add3A_997, %select_n3A_962 : vector<16x256xi1>, vector<16x256xi32>
      %select_n3A_999 = arith.select %gt3A_993, %get3A_968, %select_n3A_963 : vector<16x256xi1>, vector<16x256xf32>
      %select_n3A_1000 = arith.select %gt3A_993, %get3A_971, %select_n3A_964 : vector<16x256xi1>, vector<16x256xf32>
      %select_n3A_1001 = arith.select %gt3A_993, %get3A_974, %select_n3A_965 : vector<16x256xi1>, vector<16x256xf32>
      %get3A_1002 = arith.constant 0 : index
      %get3A_1003 = arith.constant 6912 : index
      %get3A_1004 = vector.load %arg0[%get3A_1002, %get3A_1003] : memref<16x8192xf32, #tpu.memory_space<vmem>>, vector<16x256xf32>
      %get3A_1005 = arith.constant 0 : index
      %get3A_1006 = arith.constant 6912 : index
      %get3A_1007 = vector.load %arg1[%get3A_1005, %get3A_1006] : memref<16x8192xf32, #tpu.memory_space<vmem>>, vector<16x256xf32>
      %get3A_1008 = arith.constant 0 : index
      %get3A_1009 = arith.constant 6912 : index
      %get3A_1010 = vector.load %arg2[%get3A_1008, %get3A_1009] : memref<16x8192xf32, #tpu.memory_space<vmem>>, vector<16x256xf32>
      %sub3A_1011 = vector.broadcast %scan3A_29 : vector<16x1xf32> to vector<16x256xf32>
      %sub3A_1012 = arith.subf %get3A_1004, %sub3A_1011 : vector<16x256xf32>
      %sub3A_1013 = vector.broadcast %scan3A_30 : vector<16x1xf32> to vector<16x256xf32>
      %sub3A_1014 = arith.subf %get3A_1007, %sub3A_1013 : vector<16x256xf32>
      %sub3A_1015 = vector.broadcast %scan3A_31 : vector<16x1xf32> to vector<16x256xf32>
      %sub3A_1016 = arith.subf %get3A_1010, %sub3A_1015 : vector<16x256xf32>
      %mul3A_1017 = arith.mulf %sub3A_1012, %sub3A_1012 : vector<16x256xf32>
      %mul3A_1018 = arith.mulf %sub3A_1014, %sub3A_1014 : vector<16x256xf32>
      %add3A_1019 = arith.addf %mul3A_1017, %mul3A_1018 : vector<16x256xf32>
      %mul3A_1020 = arith.mulf %sub3A_1016, %sub3A_1016 : vector<16x256xf32>
      %add3A_1021 = arith.addf %add3A_1019, %mul3A_1020 : vector<16x256xf32>
      %get3A_1022 = arith.constant 0 : index
      %get3A_1023 = arith.constant 6912 : index
      %get3A_1024 = vector.load %arg6[%get3A_1022, %get3A_1023] : memref<16x8192xf32, #tpu.memory_space<vmem>>, vector<16x256xf32>
      %min3A_1025 = arith.minimumf %get3A_1024, %add3A_1021 : vector<16x256xf32>
      %swap3A_1026 = arith.constant 0 : index
      %swap3A_1027 = arith.constant 6912 : index
      %swap3A_1028 = vector.load %arg6[%swap3A_1026, %swap3A_1027] : memref<16x8192xf32, #tpu.memory_space<vmem>>, vector<16x256xf32>
      tpu.vector_store %arg6[%swap3A_1026, %swap3A_1027], %min3A_1025 {strides = array<i32>} : memref<16x8192xf32, #tpu.memory_space<vmem>>, vector<16x256xf32>,
      %gt3A_1029 = arith.cmpf ogt, %min3A_1025, %select_n3A_994 : vector<16x256xf32>
      %select_n3A_1030 = arith.select %gt3A_1029, %min3A_1025, %select_n3A_994 : vector<16x256xi1>, vector<16x256xf32>
      %add3A_1031 = arith.constant 6912 : i32
      %add3A_1032 = vector.broadcast %add3A_1031 : i32 to vector<16x256xi32>
      %add3A_1033 = arith.addi %add3A_1032, %iota3A_3 : vector<16x256xi32>
      %select_n3A_1034 = arith.select %gt3A_1029, %add3A_1033, %select_n3A_998 : vector<16x256xi1>, vector<16x256xi32>
      %select_n3A_1035 = arith.select %gt3A_1029, %get3A_1004, %select_n3A_999 : vector<16x256xi1>, vector<16x256xf32>
      %select_n3A_1036 = arith.select %gt3A_1029, %get3A_1007, %select_n3A_1000 : vector<16x256xi1>, vector<16x256xf32>
      %select_n3A_1037 = arith.select %gt3A_1029, %get3A_1010, %select_n3A_1001 : vector<16x256xi1>, vector<16x256xf32>
      %get3A_1038 = arith.constant 0 : index
      %get3A_1039 = arith.constant 7168 : index
      %get3A_1040 = vector.load %arg0[%get3A_1038, %get3A_1039] : memref<16x8192xf32, #tpu.memory_space<vmem>>, vector<16x256xf32>
      %get3A_1041 = arith.constant 0 : index
      %get3A_1042 = arith.constant 7168 : index
      %get3A_1043 = vector.load %arg1[%get3A_1041, %get3A_1042] : memref<16x8192xf32, #tpu.memory_space<vmem>>, vector<16x256xf32>
      %get3A_1044 = arith.constant 0 : index
      %get3A_1045 = arith.constant 7168 : index
      %get3A_1046 = vector.load %arg2[%get3A_1044, %get3A_1045] : memref<16x8192xf32, #tpu.memory_space<vmem>>, vector<16x256xf32>
      %sub3A_1047 = vector.broadcast %scan3A_29 : vector<16x1xf32> to vector<16x256xf32>
      %sub3A_1048 = arith.subf %get3A_1040, %sub3A_1047 : vector<16x256xf32>
      %sub3A_1049 = vector.broadcast %scan3A_30 : vector<16x1xf32> to vector<16x256xf32>
      %sub3A_1050 = arith.subf %get3A_1043, %sub3A_1049 : vector<16x256xf32>
      %sub3A_1051 = vector.broadcast %scan3A_31 : vector<16x1xf32> to vector<16x256xf32>
      %sub3A_1052 = arith.subf %get3A_1046, %sub3A_1051 : vector<16x256xf32>
      %mul3A_1053 = arith.mulf %sub3A_1048, %sub3A_1048 : vector<16x256xf32>
      %mul3A_1054 = arith.mulf %sub3A_1050, %sub3A_1050 : vector<16x256xf32>
      %add3A_1055 = arith.addf %mul3A_1053, %mul3A_1054 : vector<16x256xf32>
      %mul3A_1056 = arith.mulf %sub3A_1052, %sub3A_1052 : vector<16x256xf32>
      %add3A_1057 = arith.addf %add3A_1055, %mul3A_1056 : vector<16x256xf32>
      %get3A_1058 = arith.constant 0 : index
      %get3A_1059 = arith.constant 7168 : index
      %get3A_1060 = vector.load %arg6[%get3A_1058, %get3A_1059] : memref<16x8192xf32, #tpu.memory_space<vmem>>, vector<16x256xf32>
      %min3A_1061 = arith.minimumf %get3A_1060, %add3A_1057 : vector<16x256xf32>
      %swap3A_1062 = arith.constant 0 : index
      %swap3A_1063 = arith.constant 7168 : index
      %swap3A_1064 = vector.load %arg6[%swap3A_1062, %swap3A_1063] : memref<16x8192xf32, #tpu.memory_space<vmem>>, vector<16x256xf32>
      tpu.vector_store %arg6[%swap3A_1062, %swap3A_1063], %min3A_1061 {strides = array<i32>} : memref<16x8192xf32, #tpu.memory_space<vmem>>, vector<16x256xf32>,
      %gt3A_1065 = arith.cmpf ogt, %min3A_1061, %select_n3A_1030 : vector<16x256xf32>
      %select_n3A_1066 = arith.select %gt3A_1065, %min3A_1061, %select_n3A_1030 : vector<16x256xi1>, vector<16x256xf32>
      %add3A_1067 = arith.constant 7168 : i32
      %add3A_1068 = vector.broadcast %add3A_1067 : i32 to vector<16x256xi32>
      %add3A_1069 = arith.addi %add3A_1068, %iota3A_3 : vector<16x256xi32>
      %select_n3A_1070 = arith.select %gt3A_1065, %add3A_1069, %select_n3A_1034 : vector<16x256xi1>, vector<16x256xi32>
      %select_n3A_1071 = arith.select %gt3A_1065, %get3A_1040, %select_n3A_1035 : vector<16x256xi1>, vector<16x256xf32>
      %select_n3A_1072 = arith.select %gt3A_1065, %get3A_1043, %select_n3A_1036 : vector<16x256xi1>, vector<16x256xf32>
      %select_n3A_1073 = arith.select %gt3A_1065, %get3A_1046, %select_n3A_1037 : vector<16x256xi1>, vector<16x256xf32>
      %get3A_1074 = arith.constant 0 : index
      %get3A_1075 = arith.constant 7424 : index
      %get3A_1076 = vector.load %arg0[%get3A_1074, %get3A_1075] : memref<16x8192xf32, #tpu.memory_space<vmem>>, vector<16x256xf32>
      %get3A_1077 = arith.constant 0 : index
      %get3A_1078 = arith.constant 7424 : index
      %get3A_1079 = vector.load %arg1[%get3A_1077, %get3A_1078] : memref<16x8192xf32, #tpu.memory_space<vmem>>, vector<16x256xf32>
      %get3A_1080 = arith.constant 0 : index
      %get3A_1081 = arith.constant 7424 : index
      %get3A_1082 = vector.load %arg2[%get3A_1080, %get3A_1081] : memref<16x8192xf32, #tpu.memory_space<vmem>>, vector<16x256xf32>
      %sub3A_1083 = vector.broadcast %scan3A_29 : vector<16x1xf32> to vector<16x256xf32>
      %sub3A_1084 = arith.subf %get3A_1076, %sub3A_1083 : vector<16x256xf32>
      %sub3A_1085 = vector.broadcast %scan3A_30 : vector<16x1xf32> to vector<16x256xf32>
      %sub3A_1086 = arith.subf %get3A_1079, %sub3A_1085 : vector<16x256xf32>
      %sub3A_1087 = vector.broadcast %scan3A_31 : vector<16x1xf32> to vector<16x256xf32>
      %sub3A_1088 = arith.subf %get3A_1082, %sub3A_1087 : vector<16x256xf32>
      %mul3A_1089 = arith.mulf %sub3A_1084, %sub3A_1084 : vector<16x256xf32>
      %mul3A_1090 = arith.mulf %sub3A_1086, %sub3A_1086 : vector<16x256xf32>
      %add3A_1091 = arith.addf %mul3A_1089, %mul3A_1090 : vector<16x256xf32>
      %mul3A_1092 = arith.mulf %sub3A_1088, %sub3A_1088 : vector<16x256xf32>
      %add3A_1093 = arith.addf %add3A_1091, %mul3A_1092 : vector<16x256xf32>
      %get3A_1094 = arith.constant 0 : index
      %get3A_1095 = arith.constant 7424 : index
      %get3A_1096 = vector.load %arg6[%get3A_1094, %get3A_1095] : memref<16x8192xf32, #tpu.memory_space<vmem>>, vector<16x256xf32>
      %min3A_1097 = arith.minimumf %get3A_1096, %add3A_1093 : vector<16x256xf32>
      %swap3A_1098 = arith.constant 0 : index
      %swap3A_1099 = arith.constant 7424 : index
      %swap3A_1100 = vector.load %arg6[%swap3A_1098, %swap3A_1099] : memref<16x8192xf32, #tpu.memory_space<vmem>>, vector<16x256xf32>
      tpu.vector_store %arg6[%swap3A_1098, %swap3A_1099], %min3A_1097 {strides = array<i32>} : memref<16x8192xf32, #tpu.memory_space<vmem>>, vector<16x256xf32>,
      %gt3A_1101 = arith.cmpf ogt, %min3A_1097, %select_n3A_1066 : vector<16x256xf32>
      %select_n3A_1102 = arith.select %gt3A_1101, %min3A_1097, %select_n3A_1066 : vector<16x256xi1>, vector<16x256xf32>
      %add3A_1103 = arith.constant 7424 : i32
      %add3A_1104 = vector.broadcast %add3A_1103 : i32 to vector<16x256xi32>
      %add3A_1105 = arith.addi %add3A_1104, %iota3A_3 : vector<16x256xi32>
      %select_n3A_1106 = arith.select %gt3A_1101, %add3A_1105, %select_n3A_1070 : vector<16x256xi1>, vector<16x256xi32>
      %select_n3A_1107 = arith.select %gt3A_1101, %get3A_1076, %select_n3A_1071 : vector<16x256xi1>, vector<16x256xf32>
      %select_n3A_1108 = arith.select %gt3A_1101, %get3A_1079, %select_n3A_1072 : vector<16x256xi1>, vector<16x256xf32>
      %select_n3A_1109 = arith.select %gt3A_1101, %get3A_1082, %select_n3A_1073 : vector<16x256xi1>, vector<16x256xf32>
      %get3A_1110 = arith.constant 0 : index
      %get3A_1111 = arith.constant 7680 : index
      %get3A_1112 = vector.load %arg0[%get3A_1110, %get3A_1111] : memref<16x8192xf32, #tpu.memory_space<vmem>>, vector<16x256xf32>
      %get3A_1113 = arith.constant 0 : index
      %get3A_1114 = arith.constant 7680 : index
      %get3A_1115 = vector.load %arg1[%get3A_1113, %get3A_1114] : memref<16x8192xf32, #tpu.memory_space<vmem>>, vector<16x256xf32>
      %get3A_1116 = arith.constant 0 : index
      %get3A_1117 = arith.constant 7680 : index
      %get3A_1118 = vector.load %arg2[%get3A_1116, %get3A_1117] : memref<16x8192xf32, #tpu.memory_space<vmem>>, vector<16x256xf32>
      %sub3A_1119 = vector.broadcast %scan3A_29 : vector<16x1xf32> to vector<16x256xf32>
      %sub3A_1120 = arith.subf %get3A_1112, %sub3A_1119 : vector<16x256xf32>
      %sub3A_1121 = vector.broadcast %scan3A_30 : vector<16x1xf32> to vector<16x256xf32>
      %sub3A_1122 = arith.subf %get3A_1115, %sub3A_1121 : vector<16x256xf32>
      %sub3A_1123 = vector.broadcast %scan3A_31 : vector<16x1xf32> to vector<16x256xf32>
      %sub3A_1124 = arith.subf %get3A_1118, %sub3A_1123 : vector<16x256xf32>
      %mul3A_1125 = arith.mulf %sub3A_1120, %sub3A_1120 : vector<16x256xf32>
      %mul3A_1126 = arith.mulf %sub3A_1122, %sub3A_1122 : vector<16x256xf32>
      %add3A_1127 = arith.addf %mul3A_1125, %mul3A_1126 : vector<16x256xf32>
      %mul3A_1128 = arith.mulf %sub3A_1124, %sub3A_1124 : vector<16x256xf32>
      %add3A_1129 = arith.addf %add3A_1127, %mul3A_1128 : vector<16x256xf32>
      %get3A_1130 = arith.constant 0 : index
      %get3A_1131 = arith.constant 7680 : index
      %get3A_1132 = vector.load %arg6[%get3A_1130, %get3A_1131] : memref<16x8192xf32, #tpu.memory_space<vmem>>, vector<16x256xf32>
      %min3A_1133 = arith.minimumf %get3A_1132, %add3A_1129 : vector<16x256xf32>
      %swap3A_1134 = arith.constant 0 : index
      %swap3A_1135 = arith.constant 7680 : index
      %swap3A_1136 = vector.load %arg6[%swap3A_1134, %swap3A_1135] : memref<16x8192xf32, #tpu.memory_space<vmem>>, vector<16x256xf32>
      tpu.vector_store %arg6[%swap3A_1134, %swap3A_1135], %min3A_1133 {strides = array<i32>} : memref<16x8192xf32, #tpu.memory_space<vmem>>, vector<16x256xf32>,
      %gt3A_1137 = arith.cmpf ogt, %min3A_1133, %select_n3A_1102 : vector<16x256xf32>
      %select_n3A_1138 = arith.select %gt3A_1137, %min3A_1133, %select_n3A_1102 : vector<16x256xi1>, vector<16x256xf32>
      %add3A_1139 = arith.constant 7680 : i32
      %add3A_1140 = vector.broadcast %add3A_1139 : i32 to vector<16x256xi32>
      %add3A_1141 = arith.addi %add3A_1140, %iota3A_3 : vector<16x256xi32>
      %select_n3A_1142 = arith.select %gt3A_1137, %add3A_1141, %select_n3A_1106 : vector<16x256xi1>, vector<16x256xi32>
      %select_n3A_1143 = arith.select %gt3A_1137, %get3A_1112, %select_n3A_1107 : vector<16x256xi1>, vector<16x256xf32>
      %select_n3A_1144 = arith.select %gt3A_1137, %get3A_1115, %select_n3A_1108 : vector<16x256xi1>, vector<16x256xf32>
      %select_n3A_1145 = arith.select %gt3A_1137, %get3A_1118, %select_n3A_1109 : vector<16x256xi1>, vector<16x256xf32>
      %get3A_1146 = arith.constant 0 : index
      %get3A_1147 = arith.constant 7936 : index
      %get3A_1148 = vector.load %arg0[%get3A_1146, %get3A_1147] : memref<16x8192xf32, #tpu.memory_space<vmem>>, vector<16x256xf32>
      %get3A_1149 = arith.constant 0 : index
      %get3A_1150 = arith.constant 7936 : index
      %get3A_1151 = vector.load %arg1[%get3A_1149, %get3A_1150] : memref<16x8192xf32, #tpu.memory_space<vmem>>, vector<16x256xf32>
      %get3A_1152 = arith.constant 0 : index
      %get3A_1153 = arith.constant 7936 : index
      %get3A_1154 = vector.load %arg2[%get3A_1152, %get3A_1153] : memref<16x8192xf32, #tpu.memory_space<vmem>>, vector<16x256xf32>
      %sub3A_1155 = vector.broadcast %scan3A_29 : vector<16x1xf32> to vector<16x256xf32>
      %sub3A_1156 = arith.subf %get3A_1148, %sub3A_1155 : vector<16x256xf32>
      %sub3A_1157 = vector.broadcast %scan3A_30 : vector<16x1xf32> to vector<16x256xf32>
      %sub3A_1158 = arith.subf %get3A_1151, %sub3A_1157 : vector<16x256xf32>
      %sub3A_1159 = vector.broadcast %scan3A_31 : vector<16x1xf32> to vector<16x256xf32>
      %sub3A_1160 = arith.subf %get3A_1154, %sub3A_1159 : vector<16x256xf32>
      %mul3A_1161 = arith.mulf %sub3A_1156, %sub3A_1156 : vector<16x256xf32>
      %mul3A_1162 = arith.mulf %sub3A_1158, %sub3A_1158 : vector<16x256xf32>
      %add3A_1163 = arith.addf %mul3A_1161, %mul3A_1162 : vector<16x256xf32>
      %mul3A_1164 = arith.mulf %sub3A_1160, %sub3A_1160 : vector<16x256xf32>
      %add3A_1165 = arith.addf %add3A_1163, %mul3A_1164 : vector<16x256xf32>
      %get3A_1166 = arith.constant 0 : index
      %get3A_1167 = arith.constant 7936 : index
      %get3A_1168 = vector.load %arg6[%get3A_1166, %get3A_1167] : memref<16x8192xf32, #tpu.memory_space<vmem>>, vector<16x256xf32>
      %min3A_1169 = arith.minimumf %get3A_1168, %add3A_1165 : vector<16x256xf32>
      %swap3A_1170 = arith.constant 0 : index
      %swap3A_1171 = arith.constant 7936 : index
      %swap3A_1172 = vector.load %arg6[%swap3A_1170, %swap3A_1171] : memref<16x8192xf32, #tpu.memory_space<vmem>>, vector<16x256xf32>
      tpu.vector_store %arg6[%swap3A_1170, %swap3A_1171], %min3A_1169 {strides = array<i32>} : memref<16x8192xf32, #tpu.memory_space<vmem>>, vector<16x256xf32>,
      %gt3A_1173 = arith.cmpf ogt, %min3A_1169, %select_n3A_1138 : vector<16x256xf32>
      %select_n3A_1174 = arith.select %gt3A_1173, %min3A_1169, %select_n3A_1138 : vector<16x256xi1>, vector<16x256xf32>
      %add3A_1175 = arith.constant 7936 : i32
      %add3A_1176 = vector.broadcast %add3A_1175 : i32 to vector<16x256xi32>
      %add3A_1177 = arith.addi %add3A_1176, %iota3A_3 : vector<16x256xi32>
      %select_n3A_1178 = arith.select %gt3A_1173, %add3A_1177, %select_n3A_1142 : vector<16x256xi1>, vector<16x256xi32>
      %select_n3A_1179 = arith.select %gt3A_1173, %get3A_1148, %select_n3A_1143 : vector<16x256xi1>, vector<16x256xf32>
      %select_n3A_1180 = arith.select %gt3A_1173, %get3A_1151, %select_n3A_1144 : vector<16x256xi1>, vector<16x256xf32>
      %select_n3A_1181 = arith.select %gt3A_1173, %get3A_1154, %select_n3A_1145 : vector<16x256xi1>, vector<16x256xf32>
      %reduce_max3A = arith.constant dense<0xFF800000> : vector<16xf32>
      %reduce_max3A_1182 = vector.multi_reduction <maximumf>, %select_n3A_1174, %reduce_max3A [1] : vector<16x256xf32> to vector<16xf32>
      %broadcast_in_dim3A_1183 = vector.shape_cast %reduce_max3A_1182 : vector<16xf32> to vector<16x1xf32>
      %eq3A_1184 = vector.broadcast %broadcast_in_dim3A_1183 : vector<16x1xf32> to vector<16x256xf32>
      %eq3A_1185 = arith.cmpf oeq, %select_n3A_1174, %eq3A_1184 : vector<16x256xf32>
      %jit3A = arith.constant 8192 : i32
      %broadcast_in_dim3A_1186 = vector.broadcast %jit3A : i32 to vector<16x256xi32>
      %select_n3A_1187 = arith.select %eq3A_1185, %select_n3A_1178, %broadcast_in_dim3A_1186 : vector<16x256xi1>, vector<16x256xi32>
      %reduce_min3A = arith.constant dense<2147483647> : vector<16xi32>
      %reduce_min3A_1188 = vector.multi_reduction <minsi>, %select_n3A_1187, %reduce_min3A [1] : vector<16x256xi32> to vector<16xi32>
      %broadcast_in_dim3A_1189 = vector.shape_cast %reduce_min3A_1188 : vector<16xi32> to vector<16x1xi32>
      %eq3A_1190 = vector.broadcast %broadcast_in_dim3A_1189 : vector<16x1xi32> to vector<16x256xi32>
      %eq3A_1191 = arith.cmpi eq, %select_n3A_1187, %eq3A_1190 : vector<16x256xi32>
      %jit3A_1192 = arith.constant 0.000000e+00 : f32
      %broadcast_in_dim3A_1193 = vector.broadcast %jit3A_1192 : f32 to vector<16x256xf32>
      %select_n3A_1194 = arith.select %eq3A_1191, %select_n3A_1179, %broadcast_in_dim3A_1193 : vector<16x256xi1>, vector<16x256xf32>
      %reduce_sum3A = arith.constant dense<0.000000e+00> : vector<16xf32>
      %reduce_sum3A_1195 = vector.multi_reduction <add>, %select_n3A_1194, %reduce_sum3A [1] : vector<16x256xf32> to vector<16xf32>
      %broadcast_in_dim3A_1196 = vector.shape_cast %reduce_sum3A_1195 : vector<16xf32> to vector<16x1xf32>
      %jit3A_1197 = arith.constant 0.000000e+00 : f32
      %broadcast_in_dim3A_1198 = vector.broadcast %jit3A_1197 : f32 to vector<16x256xf32>
      %select_n3A_1199 = arith.select %eq3A_1191, %select_n3A_1180, %broadcast_in_dim3A_1198 : vector<16x256xi1>, vector<16x256xf32>
      %reduce_sum3A_1200 = arith.constant dense<0.000000e+00> : vector<16xf32>
      %reduce_sum3A_1201 = vector.multi_reduction <add>, %select_n3A_1199, %reduce_sum3A_1200 [1] : vector<16x256xf32> to vector<16xf32>
      %broadcast_in_dim3A_1202 = vector.shape_cast %reduce_sum3A_1201 : vector<16xf32> to vector<16x1xf32>
      %jit3A_1203 = arith.constant 0.000000e+00 : f32
      %broadcast_in_dim3A_1204 = vector.broadcast %jit3A_1203 : f32 to vector<16x256xf32>
      %select_n3A_1205 = arith.select %eq3A_1191, %select_n3A_1181, %broadcast_in_dim3A_1204 : vector<16x256xi1>, vector<16x256xf32>
      %reduce_sum3A_1206 = arith.constant dense<0.000000e+00> : vector<16xf32>
      %reduce_sum3A_1207 = vector.multi_reduction <add>, %select_n3A_1205, %reduce_sum3A_1206 [1] : vector<16x256xf32> to vector<16xf32>
      %broadcast_in_dim3A_1208 = vector.shape_cast %reduce_sum3A_1207 : vector<16xf32> to vector<16x1xf32>
      scf.yield %broadcast_in_dim3A_1196, %broadcast_in_dim3A_1202, %broadcast_in_dim3A_1208, %select_n3A, %select_n3A_40, %select_n3A_43 : vector<16x1xf32>, vector<16x1xf32>, vector<16x1xf32>, vector<16x256xf32>, vector<16x256xf32>, vector<16x256xf32>
    }
    %scan3A_18 = arith.constant 256 : i32
    %swap3A_19 = arith.constant 0 : index
    %swap3A_20 = arith.constant 0 : index
    %swap3A_21 = vector.load %arg3[%swap3A_19, %swap3A_20] : memref<16x256xf32, #tpu.memory_space<vmem>>, vector<16x256xf32>
    tpu.vector_store %arg3[%swap3A_19, %swap3A_20], %scan3A_17#3 {strides = array<i32>} : memref<16x256xf32, #tpu.memory_space<vmem>>, vector<16x256xf32>,
    %swap3A_22 = arith.constant 0 : index
    %swap3A_23 = arith.constant 0 : index
    %swap3A_24 = vector.load %arg4[%swap3A_22, %swap3A_23] : memref<16x256xf32, #tpu.memory_space<vmem>>, vector<16x256xf32>
    tpu.vector_store %arg4[%swap3A_22, %swap3A_23], %scan3A_17#4 {strides = array<i32>} : memref<16x256xf32, #tpu.memory_space<vmem>>, vector<16x256xf32>,
    %swap3A_25 = arith.constant 0 : index
    %swap3A_26 = arith.constant 0 : index
    %swap3A_27 = vector.load %arg5[%swap3A_25, %swap3A_26] : memref<16x256xf32, #tpu.memory_space<vmem>>, vector<16x256xf32>
    tpu.vector_store %arg5[%swap3A_25, %swap3A_26], %scan3A_17#5 {strides = array<i32>} : memref<16x256xf32, #tpu.memory_space<vmem>>, vector<16x256xf32>,
    return
  }
}

module attributes {stable_mosaic.version = 14 : i64} {
  func.func @_knn_body(%arg0: i32, %arg1: memref<1x256x512xf32, #tpu.memory_space<vmem>>, %arg2: memref<1x32x256xi32, #tpu.memory_space<vmem>>, %arg3: memref<1x32x256xi32, #tpu.memory_space<vmem>>, %arg4: memref<512x256xf32, #tpu.memory_space<vmem>>) attributes {dimension_semantics = [#tpu.dimension_semantics<arbitrary>], iteration_bounds = array<i64: 8>, scalar_prefetch = 0 : i64, scratch_operands = 1 : i64, tpu.core_type = #tpu.core_type<tc>, window_params = [{transform_indices = @transform_0, window_bounds = array<i64: 1, 256, 512>}, {transform_indices = @transform_1, window_bounds = array<i64: 1, 32, 256>}, {transform_indices = @transform_2, window_bounds = array<i64: 1, 32, 256>}]} {
    %get3A = arith.constant 0 : index
    %get3A_0 = arith.constant 0 : index
    %get3A_1 = arith.constant 0 : index
    %get3A_2 = vector.load %arg1[%get3A, %get3A_0, %get3A_1] : memref<1x256x512xf32, #tpu.memory_space<vmem>>, vector<1x256x512xf32>
    %get3A_3 = vector.shape_cast %get3A_2 : vector<1x256x512xf32> to vector<256x512xf32>
    %transpose3A = tpu.transpose %get3A_3, [1, 0] : vector<256x512xf32> -> vector<512x256xf32>
    %swap3A = arith.constant 0 : index
    %swap3A_4 = arith.constant 0 : index
    %swap3A_5 = vector.load %arg4[%swap3A, %swap3A_4] : memref<512x256xf32, #tpu.memory_space<vmem>>, vector<512x256xf32>
    tpu.vector_store %arg4[%swap3A, %swap3A_4], %transpose3A {strides = array<i32>} : memref<512x256xf32, #tpu.memory_space<vmem>>, vector<512x256xf32>,
    %get3A_6 = arith.constant 0 : index
    %get3A_7 = arith.constant 0 : index
    %get3A_8 = arith.constant 0 : index
    %get3A_9 = vector.load %arg2[%get3A_6, %get3A_7, %get3A_8] : memref<1x32x256xi32, #tpu.memory_space<vmem>>, vector<1x32x256xi32>
    %get3A_10 = vector.shape_cast %get3A_9 : vector<1x32x256xi32> to vector<32x256xi32>
    %add3A = arith.constant 0 : i32
    %add3A_11 = vector.broadcast %add3A : i32 to vector<32x256xi32>
    %add3A_12 = arith.addi %get3A_10, %add3A_11 : vector<32x256xi32>
    %add3A_13 = arith.constant 512 : i32
    %add3A_14 = vector.broadcast %add3A_13 : i32 to vector<32x256xi32>
    %add3A_15 = arith.addi %get3A_10, %add3A_14 : vector<32x256xi32>
    %add3A_16 = arith.constant 1024 : i32
    %add3A_17 = vector.broadcast %add3A_16 : i32 to vector<32x256xi32>
    %add3A_18 = arith.addi %get3A_10, %add3A_17 : vector<32x256xi32>
    %add3A_19 = arith.constant 1536 : i32
    %add3A_20 = vector.broadcast %add3A_19 : i32 to vector<32x256xi32>
    %add3A_21 = arith.addi %get3A_10, %add3A_20 : vector<32x256xi32>
    %add3A_22 = arith.constant 2048 : i32
    %add3A_23 = vector.broadcast %add3A_22 : i32 to vector<32x256xi32>
    %add3A_24 = arith.addi %get3A_10, %add3A_23 : vector<32x256xi32>
    %add3A_25 = arith.constant 2560 : i32
    %add3A_26 = vector.broadcast %add3A_25 : i32 to vector<32x256xi32>
    %add3A_27 = arith.addi %get3A_10, %add3A_26 : vector<32x256xi32>
    %add3A_28 = arith.constant 3072 : i32
    %add3A_29 = vector.broadcast %add3A_28 : i32 to vector<32x256xi32>
    %add3A_30 = arith.addi %get3A_10, %add3A_29 : vector<32x256xi32>
    %add3A_31 = arith.constant 3584 : i32
    %add3A_32 = vector.broadcast %add3A_31 : i32 to vector<32x256xi32>
    %add3A_33 = arith.addi %get3A_10, %add3A_32 : vector<32x256xi32>
    %add3A_34 = arith.constant 4096 : i32
    %add3A_35 = vector.broadcast %add3A_34 : i32 to vector<32x256xi32>
    %add3A_36 = arith.addi %get3A_10, %add3A_35 : vector<32x256xi32>
    %add3A_37 = arith.constant 4608 : i32
    %add3A_38 = vector.broadcast %add3A_37 : i32 to vector<32x256xi32>
    %add3A_39 = arith.addi %get3A_10, %add3A_38 : vector<32x256xi32>
    %add3A_40 = arith.constant 5120 : i32
    %add3A_41 = vector.broadcast %add3A_40 : i32 to vector<32x256xi32>
    %add3A_42 = arith.addi %get3A_10, %add3A_41 : vector<32x256xi32>
    %add3A_43 = arith.constant 5632 : i32
    %add3A_44 = vector.broadcast %add3A_43 : i32 to vector<32x256xi32>
    %add3A_45 = arith.addi %get3A_10, %add3A_44 : vector<32x256xi32>
    %add3A_46 = arith.constant 6144 : i32
    %add3A_47 = vector.broadcast %add3A_46 : i32 to vector<32x256xi32>
    %add3A_48 = arith.addi %get3A_10, %add3A_47 : vector<32x256xi32>
    %add3A_49 = arith.constant 6656 : i32
    %add3A_50 = vector.broadcast %add3A_49 : i32 to vector<32x256xi32>
    %add3A_51 = arith.addi %get3A_10, %add3A_50 : vector<32x256xi32>
    %add3A_52 = arith.constant 7168 : i32
    %add3A_53 = vector.broadcast %add3A_52 : i32 to vector<32x256xi32>
    %add3A_54 = arith.addi %get3A_10, %add3A_53 : vector<32x256xi32>
    %add3A_55 = arith.constant 7680 : i32
    %add3A_56 = vector.broadcast %add3A_55 : i32 to vector<32x256xi32>
    %add3A_57 = arith.addi %get3A_10, %add3A_56 : vector<32x256xi32>
    %concatenate3A = tpu.concatenate %add3A_12, %add3A_15, %add3A_18, %add3A_21, %add3A_24, %add3A_27, %add3A_30, %add3A_33, %add3A_36, %add3A_39, %add3A_42, %add3A_45, %add3A_48, %add3A_51, %add3A_54, %add3A_57 in 0 : vector<32x256xi32>, vector<32x256xi32>, vector<32x256xi32>, vector<32x256xi32>, vector<32x256xi32>, vector<32x256xi32>, vector<32x256xi32>, vector<32x256xi32>, vector<32x256xi32>, vector<32x256xi32>, vector<32x256xi32>, vector<32x256xi32>, vector<32x256xi32>, vector<32x256xi32>, vector<32x256xi32>, vector<32x256xi32> -> vector<512x256xi32>
    %iota3A = tpu.iota {dimensions = array<i32: 0>} : vector<32x256xi32>
    %broadcast_in_dim3A = arith.constant 0 : i32
    %broadcast_in_dim3A_58 = vector.broadcast %broadcast_in_dim3A : i32 to vector<32x256xi32>
    %broadcast_in_dim3A_59 = arith.constant -1 : i32
    %broadcast_in_dim3A_60 = vector.broadcast %broadcast_in_dim3A_59 : i32 to vector<1x256xi32>
    %scan3A = arith.constant 0 : i32
    %scan3A_61 = arith.constant 32 : i32
    %scan3A_62 = arith.addi %scan3A, %scan3A_61 : i32
    %scan3A_63 = arith.constant 1 : i32
    %scan3A_64:2 = scf.for %scan3A_72 = %scan3A to %scan3A_62 step %scan3A_63 iter_args(%scan3A_73 = %broadcast_in_dim3A_58, %scan3A_74 = %broadcast_in_dim3A_60) -> (vector<32x256xi32>, vector<1x256xi32>)  : i32 {
      %eq3A = vector.broadcast %scan3A_74 : vector<1x256xi32> to vector<512x256xi32>
      %eq3A_75 = arith.cmpi eq, %concatenate3A, %eq3A : vector<512x256xi32>
      %get3A_76 = arith.constant 0 : index
      %get3A_77 = arith.constant 0 : index
      %get3A_78 = vector.load %arg4[%get3A_76, %get3A_77] : memref<512x256xf32, #tpu.memory_space<vmem>>, vector<512x256xf32>
      %jit3A = arith.constant 0x7F800000 : f32
      %broadcast_in_dim3A_79 = vector.broadcast %jit3A : f32 to vector<512x256xf32>
      %select_n3A = arith.select %eq3A_75, %broadcast_in_dim3A_79, %get3A_78 : vector<512x256xi1>, vector<512x256xf32>
      %swap3A_80 = arith.constant 0 : index
      %swap3A_81 = arith.constant 0 : index
      %swap3A_82 = vector.load %arg4[%swap3A_80, %swap3A_81] : memref<512x256xf32, #tpu.memory_space<vmem>>, vector<512x256xf32>
      tpu.vector_store %arg4[%swap3A_80, %swap3A_81], %select_n3A {strides = array<i32>} : memref<512x256xf32, #tpu.memory_space<vmem>>, vector<512x256xf32>,
      %reduce_min3A = arith.constant dense<0x7F800000> : vector<256xf32>
      %reduce_min3A_83 = vector.multi_reduction <minimumf>, %select_n3A, %reduce_min3A [0] : vector<512x256xf32> to vector<256xf32>
      %broadcast_in_dim3A_84 = vector.shape_cast %reduce_min3A_83 : vector<256xf32> to vector<1x256xf32>
      %eq3A_85 = vector.broadcast %broadcast_in_dim3A_84 : vector<1x256xf32> to vector<512x256xf32>
      %eq3A_86 = arith.cmpf oeq, %select_n3A, %eq3A_85 : vector<512x256xf32>
      %jit3A_87 = arith.constant 8192 : i32
      %broadcast_in_dim3A_88 = vector.broadcast %jit3A_87 : i32 to vector<512x256xi32>
      %select_n3A_89 = arith.select %eq3A_86, %concatenate3A, %broadcast_in_dim3A_88 : vector<512x256xi1>, vector<512x256xi32>
      %reduce_min3A_90 = arith.constant dense<2147483647> : vector<256xi32>
      %reduce_min3A_91 = vector.multi_reduction <minsi>, %select_n3A_89, %reduce_min3A_90 [0] : vector<512x256xi32> to vector<256xi32>
      %broadcast_in_dim3A_92 = vector.shape_cast %reduce_min3A_91 : vector<256xi32> to vector<1x256xi32>
      %eq3A_93 = vector.broadcast %scan3A_72 : i32 to vector<32x256xi32>
      %eq3A_94 = arith.cmpi eq, %iota3A, %eq3A_93 : vector<32x256xi32>
      %broadcast_in_dim3A_95 = vector.shape_cast %broadcast_in_dim3A_92 : vector<1x256xi32> to vector<1x256xi32>
      %broadcast_in_dim3A_96 = vector.broadcast %broadcast_in_dim3A_95 : vector<1x256xi32> to vector<32x256xi32>
      %select_n3A_97 = arith.select %eq3A_94, %broadcast_in_dim3A_96, %scan3A_73 : vector<32x256xi1>, vector<32x256xi32>
      scf.yield %select_n3A_97, %broadcast_in_dim3A_92 : vector<32x256xi32>, vector<1x256xi32>
    }
    %scan3A_65 = arith.constant 32 : i32
    %swap3A_66 = arith.constant 0 : index
    %swap3A_67 = arith.constant 0 : index
    %swap3A_68 = arith.constant 0 : index
    %swap3A_69 = vector.load %arg3[%swap3A_66, %swap3A_67, %swap3A_68] : memref<1x32x256xi32, #tpu.memory_space<vmem>>, vector<1x32x256xi32>
    %swap3A_70 = vector.shape_cast %swap3A_69 : vector<1x32x256xi32> to vector<32x256xi32>
    %swap3A_71 = vector.shape_cast %scan3A_64#0 : vector<32x256xi32> to vector<1x32x256xi32>
    tpu.vector_store %arg3[%swap3A_66, %swap3A_67, %swap3A_68], %swap3A_71 {strides = array<i32>} : memref<1x32x256xi32, #tpu.memory_space<vmem>>, vector<1x32x256xi32>,
    return
  }
  func.func @transform_0(%arg0: i32) -> (i32, i32, i32) {
    %c0_i32 = arith.constant 0 : i32
    %c0_i32_0 = arith.constant 0 : i32
    %c0_i32_1 = arith.constant 0 : i32
    return %arg0, %c0_i32, %c0_i32_0 : i32, i32, i32
  }
  func.func @transform_1(%arg0: i32) -> (i32, i32, i32) {
    %c0_i32 = arith.constant 0 : i32
    %c0_i32_0 = arith.constant 0 : i32
    %c0_i32_1 = arith.constant 0 : i32
    return %arg0, %c0_i32, %c0_i32_0 : i32, i32, i32
  }
  func.func @transform_2(%arg0: i32) -> (i32, i32, i32) {
    %c0_i32 = arith.constant 0 : i32
    %c0_i32_0 = arith.constant 0 : i32
    %c0_i32_1 = arith.constant 0 : i32
    return %arg0, %c0_i32, %c0_i32_0 : i32, i32, i32
  }
}

</mosaic_0001>

<sc_bundles>
// kernel: kernel.11.cloned.1.call-start
scs
__scs_entry_jumppad:
0x0: {  	(pc) =	sbr.rel $0x88, $3  }
0x1: {  	(tag) =	ssettag $0x0;
	lr =	simm.s32 $0x1  }
0x2: {  	[smem:$0x3FA0] =	sst lr;
	_ =	strace $0xD0000000  }
0x3: {  	_ = 	snop  }
0x4: {  	_ = 	snop  }
0x5: {  	_ = 	snop  }
0x6: {  	_ = 	snop  }
0x7: {  	_ = 	snop  }
__scs_overlays_trampoline_lowered:
0x8: {  	[smem:$0x3FAF] =	sst s0  }
0x9: {  	[smem:$0x3FB0] =	sst s1  }
0xa: {  	[smem:$0x3FB1] =	sst s2  }
0xb: {  	[smem:$0x3FB2] =	sst s3  }
0xc: {  	[smem:$0x3FB3] =	sst s4  }
0xd: {  	[smem:$0x3FB4] =	sst s5  }
0xe: {  	[smem:$0x3FB5] =	sst s6  }
0xf: {  	[smem:$0x3FB6] =	sst s7  }
0x10: {  	[smem:$0x3FB7] =	sst s8  }
0x11: {  	[smem:$0x3FB8] =	sst s9;
	s0 =	simm.s32 @!p0 $0x0  }
0x12: {  	s1 =	sld [smem:$0x3F9E];
	s0 =	simm.s32 @p0 $0x1  }
0x13: {  	[smem:$0x3FB9] =	sst s0;
	s0 =	simm.s32 @!p1 $0x0  }
0x14: {  	s2 =	sld [smem:$0x3F9D];
	s0 =	simm.s32 @p1 $0x1  }
0x15: {  	[smem:$0x3FBA] =	sst s0;
	s0 =	simm.s32 @!p2 $0x0  }
0x16: {  	s3 =	sld [smem:$0x3FDB];
	s0 =	simm.s32 @p2 $0x1  }
0x17: {  	s4 =	simm.s32 $0x1BF5;
	[smem:$0x3FBC] =	sst s0  }
0x18: {  	s0 =	sld [smem:$0x3F9F];
	_ =	swait.ge [sflag:s4], $0x0  }
0x19: {  	s7 =	sld [smem:$0x3FA0]  }
0x1a: {  	s8 =	sadd.s32 $0xFFFFE003, lr  }
0x1b: {  	s9 =	sadd.s32 $0xFFFFFEF7, lr;
	s5 =	simm.s32 $0xFFFFFFFF;
	p2 =	slt.u32 s8, $0xFFFFF086  }
0x1c: {  	p1 =	slt.u32 s9, $0xF7A;
	s5 =	simm.s32 @!p2 $0x0  }
0x1d: {  	s5 =	simm.s32 @p1 $0x1;
	p0 =	seq.s32 s7, s2  }
0x1e: {  	s7 =	smul.u32 @!p0 $0xF7A, s2;
	p2 =	seq.s32 @!p0 s5, $0x0  }
0x1f: {  	s9 =	smul.u32 $0xF7A, s1;
	s8 =	simm.s32 @!p0 $0x1BF5;
	p2 =	por !p2, p0  }
0x20: {  	[sflag:s8] =	ssyncset.s32 @!p0 $0xFFFFF086;
	s6 =	sadd.s32 @!p0 s3, s7;
	s7 =	simm.s32 @!p0 $0x108  }
0x21: {  	s3 =	sadd.s32 s3, s9;
	s6 =	sadd.s32 @!p0 $0x88, s6;
	s7 =	simm.s32 @p2 $0x1082  }
0x22: {  	[simem:s7], [sflag:s8] =	dma.local @!p0 [hbm:s6], $0xF7A  }
0x23: {  	s9 =	sor.u32 $0xD0000000, s2;
	s6 =	simm.s32 $0x108;
	_ =	swait.ge @!p0 [sflag:s8], $0x0  }
0x24: {  	s3 =	sadd.s32 $0x88, s3;
	s6 =	simm.s32 @!p1 $0x1082;
	[sflag:s4] =	ssyncset.s32 $0xFFFFF086  }
0x25: {  	[simem:s6], [sflag:s4] =	dma.local [hbm:s3], $0xF7A  }
0x26: {  	[smem:$0x3FA0] =	sst s1;
	(tag) =	ssettag s2;
	_ =	strace s9  }
0x27: {  	s1 =	sld [smem:$0x3FB0]  }
0x28: {  	s2 =	sld [smem:$0x3FB1]  }
0x29: {  	s4 =	sld [smem:$0x3FB3]  }
0x2a: {  	p0 =	seq.s32 s5, $0x0;
	s5 =	sld [smem:$0x3FB4]  }
0x2b: {  	s6 =	sld [smem:$0x3FB5]  }
0x2c: {  	s7 =	sld [smem:$0x3FB6]  }
0x2d: {  	s3 =	simm.s32 $0x108;
	s8 =	sld [smem:$0x3FB7]  }
0x2e: {  	s3 =	simm.s32 @!p0 $0x1082;
	s9 =	sld [smem:$0x3FB8]  }
0x2f: {  	lr =	sadd.s32 s0, s3;
	s0 =	sld [smem:$0x3FAF]  }
0x30: {  	s3 =	sld [smem:$0x3FB2]  }
0x31: {  	[smem:$0x3FBB] =	sst s10  }
0x32: {  	s10 =	sld [smem:$0x3FB9];
	_ =	sdelay $0x3  }
0x33: {  	p0 =	seq.s32 s10, $0x1;
	s10 =	sld [smem:$0x3FBB];
	_ =	sdelay $0x3  }
0x34: {  	[smem:$0x3FBB] =	sst s10  }
0x35: {  	s10 =	sld [smem:$0x3FBA];
	_ =	sdelay $0x3  }
0x36: {  	p1 =	seq.s32 s10, $0x1;
	s10 =	sld [smem:$0x3FBB];
	_ =	sdelay $0x3  }
0x37: {  	[smem:$0x3FBB] =	sst s10  }
0x38: {  	s10 =	sld [smem:$0x3FBC]  }
0x39: {  	_ = 	snop;
	(pc) =	sbr.ind lr, $3  }
0x3a: {  	_ = 	snop  }
0x3b: {  	_ = 	snop  }
0x3c: {  	p2 =	seq.s32 s10, $0x1;
	s10 =	sld [smem:$0x3FBB]  }
0x3d: {  	_ =	shalt  }
0x3e: {  	_ =	shalt  }
0x3f: {  	_ =	shalt  }
0x40: {  	_ =	shalt  }
0x41: {  	_ =	shalt  }
0x42: {  	_ =	shalt  }
0x43: {  	_ =	shalt  }
0x44: {  	_ =	shalt  }
0x45: {  	_ =	shalt  }
0x46: {  	_ =	shalt  }
0x47: {  	_ =	shalt  }
0x48: {  	_ =	shalt  }
0x49: {  	_ =	shalt  }
0x4a: {  	_ =	shalt  }
0x4b: {  	_ =	shalt  }
0x4c: {  	_ =	shalt  }
0x4d: {  	_ =	shalt  }
0x4e: {  	_ =	shalt  }
0x4f: {  	_ =	shalt  }
0x50: {  	_ =	shalt  }
0x51: {  	_ =	shalt  }
0x52: {  	_ =	shalt  }
0x53: {  	_ =	shalt  }
0x54: {  	_ =	shalt  }
0x55: {  	_ =	shalt  }
0x56: {  	_ =	shalt  }
0x57: {  	_ =	shalt  }
0x58: {  	_ =	shalt  }
0x59: {  	_ =	shalt  }
0x5a: {  	_ =	shalt  }
0x5b: {  	_ =	shalt  }
0x5c: {  	_ =	shalt  }
0x5d: {  	_ =	shalt  }
0x5e: {  	_ =	shalt  }
0x5f: {  	_ =	shalt  }
0x60: {  	_ =	shalt  }
0x61: {  	_ =	shalt  }
0x62: {  	_ =	shalt  }
0x63: {  	_ =	shalt  }
0x64: {  	_ =	shalt  }
0x65: {  	_ =	shalt  }
0x66: {  	_ =	shalt  }
0x67: {  	_ =	shalt  }
0x68: {  	_ =	shalt  }
0x69: {  	_ =	shalt  }
0x6a: {  	_ =	shalt  }
0x6b: {  	_ =	shalt  }
0x6c: {  	_ =	shalt  }
0x6d: {  	_ =	shalt  }
0x6e: {  	_ =	shalt  }
0x6f: {  	_ =	shalt  }
0x70: {  	_ =	shalt  }
0x71: {  	_ =	shalt  }
0x72: {  	_ =	shalt  }
0x73: {  	_ =	shalt  }
0x74: {  	_ =	shalt  }
0x75: {  	_ =	shalt  }
0x76: {  	_ =	shalt  }
0x77: {  	_ =	shalt  }
0x78: {  	_ =	shalt  }
0x79: {  	_ =	shalt  }
0x7a: {  	_ =	shalt  }
0x7b: {  	_ =	shalt  }
0x7c: {  	_ =	shalt  }
0x7d: {  	_ =	shalt  }
0x7e: {  	_ =	shalt  }
0x7f: {  	_ =	shalt  }
0x80: {  	_ =	shalt  }
0x81: {  	_ =	shalt  }
0x82: {  	_ =	shalt  }
0x83: {  	_ =	shalt  }
0x84: {  	_ =	shalt  }
0x85: {  	_ =	shalt  }
0x86: {  	_ =	shalt  }
0x87: {  	_ =	shalt  }
.Lfunc_end0:
.L_simem_size_0:
called_computation_lowered:
.L_overlay_start_0:
0x88: {  	s2 =	sld [smem:$0x3FD9]  }
0x89: {  	s3 =	sld [smem:$0x3FFE];
	_ =	sdelay $0x1  }
0x8a: {  	s1 =	srdreg.scid  }
0x8b: {  	s0 =	sand.u32 $0x1, s1  }
0x8c: {  	s17 =	sshll.u32 s0, $0xA;
	s2 =	sadd.s32 s3, s2  }
0x8d: {  	s2 =	sadd.s32 s2, s17  }
0x8e: {  	[smem:$0x3FC7] =	sst s2  }
0x8f: {  	_ = 	snop  }
0x90: {  	(tm) =	ssettm $0x1  }
0x91: {  	s18 =	sld [smem:$0x3FFB];
	_ =	sdelay $0x3  }
0x92: {  	_ =	strace s18  }
0x93: {  	s2 =	sld [smem:$0x3FFC];
	_ =	sdelay $0x3  }
0x94: {  	_ =	strace s2  }
0x95: {  	s2 =	sld [smem:$0x3FFD];
	_ =	sdelay $0x3  }
0x96: {  	_ =	strace s2  }
0x97: {  	_ =	strace $0x8FFFFFFF  }
0x98: {  	s19 =	sld [smem:$0x3FDB];
	_ =	sdelay $0x1  }
0x99: {  	s20 =	simm.s32 $_scs_section_size  }
0x9a: {  	s4 =	simm.s32 $_size__tile_overlayer_lowered;
	s5 =	simm.s32 $_tile_overlayer_lowered  }
0x9b: {  	s6 =	simm.s32 $0x1BFF;
	s21 =	sshll.u32 s5, $0x1;
	s3 =	sadd.s32 s20, s19  }
0x9c: {  	s22 =	simm.s32 $0x0;
	s4 =	sshll.u32 s4, $0x1;
	s5 =	sadd.s32 s21, s3  }
0x9d: {  	[timem:s22], [sflag:s6] =	dma.local [hbm:s5], s4  }
0x9e: {  	_ =	swait.ge [sflag:s6], s4  }
0x9f: {  	s4 =	ssub.s32 $0x0, s4;
	[sflag:s6] =	ssyncset.done $0x0  }
0xa0: {  	[sflag:s6] =	ssyncadd.s32 s4;
	_ =	sdelay $0x1  }
0xa1: {  	s23 =	simm.s32 $0x1B8B  }
0xa2: {  	_ =	swait.ge [sflag:s23], $0x1  }
0xa3: {  	[sflag:s23] =	ssyncset.done $0x0  }
0xa4: {  	[sflag:s23] =	ssyncadd.s32 $0xFFFFFFFF  }
0xa5: {  	s4 =	sld [smem:$0x0]  }
0xa6: {  	s5 =	sand.u32 $0xFFFFFFFE, s1  }
0xa7: {  	p0 =	sne.s32 s1, s5  }
0xa8: {  	s5 =	sshll.u32 @p0 s5, $0xE  }
0xa9: {  	s5 =	sadd.s32 @p0 $0x11B8D, s5;
	s6 =	sshll.u32 @p0 s4, $0x11  }
0xaa: {  	s5 =	sor.u32 @p0 s6, s5  }
0xab: {  	[sflag:s5] =	ssyncadd.remote.s32 @p0 $0x1;
	_ =	sdelay $0x1  }
0xac: {  	s5 =	simm.s32 @p0 $0x1B8D  }
0xad: {  	_ =	swait.eq @p0 [sflag:s5], $0x1  }
0xae: {  	[sflag:s5] =	ssyncadd.s32 @p0 $0xFFFFFFFF  }
0xaf: {  	s6 =	sshll.u32 @!p0 s1, $0xE  }
0xb0: {  	s6 =	sor.u32 @!p0 $0x4000, s6;
	s5 =	simm.s32 @!p0 $0x1B8D  }
0xb1: {  	s4 =	sshll.u32 @!p0 s4, $0x11;
	s6 =	sadd.s32 @!p0 $0x11B8D, s6;
	_ =	swait.eq @!p0 [sflag:s5], $0x1  }
0xb2: {  	s4 =	sor.u32 @!p0 s4, s6;
	[sflag:s5] =	ssyncadd.s32 @!p0 $0xFFFFFFFF  }
0xb3: {  	s25 =	simm.s32 $0x1B8E;
	s24 =	sld [smem:$0x3FFE];
	[sflag:s4] =	ssyncadd.remote.s32 @!p0 $0x1  }
0xb4: {  	s26 =	simm.s32 $execute0_lowered;
	[smem:$0x3FD2] =	sst s25  }
0xb5: {  	s5 =	sshll.u32 s26, $0x1;
	_ =	strace $0x80000049;
	[dreg:$0x1] =	wrdreg $0xFFFFFFFF  }
0xb6: {  	s28 =	simm.s32 $_size_execute0_lowered;
	s3 =	sadd.s32 s3, s5;
	[dreg:$0x0] =	wrdreg $0x0  }
0xb7: {  	s5 =	sshll.u32 s28, $0x1;
	[dreg:$0x2] =	wrdreg s3  }
0xb8: {  	[dreg:$0x3] =	wrdreg s5  }
0xb9: {  	[dreg:$0x4] =	wrdreg $0xC0  }
0xba: {  	_ =	task [dreg:s22], $0x5FFFF  }
0xbb: {  	[dreg:$0x1] =	wrdreg $0xFFFFFFFF  }
0xbc: {  	[dreg:$0x0] =	wrdreg $0x60  }
0xbd: {  	[dreg:$0x2] =	wrdreg s24  }
0xbe: {  	[dreg:$0x3] =	wrdreg $0x9  }
0xbf: {  	_ =	task.clear_ibuf [dreg:s22], $0x4FFFF;
	_ =	strace $0x90000049  }
0xc0: {  	s29 =	simm.s32 $0x9;
	_ =	strace $0x8000004B  }
0xc1: {  	_ =	swait.ge [sflag:s29], $0x1  }
0xc2: {  	[sflag:s29] =	ssyncadd.s32 $0xFFFFFFFF  }
0xc3: {  	_ =	strace $0x9000004B  }
0xc4: {  	_ =	sfence  }
0xc5: {  	s30 =	sld [smem:$0x0];
	_ =	sdelay $0x2  }
0xc6: {  	s31 =	sshll.u32 s1, $0xD;
	s1 =	sshrl.u32 s1, $0x2  }
0xc7: {  	s4 =	sand.u32 $0x4000, s31;
	s1 =	sadd.s32 s1, s30  }
0xc8: {  	s0 =	sor.u32 s4, s0;
	s1 =	sshll.u32 s1, $0x11  }
0xc9: {  	s0 =	sor.u32 s1, s0  }
0xca: {  	s0 =	sadd.s32 $0x8F2B, s0  }
0xcb: {  	[sflag:s0] =	ssyncadd.remote.s32 $0x1  }
0xcc: {  	_ =	sfence.sel $0xFFFF  }
0xcd: {  	[dreg:$0x0] =	wrdreg $0xFFFFFFFF;
	(pc) =	sbr.abs _section_cstart, $3  }
0xce: {  	[dreg:$0x1] =	wrdreg $0xFFFFFFFF  }
0xcf: {  	_ =	task.clear_ibuf [dreg:s22], $0x2FFFF;
	_ =	strace $0x9FFFFFFF  }
0xd0: {  	(tm) =	ssettm $0x7FFFFFFF  }
0xd1: {  	_ =	shalt  }
tec
execute0_lowered:
.L_overlay_start_1:
0x0: {  	(tag) =	ssettag $0x1  }
0x1: {  	s3 =	rddreg [dreg:$0x0]  }
0x2: {  	s0 =	rddreg [dreg:$0x1]  }
0x3: {  	s2 =	simm.s32 $0x0;
	s1 =	stileid.u32;
	s5 =	srdreg.scid  }
0x4: {  	s12 =	simm.s32 $0x80;
	s13 =	simm.s32 $0x400;
	s14 =	simm.s32 $0x1  }
0x5: {  	s15 =	simm.s32 $0x2000;
	s16 =	simm.s32 $0x4000;
	s17 =	simm.s32 $0x6000  }
0x6: {  	s18 =	simm.s32 $0x6800;
	s19 =	simm.s32 $0x6880;
	s20 =	simm.s32 $0x6900  }
0x7: {  	s21 =	simm.s32 $0x6980;
	s22 =	simm.s32 $0x0;
	[smem:$0x7FF] =	sst s2  }
0x8: {  	s4 =	sshll.u32 s1, $0x6;
	s6 =	sshll.u32 s1, $0x1;
	s5 =	sand.u32 $0x1, s5  }
0x9: {  	s9 =	sshll.u32 s1, $0xA;
	s4 =	sand.u32 $0x380, s4;
	s6 =	sand.u32 $0x2, s6  }
0xa: {  	_ =	strace $0x8000004A;
	s9 =	sand.u32 $0x400, s9;
	s10 =	sshll.u32 s5, $0x6  }
0xb: {  	s7 =	sshrl.u32 s4, $0x3;
	s6 =	sor.u32 s5, s6;
	s9 =	sor.u32 s10, s9  }
0xc: {  	s5 =	ssub.s32 $0x2, s5;
	s7 =	sadd.s32 s7, s3;
	s8 =	sshll.u32 s6, $0xE  }
0xd: {  	s6 =	sshll.u32 s6, $0x12;
	s9 =	sor.u32 s4, s9;
	s31 =	sshrl.u32 s5, $0x1  }
0xe: {  	s8 =	sor.u32 s4, s8;
	s4 =	sor.u32 s4, s6;
	s29 =	sshrl.u32 s9, $0x3  }
0xf: {  	s11 =	ssub.s32 s5, s31;
	s5 =	sadd.s32 $0x2DE00, s7;
	s8 =	sshrl.u32 s8, $0x3  }
0x10: {  	s4 =	sshrl.u32 s4, $0x3;
	s9 =	sadd.s32 s29, s3;
	s11 =	smax.u32 s11, $0x1  }
0x11: {  	s8 =	sadd.s32 s8, s3;
	s30 =	sadd.s32 s4, s3;
	s3 =	sadd.s32 $0x29E00, s7  }
0x12: {  	s4 =	sadd.s32 $0x2BE00, s7;
	s7 =	sadd.s32 $0x7400, s9;
	s6 =	sadd.s32 $0x2FE00, s8  }
0x13: {  	s8 =	sadd.s32 $0x7C00, s9;
	s9 =	sadd.s32 $0x7A00, s9;
	s10 =	sadd.s32 $0x31E00, s30  }
.LBB2_1:
0x14: {  	[tilespmem:s2], [sflag:$0x1] =	stream.strided.gather [hbm4b:s3+s12], $0x2000, s13, s12, $0x38;
	[tilespmem:$0xE980] =	vst v63  }
0x15: {  	_ =	swait.ge [sflag:s14], $0x2000  }
0x16: {  	[sflag:s14] =	ssyncset.done $0x0  }
0x17: {  	[sflag:s14] =	ssyncadd.s32 $0xFFFFE000  }
0x18: {  	[tilespmem:s15], [sflag:$0x1] =	stream.strided.gather [hbm4b:s4+s12], $0x2000, s13, s12, $0x38;
	[tilespmem:$0xE980] =	vst v63  }
0x19: {  	_ =	swait.ge [sflag:s14], $0x2000  }
0x1a: {  	[sflag:s14] =	ssyncset.done $0x0  }
0x1b: {  	[sflag:s14] =	ssyncadd.s32 $0xFFFFE000  }
0x1c: {  	[tilespmem:s16], [sflag:$0x1] =	stream.strided.gather [hbm4b:s5+s12], $0x2000, s13, s12, $0x38;
	[tilespmem:$0xE980] =	vst v63  }
0x1d: {  	_ =	swait.ge [sflag:s14], $0x2000  }
0x1e: {  	[sflag:s14] =	ssyncset.done $0x0  }
0x1f: {  	[sflag:s14] =	ssyncadd.s32 $0xFFFFE000  }
0x20: {  	[tilespmem:s17], [sflag:$0x1] =	stream.strided.gather [hbm4b:s6+s12], $0x800, s13, s12, $0x38;
	[tilespmem:$0xE980] =	vst v63  }
0x21: {  	_ =	swait.ge [sflag:s14], $0x800  }
0x22: {  	[sflag:s14] =	ssyncset.done $0x0  }
0x23: {  	[sflag:s14] =	ssyncadd.s32 $0xFFFFF800  }
0x24: {  	[tilespmem:s18], [sflag:$0x1] =	stream.linear.gather [hbm4b:s7+s2], $0x40, $0x38;
	[tilespmem:$0xE980] =	vst v63  }
0x25: {  	_ =	swait.ge [sflag:s14], $0x40  }
0x26: {  	[sflag:s14] =	ssyncset.done $0x0  }
0x27: {  	[sflag:s14] =	ssyncadd.s32 $0xFFFFFFC0  }
0x28: {  	[tilespmem:s19], [sflag:$0x1] =	stream.linear.gather [hbm4b:s8+s2], $0x40, $0x38;
	[tilespmem:$0xE980] =	vst v63  }
0x29: {  	_ =	swait.ge [sflag:s14], $0x40  }
0x2a: {  	[sflag:s14] =	ssyncset.done $0x0  }
0x2b: {  	[sflag:s14] =	ssyncadd.s32 $0xFFFFFFC0  }
0x2c: {  	[tilespmem:s20], [sflag:$0x1] =	stream.linear.gather [hbm4b:s9+s2], $0x40, $0x38;
	[tilespmem:$0xE980] =	vst v63  }
0x2d: {  	_ =	swait.ge [sflag:s14], $0x40  }
0x2e: {  	s23 =	simm.s32 $0x6A80;
	[sflag:s14] =	ssyncset.done $0x0  }
0x2f: {  	s24 =	simm.s32 $0x6010;
	s25 =	simm.s32 $0x0;
	[sflag:s14] =	ssyncadd.s32 $0xFFFFFFC0  }
.LBB2_2:
0x30: {  	v3 =	vld [tilespmem:s24+$0xFFFFFFF0];
	v2 =	vmov s25;
	_ =	sdelay $0x4  }
0x31: {  	v0 =	vld.idx.msk [tilespmem:v2+s18+$0x0], $0xffff  }
0x32: {  	v1 =	vld.idx.msk [tilespmem:v2+s19+$0x0], $0xffff;
	v5 =	vadd.s32 $0x200, v3  }
0x33: {  	v2 =	vld.idx.msk [tilespmem:v2+s20+$0x0], $0xffff  }
0x34: {  	v4 =	vld.idx.msk [tilespmem:v3+s2+$0x0], $0xffff  }
0x35: {  	v6 =	vld.idx.msk [tilespmem:v3+s15+$0x0], $0xffff  }
0x36: {  	v7 =	vld.idx.msk [tilespmem:v3+s16+$0x0], $0xffff  }
0x37: {  	v8 =	vld.idx.msk [tilespmem:v5+s2+$0x0], $0xffff  }
0x38: {  	v9 =	vld.idx.msk [tilespmem:v5+s15+$0x0], $0xffff;
	_ =	sdelay $0x1  }
0x39: {  	v5 =	vld.idx.msk [tilespmem:v5+s16+$0x0], $0xffff;
	v4 =	vsub.f32 v0, v4;
	v6 =	vsub.f32 v1, v6;
	_ =	sdelay $0x1  }
0x3a: {  	v7 =	vsub.f32 v2, v7;
	v4 =	vmul.f32 v4, v4;
	v6 =	vmul.f32 v6, v6  }
0x3b: {  	v8 =	vsub.f32 v0, v8;
	v9 =	vsub.f32 v1, v9  }
0x3c: {  	v56 =	vadd.s32 $0x400, v3;
	v55 =	vmul.f32 v7, v7;
	v4 =	vadd.f32 v6, v4  }
0x3d: {  	v5 =	vsub.f32 v2, v5;
	v57 =	vmul.f32 v8, v8;
	v58 =	vmul.f32 v9, v9  }
0x3e: {  	v4 =	vadd.f32 v55, v4  }
0x3f: {  	v59 =	vadd.s32 $0x600, v3;
	v5 =	vmul.f32 v5, v5;
	v6 =	vadd.f32 v58, v57  }
0x40: {  	[tilespmem:s23+$0xFFFFFF00] =	vst v4  }
0x41: {  	v5 =	vadd.f32 v5, v6;
	v4 =	vld.idx.msk [tilespmem:v56+s2+$0x0], $0xffff  }
0x42: {  	v60 =	vld.idx.msk [tilespmem:v56+s15+$0x0], $0xffff  }
0x43: {  	v61 =	vld.idx.msk [tilespmem:v56+s16+$0x0], $0xffff;
	[tilespmem:s23+$0xFFFFFF20] =	vst v5  }
0x44: {  	v5 =	vld.idx.msk [tilespmem:v59+s2+$0x0], $0xffff  }
0x45: {  	v62 =	vld.idx.msk [tilespmem:v59+s15+$0x0], $0xffff;
	_ =	sdelay $0x1  }
0x46: {  	v8 =	vld.idx.msk [tilespmem:v59+s16+$0x0], $0xffff;
	v4 =	vsub.f32 v0, v4;
	v9 =	vsub.f32 v1, v60;
	_ =	sdelay $0x1  }
0x47: {  	v6 =	vsub.f32 v2, v61;
	v4 =	vmul.f32 v4, v4;
	v9 =	vmul.f32 v9, v9  }
0x48: {  	v5 =	vsub.f32 v0, v5;
	v7 =	vsub.f32 v1, v62  }
0x49: {  	v63 =	vadd.s32 $0x800, v3;
	v6 =	vmul.f32 v6, v6;
	v4 =	vadd.f32 v9, v4  }
0x4a: {  	v11 =	vsub.f32 v2, v8;
	v5 =	vmul.f32 v5, v5;
	v7 =	vmul.f32 v7, v7  }
0x4b: {  	v4 =	vadd.f32 v6, v4  }
0x4c: {  	v12 =	vadd.s32 $0xA00, v3;
	v5 =	vadd.f32 v7, v5;
	v6 =	vmul.f32 v11, v11  }
0x4d: {  	[tilespmem:s23+$0xFFFFFF40] =	vst v4  }
0x4e: {  	v5 =	vadd.f32 v6, v5;
	v4 =	vld.idx.msk [tilespmem:v63+s2+$0x0], $0xffff  }
0x4f: {  	v13 =	vld.idx.msk [tilespmem:v63+s15+$0x0], $0xffff  }
0x50: {  	v14 =	vld.idx.msk [tilespmem:v63+s16+$0x0], $0xffff;
	[tilespmem:s23+$0xFFFFFF60] =	vst v5  }
0x51: {  	v5 =	vld.idx.msk [tilespmem:v12+s2+$0x0], $0xffff  }
0x52: {  	v15 =	vld.idx.msk [tilespmem:v12+s15+$0x0], $0xffff;
	_ =	sdelay $0x1  }
0x53: {  	v7 =	vld.idx.msk [tilespmem:v12+s16+$0x0], $0xffff;
	v4 =	vsub.f32 v0, v4;
	v8 =	vsub.f32 v1, v13;
	_ =	sdelay $0x1  }
0x54: {  	v6 =	vsub.f32 v2, v14;
	v4 =	vmul.f32 v4, v4;
	v8 =	vmul.f32 v8, v8  }
0x55: {  	v5 =	vsub.f32 v0, v5;
	v9 =	vsub.f32 v1, v15  }
0x56: {  	v16 =	vadd.s32 $0xC00, v3;
	v6 =	vmul.f32 v6, v6;
	v4 =	vadd.f32 v8, v4  }
0x57: {  	v17 =	vsub.f32 v2, v7;
	v5 =	vmul.f32 v5, v5;
	v18 =	vmul.f32 v9, v9  }
0x58: {  	v4 =	vadd.f32 v6, v4  }
0x59: {  	v19 =	vadd.s32 $0xE00, v3;
	v5 =	vadd.f32 v18, v5;
	v6 =	vmul.f32 v17, v17  }
0x5a: {  	[tilespmem:s23+$0xFFFFFF80] =	vst v4  }
0x5b: {  	v5 =	vadd.f32 v6, v5;
	v4 =	vld.idx.msk [tilespmem:v16+s2+$0x0], $0xffff  }
0x5c: {  	v20 =	vld.idx.msk [tilespmem:v16+s15+$0x0], $0xffff  }
0x5d: {  	v21 =	vld.idx.msk [tilespmem:v16+s16+$0x0], $0xffff;
	[tilespmem:s23+$0xFFFFFFA0] =	vst v5  }
0x5e: {  	v5 =	vld.idx.msk [tilespmem:v19+s2+$0x0], $0xffff  }
0x5f: {  	v22 =	vld.idx.msk [tilespmem:v19+s15+$0x0], $0xffff;
	_ =	sdelay $0x1  }
0x60: {  	v7 =	vld.idx.msk [tilespmem:v19+s16+$0x0], $0xffff;
	v4 =	vsub.f32 v0, v4;
	v9 =	vsub.f32 v1, v20;
	_ =	sdelay $0x1  }
0x61: {  	v6 =	vsub.f32 v2, v21;
	v4 =	vmul.f32 v4, v4;
	v9 =	vmul.f32 v9, v9  }
0x62: {  	v5 =	vsub.f32 v0, v5;
	v8 =	vsub.f32 v1, v22  }
0x63: {  	v23 =	vadd.s32 $0x1000, v3;
	v6 =	vmul.f32 v6, v6;
	v4 =	vadd.f32 v9, v4  }
0x64: {  	v24 =	vsub.f32 v2, v7;
	v5 =	vmul.f32 v5, v5;
	v25 =	vmul.f32 v8, v8  }
0x65: {  	v4 =	vadd.f32 v6, v4  }
0x66: {  	v26 =	vadd.s32 $0x1200, v3;
	v5 =	vadd.f32 v25, v5;
	v6 =	vmul.f32 v24, v24  }
0x67: {  	[tilespmem:s23+$0xFFFFFFC0] =	vst v4  }
0x68: {  	v5 =	vadd.f32 v6, v5;
	v4 =	vld.idx.msk [tilespmem:v23+s2+$0x0], $0xffff  }
0x69: {  	v27 =	vld.idx.msk [tilespmem:v23+s15+$0x0], $0xffff  }
0x6a: {  	v28 =	vld.idx.msk [tilespmem:v23+s16+$0x0], $0xffff;
	[tilespmem:s23+$0xFFFFFFE0] =	vst v5  }
0x6b: {  	v5 =	vld.idx.msk [tilespmem:v26+s2+$0x0], $0xffff  }
0x6c: {  	v29 =	vld.idx.msk [tilespmem:v26+s15+$0x0], $0xffff;
	_ =	sdelay $0x1  }
0x6d: {  	v7 =	vld.idx.msk [tilespmem:v26+s16+$0x0], $0xffff;
	v4 =	vsub.f32 v0, v4;
	v8 =	vsub.f32 v1, v27;
	_ =	sdelay $0x1  }
0x6e: {  	v6 =	vsub.f32 v2, v28;
	v4 =	vmul.f32 v4, v4;
	v8 =	vmul.f32 v8, v8  }
0x6f: {  	v5 =	vsub.f32 v0, v5;
	v9 =	vsub.f32 v1, v29  }
0x70: {  	v30 =	vadd.s32 $0x1400, v3;
	v6 =	vmul.f32 v6, v6;
	v4 =	vadd.f32 v8, v4  }
0x71: {  	v31 =	vsub.f32 v2, v7;
	v5 =	vmul.f32 v5, v5;
	v32 =	vmul.f32 v9, v9  }
0x72: {  	v4 =	vadd.f32 v6, v4  }
0x73: {  	v33 =	vadd.s32 $0x1600, v3;
	v5 =	vadd.f32 v32, v5;
	v6 =	vmul.f32 v31, v31  }
0x74: {  	[tilespmem:s23+$0x0] =	vst v4  }
0x75: {  	v5 =	vadd.f32 v6, v5;
	v4 =	vld.idx.msk [tilespmem:v30+s2+$0x0], $0xffff  }
0x76: {  	v34 =	vld.idx.msk [tilespmem:v30+s15+$0x0], $0xffff  }
0x77: {  	v35 =	vld.idx.msk [tilespmem:v30+s16+$0x0], $0xffff;
	[tilespmem:s23+$0x20] =	vst v5  }
0x78: {  	v5 =	vld.idx.msk [tilespmem:v33+s2+$0x0], $0xffff  }
0x79: {  	v36 =	vld.idx.msk [tilespmem:v33+s15+$0x0], $0xffff;
	_ =	sdelay $0x1  }
0x7a: {  	v7 =	vld.idx.msk [tilespmem:v33+s16+$0x0], $0xffff;
	v4 =	vsub.f32 v0, v4;
	v9 =	vsub.f32 v1, v34;
	_ =	sdelay $0x1  }
0x7b: {  	v6 =	vsub.f32 v2, v35;
	v4 =	vmul.f32 v4, v4;
	v9 =	vmul.f32 v9, v9  }
0x7c: {  	v5 =	vsub.f32 v0, v5;
	v8 =	vsub.f32 v1, v36  }
0x7d: {  	v37 =	vadd.s32 $0x1800, v3;
	v6 =	vmul.f32 v6, v6;
	v4 =	vadd.f32 v9, v4  }
0x7e: {  	v38 =	vsub.f32 v2, v7;
	v5 =	vmul.f32 v5, v5;
	v39 =	vmul.f32 v8, v8  }
0x7f: {  	v4 =	vadd.f32 v6, v4  }
0x80: {  	v40 =	vadd.s32 $0x1A00, v3;
	v5 =	vadd.f32 v39, v5;
	v6 =	vmul.f32 v38, v38  }
0x81: {  	[tilespmem:s23+$0x40] =	vst v4  }
0x82: {  	v5 =	vadd.f32 v6, v5;
	v4 =	vld.idx.msk [tilespmem:v37+s2+$0x0], $0xffff  }
0x83: {  	v41 =	vld.idx.msk [tilespmem:v37+s15+$0x0], $0xffff  }
0x84: {  	v42 =	vld.idx.msk [tilespmem:v37+s16+$0x0], $0xffff;
	[tilespmem:s23+$0x60] =	vst v5  }
0x85: {  	v5 =	vld.idx.msk [tilespmem:v40+s2+$0x0], $0xffff  }
0x86: {  	v43 =	vld.idx.msk [tilespmem:v40+s15+$0x0], $0xffff;
	_ =	sdelay $0x1  }
0x87: {  	v7 =	vld.idx.msk [tilespmem:v40+s16+$0x0], $0xffff;
	v4 =	vsub.f32 v0, v4;
	v8 =	vsub.f32 v1, v41;
	_ =	sdelay $0x1  }
0x88: {  	v6 =	vsub.f32 v2, v42;
	v4 =	vmul.f32 v4, v4;
	v8 =	vmul.f32 v8, v8  }
0x89: {  	v5 =	vsub.f32 v0, v5;
	v9 =	vsub.f32 v1, v43  }
0x8a: {  	v44 =	vadd.s32 $0x1C00, v3;
	v6 =	vmul.f32 v6, v6;
	v4 =	vadd.f32 v8, v4  }
0x8b: {  	v45 =	vsub.f32 v2, v7;
	v5 =	vmul.f32 v5, v5;
	v46 =	vmul.f32 v9, v9  }
0x8c: {  	v4 =	vadd.f32 v6, v4  }
0x8d: {  	v3 =	vadd.s32 $0x1E00, v3;
	v48 =	vmul.f32 v45, v45;
	v47 =	vadd.f32 v46, v5  }
0x8e: {  	[tilespmem:s23+$0x80] =	vst v4  }
0x8f: {  	v4 =	vadd.f32 v48, v47;
	v49 =	vld.idx.msk [tilespmem:v44+s2+$0x0], $0xffff  }
0x90: {  	v50 =	vld.idx.msk [tilespmem:v44+s15+$0x0], $0xffff  }
0x91: {  	v51 =	vld.idx.msk [tilespmem:v44+s16+$0x0], $0xffff;
	[tilespmem:s23+$0xA0] =	vst v4  }
0x92: {  	v4 =	vld.idx.msk [tilespmem:v3+s2+$0x0], $0xffff  }
0x93: {  	v52 =	vld.idx.msk [tilespmem:v3+s15+$0x0], $0xffff;
	_ =	sdelay $0x1  }
0x94: {  	v3 =	vld.idx.msk [tilespmem:v3+s16+$0x0], $0xffff;
	_ =	sdelay $0x1  }
0x95: {  	v6 =	vsub.f32 v0, v49;
	v7 =	vsub.f32 v1, v50  }
0x96: {  	v4 =	vsub.f32 v0, v4;
	v8 =	vsub.f32 v1, v52  }
0x97: {  	v5 =	vsub.f32 v2, v51;
	v6 =	vmul.f32 v6, v6;
	v7 =	vmul.f32 v7, v7  }
0x98: {  	v3 =	vsub.f32 v2, v3;
	v4 =	vmul.f32 v4, v4;
	v8 =	vmul.f32 v8, v8  }
0x99: {  	v5 =	vmul.f32 v5, v5;
	v6 =	vadd.f32 v7, v6  }
0x9a: {  	v3 =	vmul.f32 v3, v3;
	v4 =	vadd.f32 v8, v4  }
0x9b: {  	v5 =	vadd.f32 v5, v6  }
0x9c: {  	v3 =	vadd.f32 v3, v4  }
0x9d: {  	[tilespmem:s23+$0xC0] =	vst v5  }
0x9e: {  	[tilespmem:s23+$0xE0] =	vst v3  }
0x9f: {  	v3 =	vld [tilespmem:s24+$0x0];
	_ =	sdelay $0x5  }
0xa0: {  	v54 =	vadd.s32 $0x200, v3;
	_ =	sdelay $0x1  }
0xa1: {  	v53 =	vld.idx.msk [tilespmem:v3+s2+$0x0], $0xffff  }
0xa2: {  	v55 =	vld.idx.msk [tilespmem:v3+s15+$0x0], $0xffff  }
0xa3: {  	v56 =	vld.idx.msk [tilespmem:v3+s16+$0x0], $0xffff  }
0xa4: {  	v57 =	vld.idx.msk [tilespmem:v54+s2+$0x0], $0xffff  }
0xa5: {  	v58 =	vld.idx.msk [tilespmem:v54+s15+$0x0], $0xffff;
	_ =	sdelay $0x1  }
0xa6: {  	v5 =	vld.idx.msk [tilespmem:v54+s16+$0x0], $0xffff;
	v4 =	vsub.f32 v0, v53;
	v6 =	vsub.f32 v1, v55;
	_ =	sdelay $0x1  }
0xa7: {  	v7 =	vsub.f32 v2, v56;
	v4 =	vmul.f32 v4, v4;
	v6 =	vmul.f32 v6, v6  }
0xa8: {  	v8 =	vsub.f32 v0, v57;
	v9 =	vsub.f32 v1, v58  }
0xa9: {  	v60 =	vadd.s32 $0x400, v3;
	v59 =	vmul.f32 v7, v7;
	v4 =	vadd.f32 v6, v4  }
0xaa: {  	v5 =	vsub.f32 v2, v5;
	v61 =	vmul.f32 v8, v8;
	v62 =	vmul.f32 v9, v9  }
0xab: {  	v4 =	vadd.f32 v59, v4  }
0xac: {  	v63 =	vadd.s32 $0x600, v3;
	v5 =	vmul.f32 v5, v5;
	v6 =	vadd.f32 v62, v61  }
0xad: {  	[tilespmem:s23+$0xFFFFFF10] =	vst v4  }
0xae: {  	v5 =	vadd.f32 v5, v6;
	v4 =	vld.idx.msk [tilespmem:v60+s2+$0x0], $0xffff  }
0xaf: {  	v12 =	vld.idx.msk [tilespmem:v60+s15+$0x0], $0xffff  }
0xb0: {  	v13 =	vld.idx.msk [tilespmem:v60+s16+$0x0], $0xffff;
	[tilespmem:s23+$0xFFFFFF30] =	vst v5  }
0xb1: {  	v5 =	vld.idx.msk [tilespmem:v63+s2+$0x0], $0xffff  }
0xb2: {  	v14 =	vld.idx.msk [tilespmem:v63+s15+$0x0], $0xffff;
	_ =	sdelay $0x1  }
0xb3: {  	v8 =	vld.idx.msk [tilespmem:v63+s16+$0x0], $0xffff;
	v4 =	vsub.f32 v0, v4;
	v9 =	vsub.f32 v1, v12;
	_ =	sdelay $0x1  }
0xb4: {  	v6 =	vsub.f32 v2, v13;
	v4 =	vmul.f32 v4, v4;
	v9 =	vmul.f32 v9, v9  }
0xb5: {  	v5 =	vsub.f32 v0, v5;
	v7 =	vsub.f32 v1, v14  }
0xb6: {  	v15 =	vadd.s32 $0x800, v3;
	v6 =	vmul.f32 v6, v6;
	v4 =	vadd.f32 v9, v4  }
0xb7: {  	v16 =	vsub.f32 v2, v8;
	v5 =	vmul.f32 v5, v5;
	v7 =	vmul.f32 v7, v7  }
0xb8: {  	v4 =	vadd.f32 v6, v4  }
0xb9: {  	v17 =	vadd.s32 $0xA00, v3;
	v5 =	vadd.f32 v7, v5;
	v6 =	vmul.f32 v16, v16  }
0xba: {  	[tilespmem:s23+$0xFFFFFF50] =	vst v4  }
0xbb: {  	v5 =	vadd.f32 v6, v5;
	v4 =	vld.idx.msk [tilespmem:v15+s2+$0x0], $0xffff  }
0xbc: {  	v18 =	vld.idx.msk [tilespmem:v15+s15+$0x0], $0xffff  }
0xbd: {  	v19 =	vld.idx.msk [tilespmem:v15+s16+$0x0], $0xffff;
	[tilespmem:s23+$0xFFFFFF70] =	vst v5  }
0xbe: {  	v5 =	vld.idx.msk [tilespmem:v17+s2+$0x0], $0xffff  }
0xbf: {  	v20 =	vld.idx.msk [tilespmem:v17+s15+$0x0], $0xffff;
	_ =	sdelay $0x1  }
0xc0: {  	v7 =	vld.idx.msk [tilespmem:v17+s16+$0x0], $0xffff;
	v4 =	vsub.f32 v0, v4;
	v8 =	vsub.f32 v1, v18;
	_ =	sdelay $0x1  }
0xc1: {  	v6 =	vsub.f32 v2, v19;
	v4 =	vmul.f32 v4, v4;
	v8 =	vmul.f32 v8, v8  }
0xc2: {  	v5 =	vsub.f32 v0, v5;
	v9 =	vsub.f32 v1, v20  }
0xc3: {  	v21 =	vadd.s32 $0xC00, v3;
	v6 =	vmul.f32 v6, v6;
	v4 =	vadd.f32 v8, v4  }
0xc4: {  	v22 =	vsub.f32 v2, v7;
	v5 =	vmul.f32 v5, v5;
	v23 =	vmul.f32 v9, v9  }
0xc5: {  	v4 =	vadd.f32 v6, v4  }
0xc6: {  	v24 =	vadd.s32 $0xE00, v3;
	v5 =	vadd.f32 v23, v5;
	v6 =	vmul.f32 v22, v22  }
0xc7: {  	[tilespmem:s23+$0xFFFFFF90] =	vst v4  }
0xc8: {  	v5 =	vadd.f32 v6, v5;
	v4 =	vld.idx.msk [tilespmem:v21+s2+$0x0], $0xffff  }
0xc9: {  	v25 =	vld.idx.msk [tilespmem:v21+s15+$0x0], $0xffff  }
0xca: {  	v26 =	vld.idx.msk [tilespmem:v21+s16+$0x0], $0xffff;
	[tilespmem:s23+$0xFFFFFFB0] =	vst v5  }
0xcb: {  	v5 =	vld.idx.msk [tilespmem:v24+s2+$0x0], $0xffff  }
0xcc: {  	v27 =	vld.idx.msk [tilespmem:v24+s15+$0x0], $0xffff;
	_ =	sdelay $0x1  }
0xcd: {  	v7 =	vld.idx.msk [tilespmem:v24+s16+$0x0], $0xffff;
	v4 =	vsub.f32 v0, v4;
	v9 =	vsub.f32 v1, v25;
	_ =	sdelay $0x1  }
0xce: {  	v6 =	vsub.f32 v2, v26;
	v4 =	vmul.f32 v4, v4;
	v9 =	vmul.f32 v9, v9  }
0xcf: {  	v5 =	vsub.f32 v0, v5;
	v8 =	vsub.f32 v1, v27  }
0xd0: {  	v28 =	vadd.s32 $0x1000, v3;
	v6 =	vmul.f32 v6, v6;
	v4 =	vadd.f32 v9, v4  }
0xd1: {  	v29 =	vsub.f32 v2, v7;
	v5 =	vmul.f32 v5, v5;
	v30 =	vmul.f32 v8, v8  }
0xd2: {  	v4 =	vadd.f32 v6, v4  }
0xd3: {  	v31 =	vadd.s32 $0x1200, v3;
	v5 =	vadd.f32 v30, v5;
	v6 =	vmul.f32 v29, v29  }
0xd4: {  	[tilespmem:s23+$0xFFFFFFD0] =	vst v4  }
0xd5: {  	v5 =	vadd.f32 v6, v5;
	v4 =	vld.idx.msk [tilespmem:v28+s2+$0x0], $0xffff  }
0xd6: {  	v32 =	vld.idx.msk [tilespmem:v28+s15+$0x0], $0xffff  }
0xd7: {  	v33 =	vld.idx.msk [tilespmem:v28+s16+$0x0], $0xffff;
	[tilespmem:s23+$0xFFFFFFF0] =	vst v5  }
0xd8: {  	v5 =	vld.idx.msk [tilespmem:v31+s2+$0x0], $0xffff  }
0xd9: {  	v34 =	vld.idx.msk [tilespmem:v31+s15+$0x0], $0xffff;
	_ =	sdelay $0x1  }
0xda: {  	v7 =	vld.idx.msk [tilespmem:v31+s16+$0x0], $0xffff;
	v4 =	vsub.f32 v0, v4;
	v8 =	vsub.f32 v1, v32;
	_ =	sdelay $0x1  }
0xdb: {  	v6 =	vsub.f32 v2, v33;
	v4 =	vmul.f32 v4, v4;
	v8 =	vmul.f32 v8, v8  }
0xdc: {  	v5 =	vsub.f32 v0, v5;
	v9 =	vsub.f32 v1, v34  }
0xdd: {  	v35 =	vadd.s32 $0x1400, v3;
	v6 =	vmul.f32 v6, v6;
	v4 =	vadd.f32 v8, v4  }
0xde: {  	v36 =	vsub.f32 v2, v7;
	v5 =	vmul.f32 v5, v5;
	v37 =	vmul.f32 v9, v9  }
0xdf: {  	v4 =	vadd.f32 v6, v4  }
0xe0: {  	v38 =	vadd.s32 $0x1600, v3;
	v5 =	vadd.f32 v37, v5;
	v6 =	vmul.f32 v36, v36  }
0xe1: {  	[tilespmem:s23+$0x10] =	vst v4  }
0xe2: {  	v5 =	vadd.f32 v6, v5;
	v4 =	vld.idx.msk [tilespmem:v35+s2+$0x0], $0xffff  }
0xe3: {  	v39 =	vld.idx.msk [tilespmem:v35+s15+$0x0], $0xffff  }
0xe4: {  	v40 =	vld.idx.msk [tilespmem:v35+s16+$0x0], $0xffff;
	[tilespmem:s23+$0x30] =	vst v5  }
0xe5: {  	v5 =	vld.idx.msk [tilespmem:v38+s2+$0x0], $0xffff  }
0xe6: {  	v41 =	vld.idx.msk [tilespmem:v38+s15+$0x0], $0xffff;
	_ =	sdelay $0x1  }
0xe7: {  	v7 =	vld.idx.msk [tilespmem:v38+s16+$0x0], $0xffff;
	v4 =	vsub.f32 v0, v4;
	v9 =	vsub.f32 v1, v39;
	_ =	sdelay $0x1  }
0xe8: {  	v6 =	vsub.f32 v2, v40;
	v4 =	vmul.f32 v4, v4;
	v9 =	vmul.f32 v9, v9  }
0xe9: {  	v5 =	vsub.f32 v0, v5;
	v8 =	vsub.f32 v1, v41  }
0xea: {  	v42 =	vadd.s32 $0x1800, v3;
	v6 =	vmul.f32 v6, v6;
	v4 =	vadd.f32 v9, v4  }
0xeb: {  	v43 =	vsub.f32 v2, v7;
	v5 =	vmul.f32 v5, v5;
	v44 =	vmul.f32 v8, v8  }
0xec: {  	v4 =	vadd.f32 v6, v4  }
0xed: {  	v45 =	vadd.s32 $0x1A00, v3;
	v5 =	vadd.f32 v44, v5;
	v6 =	vmul.f32 v43, v43  }
0xee: {  	[tilespmem:s23+$0x50] =	vst v4  }
0xef: {  	v5 =	vadd.f32 v6, v5;
	v4 =	vld.idx.msk [tilespmem:v42+s2+$0x0], $0xffff  }
0xf0: {  	v46 =	vld.idx.msk [tilespmem:v42+s15+$0x0], $0xffff  }
0xf1: {  	v47 =	vld.idx.msk [tilespmem:v42+s16+$0x0], $0xffff;
	[tilespmem:s23+$0x70] =	vst v5  }
0xf2: {  	v5 =	vld.idx.msk [tilespmem:v45+s2+$0x0], $0xffff  }
0xf3: {  	v48 =	vld.idx.msk [tilespmem:v45+s15+$0x0], $0xffff;
	_ =	sdelay $0x1  }
0xf4: {  	v7 =	vld.idx.msk [tilespmem:v45+s16+$0x0], $0xffff;
	v4 =	vsub.f32 v0, v4;
	v8 =	vsub.f32 v1, v46;
	_ =	sdelay $0x1  }
0xf5: {  	v6 =	vsub.f32 v2, v47;
	v4 =	vmul.f32 v4, v4;
	v8 =	vmul.f32 v8, v8  }
0xf6: {  	v5 =	vsub.f32 v0, v5;
	v9 =	vsub.f32 v1, v48  }
0xf7: {  	v49 =	vadd.s32 $0x1C00, v3;
	v6 =	vmul.f32 v6, v6;
	v4 =	vadd.f32 v8, v4  }
0xf8: {  	v50 =	vsub.f32 v2, v7;
	v5 =	vmul.f32 v5, v5;
	v51 =	vmul.f32 v9, v9  }
0xf9: {  	v4 =	vadd.f32 v6, v4  }
0xfa: {  	v3 =	vadd.s32 $0x1E00, v3;
	v53 =	vmul.f32 v50, v50;
	v52 =	vadd.f32 v51, v5  }
0xfb: {  	[tilespmem:s23+$0x90] =	vst v4  }
0xfc: {  	v4 =	vadd.f32 v53, v52;
	v54 =	vld.idx.msk [tilespmem:v49+s2+$0x0], $0xffff  }
0xfd: {  	v55 =	vld.idx.msk [tilespmem:v49+s15+$0x0], $0xffff  }
0xfe: {  	v56 =	vld.idx.msk [tilespmem:v49+s16+$0x0], $0xffff;
	[tilespmem:s23+$0xB0] =	vst v4  }
0xff: {  	v4 =	vld.idx.msk [tilespmem:v3+s2+$0x0], $0xffff  }
0x100: {  	v57 =	vld.idx.msk [tilespmem:v3+s15+$0x0], $0xffff;
	_ =	sdelay $0x1  }
0x101: {  	v3 =	vld.idx.msk [tilespmem:v3+s16+$0x0], $0xffff;
	_ =	sdelay $0x1  }
0x102: {  	v6 =	vsub.f32 v0, v54;
	v7 =	vsub.f32 v1, v55  }
0x103: {  	v0 =	vsub.f32 v0, v4;
	v1 =	vsub.f32 v1, v57  }
0x104: {  	v58 =	vsub.f32 v2, v56;
	v59 =	vmul.f32 v6, v6;
	v60 =	vmul.f32 v7, v7  }
0x105: {  	v2 =	vsub.f32 v2, v3;
	v0 =	vmul.f32 v0, v0;
	v1 =	vmul.f32 v1, v1  }
0x106: {  	p0 =	sne.s32 s25, $0x3F;
	v4 =	vmul.f32 v58, v58;
	v61 =	vadd.f32 v60, v59  }
.Ltmp0:
0x107: {  	v62 =	vmul.f32 v2, v2;
	v0 =	vadd.f32 v1, v0;
	(pc) =	sbr.rel @p0 .LBB2_2-.Ltmp0, $4  }
0x108: {  	v63 =	vadd.f32 v4, v61  }
0x109: {  	v0 =	vadd.f32 v62, v0  }
0x10a: {  	[tilespmem:s23+$0xD0] =	vst v63  }
0x10b: {  	s25 =	sadd.s32 $0x1, s25;
	s24 =	sadd.s32 $0x20, s24;
	[tilespmem:s23+$0xF0] =	vst v0;
	s23 =	sadd.s32 $0x200, s23  }
0x10c: {  	s22 =	sadd.s32 $0x1, s22  }
0x10d: {  	p0 =	sne.s32 s22, s11  }
.Ltmp1:
0x10e: {  	_ = 	snop;
	(pc) =	sbr.rel @p0 .LBB2_1-.Ltmp1, $4  }
0x10f: {  	[hbm4b:s10+s12] =	stream.strided.scatter [tilespmem:s21], [sflag:$0x1], $0x8000, s13, s12, $0x38;
	[tilespmem:$0xE980] =	vst v63  }
0x110: {  	_ =	swait.ge [sflag:s14], $0x8000  }
0x111: {  	[sflag:s14] =	ssyncset.done $0x0  }
0x112: {  	[sflag:s14] =	ssyncadd.s32 $0xFFFF8000  }
0x113: {  	_ =	sfence.sel $0x180000  }
0x114: {  	[bflag:$0x0] =	sbarrier.arrive $0xFFFF  }
0x115: {  	p0 =	sne.s32 s1, $0x0;
	_ =	strace $0x9000004A  }
0x116: {  	s0 =	sadd.s32 @!p0 $0x100000, s0;
	[bflag:$0x2] =	sbarrier.arrive $0xFFFF  }
0x117: {  	[sflag:s0] =	ssyncadd.tile.s32 @!p0 $0x1;
	_ =	shalt  }
.Lfunc_end2:
_tile_overlayer_lowered:
.L_overlay_start_2:
0x118: {  	(tag) =	ssettag $0x2  }
0x119: {  	s0 =	rddreg [dreg:$0x0];
	s2 =	stileid.u32  }
0x11a: {  	s1 =	rddreg [dreg:$0x1];
	p0 =	sne.s32 s2, $0x0  }
0x11b: {  	s3 =	rddreg [dreg:$0x2];
	[bflag:$0x3] =	sbarrier.arrive $0xFFFF;
	s2 =	simm.s32 @!p0 $0x1C01  }
0x11c: {  	[timem:s3], [sflag:s2] =	dma.local @!p0 [hbm:s0], s1  }
0x11d: {  	s0 =	simm.s32 @!p0 $0x1  }
0x11e: {  	_ =	swait.ge @!p0 [sflag:s0], s1  }
0x11f: {  	s1 =	ssub.s32 @!p0 $0x0, s1;
	[sflag:s0] =	ssyncset.done @!p0 $0x0  }
0x120: {  	[sflag:s0] =	ssyncadd.s32 @!p0 s1  }
0x121: {  	[bflag:$0x3] =	sbarrier.arrive $0xFFFF  }
0x122: {  	_ =	shalt  }

// kernel: kernel.14.cloned.1.call-start
scs
__scs_entry_jumppad:
0x0: {  	(pc) =	sbr.rel $0x88, $3  }
0x1: {  	(tag) =	ssettag $0x0;
	lr =	simm.s32 $0x1  }
0x2: {  	[smem:$0x3FA0] =	sst lr;
	_ =	strace $0xD0000000  }
0x3: {  	_ = 	snop  }
0x4: {  	_ = 	snop  }
0x5: {  	_ = 	snop  }
0x6: {  	_ = 	snop  }
0x7: {  	_ = 	snop  }
__scs_overlays_trampoline_lowered:
0x8: {  	[smem:$0x3FAF] =	sst s0  }
0x9: {  	[smem:$0x3FB0] =	sst s1  }
0xa: {  	[smem:$0x3FB1] =	sst s2  }
0xb: {  	[smem:$0x3FB2] =	sst s3  }
0xc: {  	[smem:$0x3FB3] =	sst s4  }
0xd: {  	[smem:$0x3FB4] =	sst s5  }
0xe: {  	[smem:$0x3FB5] =	sst s6  }
0xf: {  	[smem:$0x3FB6] =	sst s7  }
0x10: {  	[smem:$0x3FB7] =	sst s8  }
0x11: {  	[smem:$0x3FB8] =	sst s9;
	s0 =	simm.s32 @!p0 $0x0  }
0x12: {  	s1 =	sld [smem:$0x3F9E];
	s0 =	simm.s32 @p0 $0x1  }
0x13: {  	[smem:$0x3FB9] =	sst s0;
	s0 =	simm.s32 @!p1 $0x0  }
0x14: {  	s2 =	sld [smem:$0x3F9D];
	s0 =	simm.s32 @p1 $0x1  }
0x15: {  	[smem:$0x3FBA] =	sst s0;
	s0 =	simm.s32 @!p2 $0x0  }
0x16: {  	s3 =	sld [smem:$0x3FDB];
	s0 =	simm.s32 @p2 $0x1  }
0x17: {  	s4 =	simm.s32 $0x1BF5;
	[smem:$0x3FBC] =	sst s0  }
0x18: {  	s0 =	sld [smem:$0x3F9F];
	_ =	swait.ge [sflag:s4], $0x0  }
0x19: {  	s7 =	sld [smem:$0x3FA0]  }
0x1a: {  	s8 =	sadd.s32 $0xFFFFE003, lr  }
0x1b: {  	s9 =	sadd.s32 $0xFFFFFEF7, lr;
	s5 =	simm.s32 $0xFFFFFFFF;
	p2 =	slt.u32 s8, $0xFFFFF086  }
0x1c: {  	p1 =	slt.u32 s9, $0xF7A;
	s5 =	simm.s32 @!p2 $0x0  }
0x1d: {  	s5 =	simm.s32 @p1 $0x1;
	p0 =	seq.s32 s7, s2  }
0x1e: {  	s7 =	smul.u32 @!p0 $0xF7A, s2;
	p2 =	seq.s32 @!p0 s5, $0x0  }
0x1f: {  	s9 =	smul.u32 $0xF7A, s1;
	s8 =	simm.s32 @!p0 $0x1BF5;
	p2 =	por !p2, p0  }
0x20: {  	[sflag:s8] =	ssyncset.s32 @!p0 $0xFFFFF086;
	s6 =	sadd.s32 @!p0 s3, s7;
	s7 =	simm.s32 @!p0 $0x108  }
0x21: {  	s3 =	sadd.s32 s3, s9;
	s6 =	sadd.s32 @!p0 $0x88, s6;
	s7 =	simm.s32 @p2 $0x1082  }
0x22: {  	[simem:s7], [sflag:s8] =	dma.local @!p0 [hbm:s6], $0xF7A  }
0x23: {  	s9 =	sor.u32 $0xD0000000, s2;
	s6 =	simm.s32 $0x108;
	_ =	swait.ge @!p0 [sflag:s8], $0x0  }
0x24: {  	s3 =	sadd.s32 $0x88, s3;
	s6 =	simm.s32 @!p1 $0x1082;
	[sflag:s4] =	ssyncset.s32 $0xFFFFF086  }
0x25: {  	[simem:s6], [sflag:s4] =	dma.local [hbm:s3], $0xF7A  }
0x26: {  	[smem:$0x3FA0] =	sst s1;
	(tag) =	ssettag s2;
	_ =	strace s9  }
0x27: {  	s1 =	sld [smem:$0x3FB0]  }
0x28: {  	s2 =	sld [smem:$0x3FB1]  }
0x29: {  	s4 =	sld [smem:$0x3FB3]  }
0x2a: {  	p0 =	seq.s32 s5, $0x0;
	s5 =	sld [smem:$0x3FB4]  }
0x2b: {  	s6 =	sld [smem:$0x3FB5]  }
0x2c: {  	s7 =	sld [smem:$0x3FB6]  }
0x2d: {  	s3 =	simm.s32 $0x108;
	s8 =	sld [smem:$0x3FB7]  }
0x2e: {  	s3 =	simm.s32 @!p0 $0x1082;
	s9 =	sld [smem:$0x3FB8]  }
0x2f: {  	lr =	sadd.s32 s0, s3;
	s0 =	sld [smem:$0x3FAF]  }
0x30: {  	s3 =	sld [smem:$0x3FB2]  }
0x31: {  	[smem:$0x3FBB] =	sst s10  }
0x32: {  	s10 =	sld [smem:$0x3FB9];
	_ =	sdelay $0x3  }
0x33: {  	p0 =	seq.s32 s10, $0x1;
	s10 =	sld [smem:$0x3FBB];
	_ =	sdelay $0x3  }
0x34: {  	[smem:$0x3FBB] =	sst s10  }
0x35: {  	s10 =	sld [smem:$0x3FBA];
	_ =	sdelay $0x3  }
0x36: {  	p1 =	seq.s32 s10, $0x1;
	s10 =	sld [smem:$0x3FBB];
	_ =	sdelay $0x3  }
0x37: {  	[smem:$0x3FBB] =	sst s10  }
0x38: {  	s10 =	sld [smem:$0x3FBC]  }
0x39: {  	_ = 	snop;
	(pc) =	sbr.ind lr, $3  }
0x3a: {  	_ = 	snop  }
0x3b: {  	_ = 	snop  }
0x3c: {  	p2 =	seq.s32 s10, $0x1;
	s10 =	sld [smem:$0x3FBB]  }
0x3d: {  	_ =	shalt  }
0x3e: {  	_ =	shalt  }
0x3f: {  	_ =	shalt  }
0x40: {  	_ =	shalt  }
0x41: {  	_ =	shalt  }
0x42: {  	_ =	shalt  }
0x43: {  	_ =	shalt  }
0x44: {  	_ =	shalt  }
0x45: {  	_ =	shalt  }
0x46: {  	_ =	shalt  }
0x47: {  	_ =	shalt  }
0x48: {  	_ =	shalt  }
0x49: {  	_ =	shalt  }
0x4a: {  	_ =	shalt  }
0x4b: {  	_ =	shalt  }
0x4c: {  	_ =	shalt  }
0x4d: {  	_ =	shalt  }
0x4e: {  	_ =	shalt  }
0x4f: {  	_ =	shalt  }
0x50: {  	_ =	shalt  }
0x51: {  	_ =	shalt  }
0x52: {  	_ =	shalt  }
0x53: {  	_ =	shalt  }
0x54: {  	_ =	shalt  }
0x55: {  	_ =	shalt  }
0x56: {  	_ =	shalt  }
0x57: {  	_ =	shalt  }
0x58: {  	_ =	shalt  }
0x59: {  	_ =	shalt  }
0x5a: {  	_ =	shalt  }
0x5b: {  	_ =	shalt  }
0x5c: {  	_ =	shalt  }
0x5d: {  	_ =	shalt  }
0x5e: {  	_ =	shalt  }
0x5f: {  	_ =	shalt  }
0x60: {  	_ =	shalt  }
0x61: {  	_ =	shalt  }
0x62: {  	_ =	shalt  }
0x63: {  	_ =	shalt  }
0x64: {  	_ =	shalt  }
0x65: {  	_ =	shalt  }
0x66: {  	_ =	shalt  }
0x67: {  	_ =	shalt  }
0x68: {  	_ =	shalt  }
0x69: {  	_ =	shalt  }
0x6a: {  	_ =	shalt  }
0x6b: {  	_ =	shalt  }
0x6c: {  	_ =	shalt  }
0x6d: {  	_ =	shalt  }
0x6e: {  	_ =	shalt  }
0x6f: {  	_ =	shalt  }
0x70: {  	_ =	shalt  }
0x71: {  	_ =	shalt  }
0x72: {  	_ =	shalt  }
0x73: {  	_ =	shalt  }
0x74: {  	_ =	shalt  }
0x75: {  	_ =	shalt  }
0x76: {  	_ =	shalt  }
0x77: {  	_ =	shalt  }
0x78: {  	_ =	shalt  }
0x79: {  	_ =	shalt  }
0x7a: {  	_ =	shalt  }
0x7b: {  	_ =	shalt  }
0x7c: {  	_ =	shalt  }
0x7d: {  	_ =	shalt  }
0x7e: {  	_ =	shalt  }
0x7f: {  	_ =	shalt  }
0x80: {  	_ =	shalt  }
0x81: {  	_ =	shalt  }
0x82: {  	_ =	shalt  }
0x83: {  	_ =	shalt  }
0x84: {  	_ =	shalt  }
0x85: {  	_ =	shalt  }
0x86: {  	_ =	shalt  }
0x87: {  	_ =	shalt  }
.Lfunc_end0:
.L_simem_size_0:
called_computation.1_lowered:
.L_overlay_start_0:
0x88: {  	s2 =	sld [smem:$0x3FD9]  }
0x89: {  	s3 =	sld [smem:$0x3FFE];
	_ =	sdelay $0x1  }
0x8a: {  	s1 =	srdreg.scid  }
0x8b: {  	s0 =	sand.u32 $0x1, s1  }
0x8c: {  	s17 =	sshll.u32 s0, $0xA;
	s2 =	sadd.s32 s3, s2  }
0x8d: {  	s2 =	sadd.s32 s2, s17  }
0x8e: {  	[smem:$0x3FC7] =	sst s2  }
0x8f: {  	_ = 	snop  }
0x90: {  	(tm) =	ssettm $0x1  }
0x91: {  	s18 =	sld [smem:$0x3FFB];
	_ =	sdelay $0x3  }
0x92: {  	_ =	strace s18  }
0x93: {  	s2 =	sld [smem:$0x3FFC];
	_ =	sdelay $0x3  }
0x94: {  	_ =	strace s2  }
0x95: {  	s2 =	sld [smem:$0x3FFD];
	_ =	sdelay $0x3  }
0x96: {  	_ =	strace s2  }
0x97: {  	_ =	strace $0x8FFFFFFF  }
0x98: {  	s19 =	sld [smem:$0x3FDB];
	_ =	sdelay $0x1  }
0x99: {  	s20 =	simm.s32 $_scs_section_size  }
0x9a: {  	s4 =	simm.s32 $_size__tile_overlayer_lowered;
	s5 =	simm.s32 $_tile_overlayer_lowered  }
0x9b: {  	s6 =	simm.s32 $0x1BFF;
	s21 =	sshll.u32 s5, $0x1;
	s3 =	sadd.s32 s20, s19  }
0x9c: {  	s22 =	simm.s32 $0x0;
	s4 =	sshll.u32 s4, $0x1;
	s5 =	sadd.s32 s21, s3  }
0x9d: {  	[timem:s22], [sflag:s6] =	dma.local [hbm:s5], s4  }
0x9e: {  	_ =	swait.ge [sflag:s6], s4  }
0x9f: {  	s4 =	ssub.s32 $0x0, s4;
	[sflag:s6] =	ssyncset.done $0x0  }
0xa0: {  	[sflag:s6] =	ssyncadd.s32 s4;
	_ =	sdelay $0x1  }
0xa1: {  	s23 =	simm.s32 $0x1B8B  }
0xa2: {  	_ =	swait.ge [sflag:s23], $0x1  }
0xa3: {  	[sflag:s23] =	ssyncset.done $0x0  }
0xa4: {  	[sflag:s23] =	ssyncadd.s32 $0xFFFFFFFF  }
0xa5: {  	s4 =	sld [smem:$0x0]  }
0xa6: {  	s5 =	sand.u32 $0xFFFFFFFE, s1  }
0xa7: {  	p0 =	sne.s32 s1, s5  }
0xa8: {  	s5 =	sshll.u32 @p0 s5, $0xE  }
0xa9: {  	s5 =	sadd.s32 @p0 $0x11B8D, s5;
	s6 =	sshll.u32 @p0 s4, $0x11  }
0xaa: {  	s5 =	sor.u32 @p0 s6, s5  }
0xab: {  	[sflag:s5] =	ssyncadd.remote.s32 @p0 $0x1;
	_ =	sdelay $0x1  }
0xac: {  	s5 =	simm.s32 @p0 $0x1B8D  }
0xad: {  	_ =	swait.eq @p0 [sflag:s5], $0x1  }
0xae: {  	[sflag:s5] =	ssyncadd.s32 @p0 $0xFFFFFFFF  }
0xaf: {  	s6 =	sshll.u32 @!p0 s1, $0xE  }
0xb0: {  	s6 =	sor.u32 @!p0 $0x4000, s6;
	s5 =	simm.s32 @!p0 $0x1B8D  }
0xb1: {  	s4 =	sshll.u32 @!p0 s4, $0x11;
	s6 =	sadd.s32 @!p0 $0x11B8D, s6;
	_ =	swait.eq @!p0 [sflag:s5], $0x1  }
0xb2: {  	s4 =	sor.u32 @!p0 s4, s6;
	[sflag:s5] =	ssyncadd.s32 @!p0 $0xFFFFFFFF  }
0xb3: {  	s25 =	simm.s32 $0x1B8E;
	s24 =	sld [smem:$0x3FFE];
	[sflag:s4] =	ssyncadd.remote.s32 @!p0 $0x1  }
0xb4: {  	s26 =	simm.s32 $execute0_lowered;
	[smem:$0x3FD2] =	sst s25  }
0xb5: {  	s5 =	sshll.u32 s26, $0x1;
	_ =	strace $0x8000004F;
	[dreg:$0x1] =	wrdreg $0xFFFFFFFF  }
0xb6: {  	s28 =	simm.s32 $_size_execute0_lowered;
	s3 =	sadd.s32 s3, s5;
	[dreg:$0x0] =	wrdreg $0x0  }
0xb7: {  	s5 =	sshll.u32 s28, $0x1;
	[dreg:$0x2] =	wrdreg s3  }
0xb8: {  	[dreg:$0x3] =	wrdreg s5  }
0xb9: {  	[dreg:$0x4] =	wrdreg $0xC0  }
0xba: {  	_ =	task [dreg:s22], $0x5FFFF  }
0xbb: {  	[dreg:$0x1] =	wrdreg $0xFFFFFFFF  }
0xbc: {  	[dreg:$0x0] =	wrdreg $0x60  }
0xbd: {  	[dreg:$0x2] =	wrdreg s24  }
0xbe: {  	[dreg:$0x3] =	wrdreg $0x9  }
0xbf: {  	_ =	task.clear_ibuf [dreg:s22], $0x4FFFF;
	_ =	strace $0x9000004F  }
0xc0: {  	s29 =	simm.s32 $0x9;
	_ =	strace $0x80000051  }
0xc1: {  	_ =	swait.ge [sflag:s29], $0x1  }
0xc2: {  	[sflag:s29] =	ssyncadd.s32 $0xFFFFFFFF  }
0xc3: {  	_ =	strace $0x90000051  }
0xc4: {  	_ =	sfence  }
0xc5: {  	s30 =	sld [smem:$0x0];
	_ =	sdelay $0x2  }
0xc6: {  	s31 =	sshll.u32 s1, $0xD;
	s1 =	sshrl.u32 s1, $0x2  }
0xc7: {  	s4 =	sand.u32 $0x4000, s31;
	s1 =	sadd.s32 s1, s30  }
0xc8: {  	s0 =	sor.u32 s4, s0;
	s1 =	sshll.u32 s1, $0x11  }
0xc9: {  	s0 =	sor.u32 s1, s0  }
0xca: {  	s0 =	sadd.s32 $0x8F2B, s0  }
0xcb: {  	[sflag:s0] =	ssyncadd.remote.s32 $0x1  }
0xcc: {  	_ =	sfence.sel $0xFFFF  }
0xcd: {  	[dreg:$0x0] =	wrdreg $0xFFFFFFFF;
	(pc) =	sbr.abs _section_cstart, $3  }
0xce: {  	[dreg:$0x1] =	wrdreg $0xFFFFFFFF  }
0xcf: {  	_ =	task.clear_ibuf [dreg:s22], $0x2FFFF;
	_ =	strace $0x9FFFFFFF  }
0xd0: {  	(tm) =	ssettm $0x7FFFFFFF  }
0xd1: {  	_ =	shalt  }
tec
execute0_lowered:
.L_overlay_start_1:
0x0: {  	(tag) =	ssettag $0x1  }
0x1: {  	s0 =	rddreg [dreg:$0x0]  }
0x2: {  	s2 =	simm.s32 $0x0;
	s1 =	stileid.u32;
	s5 =	srdreg.scid  }
0x3: {  	s14 =	simm.s32 $0x80;
	s15 =	simm.s32 $0x400;
	s16 =	simm.s32 $0x1  }
0x4: {  	s17 =	simm.s32 $0x2000;
	s18 =	simm.s32 $0x4000;
	s19 =	simm.s32 $0x6000  }
0x5: {  	s20 =	simm.s32 $0x6800;
	s21 =	simm.s32 $0x6880;
	s22 =	simm.s32 $0x6900  }
0x6: {  	s23 =	simm.s32 $0x6980;
	s24 =	simm.s32 $0x7180;
	s25 =	simm.s32 $0x7980  }
0x7: {  	s26 =	simm.s32 $0x0;
	[smem:$0x7FF] =	sst s2;
	s3 =	sshll.u32 s1, $0x6  }
0x8: {  	s6 =	sshll.u32 s1, $0x1;
	s5 =	sand.u32 $0x1, s5;
	s7 =	sshll.u32 s1, $0xA  }
0x9: {  	_ =	strace $0x80000050;
	s3 =	sand.u32 $0x380, s3;
	s6 =	sand.u32 $0x2, s6  }
0xa: {  	s7 =	sand.u32 $0x400, s7;
	s8 =	sshll.u32 s5, $0x6;
	s4 =	sshrl.u32 s3, $0x3  }
0xb: {  	s6 =	sor.u32 s5, s6;
	s30 =	sor.u32 s8, s7;
	s5 =	ssub.s32 $0x2, s5  }
0xc: {  	s9 =	sadd.s32 s4, s0;
	s6 =	sshll.u32 s6, $0xE;
	s4 =	sor.u32 s3, s30  }
0xd: {  	s31 =	sshrl.u32 s5, $0x1;
	s3 =	sor.u32 s3, s6;
	s4 =	sshrl.u32 s4, $0x3  }
0xe: {  	s13 =	ssub.s32 s5, s31;
	s5 =	sadd.s32 $0x2DE00, s9;
	s3 =	sshrl.u32 s3, $0x3  }
0xf: {  	s10 =	sadd.s32 s4, s0;
	s4 =	sadd.s32 $0x2BE00, s9;
	s13 =	smax.u32 s13, $0x1  }
0x10: {  	s0 =	sadd.s32 s3, s0;
	s3 =	sadd.s32 $0x29E00, s9;
	s7 =	sadd.s32 $0x7400, s10  }
0x11: {  	s8 =	sadd.s32 $0x7C00, s10;
	s9 =	sadd.s32 $0x7A00, s10;
	s6 =	sadd.s32 $0xFE00, s0  }
0x12: {  	s10 =	sadd.s32 $0x15E00, s0;
	s11 =	sadd.s32 $0x13E00, s0;
	s12 =	sadd.s32 $0x11E00, s0  }
.LBB2_1:
0x13: {  	[tilespmem:s2], [sflag:$0x1] =	stream.strided.gather [hbm4b:s3+s14], $0x2000, s15, s14, $0x38;
	[tilespmem:$0x8180] =	vst v63  }
0x14: {  	_ =	swait.ge [sflag:s16], $0x2000  }
0x15: {  	[sflag:s16] =	ssyncset.done $0x0  }
0x16: {  	[sflag:s16] =	ssyncadd.s32 $0xFFFFE000  }
0x17: {  	[tilespmem:s17], [sflag:$0x1] =	stream.strided.gather [hbm4b:s4+s14], $0x2000, s15, s14, $0x38;
	[tilespmem:$0x8180] =	vst v63  }
0x18: {  	_ =	swait.ge [sflag:s16], $0x2000  }
0x19: {  	[sflag:s16] =	ssyncset.done $0x0  }
0x1a: {  	[sflag:s16] =	ssyncadd.s32 $0xFFFFE000  }
0x1b: {  	[tilespmem:s18], [sflag:$0x1] =	stream.strided.gather [hbm4b:s5+s14], $0x2000, s15, s14, $0x38;
	[tilespmem:$0x8180] =	vst v63  }
0x1c: {  	_ =	swait.ge [sflag:s16], $0x2000  }
0x1d: {  	[sflag:s16] =	ssyncset.done $0x0  }
0x1e: {  	[sflag:s16] =	ssyncadd.s32 $0xFFFFE000  }
0x1f: {  	[tilespmem:s19], [sflag:$0x1] =	stream.strided.gather [hbm4b:s6+s14], $0x800, s15, s14, $0x38;
	[tilespmem:$0x8180] =	vst v63  }
0x20: {  	_ =	swait.ge [sflag:s16], $0x800  }
0x21: {  	[sflag:s16] =	ssyncset.done $0x0  }
0x22: {  	[sflag:s16] =	ssyncadd.s32 $0xFFFFF800  }
0x23: {  	[tilespmem:s20], [sflag:$0x1] =	stream.linear.gather [hbm4b:s7+s2], $0x40, $0x38;
	[tilespmem:$0x8180] =	vst v63  }
0x24: {  	_ =	swait.ge [sflag:s16], $0x40  }
0x25: {  	[sflag:s16] =	ssyncset.done $0x0  }
0x26: {  	[sflag:s16] =	ssyncadd.s32 $0xFFFFFFC0  }
0x27: {  	[tilespmem:s21], [sflag:$0x1] =	stream.linear.gather [hbm4b:s8+s2], $0x40, $0x38;
	[tilespmem:$0x8180] =	vst v63  }
0x28: {  	_ =	swait.ge [sflag:s16], $0x40  }
0x29: {  	[sflag:s16] =	ssyncset.done $0x0  }
0x2a: {  	[sflag:s16] =	ssyncadd.s32 $0xFFFFFFC0  }
0x2b: {  	[tilespmem:s22], [sflag:$0x1] =	stream.linear.gather [hbm4b:s9+s2], $0x40, $0x38;
	[tilespmem:$0x8180] =	vst v63  }
0x2c: {  	s28 =	simm.s32 $0x7990;
	_ =	swait.ge [sflag:s16], $0x40  }
0x2d: {  	s29 =	simm.s32 $0x7190;
	s30 =	simm.s32 $0x6990;
	[sflag:s16] =	ssyncset.done $0x0  }
0x2e: {  	s31 =	simm.s32 $0x6010;
	s0 =	simm.s32 $0x0;
	[sflag:s16] =	ssyncadd.s32 $0xFFFFFFC0  }
.LBB2_2:
0x2f: {  	v0 =	vld [tilespmem:s31+$0xFFFFFFF0];
	_ =	sdelay $0x1  }
0x30: {  	v1 =	vmov s0;
	_ =	sdelay $0x4  }
0x31: {  	v2 =	vld.idx.msk [tilespmem:v1+s20+$0x0], $0xffff  }
0x32: {  	v3 =	vld.idx.msk [tilespmem:v0+s2+$0x0], $0xffff;
	_ =	sdelay $0x4  }
0x33: {  	v3 =	vsub.f32 v3, v2  }
0x34: {  	v4 =	vld.idx.msk [tilespmem:v1+s21+$0x0], $0xffff  }
0x35: {  	v1 =	vld.idx.msk [tilespmem:v1+s22+$0x0], $0xffff;
	[tilespmem:s30+$0xFFFFFFF0] =	vst v3  }
0x36: {  	v3 =	vld.idx.msk [tilespmem:v0+s17+$0x0], $0xffff;
	_ =	sdelay $0x4  }
0x37: {  	v3 =	vsub.f32 v3, v4;
	_ =	sdelay $0x1  }
0x38: {  	[tilespmem:s29+$0xFFFFFFF0] =	vst v3  }
0x39: {  	v0 =	vld.idx.msk [tilespmem:v0+s18+$0x0], $0xffff;
	_ =	sdelay $0x4  }
0x3a: {  	v0 =	vsub.f32 v0, v1;
	_ =	sdelay $0x1  }
0x3b: {  	[tilespmem:s28+$0xFFFFFFF0] =	vst v0  }
0x3c: {  	v0 =	vld [tilespmem:s31+$0x0];
	_ =	sdelay $0x7  }
0x3d: {  	v3 =	vld.idx.msk [tilespmem:v0+s2+$0x0], $0xffff;
	_ =	sdelay $0x4  }
0x3e: {  	v2 =	vsub.f32 v3, v2;
	_ =	sdelay $0x1  }
0x3f: {  	[tilespmem:s30+$0x0] =	vst v2  }
0x40: {  	v2 =	vld.idx.msk [tilespmem:v0+s17+$0x0], $0xffff;
	_ =	sdelay $0x4  }
0x41: {  	v2 =	vsub.f32 v2, v4;
	_ =	sdelay $0x1  }
0x42: {  	[tilespmem:s29+$0x0] =	vst v2  }
0x43: {  	v0 =	vld.idx.msk [tilespmem:v0+s18+$0x0], $0xffff;
	_ =	sdelay $0x1  }
0x44: {  	p0 =	sne.s32 s0, $0x3F  }
.Ltmp0:
0x45: {  	_ = 	snop;
	(pc) =	sbr.rel @p0 .LBB2_2-.Ltmp0, $4  }
0x46: {  	_ = 	snop  }
0x47: {  	v0 =	vsub.f32 v0, v1  }
0x48: {  	s0 =	sadd.s32 $0x1, s0;
	s31 =	sadd.s32 $0x20, s31  }
0x49: {  	s30 =	sadd.s32 $0x20, s30;
	s29 =	sadd.s32 $0x20, s29;
	[tilespmem:s28+$0x0] =	vst v0;
	s28 =	sadd.s32 $0x20, s28  }
0x4a: {  	[hbm4b:s10+s14] =	stream.strided.scatter [tilespmem:s23], [sflag:$0x1], $0x800, s15, s14, $0x38;
	[tilespmem:$0x8180] =	vst v63  }
0x4b: {  	_ =	swait.ge [sflag:s16], $0x800  }
0x4c: {  	[sflag:s16] =	ssyncset.done $0x0  }
0x4d: {  	[sflag:s16] =	ssyncadd.s32 $0xFFFFF800  }
0x4e: {  	[hbm4b:s11+s14] =	stream.strided.scatter [tilespmem:s24], [sflag:$0x1], $0x800, s15, s14, $0x38;
	[tilespmem:$0x8180] =	vst v63  }
0x4f: {  	s26 =	sadd.s32 $0x1, s26;
	_ =	swait.ge [sflag:s16], $0x800  }
0x50: {  	p0 =	sne.s32 s26, s13;
	[sflag:s16] =	ssyncset.done $0x0  }
.Ltmp1:
0x51: {  	[sflag:s16] =	ssyncadd.s32 $0xFFFFF800;
	(pc) =	sbr.rel @p0 .LBB2_1-.Ltmp1, $4  }
0x52: {  	[hbm4b:s12+s14] =	stream.strided.scatter [tilespmem:s25], [sflag:$0x1], $0x800, s15, s14, $0x38;
	[tilespmem:$0x8180] =	vst v63  }
0x53: {  	_ =	swait.ge [sflag:s16], $0x800  }
0x54: {  	[sflag:s16] =	ssyncset.done $0x0  }
0x55: {  	[sflag:s16] =	ssyncadd.s32 $0xFFFFF800  }
0x56: {  	_ =	sfence.sel $0x180000  }
0x57: {  	[bflag:$0x0] =	sbarrier.arrive $0xFFFF  }
0x58: {  	_ =	strace $0x90000050  }
0x59: {  	[bflag:$0x2] =	sbarrier.arrive $0xFFFF  }
0x5a: {  	p0 =	sne.s32 s1, $0x0;
	s0 =	rddreg [dreg:$0x1]  }
0x5b: {  	s0 =	sadd.s32 @!p0 $0x100000, s0  }
0x5c: {  	[sflag:s0] =	ssyncadd.tile.s32 @!p0 $0x1;
	_ =	shalt  }
.Lfunc_end2:
_tile_overlayer_lowered:
.L_overlay_start_2:
0x5d: {  	(tag) =	ssettag $0x2  }
0x5e: {  	s0 =	rddreg [dreg:$0x0];
	s2 =	stileid.u32  }
0x5f: {  	s1 =	rddreg [dreg:$0x1];
	p0 =	sne.s32 s2, $0x0  }
0x60: {  	s3 =	rddreg [dreg:$0x2];
	[bflag:$0x3] =	sbarrier.arrive $0xFFFF;
	s2 =	simm.s32 @!p0 $0x1C01  }
0x61: {  	[timem:s3], [sflag:s2] =	dma.local @!p0 [hbm:s0], s1  }
0x62: {  	s0 =	simm.s32 @!p0 $0x1  }
0x63: {  	_ =	swait.ge @!p0 [sflag:s0], s1  }
0x64: {  	s1 =	ssub.s32 @!p0 $0x0, s1;
	[sflag:s0] =	ssyncset.done @!p0 $0x0  }
0x65: {  	[sflag:s0] =	ssyncadd.s32 @!p0 s1  }
0x66: {  	[bflag:$0x3] =	sbarrier.arrive $0xFFFF  }
0x67: {  	_ =	shalt  }

// kernel: kernel.17.cloned.1.call-start
scs
__scs_entry_jumppad:
0x0: {  	(pc) =	sbr.rel $0x88, $3  }
0x1: {  	(tag) =	ssettag $0x0;
	lr =	simm.s32 $0x1  }
0x2: {  	[smem:$0x3FA0] =	sst lr;
	_ =	strace $0xD0000000  }
0x3: {  	_ = 	snop  }
0x4: {  	_ = 	snop  }
0x5: {  	_ = 	snop  }
0x6: {  	_ = 	snop  }
0x7: {  	_ = 	snop  }
__scs_overlays_trampoline_lowered:
0x8: {  	[smem:$0x3FAF] =	sst s0  }
0x9: {  	[smem:$0x3FB0] =	sst s1  }
0xa: {  	[smem:$0x3FB1] =	sst s2  }
0xb: {  	[smem:$0x3FB2] =	sst s3  }
0xc: {  	[smem:$0x3FB3] =	sst s4  }
0xd: {  	[smem:$0x3FB4] =	sst s5  }
0xe: {  	[smem:$0x3FB5] =	sst s6  }
0xf: {  	[smem:$0x3FB6] =	sst s7  }
0x10: {  	[smem:$0x3FB7] =	sst s8  }
0x11: {  	[smem:$0x3FB8] =	sst s9;
	s0 =	simm.s32 @!p0 $0x0  }
0x12: {  	s1 =	sld [smem:$0x3F9E];
	s0 =	simm.s32 @p0 $0x1  }
0x13: {  	[smem:$0x3FB9] =	sst s0;
	s0 =	simm.s32 @!p1 $0x0  }
0x14: {  	s2 =	sld [smem:$0x3F9D];
	s0 =	simm.s32 @p1 $0x1  }
0x15: {  	[smem:$0x3FBA] =	sst s0;
	s0 =	simm.s32 @!p2 $0x0  }
0x16: {  	s3 =	sld [smem:$0x3FDB];
	s0 =	simm.s32 @p2 $0x1  }
0x17: {  	s4 =	simm.s32 $0x1BF5;
	[smem:$0x3FBC] =	sst s0  }
0x18: {  	s0 =	sld [smem:$0x3F9F];
	_ =	swait.ge [sflag:s4], $0x0  }
0x19: {  	s7 =	sld [smem:$0x3FA0]  }
0x1a: {  	s8 =	sadd.s32 $0xFFFFE003, lr  }
0x1b: {  	s9 =	sadd.s32 $0xFFFFFEF7, lr;
	s5 =	simm.s32 $0xFFFFFFFF;
	p2 =	slt.u32 s8, $0xFFFFF086  }
0x1c: {  	p1 =	slt.u32 s9, $0xF7A;
	s5 =	simm.s32 @!p2 $0x0  }
0x1d: {  	s5 =	simm.s32 @p1 $0x1;
	p0 =	seq.s32 s7, s2  }
0x1e: {  	s7 =	smul.u32 @!p0 $0xF7A, s2;
	p2 =	seq.s32 @!p0 s5, $0x0  }
0x1f: {  	s9 =	smul.u32 $0xF7A, s1;
	s8 =	simm.s32 @!p0 $0x1BF5;
	p2 =	por !p2, p0  }
0x20: {  	[sflag:s8] =	ssyncset.s32 @!p0 $0xFFFFF086;
	s6 =	sadd.s32 @!p0 s3, s7;
	s7 =	simm.s32 @!p0 $0x108  }
0x21: {  	s3 =	sadd.s32 s3, s9;
	s6 =	sadd.s32 @!p0 $0x88, s6;
	s7 =	simm.s32 @p2 $0x1082  }
0x22: {  	[simem:s7], [sflag:s8] =	dma.local @!p0 [hbm:s6], $0xF7A  }
0x23: {  	s9 =	sor.u32 $0xD0000000, s2;
	s6 =	simm.s32 $0x108;
	_ =	swait.ge @!p0 [sflag:s8], $0x0  }
0x24: {  	s3 =	sadd.s32 $0x88, s3;
	s6 =	simm.s32 @!p1 $0x1082;
	[sflag:s4] =	ssyncset.s32 $0xFFFFF086  }
0x25: {  	[simem:s6], [sflag:s4] =	dma.local [hbm:s3], $0xF7A  }
0x26: {  	[smem:$0x3FA0] =	sst s1;
	(tag) =	ssettag s2;
	_ =	strace s9  }
0x27: {  	s1 =	sld [smem:$0x3FB0]  }
0x28: {  	s2 =	sld [smem:$0x3FB1]  }
0x29: {  	s4 =	sld [smem:$0x3FB3]  }
0x2a: {  	p0 =	seq.s32 s5, $0x0;
	s5 =	sld [smem:$0x3FB4]  }
0x2b: {  	s6 =	sld [smem:$0x3FB5]  }
0x2c: {  	s7 =	sld [smem:$0x3FB6]  }
0x2d: {  	s3 =	simm.s32 $0x108;
	s8 =	sld [smem:$0x3FB7]  }
0x2e: {  	s3 =	simm.s32 @!p0 $0x1082;
	s9 =	sld [smem:$0x3FB8]  }
0x2f: {  	lr =	sadd.s32 s0, s3;
	s0 =	sld [smem:$0x3FAF]  }
0x30: {  	s3 =	sld [smem:$0x3FB2]  }
0x31: {  	[smem:$0x3FBB] =	sst s10  }
0x32: {  	s10 =	sld [smem:$0x3FB9];
	_ =	sdelay $0x3  }
0x33: {  	p0 =	seq.s32 s10, $0x1;
	s10 =	sld [smem:$0x3FBB];
	_ =	sdelay $0x3  }
0x34: {  	[smem:$0x3FBB] =	sst s10  }
0x35: {  	s10 =	sld [smem:$0x3FBA];
	_ =	sdelay $0x3  }
0x36: {  	p1 =	seq.s32 s10, $0x1;
	s10 =	sld [smem:$0x3FBB];
	_ =	sdelay $0x3  }
0x37: {  	[smem:$0x3FBB] =	sst s10  }
0x38: {  	s10 =	sld [smem:$0x3FBC]  }
0x39: {  	_ = 	snop;
	(pc) =	sbr.ind lr, $3  }
0x3a: {  	_ = 	snop  }
0x3b: {  	_ = 	snop  }
0x3c: {  	p2 =	seq.s32 s10, $0x1;
	s10 =	sld [smem:$0x3FBB]  }
0x3d: {  	_ =	shalt  }
0x3e: {  	_ =	shalt  }
0x3f: {  	_ =	shalt  }
0x40: {  	_ =	shalt  }
0x41: {  	_ =	shalt  }
0x42: {  	_ =	shalt  }
0x43: {  	_ =	shalt  }
0x44: {  	_ =	shalt  }
0x45: {  	_ =	shalt  }
0x46: {  	_ =	shalt  }
0x47: {  	_ =	shalt  }
0x48: {  	_ =	shalt  }
0x49: {  	_ =	shalt  }
0x4a: {  	_ =	shalt  }
0x4b: {  	_ =	shalt  }
0x4c: {  	_ =	shalt  }
0x4d: {  	_ =	shalt  }
0x4e: {  	_ =	shalt  }
0x4f: {  	_ =	shalt  }
0x50: {  	_ =	shalt  }
0x51: {  	_ =	shalt  }
0x52: {  	_ =	shalt  }
0x53: {  	_ =	shalt  }
0x54: {  	_ =	shalt  }
0x55: {  	_ =	shalt  }
0x56: {  	_ =	shalt  }
0x57: {  	_ =	shalt  }
0x58: {  	_ =	shalt  }
0x59: {  	_ =	shalt  }
0x5a: {  	_ =	shalt  }
0x5b: {  	_ =	shalt  }
0x5c: {  	_ =	shalt  }
0x5d: {  	_ =	shalt  }
0x5e: {  	_ =	shalt  }
0x5f: {  	_ =	shalt  }
0x60: {  	_ =	shalt  }
0x61: {  	_ =	shalt  }
0x62: {  	_ =	shalt  }
0x63: {  	_ =	shalt  }
0x64: {  	_ =	shalt  }
0x65: {  	_ =	shalt  }
0x66: {  	_ =	shalt  }
0x67: {  	_ =	shalt  }
0x68: {  	_ =	shalt  }
0x69: {  	_ =	shalt  }
0x6a: {  	_ =	shalt  }
0x6b: {  	_ =	shalt  }
0x6c: {  	_ =	shalt  }
0x6d: {  	_ =	shalt  }
0x6e: {  	_ =	shalt  }
0x6f: {  	_ =	shalt  }
0x70: {  	_ =	shalt  }
0x71: {  	_ =	shalt  }
0x72: {  	_ =	shalt  }
0x73: {  	_ =	shalt  }
0x74: {  	_ =	shalt  }
0x75: {  	_ =	shalt  }
0x76: {  	_ =	shalt  }
0x77: {  	_ =	shalt  }
0x78: {  	_ =	shalt  }
0x79: {  	_ =	shalt  }
0x7a: {  	_ =	shalt  }
0x7b: {  	_ =	shalt  }
0x7c: {  	_ =	shalt  }
0x7d: {  	_ =	shalt  }
0x7e: {  	_ =	shalt  }
0x7f: {  	_ =	shalt  }
0x80: {  	_ =	shalt  }
0x81: {  	_ =	shalt  }
0x82: {  	_ =	shalt  }
0x83: {  	_ =	shalt  }
0x84: {  	_ =	shalt  }
0x85: {  	_ =	shalt  }
0x86: {  	_ =	shalt  }
0x87: {  	_ =	shalt  }
.Lfunc_end0:
.L_simem_size_0:
called_computation.2_lowered:
.L_overlay_start_0:
0x88: {  	s2 =	sld [smem:$0x3FD9]  }
0x89: {  	s3 =	sld [smem:$0x3FFE];
	_ =	sdelay $0x1  }
0x8a: {  	s1 =	srdreg.scid  }
0x8b: {  	s0 =	sand.u32 $0x1, s1  }
0x8c: {  	s14 =	sshll.u32 s0, $0xA;
	s2 =	sadd.s32 s3, s2  }
0x8d: {  	s2 =	sadd.s32 s2, s14  }
0x8e: {  	[smem:$0x3FC7] =	sst s2  }
0x8f: {  	_ = 	snop  }
0x90: {  	s2 =	sld [smem:$0x3FD0];
	_ =	sdelay $0x2  }
0x91: {  	s15 =	simm.s32 $0xB;
	s4 =	simm.s32 $0x10  }
0x92: {  	[smem:s4], [sflag:s15] =	dma.local [hbm:s2], $0x1  }
0x93: {  	_ =	swait.eq [sflag:s15], $0x1  }
0x94: {  	[sflag:s15] =	ssyncset.done $0x0  }
0x95: {  	[sflag:s15] =	ssyncadd.s32 $0xFFFFFFFF  }
0x96: {  	s16 =	sld [smem:$0x10];
	(tm) =	ssettm $0x1  }
0x97: {  	s17 =	sld [smem:$0x3FFB];
	_ =	sdelay $0x3  }
0x98: {  	_ =	strace s17  }
0x99: {  	s3 =	sld [smem:$0x3FFC];
	_ =	sdelay $0x3  }
0x9a: {  	_ =	strace s3  }
0x9b: {  	s3 =	sld [smem:$0x3FFD];
	_ =	sdelay $0x3  }
0x9c: {  	_ =	strace s3  }
0x9d: {  	_ =	strace $0x8FFFFFFF  }
0x9e: {  	s18 =	sld [smem:$0x3FDB];
	_ =	sdelay $0x1  }
0x9f: {  	s19 =	simm.s32 $_scs_section_size  }
0xa0: {  	s5 =	simm.s32 $_size__tile_overlayer_lowered;
	s6 =	simm.s32 $_tile_overlayer_lowered  }
0xa1: {  	s22 =	simm.s32 $0x1BFF;
	s21 =	sshll.u32 s6, $0x1;
	s3 =	sadd.s32 s19, s18  }
0xa2: {  	s7 =	simm.s32 $0x0;
	s20 =	sshll.u32 s5, $0x1;
	s5 =	sadd.s32 s21, s3  }
0xa3: {  	[timem:s7], [sflag:s22] =	dma.local [hbm:s5], s20  }
0xa4: {  	_ =	swait.ge [sflag:s22], s20  }
0xa5: {  	s4 =	ssub.s32 $0x0, s20;
	[sflag:s22] =	ssyncset.done $0x0  }
0xa6: {  	[sflag:s22] =	ssyncadd.s32 s4;
	_ =	sdelay $0x1  }
0xa7: {  	s23 =	simm.s32 $0x1B8B  }
0xa8: {  	_ =	swait.ge [sflag:s23], $0x1  }
0xa9: {  	[sflag:s23] =	ssyncset.done $0x0  }
0xaa: {  	s25 =	simm.s32 $0x1B8E;
	s24 =	sld [smem:$0x3FFE];
	[sflag:s23] =	ssyncadd.s32 $0xFFFFFFFF  }
0xab: {  	s26 =	simm.s32 $execute0_lowered;
	[smem:$0x3FD2] =	sst s25  }
0xac: {  	s5 =	sshll.u32 s26, $0x1;
	_ =	strace $0x80000046;
	[dreg:$0x1] =	wrdreg $0xFFFFFFFF  }
0xad: {  	s28 =	simm.s32 $_size_execute0_lowered;
	s3 =	sadd.s32 s3, s5;
	[dreg:$0x0] =	wrdreg $0x0  }
0xae: {  	s5 =	sshll.u32 s28, $0x1;
	[dreg:$0x2] =	wrdreg s3  }
0xaf: {  	[dreg:$0x3] =	wrdreg s5  }
0xb0: {  	[dreg:$0x4] =	wrdreg $0xC0  }
0xb1: {  	_ =	task [dreg:s7], $0x5FFFF  }
0xb2: {  	[dreg:$0x1] =	wrdreg $0xFFFFFFFF  }
0xb3: {  	[dreg:$0x0] =	wrdreg $0x60  }
0xb4: {  	[dreg:$0x2] =	wrdreg s16  }
0xb5: {  	[dreg:$0x3] =	wrdreg s24  }
0xb6: {  	[dreg:$0x4] =	wrdreg $0xA  }
0xb7: {  	_ =	task.clear_ibuf [dreg:s7], $0x5FFFF;
	_ =	strace $0x90000046  }
0xb8: {  	s29 =	simm.s32 $0xA;
	_ =	strace $0x80000048  }
0xb9: {  	_ =	swait.ge [sflag:s29], $0x1  }
0xba: {  	[sflag:s29] =	ssyncadd.s32 $0xFFFFFFFF  }
0xbb: {  	_ =	strace $0x90000048  }
0xbc: {  	_ =	sfence  }
0xbd: {  	s30 =	sld [smem:$0x0];
	_ =	sdelay $0x2  }
0xbe: {  	s31 =	sshll.u32 s1, $0xD;
	s1 =	sshrl.u32 s1, $0x2  }
0xbf: {  	s3 =	sand.u32 $0x4000, s31;
	s1 =	sadd.s32 s1, s30  }
0xc0: {  	s0 =	sor.u32 s3, s0;
	s1 =	sshll.u32 s1, $0x11  }
0xc1: {  	s0 =	sor.u32 s1, s0  }
0xc2: {  	s0 =	sadd.s32 $0x8F2B, s0  }
0xc3: {  	[sflag:s0] =	ssyncadd.remote.s32 $0x1  }
0xc4: {  	_ =	sfence.sel $0xFFFF  }
0xc5: {  	[dreg:$0x0] =	wrdreg $0xFFFFFFFF;
	(pc) =	sbr.abs _section_cstart, $3  }
0xc6: {  	[dreg:$0x1] =	wrdreg $0xFFFFFFFF  }
0xc7: {  	_ =	task.clear_ibuf [dreg:s7], $0x2FFFF;
	_ =	strace $0x9FFFFFFF  }
0xc8: {  	(tm) =	ssettm $0x7FFFFFFF  }
0xc9: {  	_ =	shalt  }
tec
execute0_lowered:
.L_overlay_start_1:
0x0: {  	(tag) =	ssettag $0x1  }
0x1: {  	s3 =	rddreg [dreg:$0x0]  }
0x2: {  	s4 =	rddreg [dreg:$0x1]  }
0x3: {  	s0 =	rddreg [dreg:$0x2]  }
0x4: {  	s2 =	simm.s32 $0x0;
	s1 =	stileid.u32;
	s6 =	srdreg.scid  }
0x5: {  	s14 =	simm.s32 $0x1;
	s15 =	simm.s32 $0x2000;
	s16 =	simm.s32 $0x4000  }
0x6: {  	s17 =	simm.s32 $0x6000;
	s18 =	simm.s32 $0x6800;
	s19 =	simm.s32 $0x6880  }
0x7: {  	s20 =	simm.s32 $0x6900;
	s21 =	simm.s32 $0x6980;
	s22 =	simm.s32 $0x0  }
0x8: {  	[smem:$0x7FF] =	sst s2;
	s5 =	sshll.u32 s1, $0x6;
	s7 =	sshll.u32 s1, $0x1  }
0x9: {  	s6 =	sand.u32 $0x1, s6;
	s11 =	sshll.u32 s1, $0xA;
	s5 =	sand.u32 $0x380, s5  }
0xa: {  	s7 =	sand.u32 $0x2, s7;
	_ =	strace $0x80000047;
	s11 =	sand.u32 $0x400, s11  }
0xb: {  	s12 =	sshll.u32 s6, $0x6;
	s8 =	sshrl.u32 s5, $0x3;
	s7 =	sor.u32 s6, s7  }
0xc: {  	s11 =	sor.u32 s12, s11;
	s6 =	ssub.s32 $0x2, s6;
	s12 =	simm.s32 $0x80  }
0xd: {  	s9 =	sadd.s32 s8, s4;
	s10 =	sshll.u32 s7, $0xE;
	s7 =	sshll.u32 s7, $0x12  }
0xe: {  	s11 =	sor.u32 s5, s11;
	s31 =	sshrl.u32 s6, $0x1;
	s3 =	sadd.s32 s3, s8  }
0xf: {  	s10 =	sor.u32 s5, s10;
	s5 =	sor.u32 s5, s7;
	s29 =	sshrl.u32 s11, $0x3  }
0x10: {  	s13 =	ssub.s32 s6, s31;
	s10 =	sshrl.u32 s10, $0x3;
	s5 =	sshrl.u32 s5, $0x3  }
0x11: {  	s11 =	sadd.s32 s29, s4;
	s10 =	sadd.s32 s10, s4;
	s30 =	sadd.s32 s5, s4  }
0x12: {  	s4 =	sadd.s32 $0x3200, s9;
	s5 =	sadd.s32 $0x5200, s9;
	s7 =	sadd.s32 $0x7200, s11  }
0x13: {  	s8 =	sadd.s32 $0x7800, s11;
	s9 =	sadd.s32 $0x7600, s11;
	s11 =	smax.u32 s13, $0x1  }
0x14: {  	s13 =	simm.s32 $0x400;
	s6 =	sadd.s32 $0x7E00, s10;
	s10 =	sadd.s32 $0x9E00, s30  }
.LBB2_1:
0x15: {  	[tilespmem:s2], [sflag:$0x1] =	stream.strided.gather [hbm4b:s3+s12], $0x2000, s13, s12, $0x38;
	[tilespmem:$0xE980] =	vst v63  }
0x16: {  	_ =	swait.ge [sflag:s14], $0x2000  }
0x17: {  	[sflag:s14] =	ssyncset.done $0x0  }
0x18: {  	[sflag:s14] =	ssyncadd.s32 $0xFFFFE000  }
0x19: {  	[tilespmem:s15], [sflag:$0x1] =	stream.strided.gather [hbm4b:s4+s12], $0x2000, s13, s12, $0x38;
	[tilespmem:$0xE980] =	vst v63  }
0x1a: {  	_ =	swait.ge [sflag:s14], $0x2000  }
0x1b: {  	[sflag:s14] =	ssyncset.done $0x0  }
0x1c: {  	[sflag:s14] =	ssyncadd.s32 $0xFFFFE000  }
0x1d: {  	[tilespmem:s16], [sflag:$0x1] =	stream.strided.gather [hbm4b:s5+s12], $0x2000, s13, s12, $0x38;
	[tilespmem:$0xE980] =	vst v63  }
0x1e: {  	_ =	swait.ge [sflag:s14], $0x2000  }
0x1f: {  	[sflag:s14] =	ssyncset.done $0x0  }
0x20: {  	[sflag:s14] =	ssyncadd.s32 $0xFFFFE000  }
0x21: {  	[tilespmem:s17], [sflag:$0x1] =	stream.strided.gather [hbm4b:s6+s12], $0x800, s13, s12, $0x38;
	[tilespmem:$0xE980] =	vst v63  }
0x22: {  	_ =	swait.ge [sflag:s14], $0x800  }
0x23: {  	[sflag:s14] =	ssyncset.done $0x0  }
0x24: {  	[sflag:s14] =	ssyncadd.s32 $0xFFFFF800  }
0x25: {  	[tilespmem:s18], [sflag:$0x1] =	stream.linear.gather [hbm4b:s7+s2], $0x40, $0x38;
	[tilespmem:$0xE980] =	vst v63  }
0x26: {  	_ =	swait.ge [sflag:s14], $0x40  }
0x27: {  	[sflag:s14] =	ssyncset.done $0x0  }
0x28: {  	[sflag:s14] =	ssyncadd.s32 $0xFFFFFFC0  }
0x29: {  	[tilespmem:s19], [sflag:$0x1] =	stream.linear.gather [hbm4b:s8+s2], $0x40, $0x38;
	[tilespmem:$0xE980] =	vst v63  }
0x2a: {  	_ =	swait.ge [sflag:s14], $0x40  }
0x2b: {  	[sflag:s14] =	ssyncset.done $0x0  }
0x2c: {  	[sflag:s14] =	ssyncadd.s32 $0xFFFFFFC0  }
0x2d: {  	[tilespmem:s20], [sflag:$0x1] =	stream.linear.gather [hbm4b:s9+s2], $0x40, $0x38;
	[tilespmem:$0xE980] =	vst v63  }
0x2e: {  	_ =	swait.ge [sflag:s14], $0x40  }
0x2f: {  	s23 =	simm.s32 $0x6A80;
	[sflag:s14] =	ssyncset.done $0x0  }
0x30: {  	s24 =	simm.s32 $0x6010;
	s25 =	simm.s32 $0x0;
	[sflag:s14] =	ssyncadd.s32 $0xFFFFFFC0  }
.LBB2_2:
0x31: {  	v3 =	vld [tilespmem:s24+$0xFFFFFFF0];
	v2 =	vmov s25;
	_ =	sdelay $0x4  }
0x32: {  	v0 =	vld.idx.msk [tilespmem:v2+s18+$0x0], $0xffff  }
0x33: {  	v1 =	vld.idx.msk [tilespmem:v2+s19+$0x0], $0xffff;
	v5 =	vadd.s32 $0x200, v3  }
0x34: {  	v2 =	vld.idx.msk [tilespmem:v2+s20+$0x0], $0xffff  }
0x35: {  	v4 =	vld.idx.msk [tilespmem:v3+s2+$0x0], $0xffff  }
0x36: {  	v6 =	vld.idx.msk [tilespmem:v3+s15+$0x0], $0xffff  }
0x37: {  	v7 =	vld.idx.msk [tilespmem:v3+s16+$0x0], $0xffff  }
0x38: {  	v8 =	vld.idx.msk [tilespmem:v5+s2+$0x0], $0xffff  }
0x39: {  	v9 =	vld.idx.msk [tilespmem:v5+s15+$0x0], $0xffff;
	_ =	sdelay $0x1  }
0x3a: {  	v5 =	vld.idx.msk [tilespmem:v5+s16+$0x0], $0xffff;
	v4 =	vsub.f32 v0, v4;
	v6 =	vsub.f32 v1, v6;
	_ =	sdelay $0x1  }
0x3b: {  	v7 =	vsub.f32 v2, v7;
	v4 =	vmul.f32 v4, v4;
	v6 =	vmul.f32 v6, v6  }
0x3c: {  	v8 =	vsub.f32 v0, v8;
	v9 =	vsub.f32 v1, v9  }
0x3d: {  	v56 =	vadd.s32 $0x400, v3;
	v55 =	vmul.f32 v7, v7;
	v4 =	vadd.f32 v6, v4  }
0x3e: {  	v5 =	vsub.f32 v2, v5;
	v57 =	vmul.f32 v8, v8;
	v58 =	vmul.f32 v9, v9  }
0x3f: {  	v4 =	vadd.f32 v55, v4  }
0x40: {  	v59 =	vadd.s32 $0x600, v3;
	v5 =	vmul.f32 v5, v5;
	v6 =	vadd.f32 v58, v57  }
0x41: {  	[tilespmem:s23+$0xFFFFFF00] =	vst v4  }
0x42: {  	v5 =	vadd.f32 v5, v6;
	v4 =	vld.idx.msk [tilespmem:v56+s2+$0x0], $0xffff  }
0x43: {  	v60 =	vld.idx.msk [tilespmem:v56+s15+$0x0], $0xffff  }
0x44: {  	v61 =	vld.idx.msk [tilespmem:v56+s16+$0x0], $0xffff;
	[tilespmem:s23+$0xFFFFFF20] =	vst v5  }
0x45: {  	v5 =	vld.idx.msk [tilespmem:v59+s2+$0x0], $0xffff  }
0x46: {  	v62 =	vld.idx.msk [tilespmem:v59+s15+$0x0], $0xffff;
	_ =	sdelay $0x1  }
0x47: {  	v8 =	vld.idx.msk [tilespmem:v59+s16+$0x0], $0xffff;
	v4 =	vsub.f32 v0, v4;
	v9 =	vsub.f32 v1, v60;
	_ =	sdelay $0x1  }
0x48: {  	v6 =	vsub.f32 v2, v61;
	v4 =	vmul.f32 v4, v4;
	v9 =	vmul.f32 v9, v9  }
0x49: {  	v5 =	vsub.f32 v0, v5;
	v7 =	vsub.f32 v1, v62  }
0x4a: {  	v63 =	vadd.s32 $0x800, v3;
	v6 =	vmul.f32 v6, v6;
	v4 =	vadd.f32 v9, v4  }
0x4b: {  	v11 =	vsub.f32 v2, v8;
	v5 =	vmul.f32 v5, v5;
	v7 =	vmul.f32 v7, v7  }
0x4c: {  	v4 =	vadd.f32 v6, v4  }
0x4d: {  	v12 =	vadd.s32 $0xA00, v3;
	v5 =	vadd.f32 v7, v5;
	v6 =	vmul.f32 v11, v11  }
0x4e: {  	[tilespmem:s23+$0xFFFFFF40] =	vst v4  }
0x4f: {  	v5 =	vadd.f32 v6, v5;
	v4 =	vld.idx.msk [tilespmem:v63+s2+$0x0], $0xffff  }
0x50: {  	v13 =	vld.idx.msk [tilespmem:v63+s15+$0x0], $0xffff  }
0x51: {  	v14 =	vld.idx.msk [tilespmem:v63+s16+$0x0], $0xffff;
	[tilespmem:s23+$0xFFFFFF60] =	vst v5  }
0x52: {  	v5 =	vld.idx.msk [tilespmem:v12+s2+$0x0], $0xffff  }
0x53: {  	v15 =	vld.idx.msk [tilespmem:v12+s15+$0x0], $0xffff;
	_ =	sdelay $0x1  }
0x54: {  	v7 =	vld.idx.msk [tilespmem:v12+s16+$0x0], $0xffff;
	v4 =	vsub.f32 v0, v4;
	v8 =	vsub.f32 v1, v13;
	_ =	sdelay $0x1  }
0x55: {  	v6 =	vsub.f32 v2, v14;
	v4 =	vmul.f32 v4, v4;
	v8 =	vmul.f32 v8, v8  }
0x56: {  	v5 =	vsub.f32 v0, v5;
	v9 =	vsub.f32 v1, v15  }
0x57: {  	v16 =	vadd.s32 $0xC00, v3;
	v6 =	vmul.f32 v6, v6;
	v4 =	vadd.f32 v8, v4  }
0x58: {  	v17 =	vsub.f32 v2, v7;
	v5 =	vmul.f32 v5, v5;
	v18 =	vmul.f32 v9, v9  }
0x59: {  	v4 =	vadd.f32 v6, v4  }
0x5a: {  	v19 =	vadd.s32 $0xE00, v3;
	v5 =	vadd.f32 v18, v5;
	v6 =	vmul.f32 v17, v17  }
0x5b: {  	[tilespmem:s23+$0xFFFFFF80] =	vst v4  }
0x5c: {  	v5 =	vadd.f32 v6, v5;
	v4 =	vld.idx.msk [tilespmem:v16+s2+$0x0], $0xffff  }
0x5d: {  	v20 =	vld.idx.msk [tilespmem:v16+s15+$0x0], $0xffff  }
0x5e: {  	v21 =	vld.idx.msk [tilespmem:v16+s16+$0x0], $0xffff;
	[tilespmem:s23+$0xFFFFFFA0] =	vst v5  }
0x5f: {  	v5 =	vld.idx.msk [tilespmem:v19+s2+$0x0], $0xffff  }
0x60: {  	v22 =	vld.idx.msk [tilespmem:v19+s15+$0x0], $0xffff;
	_ =	sdelay $0x1  }
0x61: {  	v7 =	vld.idx.msk [tilespmem:v19+s16+$0x0], $0xffff;
	v4 =	vsub.f32 v0, v4;
	v9 =	vsub.f32 v1, v20;
	_ =	sdelay $0x1  }
0x62: {  	v6 =	vsub.f32 v2, v21;
	v4 =	vmul.f32 v4, v4;
	v9 =	vmul.f32 v9, v9  }
0x63: {  	v5 =	vsub.f32 v0, v5;
	v8 =	vsub.f32 v1, v22  }
0x64: {  	v23 =	vadd.s32 $0x1000, v3;
	v6 =	vmul.f32 v6, v6;
	v4 =	vadd.f32 v9, v4  }
0x65: {  	v24 =	vsub.f32 v2, v7;
	v5 =	vmul.f32 v5, v5;
	v25 =	vmul.f32 v8, v8  }
0x66: {  	v4 =	vadd.f32 v6, v4  }
0x67: {  	v26 =	vadd.s32 $0x1200, v3;
	v5 =	vadd.f32 v25, v5;
	v6 =	vmul.f32 v24, v24  }
0x68: {  	[tilespmem:s23+$0xFFFFFFC0] =	vst v4  }
0x69: {  	v5 =	vadd.f32 v6, v5;
	v4 =	vld.idx.msk [tilespmem:v23+s2+$0x0], $0xffff  }
0x6a: {  	v27 =	vld.idx.msk [tilespmem:v23+s15+$0x0], $0xffff  }
0x6b: {  	v28 =	vld.idx.msk [tilespmem:v23+s16+$0x0], $0xffff;
	[tilespmem:s23+$0xFFFFFFE0] =	vst v5  }
0x6c: {  	v5 =	vld.idx.msk [tilespmem:v26+s2+$0x0], $0xffff  }
0x6d: {  	v29 =	vld.idx.msk [tilespmem:v26+s15+$0x0], $0xffff;
	_ =	sdelay $0x1  }
0x6e: {  	v7 =	vld.idx.msk [tilespmem:v26+s16+$0x0], $0xffff;
	v4 =	vsub.f32 v0, v4;
	v8 =	vsub.f32 v1, v27;
	_ =	sdelay $0x1  }
0x6f: {  	v6 =	vsub.f32 v2, v28;
	v4 =	vmul.f32 v4, v4;
	v8 =	vmul.f32 v8, v8  }
0x70: {  	v5 =	vsub.f32 v0, v5;
	v9 =	vsub.f32 v1, v29  }
0x71: {  	v30 =	vadd.s32 $0x1400, v3;
	v6 =	vmul.f32 v6, v6;
	v4 =	vadd.f32 v8, v4  }
0x72: {  	v31 =	vsub.f32 v2, v7;
	v5 =	vmul.f32 v5, v5;
	v32 =	vmul.f32 v9, v9  }
0x73: {  	v4 =	vadd.f32 v6, v4  }
0x74: {  	v33 =	vadd.s32 $0x1600, v3;
	v5 =	vadd.f32 v32, v5;
	v6 =	vmul.f32 v31, v31  }
0x75: {  	[tilespmem:s23+$0x0] =	vst v4  }
0x76: {  	v5 =	vadd.f32 v6, v5;
	v4 =	vld.idx.msk [tilespmem:v30+s2+$0x0], $0xffff  }
0x77: {  	v34 =	vld.idx.msk [tilespmem:v30+s15+$0x0], $0xffff  }
0x78: {  	v35 =	vld.idx.msk [tilespmem:v30+s16+$0x0], $0xffff;
	[tilespmem:s23+$0x20] =	vst v5  }
0x79: {  	v5 =	vld.idx.msk [tilespmem:v33+s2+$0x0], $0xffff  }
0x7a: {  	v36 =	vld.idx.msk [tilespmem:v33+s15+$0x0], $0xffff;
	_ =	sdelay $0x1  }
0x7b: {  	v7 =	vld.idx.msk [tilespmem:v33+s16+$0x0], $0xffff;
	v4 =	vsub.f32 v0, v4;
	v9 =	vsub.f32 v1, v34;
	_ =	sdelay $0x1  }
0x7c: {  	v6 =	vsub.f32 v2, v35;
	v4 =	vmul.f32 v4, v4;
	v9 =	vmul.f32 v9, v9  }
0x7d: {  	v5 =	vsub.f32 v0, v5;
	v8 =	vsub.f32 v1, v36  }
0x7e: {  	v37 =	vadd.s32 $0x1800, v3;
	v6 =	vmul.f32 v6, v6;
	v4 =	vadd.f32 v9, v4  }
0x7f: {  	v38 =	vsub.f32 v2, v7;
	v5 =	vmul.f32 v5, v5;
	v39 =	vmul.f32 v8, v8  }
0x80: {  	v4 =	vadd.f32 v6, v4  }
0x81: {  	v40 =	vadd.s32 $0x1A00, v3;
	v5 =	vadd.f32 v39, v5;
	v6 =	vmul.f32 v38, v38  }
0x82: {  	[tilespmem:s23+$0x40] =	vst v4  }
0x83: {  	v5 =	vadd.f32 v6, v5;
	v4 =	vld.idx.msk [tilespmem:v37+s2+$0x0], $0xffff  }
0x84: {  	v41 =	vld.idx.msk [tilespmem:v37+s15+$0x0], $0xffff  }
0x85: {  	v42 =	vld.idx.msk [tilespmem:v37+s16+$0x0], $0xffff;
	[tilespmem:s23+$0x60] =	vst v5  }
0x86: {  	v5 =	vld.idx.msk [tilespmem:v40+s2+$0x0], $0xffff  }
0x87: {  	v43 =	vld.idx.msk [tilespmem:v40+s15+$0x0], $0xffff;
	_ =	sdelay $0x1  }
0x88: {  	v7 =	vld.idx.msk [tilespmem:v40+s16+$0x0], $0xffff;
	v4 =	vsub.f32 v0, v4;
	v8 =	vsub.f32 v1, v41;
	_ =	sdelay $0x1  }
0x89: {  	v6 =	vsub.f32 v2, v42;
	v4 =	vmul.f32 v4, v4;
	v8 =	vmul.f32 v8, v8  }
0x8a: {  	v5 =	vsub.f32 v0, v5;
	v9 =	vsub.f32 v1, v43  }
0x8b: {  	v44 =	vadd.s32 $0x1C00, v3;
	v6 =	vmul.f32 v6, v6;
	v4 =	vadd.f32 v8, v4  }
0x8c: {  	v45 =	vsub.f32 v2, v7;
	v5 =	vmul.f32 v5, v5;
	v46 =	vmul.f32 v9, v9  }
0x8d: {  	v4 =	vadd.f32 v6, v4  }
0x8e: {  	v3 =	vadd.s32 $0x1E00, v3;
	v48 =	vmul.f32 v45, v45;
	v47 =	vadd.f32 v46, v5  }
0x8f: {  	[tilespmem:s23+$0x80] =	vst v4  }
0x90: {  	v4 =	vadd.f32 v48, v47;
	v49 =	vld.idx.msk [tilespmem:v44+s2+$0x0], $0xffff  }
0x91: {  	v50 =	vld.idx.msk [tilespmem:v44+s15+$0x0], $0xffff  }
0x92: {  	v51 =	vld.idx.msk [tilespmem:v44+s16+$0x0], $0xffff;
	[tilespmem:s23+$0xA0] =	vst v4  }
0x93: {  	v4 =	vld.idx.msk [tilespmem:v3+s2+$0x0], $0xffff  }
0x94: {  	v52 =	vld.idx.msk [tilespmem:v3+s15+$0x0], $0xffff;
	_ =	sdelay $0x1  }
0x95: {  	v3 =	vld.idx.msk [tilespmem:v3+s16+$0x0], $0xffff;
	_ =	sdelay $0x1  }
0x96: {  	v6 =	vsub.f32 v0, v49;
	v7 =	vsub.f32 v1, v50  }
0x97: {  	v4 =	vsub.f32 v0, v4;
	v8 =	vsub.f32 v1, v52  }
0x98: {  	v5 =	vsub.f32 v2, v51;
	v6 =	vmul.f32 v6, v6;
	v7 =	vmul.f32 v7, v7  }
0x99: {  	v3 =	vsub.f32 v2, v3;
	v4 =	vmul.f32 v4, v4;
	v8 =	vmul.f32 v8, v8  }
0x9a: {  	v5 =	vmul.f32 v5, v5;
	v6 =	vadd.f32 v7, v6  }
0x9b: {  	v3 =	vmul.f32 v3, v3;
	v4 =	vadd.f32 v8, v4  }
0x9c: {  	v5 =	vadd.f32 v5, v6  }
0x9d: {  	v3 =	vadd.f32 v3, v4  }
0x9e: {  	[tilespmem:s23+$0xC0] =	vst v5  }
0x9f: {  	[tilespmem:s23+$0xE0] =	vst v3  }
0xa0: {  	v3 =	vld [tilespmem:s24+$0x0];
	_ =	sdelay $0x5  }
0xa1: {  	v54 =	vadd.s32 $0x200, v3;
	_ =	sdelay $0x1  }
0xa2: {  	v53 =	vld.idx.msk [tilespmem:v3+s2+$0x0], $0xffff  }
0xa3: {  	v55 =	vld.idx.msk [tilespmem:v3+s15+$0x0], $0xffff  }
0xa4: {  	v56 =	vld.idx.msk [tilespmem:v3+s16+$0x0], $0xffff  }
0xa5: {  	v57 =	vld.idx.msk [tilespmem:v54+s2+$0x0], $0xffff  }
0xa6: {  	v58 =	vld.idx.msk [tilespmem:v54+s15+$0x0], $0xffff;
	_ =	sdelay $0x1  }
0xa7: {  	v5 =	vld.idx.msk [tilespmem:v54+s16+$0x0], $0xffff;
	v4 =	vsub.f32 v0, v53;
	v6 =	vsub.f32 v1, v55;
	_ =	sdelay $0x1  }
0xa8: {  	v7 =	vsub.f32 v2, v56;
	v4 =	vmul.f32 v4, v4;
	v6 =	vmul.f32 v6, v6  }
0xa9: {  	v8 =	vsub.f32 v0, v57;
	v9 =	vsub.f32 v1, v58  }
0xaa: {  	v60 =	vadd.s32 $0x400, v3;
	v59 =	vmul.f32 v7, v7;
	v4 =	vadd.f32 v6, v4  }
0xab: {  	v5 =	vsub.f32 v2, v5;
	v61 =	vmul.f32 v8, v8;
	v62 =	vmul.f32 v9, v9  }
0xac: {  	v4 =	vadd.f32 v59, v4  }
0xad: {  	v63 =	vadd.s32 $0x600, v3;
	v5 =	vmul.f32 v5, v5;
	v6 =	vadd.f32 v62, v61  }
0xae: {  	[tilespmem:s23+$0xFFFFFF10] =	vst v4  }
0xaf: {  	v5 =	vadd.f32 v5, v6;
	v4 =	vld.idx.msk [tilespmem:v60+s2+$0x0], $0xffff  }
0xb0: {  	v12 =	vld.idx.msk [tilespmem:v60+s15+$0x0], $0xffff  }
0xb1: {  	v13 =	vld.idx.msk [tilespmem:v60+s16+$0x0], $0xffff;
	[tilespmem:s23+$0xFFFFFF30] =	vst v5  }
0xb2: {  	v5 =	vld.idx.msk [tilespmem:v63+s2+$0x0], $0xffff  }
0xb3: {  	v14 =	vld.idx.msk [tilespmem:v63+s15+$0x0], $0xffff;
	_ =	sdelay $0x1  }
0xb4: {  	v8 =	vld.idx.msk [tilespmem:v63+s16+$0x0], $0xffff;
	v4 =	vsub.f32 v0, v4;
	v9 =	vsub.f32 v1, v12;
	_ =	sdelay $0x1  }
0xb5: {  	v6 =	vsub.f32 v2, v13;
	v4 =	vmul.f32 v4, v4;
	v9 =	vmul.f32 v9, v9  }
0xb6: {  	v5 =	vsub.f32 v0, v5;
	v7 =	vsub.f32 v1, v14  }
0xb7: {  	v15 =	vadd.s32 $0x800, v3;
	v6 =	vmul.f32 v6, v6;
	v4 =	vadd.f32 v9, v4  }
0xb8: {  	v16 =	vsub.f32 v2, v8;
	v5 =	vmul.f32 v5, v5;
	v7 =	vmul.f32 v7, v7  }
0xb9: {  	v4 =	vadd.f32 v6, v4  }
0xba: {  	v17 =	vadd.s32 $0xA00, v3;
	v5 =	vadd.f32 v7, v5;
	v6 =	vmul.f32 v16, v16  }
0xbb: {  	[tilespmem:s23+$0xFFFFFF50] =	vst v4  }
0xbc: {  	v5 =	vadd.f32 v6, v5;
	v4 =	vld.idx.msk [tilespmem:v15+s2+$0x0], $0xffff  }
0xbd: {  	v18 =	vld.idx.msk [tilespmem:v15+s15+$0x0], $0xffff  }
0xbe: {  	v19 =	vld.idx.msk [tilespmem:v15+s16+$0x0], $0xffff;
	[tilespmem:s23+$0xFFFFFF70] =	vst v5  }
0xbf: {  	v5 =	vld.idx.msk [tilespmem:v17+s2+$0x0], $0xffff  }
0xc0: {  	v20 =	vld.idx.msk [tilespmem:v17+s15+$0x0], $0xffff;
	_ =	sdelay $0x1  }
0xc1: {  	v7 =	vld.idx.msk [tilespmem:v17+s16+$0x0], $0xffff;
	v4 =	vsub.f32 v0, v4;
	v8 =	vsub.f32 v1, v18;
	_ =	sdelay $0x1  }
0xc2: {  	v6 =	vsub.f32 v2, v19;
	v4 =	vmul.f32 v4, v4;
	v8 =	vmul.f32 v8, v8  }
0xc3: {  	v5 =	vsub.f32 v0, v5;
	v9 =	vsub.f32 v1, v20  }
0xc4: {  	v21 =	vadd.s32 $0xC00, v3;
	v6 =	vmul.f32 v6, v6;
	v4 =	vadd.f32 v8, v4  }
0xc5: {  	v22 =	vsub.f32 v2, v7;
	v5 =	vmul.f32 v5, v5;
	v23 =	vmul.f32 v9, v9  }
0xc6: {  	v4 =	vadd.f32 v6, v4  }
0xc7: {  	v24 =	vadd.s32 $0xE00, v3;
	v5 =	vadd.f32 v23, v5;
	v6 =	vmul.f32 v22, v22  }
0xc8: {  	[tilespmem:s23+$0xFFFFFF90] =	vst v4  }
0xc9: {  	v5 =	vadd.f32 v6, v5;
	v4 =	vld.idx.msk [tilespmem:v21+s2+$0x0], $0xffff  }
0xca: {  	v25 =	vld.idx.msk [tilespmem:v21+s15+$0x0], $0xffff  }
0xcb: {  	v26 =	vld.idx.msk [tilespmem:v21+s16+$0x0], $0xffff;
	[tilespmem:s23+$0xFFFFFFB0] =	vst v5  }
0xcc: {  	v5 =	vld.idx.msk [tilespmem:v24+s2+$0x0], $0xffff  }
0xcd: {  	v27 =	vld.idx.msk [tilespmem:v24+s15+$0x0], $0xffff;
	_ =	sdelay $0x1  }
0xce: {  	v7 =	vld.idx.msk [tilespmem:v24+s16+$0x0], $0xffff;
	v4 =	vsub.f32 v0, v4;
	v9 =	vsub.f32 v1, v25;
	_ =	sdelay $0x1  }
0xcf: {  	v6 =	vsub.f32 v2, v26;
	v4 =	vmul.f32 v4, v4;
	v9 =	vmul.f32 v9, v9  }
0xd0: {  	v5 =	vsub.f32 v0, v5;
	v8 =	vsub.f32 v1, v27  }
0xd1: {  	v28 =	vadd.s32 $0x1000, v3;
	v6 =	vmul.f32 v6, v6;
	v4 =	vadd.f32 v9, v4  }
0xd2: {  	v29 =	vsub.f32 v2, v7;
	v5 =	vmul.f32 v5, v5;
	v30 =	vmul.f32 v8, v8  }
0xd3: {  	v4 =	vadd.f32 v6, v4  }
0xd4: {  	v31 =	vadd.s32 $0x1200, v3;
	v5 =	vadd.f32 v30, v5;
	v6 =	vmul.f32 v29, v29  }
0xd5: {  	[tilespmem:s23+$0xFFFFFFD0] =	vst v4  }
0xd6: {  	v5 =	vadd.f32 v6, v5;
	v4 =	vld.idx.msk [tilespmem:v28+s2+$0x0], $0xffff  }
0xd7: {  	v32 =	vld.idx.msk [tilespmem:v28+s15+$0x0], $0xffff  }
0xd8: {  	v33 =	vld.idx.msk [tilespmem:v28+s16+$0x0], $0xffff;
	[tilespmem:s23+$0xFFFFFFF0] =	vst v5  }
0xd9: {  	v5 =	vld.idx.msk [tilespmem:v31+s2+$0x0], $0xffff  }
0xda: {  	v34 =	vld.idx.msk [tilespmem:v31+s15+$0x0], $0xffff;
	_ =	sdelay $0x1  }
0xdb: {  	v7 =	vld.idx.msk [tilespmem:v31+s16+$0x0], $0xffff;
	v4 =	vsub.f32 v0, v4;
	v8 =	vsub.f32 v1, v32;
	_ =	sdelay $0x1  }
0xdc: {  	v6 =	vsub.f32 v2, v33;
	v4 =	vmul.f32 v4, v4;
	v8 =	vmul.f32 v8, v8  }
0xdd: {  	v5 =	vsub.f32 v0, v5;
	v9 =	vsub.f32 v1, v34  }
0xde: {  	v35 =	vadd.s32 $0x1400, v3;
	v6 =	vmul.f32 v6, v6;
	v4 =	vadd.f32 v8, v4  }
0xdf: {  	v36 =	vsub.f32 v2, v7;
	v5 =	vmul.f32 v5, v5;
	v37 =	vmul.f32 v9, v9  }
0xe0: {  	v4 =	vadd.f32 v6, v4  }
0xe1: {  	v38 =	vadd.s32 $0x1600, v3;
	v5 =	vadd.f32 v37, v5;
	v6 =	vmul.f32 v36, v36  }
0xe2: {  	[tilespmem:s23+$0x10] =	vst v4  }
0xe3: {  	v5 =	vadd.f32 v6, v5;
	v4 =	vld.idx.msk [tilespmem:v35+s2+$0x0], $0xffff  }
0xe4: {  	v39 =	vld.idx.msk [tilespmem:v35+s15+$0x0], $0xffff  }
0xe5: {  	v40 =	vld.idx.msk [tilespmem:v35+s16+$0x0], $0xffff;
	[tilespmem:s23+$0x30] =	vst v5  }
0xe6: {  	v5 =	vld.idx.msk [tilespmem:v38+s2+$0x0], $0xffff  }
0xe7: {  	v41 =	vld.idx.msk [tilespmem:v38+s15+$0x0], $0xffff;
	_ =	sdelay $0x1  }
0xe8: {  	v7 =	vld.idx.msk [tilespmem:v38+s16+$0x0], $0xffff;
	v4 =	vsub.f32 v0, v4;
	v9 =	vsub.f32 v1, v39;
	_ =	sdelay $0x1  }
0xe9: {  	v6 =	vsub.f32 v2, v40;
	v4 =	vmul.f32 v4, v4;
	v9 =	vmul.f32 v9, v9  }
0xea: {  	v5 =	vsub.f32 v0, v5;
	v8 =	vsub.f32 v1, v41  }
0xeb: {  	v42 =	vadd.s32 $0x1800, v3;
	v6 =	vmul.f32 v6, v6;
	v4 =	vadd.f32 v9, v4  }
0xec: {  	v43 =	vsub.f32 v2, v7;
	v5 =	vmul.f32 v5, v5;
	v44 =	vmul.f32 v8, v8  }
0xed: {  	v4 =	vadd.f32 v6, v4  }
0xee: {  	v45 =	vadd.s32 $0x1A00, v3;
	v5 =	vadd.f32 v44, v5;
	v6 =	vmul.f32 v43, v43  }
0xef: {  	[tilespmem:s23+$0x50] =	vst v4  }
0xf0: {  	v5 =	vadd.f32 v6, v5;
	v4 =	vld.idx.msk [tilespmem:v42+s2+$0x0], $0xffff  }
0xf1: {  	v46 =	vld.idx.msk [tilespmem:v42+s15+$0x0], $0xffff  }
0xf2: {  	v47 =	vld.idx.msk [tilespmem:v42+s16+$0x0], $0xffff;
	[tilespmem:s23+$0x70] =	vst v5  }
0xf3: {  	v5 =	vld.idx.msk [tilespmem:v45+s2+$0x0], $0xffff  }
0xf4: {  	v48 =	vld.idx.msk [tilespmem:v45+s15+$0x0], $0xffff;
	_ =	sdelay $0x1  }
0xf5: {  	v7 =	vld.idx.msk [tilespmem:v45+s16+$0x0], $0xffff;
	v4 =	vsub.f32 v0, v4;
	v8 =	vsub.f32 v1, v46;
	_ =	sdelay $0x1  }
0xf6: {  	v6 =	vsub.f32 v2, v47;
	v4 =	vmul.f32 v4, v4;
	v8 =	vmul.f32 v8, v8  }
0xf7: {  	v5 =	vsub.f32 v0, v5;
	v9 =	vsub.f32 v1, v48  }
0xf8: {  	v49 =	vadd.s32 $0x1C00, v3;
	v6 =	vmul.f32 v6, v6;
	v4 =	vadd.f32 v8, v4  }
0xf9: {  	v50 =	vsub.f32 v2, v7;
	v5 =	vmul.f32 v5, v5;
	v51 =	vmul.f32 v9, v9  }
0xfa: {  	v4 =	vadd.f32 v6, v4  }
0xfb: {  	v3 =	vadd.s32 $0x1E00, v3;
	v53 =	vmul.f32 v50, v50;
	v52 =	vadd.f32 v51, v5  }
0xfc: {  	[tilespmem:s23+$0x90] =	vst v4  }
0xfd: {  	v4 =	vadd.f32 v53, v52;
	v54 =	vld.idx.msk [tilespmem:v49+s2+$0x0], $0xffff  }
0xfe: {  	v55 =	vld.idx.msk [tilespmem:v49+s15+$0x0], $0xffff  }
0xff: {  	v56 =	vld.idx.msk [tilespmem:v49+s16+$0x0], $0xffff;
	[tilespmem:s23+$0xB0] =	vst v4  }
0x100: {  	v4 =	vld.idx.msk [tilespmem:v3+s2+$0x0], $0xffff  }
0x101: {  	v57 =	vld.idx.msk [tilespmem:v3+s15+$0x0], $0xffff;
	_ =	sdelay $0x1  }
0x102: {  	v3 =	vld.idx.msk [tilespmem:v3+s16+$0x0], $0xffff;
	_ =	sdelay $0x1  }
0x103: {  	v6 =	vsub.f32 v0, v54;
	v7 =	vsub.f32 v1, v55  }
0x104: {  	v0 =	vsub.f32 v0, v4;
	v1 =	vsub.f32 v1, v57  }
0x105: {  	v58 =	vsub.f32 v2, v56;
	v59 =	vmul.f32 v6, v6;
	v60 =	vmul.f32 v7, v7  }
0x106: {  	v2 =	vsub.f32 v2, v3;
	v0 =	vmul.f32 v0, v0;
	v1 =	vmul.f32 v1, v1  }
0x107: {  	p0 =	sne.s32 s25, $0x3F;
	v4 =	vmul.f32 v58, v58;
	v61 =	vadd.f32 v60, v59  }
.Ltmp0:
0x108: {  	v62 =	vmul.f32 v2, v2;
	v0 =	vadd.f32 v1, v0;
	(pc) =	sbr.rel @p0 .LBB2_2-.Ltmp0, $4  }
0x109: {  	v63 =	vadd.f32 v4, v61  }
0x10a: {  	v0 =	vadd.f32 v62, v0  }
0x10b: {  	[tilespmem:s23+$0xD0] =	vst v63  }
0x10c: {  	s25 =	sadd.s32 $0x1, s25;
	s24 =	sadd.s32 $0x20, s24;
	[tilespmem:s23+$0xF0] =	vst v0;
	s23 =	sadd.s32 $0x200, s23  }
0x10d: {  	s22 =	sadd.s32 $0x1, s22  }
0x10e: {  	p0 =	sne.s32 s22, s11  }
.Ltmp1:
0x10f: {  	_ = 	snop;
	(pc) =	sbr.rel @p0 .LBB2_1-.Ltmp1, $4  }
0x110: {  	[hbm4b:s10+s12] =	stream.strided.scatter [tilespmem:s21], [sflag:$0x1], $0x8000, s13, s12, $0x38;
	[tilespmem:$0xE980] =	vst v63  }
0x111: {  	_ =	swait.ge [sflag:s14], $0x8000  }
0x112: {  	[sflag:s14] =	ssyncset.done $0x0  }
0x113: {  	[sflag:s14] =	ssyncadd.s32 $0xFFFF8000  }
0x114: {  	_ =	sfence.sel $0x180000  }
0x115: {  	[bflag:$0x0] =	sbarrier.arrive $0xFFFF  }
0x116: {  	p0 =	sne.s32 s1, $0x0;
	_ =	strace $0x90000047  }
0x117: {  	s0 =	sadd.s32 @!p0 $0x100000, s0;
	[bflag:$0x2] =	sbarrier.arrive $0xFFFF  }
0x118: {  	[sflag:s0] =	ssyncadd.tile.s32 @!p0 $0x1;
	_ =	shalt  }
.Lfunc_end2:
_tile_overlayer_lowered:
.L_overlay_start_2:
0x119: {  	(tag) =	ssettag $0x2  }
0x11a: {  	s0 =	rddreg [dreg:$0x0];
	s2 =	stileid.u32  }
0x11b: {  	s1 =	rddreg [dreg:$0x1];
	p0 =	sne.s32 s2, $0x0  }
0x11c: {  	s3 =	rddreg [dreg:$0x2];
	[bflag:$0x3] =	sbarrier.arrive $0xFFFF;
	s2 =	simm.s32 @!p0 $0x1C01  }
0x11d: {  	[timem:s3], [sflag:s2] =	dma.local @!p0 [hbm:s0], s1  }
0x11e: {  	s0 =	simm.s32 @!p0 $0x1  }
0x11f: {  	_ =	swait.ge @!p0 [sflag:s0], s1  }
0x120: {  	s1 =	ssub.s32 @!p0 $0x0, s1;
	[sflag:s0] =	ssyncset.done @!p0 $0x0  }
0x121: {  	[sflag:s0] =	ssyncadd.s32 @!p0 s1  }
0x122: {  	[bflag:$0x3] =	sbarrier.arrive $0xFFFF  }
0x123: {  	_ =	shalt  }

// kernel: kernel.20.cloned.1.call-start
scs
__scs_entry_jumppad:
0x0: {  	(pc) =	sbr.rel $0x88, $3  }
0x1: {  	(tag) =	ssettag $0x0;
	lr =	simm.s32 $0x1  }
0x2: {  	[smem:$0x3FA0] =	sst lr;
	_ =	strace $0xD0000000  }
0x3: {  	_ = 	snop  }
0x4: {  	_ = 	snop  }
0x5: {  	_ = 	snop  }
0x6: {  	_ = 	snop  }
0x7: {  	_ = 	snop  }
__scs_overlays_trampoline_lowered:
0x8: {  	[smem:$0x3FAF] =	sst s0  }
0x9: {  	[smem:$0x3FB0] =	sst s1  }
0xa: {  	[smem:$0x3FB1] =	sst s2  }
0xb: {  	[smem:$0x3FB2] =	sst s3  }
0xc: {  	[smem:$0x3FB3] =	sst s4  }
0xd: {  	[smem:$0x3FB4] =	sst s5  }
0xe: {  	[smem:$0x3FB5] =	sst s6  }
0xf: {  	[smem:$0x3FB6] =	sst s7  }
0x10: {  	[smem:$0x3FB7] =	sst s8  }
0x11: {  	[smem:$0x3FB8] =	sst s9;
	s0 =	simm.s32 @!p0 $0x0  }
0x12: {  	s1 =	sld [smem:$0x3F9E];
	s0 =	simm.s32 @p0 $0x1  }
0x13: {  	[smem:$0x3FB9] =	sst s0;
	s0 =	simm.s32 @!p1 $0x0  }
0x14: {  	s2 =	sld [smem:$0x3F9D];
	s0 =	simm.s32 @p1 $0x1  }
0x15: {  	[smem:$0x3FBA] =	sst s0;
	s0 =	simm.s32 @!p2 $0x0  }
0x16: {  	s3 =	sld [smem:$0x3FDB];
	s0 =	simm.s32 @p2 $0x1  }
0x17: {  	s4 =	simm.s32 $0x1BF5;
	[smem:$0x3FBC] =	sst s0  }
0x18: {  	s0 =	sld [smem:$0x3F9F];
	_ =	swait.ge [sflag:s4], $0x0  }
0x19: {  	s7 =	sld [smem:$0x3FA0]  }
0x1a: {  	s8 =	sadd.s32 $0xFFFFE003, lr  }
0x1b: {  	s9 =	sadd.s32 $0xFFFFFEF7, lr;
	s5 =	simm.s32 $0xFFFFFFFF;
	p2 =	slt.u32 s8, $0xFFFFF086  }
0x1c: {  	p1 =	slt.u32 s9, $0xF7A;
	s5 =	simm.s32 @!p2 $0x0  }
0x1d: {  	s5 =	simm.s32 @p1 $0x1;
	p0 =	seq.s32 s7, s2  }
0x1e: {  	s7 =	smul.u32 @!p0 $0xF7A, s2;
	p2 =	seq.s32 @!p0 s5, $0x0  }
0x1f: {  	s9 =	smul.u32 $0xF7A, s1;
	s8 =	simm.s32 @!p0 $0x1BF5;
	p2 =	por !p2, p0  }
0x20: {  	[sflag:s8] =	ssyncset.s32 @!p0 $0xFFFFF086;
	s6 =	sadd.s32 @!p0 s3, s7;
	s7 =	simm.s32 @!p0 $0x108  }
0x21: {  	s3 =	sadd.s32 s3, s9;
	s6 =	sadd.s32 @!p0 $0x88, s6;
	s7 =	simm.s32 @p2 $0x1082  }
0x22: {  	[simem:s7], [sflag:s8] =	dma.local @!p0 [hbm:s6], $0xF7A  }
0x23: {  	s9 =	sor.u32 $0xD0000000, s2;
	s6 =	simm.s32 $0x108;
	_ =	swait.ge @!p0 [sflag:s8], $0x0  }
0x24: {  	s3 =	sadd.s32 $0x88, s3;
	s6 =	simm.s32 @!p1 $0x1082;
	[sflag:s4] =	ssyncset.s32 $0xFFFFF086  }
0x25: {  	[simem:s6], [sflag:s4] =	dma.local [hbm:s3], $0xF7A  }
0x26: {  	[smem:$0x3FA0] =	sst s1;
	(tag) =	ssettag s2;
	_ =	strace s9  }
0x27: {  	s1 =	sld [smem:$0x3FB0]  }
0x28: {  	s2 =	sld [smem:$0x3FB1]  }
0x29: {  	s4 =	sld [smem:$0x3FB3]  }
0x2a: {  	p0 =	seq.s32 s5, $0x0;
	s5 =	sld [smem:$0x3FB4]  }
0x2b: {  	s6 =	sld [smem:$0x3FB5]  }
0x2c: {  	s7 =	sld [smem:$0x3FB6]  }
0x2d: {  	s3 =	simm.s32 $0x108;
	s8 =	sld [smem:$0x3FB7]  }
0x2e: {  	s3 =	simm.s32 @!p0 $0x1082;
	s9 =	sld [smem:$0x3FB8]  }
0x2f: {  	lr =	sadd.s32 s0, s3;
	s0 =	sld [smem:$0x3FAF]  }
0x30: {  	s3 =	sld [smem:$0x3FB2]  }
0x31: {  	[smem:$0x3FBB] =	sst s10  }
0x32: {  	s10 =	sld [smem:$0x3FB9];
	_ =	sdelay $0x3  }
0x33: {  	p0 =	seq.s32 s10, $0x1;
	s10 =	sld [smem:$0x3FBB];
	_ =	sdelay $0x3  }
0x34: {  	[smem:$0x3FBB] =	sst s10  }
0x35: {  	s10 =	sld [smem:$0x3FBA];
	_ =	sdelay $0x3  }
0x36: {  	p1 =	seq.s32 s10, $0x1;
	s10 =	sld [smem:$0x3FBB];
	_ =	sdelay $0x3  }
0x37: {  	[smem:$0x3FBB] =	sst s10  }
0x38: {  	s10 =	sld [smem:$0x3FBC]  }
0x39: {  	_ = 	snop;
	(pc) =	sbr.ind lr, $3  }
0x3a: {  	_ = 	snop  }
0x3b: {  	_ = 	snop  }
0x3c: {  	p2 =	seq.s32 s10, $0x1;
	s10 =	sld [smem:$0x3FBB]  }
0x3d: {  	_ =	shalt  }
0x3e: {  	_ =	shalt  }
0x3f: {  	_ =	shalt  }
0x40: {  	_ =	shalt  }
0x41: {  	_ =	shalt  }
0x42: {  	_ =	shalt  }
0x43: {  	_ =	shalt  }
0x44: {  	_ =	shalt  }
0x45: {  	_ =	shalt  }
0x46: {  	_ =	shalt  }
0x47: {  	_ =	shalt  }
0x48: {  	_ =	shalt  }
0x49: {  	_ =	shalt  }
0x4a: {  	_ =	shalt  }
0x4b: {  	_ =	shalt  }
0x4c: {  	_ =	shalt  }
0x4d: {  	_ =	shalt  }
0x4e: {  	_ =	shalt  }
0x4f: {  	_ =	shalt  }
0x50: {  	_ =	shalt  }
0x51: {  	_ =	shalt  }
0x52: {  	_ =	shalt  }
0x53: {  	_ =	shalt  }
0x54: {  	_ =	shalt  }
0x55: {  	_ =	shalt  }
0x56: {  	_ =	shalt  }
0x57: {  	_ =	shalt  }
0x58: {  	_ =	shalt  }
0x59: {  	_ =	shalt  }
0x5a: {  	_ =	shalt  }
0x5b: {  	_ =	shalt  }
0x5c: {  	_ =	shalt  }
0x5d: {  	_ =	shalt  }
0x5e: {  	_ =	shalt  }
0x5f: {  	_ =	shalt  }
0x60: {  	_ =	shalt  }
0x61: {  	_ =	shalt  }
0x62: {  	_ =	shalt  }
0x63: {  	_ =	shalt  }
0x64: {  	_ =	shalt  }
0x65: {  	_ =	shalt  }
0x66: {  	_ =	shalt  }
0x67: {  	_ =	shalt  }
0x68: {  	_ =	shalt  }
0x69: {  	_ =	shalt  }
0x6a: {  	_ =	shalt  }
0x6b: {  	_ =	shalt  }
0x6c: {  	_ =	shalt  }
0x6d: {  	_ =	shalt  }
0x6e: {  	_ =	shalt  }
0x6f: {  	_ =	shalt  }
0x70: {  	_ =	shalt  }
0x71: {  	_ =	shalt  }
0x72: {  	_ =	shalt  }
0x73: {  	_ =	shalt  }
0x74: {  	_ =	shalt  }
0x75: {  	_ =	shalt  }
0x76: {  	_ =	shalt  }
0x77: {  	_ =	shalt  }
0x78: {  	_ =	shalt  }
0x79: {  	_ =	shalt  }
0x7a: {  	_ =	shalt  }
0x7b: {  	_ =	shalt  }
0x7c: {  	_ =	shalt  }
0x7d: {  	_ =	shalt  }
0x7e: {  	_ =	shalt  }
0x7f: {  	_ =	shalt  }
0x80: {  	_ =	shalt  }
0x81: {  	_ =	shalt  }
0x82: {  	_ =	shalt  }
0x83: {  	_ =	shalt  }
0x84: {  	_ =	shalt  }
0x85: {  	_ =	shalt  }
0x86: {  	_ =	shalt  }
0x87: {  	_ =	shalt  }
.Lfunc_end0:
.L_simem_size_0:
called_computation.3_lowered:
.L_overlay_start_0:
0x88: {  	s2 =	sld [smem:$0x3FD9]  }
0x89: {  	s3 =	sld [smem:$0x3FFE];
	_ =	sdelay $0x1  }
0x8a: {  	s1 =	srdreg.scid  }
0x8b: {  	s0 =	sand.u32 $0x1, s1  }
0x8c: {  	s15 =	sshll.u32 s0, $0xA;
	s2 =	sadd.s32 s3, s2  }
0x8d: {  	s2 =	sadd.s32 s2, s15  }
0x8e: {  	[smem:$0x3FC7] =	sst s2  }
0x8f: {  	_ = 	snop  }
0x90: {  	s2 =	sld [smem:$0x3FD0];
	_ =	sdelay $0x2  }
0x91: {  	s16 =	simm.s32 $0xB;
	s4 =	simm.s32 $0x10  }
0x92: {  	[smem:s4], [sflag:s16] =	dma.local [hbm:s2], $0x1  }
0x93: {  	_ =	swait.eq [sflag:s16], $0x1  }
0x94: {  	[sflag:s16] =	ssyncset.done $0x0  }
0x95: {  	[sflag:s16] =	ssyncadd.s32 $0xFFFFFFFF  }
0x96: {  	s17 =	sld [smem:$0x10];
	(tm) =	ssettm $0x1  }
0x97: {  	s18 =	sld [smem:$0x3FFB];
	_ =	sdelay $0x3  }
0x98: {  	_ =	strace s18  }
0x99: {  	s2 =	sld [smem:$0x3FFC];
	_ =	sdelay $0x3  }
0x9a: {  	_ =	strace s2  }
0x9b: {  	s2 =	sld [smem:$0x3FFD];
	_ =	sdelay $0x3  }
0x9c: {  	_ =	strace s2  }
0x9d: {  	_ =	strace $0x8FFFFFFF  }
0x9e: {  	s19 =	sld [smem:$0x3FDB];
	_ =	sdelay $0x1  }
0x9f: {  	s20 =	simm.s32 $_scs_section_size  }
0xa0: {  	s5 =	simm.s32 $_size__tile_overlayer_lowered;
	s6 =	simm.s32 $_tile_overlayer_lowered  }
0xa1: {  	s7 =	simm.s32 $0x1BFF;
	s21 =	sshll.u32 s6, $0x1;
	s4 =	sadd.s32 s20, s19  }
0xa2: {  	s22 =	simm.s32 $0x0;
	s5 =	sshll.u32 s5, $0x1;
	s6 =	sadd.s32 s21, s4  }
0xa3: {  	[timem:s22], [sflag:s7] =	dma.local [hbm:s6], s5  }
0xa4: {  	_ =	swait.ge [sflag:s7], s5  }
0xa5: {  	s5 =	ssub.s32 $0x0, s5;
	[sflag:s7] =	ssyncset.done $0x0  }
0xa6: {  	[sflag:s7] =	ssyncadd.s32 s5;
	_ =	sdelay $0x1  }
0xa7: {  	s23 =	simm.s32 $0x1B8B  }
0xa8: {  	_ =	swait.ge [sflag:s23], $0x1  }
0xa9: {  	[sflag:s23] =	ssyncset.done $0x0  }
0xaa: {  	[sflag:s23] =	ssyncadd.s32 $0xFFFFFFFF  }
0xab: {  	s5 =	sld [smem:$0x0]  }
0xac: {  	s6 =	sand.u32 $0xFFFFFFFE, s1  }
0xad: {  	p0 =	sne.s32 s1, s6  }
0xae: {  	s6 =	sshll.u32 @p0 s6, $0xE  }
0xaf: {  	s6 =	sadd.s32 @p0 $0x11B8D, s6;
	s7 =	sshll.u32 @p0 s5, $0x11  }
0xb0: {  	s6 =	sor.u32 @p0 s7, s6  }
0xb1: {  	[sflag:s6] =	ssyncadd.remote.s32 @p0 $0x1;
	_ =	sdelay $0x1  }
0xb2: {  	s6 =	simm.s32 @p0 $0x1B8D  }
0xb3: {  	_ =	swait.eq @p0 [sflag:s6], $0x1  }
0xb4: {  	[sflag:s6] =	ssyncadd.s32 @p0 $0xFFFFFFFF  }
0xb5: {  	s7 =	sshll.u32 @!p0 s1, $0xE  }
0xb6: {  	s7 =	sor.u32 @!p0 $0x4000, s7;
	s6 =	simm.s32 @!p0 $0x1B8D  }
0xb7: {  	s5 =	sshll.u32 @!p0 s5, $0x11;
	s7 =	sadd.s32 @!p0 $0x11B8D, s7;
	_ =	swait.eq @!p0 [sflag:s6], $0x1  }
0xb8: {  	s5 =	sor.u32 @!p0 s5, s7;
	[sflag:s6] =	ssyncadd.s32 @!p0 $0xFFFFFFFF  }
0xb9: {  	s25 =	simm.s32 $0x1B8E;
	s24 =	sld [smem:$0x3FFE];
	[sflag:s5] =	ssyncadd.remote.s32 @!p0 $0x1  }
0xba: {  	s26 =	simm.s32 $execute0_lowered;
	[smem:$0x3FD2] =	sst s25  }
0xbb: {  	s6 =	sshll.u32 s26, $0x1;
	_ =	strace $0x8000004C;
	[dreg:$0x1] =	wrdreg $0xFFFFFFFF  }
0xbc: {  	s28 =	simm.s32 $_size_execute0_lowered;
	s4 =	sadd.s32 s4, s6;
	[dreg:$0x0] =	wrdreg $0x0  }
0xbd: {  	s6 =	sshll.u32 s28, $0x1;
	[dreg:$0x2] =	wrdreg s4  }
0xbe: {  	[dreg:$0x3] =	wrdreg s6  }
0xbf: {  	[dreg:$0x4] =	wrdreg $0xC0  }
0xc0: {  	_ =	task [dreg:s22], $0x5FFFF  }
0xc1: {  	[dreg:$0x1] =	wrdreg $0xFFFFFFFF  }
0xc2: {  	[dreg:$0x0] =	wrdreg $0x60  }
0xc3: {  	[dreg:$0x2] =	wrdreg s17  }
0xc4: {  	[dreg:$0x3] =	wrdreg s24  }
0xc5: {  	[dreg:$0x4] =	wrdreg $0xA  }
0xc6: {  	_ =	task.clear_ibuf [dreg:s22], $0x5FFFF;
	_ =	strace $0x9000004C  }
0xc7: {  	s29 =	simm.s32 $0xA;
	_ =	strace $0x8000004E  }
0xc8: {  	_ =	swait.ge [sflag:s29], $0x1  }
0xc9: {  	[sflag:s29] =	ssyncadd.s32 $0xFFFFFFFF  }
0xca: {  	_ =	strace $0x9000004E  }
0xcb: {  	_ =	sfence  }
0xcc: {  	s30 =	sld [smem:$0x0];
	_ =	sdelay $0x2  }
0xcd: {  	s31 =	sshll.u32 s1, $0xD;
	s1 =	sshrl.u32 s1, $0x2  }
0xce: {  	s4 =	sand.u32 $0x4000, s31;
	s1 =	sadd.s32 s1, s30  }
0xcf: {  	s0 =	sor.u32 s4, s0;
	s1 =	sshll.u32 s1, $0x11  }
0xd0: {  	s0 =	sor.u32 s1, s0  }
0xd1: {  	s0 =	sadd.s32 $0x8F2B, s0  }
0xd2: {  	[sflag:s0] =	ssyncadd.remote.s32 $0x1  }
0xd3: {  	_ =	sfence.sel $0xFFFF  }
0xd4: {  	[dreg:$0x0] =	wrdreg $0xFFFFFFFF;
	(pc) =	sbr.abs _section_cstart, $3  }
0xd5: {  	[dreg:$0x1] =	wrdreg $0xFFFFFFFF  }
0xd6: {  	_ =	task.clear_ibuf [dreg:s22], $0x2FFFF;
	_ =	strace $0x9FFFFFFF  }
0xd7: {  	(tm) =	ssettm $0x7FFFFFFF  }
tec
execute0_lowered:
.L_overlay_start_1:
0x0: {  	(tag) =	ssettag $0x1  }
0x1: {  	s0 =	rddreg [dreg:$0x0]  }
0x2: {  	s3 =	rddreg [dreg:$0x1]  }
0x3: {  	s2 =	simm.s32 $0x0;
	s1 =	stileid.u32;
	s6 =	srdreg.scid  }
0x4: {  	s14 =	simm.s32 $0x80;
	s15 =	simm.s32 $0x400;
	s16 =	simm.s32 $0x1  }
0x5: {  	s17 =	simm.s32 $0x2000;
	s18 =	simm.s32 $0x4000;
	s19 =	simm.s32 $0x6000  }
0x6: {  	s20 =	simm.s32 $0x6800;
	s21 =	simm.s32 $0x6880;
	s22 =	simm.s32 $0x6900  }
0x7: {  	s23 =	simm.s32 $0x6980;
	s24 =	simm.s32 $0x7180;
	s25 =	simm.s32 $0x7980  }
0x8: {  	s26 =	simm.s32 $0x0;
	[smem:$0x7FF] =	sst s2;
	s4 =	sshll.u32 s1, $0x6  }
0x9: {  	s7 =	sshll.u32 s1, $0x1;
	s6 =	sand.u32 $0x1, s6;
	s8 =	sshll.u32 s1, $0xA  }
0xa: {  	_ =	strace $0x8000004D;
	s4 =	sand.u32 $0x380, s4;
	s7 =	sand.u32 $0x2, s7  }
0xb: {  	s8 =	sand.u32 $0x400, s8;
	s9 =	sshll.u32 s6, $0x6;
	s5 =	sshrl.u32 s4, $0x3  }
0xc: {  	s7 =	sor.u32 s6, s7;
	s8 =	sor.u32 s9, s8;
	s6 =	ssub.s32 $0x2, s6  }
0xd: {  	s10 =	sadd.s32 s5, s3;
	s7 =	sshll.u32 s7, $0xE;
	s8 =	sor.u32 s4, s8  }
0xe: {  	s30 =	sshrl.u32 s6, $0x1;
	s4 =	sor.u32 s4, s7;
	s29 =	sshrl.u32 s8, $0x3  }
0xf: {  	s13 =	ssub.s32 s6, s30;
	s4 =	sshrl.u32 s4, $0x3;
	s31 =	sadd.s32 s29, s3  }
0x10: {  	s13 =	smax.u32 s13, $0x1;
	s12 =	sadd.s32 s4, s3;
	s3 =	sadd.s32 s0, s5  }
0x11: {  	s4 =	sadd.s32 $0x3200, s10;
	s5 =	sadd.s32 $0x5200, s10;
	s7 =	sadd.s32 $0x7200, s31  }
0x12: {  	s8 =	sadd.s32 $0x7800, s31;
	s9 =	sadd.s32 $0x7600, s31;
	s6 =	sadd.s32 $0x7E00, s12  }
0x13: {  	s10 =	sadd.s32 $0xDE00, s12;
	s11 =	sadd.s32 $0xBE00, s12;
	s12 =	sadd.s32 $0x9E00, s12  }
.LBB2_1:
0x14: {  	[tilespmem:s2], [sflag:$0x1] =	stream.strided.gather [hbm4b:s3+s14], $0x2000, s15, s14, $0x38;
	[tilespmem:$0x8180] =	vst v63  }
0x15: {  	_ =	swait.ge [sflag:s16], $0x2000  }
0x16: {  	[sflag:s16] =	ssyncset.done $0x0  }
0x17: {  	[sflag:s16] =	ssyncadd.s32 $0xFFFFE000  }
0x18: {  	[tilespmem:s17], [sflag:$0x1] =	stream.strided.gather [hbm4b:s4+s14], $0x2000, s15, s14, $0x38;
	[tilespmem:$0x8180] =	vst v63  }
0x19: {  	_ =	swait.ge [sflag:s16], $0x2000  }
0x1a: {  	[sflag:s16] =	ssyncset.done $0x0  }
0x1b: {  	[sflag:s16] =	ssyncadd.s32 $0xFFFFE000  }
0x1c: {  	[tilespmem:s18], [sflag:$0x1] =	stream.strided.gather [hbm4b:s5+s14], $0x2000, s15, s14, $0x38;
	[tilespmem:$0x8180] =	vst v63  }
0x1d: {  	_ =	swait.ge [sflag:s16], $0x2000  }
0x1e: {  	[sflag:s16] =	ssyncset.done $0x0  }
0x1f: {  	[sflag:s16] =	ssyncadd.s32 $0xFFFFE000  }
0x20: {  	[tilespmem:s19], [sflag:$0x1] =	stream.strided.gather [hbm4b:s6+s14], $0x800, s15, s14, $0x38;
	[tilespmem:$0x8180] =	vst v63  }
0x21: {  	_ =	swait.ge [sflag:s16], $0x800  }
0x22: {  	[sflag:s16] =	ssyncset.done $0x0  }
0x23: {  	[sflag:s16] =	ssyncadd.s32 $0xFFFFF800  }
0x24: {  	[tilespmem:s20], [sflag:$0x1] =	stream.linear.gather [hbm4b:s7+s2], $0x40, $0x38;
	[tilespmem:$0x8180] =	vst v63  }
0x25: {  	_ =	swait.ge [sflag:s16], $0x40  }
0x26: {  	[sflag:s16] =	ssyncset.done $0x0  }
0x27: {  	[sflag:s16] =	ssyncadd.s32 $0xFFFFFFC0  }
0x28: {  	[tilespmem:s21], [sflag:$0x1] =	stream.linear.gather [hbm4b:s8+s2], $0x40, $0x38;
	[tilespmem:$0x8180] =	vst v63  }
0x29: {  	_ =	swait.ge [sflag:s16], $0x40  }
0x2a: {  	[sflag:s16] =	ssyncset.done $0x0  }
0x2b: {  	[sflag:s16] =	ssyncadd.s32 $0xFFFFFFC0  }
0x2c: {  	[tilespmem:s22], [sflag:$0x1] =	stream.linear.gather [hbm4b:s9+s2], $0x40, $0x38;
	[tilespmem:$0x8180] =	vst v63  }
0x2d: {  	s28 =	simm.s32 $0x7990;
	_ =	swait.ge [sflag:s16], $0x40  }
0x2e: {  	s29 =	simm.s32 $0x7190;
	s30 =	simm.s32 $0x6990;
	[sflag:s16] =	ssyncset.done $0x0  }
0x2f: {  	s31 =	simm.s32 $0x6010;
	s0 =	simm.s32 $0x0;
	[sflag:s16] =	ssyncadd.s32 $0xFFFFFFC0  }
.LBB2_2:
0x30: {  	v0 =	vld [tilespmem:s31+$0xFFFFFFF0];
	_ =	sdelay $0x1  }
0x31: {  	v1 =	vmov s0;
	_ =	sdelay $0x4  }
0x32: {  	v2 =	vld.idx.msk [tilespmem:v1+s20+$0x0], $0xffff  }
0x33: {  	v3 =	vld.idx.msk [tilespmem:v0+s2+$0x0], $0xffff;
	_ =	sdelay $0x4  }
0x34: {  	v3 =	vsub.f32 v3, v2  }
0x35: {  	v4 =	vld.idx.msk [tilespmem:v1+s21+$0x0], $0xffff  }
0x36: {  	v1 =	vld.idx.msk [tilespmem:v1+s22+$0x0], $0xffff;
	[tilespmem:s30+$0xFFFFFFF0] =	vst v3  }
0x37: {  	v3 =	vld.idx.msk [tilespmem:v0+s17+$0x0], $0xffff;
	_ =	sdelay $0x4  }
0x38: {  	v3 =	vsub.f32 v3, v4;
	_ =	sdelay $0x1  }
0x39: {  	[tilespmem:s29+$0xFFFFFFF0] =	vst v3  }
0x3a: {  	v0 =	vld.idx.msk [tilespmem:v0+s18+$0x0], $0xffff;
	_ =	sdelay $0x4  }
0x3b: {  	v0 =	vsub.f32 v0, v1;
	_ =	sdelay $0x1  }
0x3c: {  	[tilespmem:s28+$0xFFFFFFF0] =	vst v0  }
0x3d: {  	v0 =	vld [tilespmem:s31+$0x0];
	_ =	sdelay $0x7  }
0x3e: {  	v3 =	vld.idx.msk [tilespmem:v0+s2+$0x0], $0xffff;
	_ =	sdelay $0x4  }
0x3f: {  	v2 =	vsub.f32 v3, v2;
	_ =	sdelay $0x1  }
0x40: {  	[tilespmem:s30+$0x0] =	vst v2  }
0x41: {  	v2 =	vld.idx.msk [tilespmem:v0+s17+$0x0], $0xffff;
	_ =	sdelay $0x4  }
0x42: {  	v2 =	vsub.f32 v2, v4;
	_ =	sdelay $0x1  }
0x43: {  	[tilespmem:s29+$0x0] =	vst v2  }
0x44: {  	v0 =	vld.idx.msk [tilespmem:v0+s18+$0x0], $0xffff;
	_ =	sdelay $0x1  }
0x45: {  	p0 =	sne.s32 s0, $0x3F  }
.Ltmp0:
0x46: {  	_ = 	snop;
	(pc) =	sbr.rel @p0 .LBB2_2-.Ltmp0, $4  }
0x47: {  	_ = 	snop  }
0x48: {  	v0 =	vsub.f32 v0, v1  }
0x49: {  	s0 =	sadd.s32 $0x1, s0;
	s31 =	sadd.s32 $0x20, s31  }
0x4a: {  	s30 =	sadd.s32 $0x20, s30;
	s29 =	sadd.s32 $0x20, s29;
	[tilespmem:s28+$0x0] =	vst v0;
	s28 =	sadd.s32 $0x20, s28  }
0x4b: {  	[hbm4b:s10+s14] =	stream.strided.scatter [tilespmem:s23], [sflag:$0x1], $0x800, s15, s14, $0x38;
	[tilespmem:$0x8180] =	vst v63  }
0x4c: {  	_ =	swait.ge [sflag:s16], $0x800  }
0x4d: {  	[sflag:s16] =	ssyncset.done $0x0  }
0x4e: {  	[sflag:s16] =	ssyncadd.s32 $0xFFFFF800  }
0x4f: {  	[hbm4b:s11+s14] =	stream.strided.scatter [tilespmem:s24], [sflag:$0x1], $0x800, s15, s14, $0x38;
	[tilespmem:$0x8180] =	vst v63  }
0x50: {  	s26 =	sadd.s32 $0x1, s26;
	_ =	swait.ge [sflag:s16], $0x800  }
0x51: {  	p0 =	sne.s32 s26, s13;
	[sflag:s16] =	ssyncset.done $0x0  }
.Ltmp1:
0x52: {  	[sflag:s16] =	ssyncadd.s32 $0xFFFFF800;
	(pc) =	sbr.rel @p0 .LBB2_1-.Ltmp1, $4  }
0x53: {  	[hbm4b:s12+s14] =	stream.strided.scatter [tilespmem:s25], [sflag:$0x1], $0x800, s15, s14, $0x38;
	[tilespmem:$0x8180] =	vst v63  }
0x54: {  	_ =	swait.ge [sflag:s16], $0x800  }
0x55: {  	[sflag:s16] =	ssyncset.done $0x0  }
0x56: {  	[sflag:s16] =	ssyncadd.s32 $0xFFFFF800  }
0x57: {  	_ =	sfence.sel $0x180000  }
0x58: {  	[bflag:$0x0] =	sbarrier.arrive $0xFFFF  }
0x59: {  	_ =	strace $0x9000004D  }
0x5a: {  	[bflag:$0x2] =	sbarrier.arrive $0xFFFF  }
0x5b: {  	p0 =	sne.s32 s1, $0x0;
	s0 =	rddreg [dreg:$0x2]  }
0x5c: {  	s0 =	sadd.s32 @!p0 $0x100000, s0  }
0x5d: {  	[sflag:s0] =	ssyncadd.tile.s32 @!p0 $0x1;
	_ =	shalt  }
.Lfunc_end2:
_tile_overlayer_lowered:
.L_overlay_start_2:
0x5e: {  	(tag) =	ssettag $0x2  }
0x5f: {  	s0 =	rddreg [dreg:$0x0];
	s2 =	stileid.u32  }
0x60: {  	s1 =	rddreg [dreg:$0x1];
	p0 =	sne.s32 s2, $0x0  }
0x61: {  	s3 =	rddreg [dreg:$0x2];
	[bflag:$0x3] =	sbarrier.arrive $0xFFFF;
	s2 =	simm.s32 @!p0 $0x1C01  }
0x62: {  	[timem:s3], [sflag:s2] =	dma.local @!p0 [hbm:s0], s1  }
0x63: {  	s0 =	simm.s32 @!p0 $0x1  }
0x64: {  	_ =	swait.ge @!p0 [sflag:s0], s1  }
0x65: {  	s1 =	ssub.s32 @!p0 $0x0, s1;
	[sflag:s0] =	ssyncset.done @!p0 $0x0  }
0x66: {  	[sflag:s0] =	ssyncadd.s32 @!p0 s1  }
0x67: {  	[bflag:$0x3] =	sbarrier.arrive $0xFFFF  }
0x68: {  	_ =	shalt  }

</sc_bundles>
